<compile_context>
chip_gen: v7x
topology: tpu7x:2x2x1
jax: 0.10.2.dev20260603
libtpu: 0.0.44.dev20260713+nightly
codegen_flags: <defaults>
</compile_context>

<pallas_src>
import functools

import jax
import jax.numpy as jnp
from jax import lax
from jax.experimental import pallas as pl
from jax.experimental.pallas import tpu as pltpu
from jax.experimental.pallas import tpu_sc as plsc

F32 = jnp.float32
_EPS = 1e-5
_L = 128
_CHG = 40
_CHS = 128
_NW = 32
_BM = 2048


def _ln_relu(z, gamma, beta):
    h = jnp.maximum(z, 0.0)
    m = jnp.mean(h, axis=-1, keepdims=True)
    d = h - m
    v = jnp.mean(d * d, axis=-1, keepdims=True)
    return d * lax.rsqrt(v + _EPS) * gamma + beta


def _row(bm, d):
    return pl.BlockSpec((bm, d), lambda i: (i, 0))


def _const(shape):
    return pl.BlockSpec(shape, lambda i: (0,) * len(shape))


def _dot(a, b):
    return jnp.dot(a, b, preferred_element_type=F32)



def _enc_e_call(e, we, b, gam, bet, wu, we0):
    E = e.shape[0]
    de = e.shape[1]

    def body(e_r, we_r, b_r, g_r, t_r, wu_r, w0_r, u_r, ce_r):
        y = _ln_relu(_dot(e_r[...], we_r[...]) + b_r[...], g_r[...], t_r[...])
        u_r[...] = _dot(y, wu_r[...])
        ce_r[...] = _dot(y, w0_r[...])

    return pl.pallas_call(
        body,
        grid=(E // _BM,),
        in_specs=[_row(_BM, de), _const((de, _L)), _const((1, _L)),
                  _const((1, _L)), _const((1, _L)), _const((_L, _L)),
                  _const((_L, _L))],
        out_specs=[_row(_BM, _L), _row(_BM, _L)],
        out_shape=[jax.ShapeDtypeStruct((E, _L), F32),
                   jax.ShapeDtypeStruct((E, _L), F32)],
    )(e, we, b, gam, bet, wu, we0)


def _enc_x_call(x, wx, b, gam, bet, ws0, wd0, wa0, wsP, wdQ):
    N = x.shape[0]
    dx = x.shape[1]

    def body(x_r, wx_r, b_r, g_r, t_r, ws0_r, wd0_r, wa0_r, wsP_r, wdQ_r,
             xc_r, cs_r, cd_r, c0_r, p_r, q_r):
        y = _ln_relu(_dot(x_r[...], wx_r[...]) + b_r[...], g_r[...], t_r[...])
        xc_r[...] = y
        cs_r[...] = _dot(y, ws0_r[...])
        cd_r[...] = _dot(y, wd0_r[...])
        c0_r[...] = _dot(y, wa0_r[...])
        p_r[...] = _dot(y, wsP_r[...])
        q_r[...] = _dot(y, wdQ_r[...])

    return pl.pallas_call(
        body,
        grid=(N // _BM,),
        in_specs=[_row(_BM, dx), _const((dx, _L)), _const((1, _L)),
                  _const((1, _L)), _const((1, _L))] + [_const((_L, _L))] * 5,
        out_specs=[_row(_BM, _L)] * 6,
        out_shape=[jax.ShapeDtypeStruct((N, _L), F32)] * 6,
    )(x, wx, b, gam, bet, ws0, wd0, wa0, wsP, wdQ)


def _edge1_call(u, gs, gd, gvec, gam, bet,
                w1, b1, g1, t1, w2, b2, g2, t2, wo, bo, off):
    M = gs.shape[0]

    def body(u_r, gs_r, gd_r, gv_r, g_r, t_r,
             w1_r, b1_r, g1_r, t1_r, w2_r, b2_r, g2_r, t2_r, wo_r, bo_r,
             ecn_r, oe_r):
        z = u_r[...] + gs_r[...] + gd_r[...] + gv_r[...]
        y = _ln_relu(z, g_r[...], t_r[...])
        ecn_r[...] = y
        h = _ln_relu(_dot(y, w1_r[...]) + b1_r[...], g1_r[...], t1_r[...])
        h = _ln_relu(_dot(h, w2_r[...]) + b2_r[...], g2_r[...], t2_r[...])
        o = jnp.sum(h * wo_r[...], axis=1) + bo_r[0, 0]
        oe_r[...] = o.reshape(_BM // _L, _L)

    return pl.pallas_call(
        body,
        grid=(M // _BM,),
        in_specs=[pl.BlockSpec((_BM, _L), lambda i: (i + off, 0)),
                  _row(_BM, _L), _row(_BM, _L)]
        + [_const((1, _L)), _const((1, _L)), _const((1, _L)),
           _const((_L, _L)), _const((1, _L)), _const((1, _L)), _const((1, _L)),
           _const((_L, _L)), _const((1, _L)), _const((1, _L)), _const((1, _L)),
           _const((1, _L)), _const((1, 1))],
        out_specs=[_row(_BM, _L), _row(_BM // _L, _L)],
        out_shape=[jax.ShapeDtypeStruct((M, _L), F32),
                   jax.ShapeDtypeStruct((M // _L, _L), F32)],
    )(u, gs, gd, gvec, gam, bet, w1, b1, g1, t1, w2, b2, g2, t2, wo, bo)


def _edge2_call(ce, ec, gs, gd, wec, gvec, gam, bet,
                w1, b1, g1, t1, w2, b2, g2, t2, wo, bo, off):
    M = gs.shape[0]

    def body(ce_r, ec_r, gs_r, gd_r, wec_r, gv_r, g_r, t_r,
             w1_r, b1_r, g1_r, t1_r, w2_r, b2_r, g2_r, t2_r, wo_r, bo_r,
             ecn_r, oe_r):
        z = (ce_r[...] + gs_r[...] + gd_r[...] + gv_r[...]
             + _dot(ec_r[...], wec_r[...]))
        y = _ln_relu(z, g_r[...], t_r[...])
        ecn_r[...] = y
        h = _ln_relu(_dot(y, w1_r[...]) + b1_r[...], g1_r[...], t1_r[...])
        h = _ln_relu(_dot(h, w2_r[...]) + b2_r[...], g2_r[...], t2_r[...])
        o = jnp.sum(h * wo_r[...], axis=1) + bo_r[0, 0]
        oe_r[...] = o.reshape(_BM // _L, _L)

    return pl.pallas_call(
        body,
        grid=(M // _BM,),
        in_specs=[pl.BlockSpec((_BM, _L), lambda i: (i + off, 0))]
        + [_row(_BM, _L)] * 3
        + [_const((_L, _L)), _const((1, _L)), _const((1, _L)), _const((1, _L)),
           _const((_L, _L)), _const((1, _L)), _const((1, _L)), _const((1, _L)),
           _const((_L, _L)), _const((1, _L)), _const((1, _L)), _const((1, _L)),
           _const((1, _L)), _const((1, 1))],
        out_specs=[_row(_BM, _L), _row(_BM // _L, _L)],
        out_shape=[jax.ShapeDtypeStruct((M, _L), F32),
                   jax.ShapeDtypeStruct((M // _L, _L), F32)],
    )(ce, ec, gs, gd, wec, gvec, gam, bet,
      w1, b1, g1, t1, w2, b2, g2, t2, wo, bo)


def _node_call(c0, xc, aggsA, aggsB, cs, cd, wxc, wagg, gvec, gam, bet,
               w1, b1, g1, t1, w2, b2, g2, t2, wo, bo, ws1, wd1):
    N = c0.shape[0]

    def body(c0_r, xc_r, a0_r, a1_r, a2_r, a3_r, cs_r, cd_r,
             wxc_r, wagg_r, gv_r, g_r, t_r,
             w1_r, b1_r, g1_r, t1_r, w2_r, b2_r, g2_r, t2_r, wo_r, bo_r,
             ws1_r, wd1_r, xcn_r, ox_r, p_r, q_r):
        agg = (a0_r[0] + a1_r[0]) + (a2_r[0] + a3_r[0])
        z = (c0_r[...] + gv_r[...] + _dot(xc_r[...], wxc_r[...])
             + _dot(agg, wagg_r[...]))
        y = _ln_relu(z, g_r[...], t_r[...])
        xcn_r[...] = y
        p_r[...] = cs_r[...] + _dot(y, ws1_r[...])
        q_r[...] = cd_r[...] + _dot(y, wd1_r[...])
        h = _ln_relu(_dot(y, w1_r[...]) + b1_r[...], g1_r[...], t1_r[...])
        h = _ln_relu(_dot(h, w2_r[...]) + b2_r[...], g2_r[...], t2_r[...])
        o = jnp.sum(h * wo_r[...], axis=1) + bo_r[0, 0]
        ox_r[...] = o.reshape(_BM // _L, _L)

    return pl.pallas_call(
        body,
        grid=(N // _BM,),
        in_specs=[_row(_BM, _L), _row(_BM, _L),
                  pl.BlockSpec((1, _BM, _L), lambda i: (0, i, 0)),
                  pl.BlockSpec((1, _BM, _L), lambda i: (1, i, 0)),
                  pl.BlockSpec((1, _BM, _L), lambda i: (0, i, 0)),
                  pl.BlockSpec((1, _BM, _L), lambda i: (1, i, 0)),
                  _row(_BM, _L), _row(_BM, _L),
                  _const((_L, _L)), _const((_L, _L)), _const((1, _L)),
                  _const((1, _L)), _const((1, _L)),
                  _const((_L, _L)), _const((1, _L)), _const((1, _L)), _const((1, _L)),
                  _const((_L, _L)), _const((1, _L)), _const((1, _L)), _const((1, _L)),
                  _const((1, _L)), _const((1, 1)),
                  _const((_L, _L)), _const((_L, _L))],
        out_specs=[_row(_BM, _L), _row(_BM // _L, _L), _row(_BM, _L),
                   _row(_BM, _L)],
        out_shape=[jax.ShapeDtypeStruct((N, _L), F32),
                   jax.ShapeDtypeStruct((N // _L, _L), F32),
                   jax.ShapeDtypeStruct((N, _L), F32),
                   jax.ShapeDtypeStruct((N, _L), F32)],
    )(c0, xc, aggsA, aggsA, aggsB, aggsB, cs, cd, wxc, wagg, gvec, gam, bet,
      w1, b1, g1, t1, w2, b2, g2, t2, wo, bo, ws1, wd1)



def _sc_gather(p, q, src3d, dst3d, e_pad):
    l = p.shape[1]
    nch = src3d.shape[1]
    epw = nch * _CHG
    mesh = plsc.VectorSubcoreMesh(core_axis_name="c", subcore_axis_name="s")

    @functools.partial(
        pl.kernel, mesh=mesh,
        out_type=[jax.ShapeDtypeStruct((e_pad, l), F32),
                  jax.ShapeDtypeStruct((e_pad, l), F32)],
        scratch_types=[pltpu.VMEM((nch, _CHG), jnp.int32),
                       pltpu.VMEM((nch, _CHG), jnp.int32),
                       pltpu.VMEM((_CHG, l), F32),
                       pltpu.VMEM((_CHG, l), F32),
                       pltpu.SemaphoreType.DMA,
                       pltpu.SemaphoreType.DMA],
    )
    def k(p_hbm, q_hbm, src_hbm, dst_hbm, gs_hbm, gd_hbm,
          srcv, dstv, bufp, bufq, sp, sq):
        wid = lax.axis_index("s") * 2 + lax.axis_index("c")
        base = wid * epw
        pltpu.sync_copy(src_hbm.at[wid], srcv)
        pltpu.sync_copy(dst_hbm.at[wid], dstv)

        def body(j, carry):
            cp = pltpu.async_copy(p_hbm.at[srcv.at[j]], bufp, sp)
            cq = pltpu.async_copy(q_hbm.at[dstv.at[j]], bufq, sq)
            cp.wait()
            cq.wait()
            row = base + j * _CHG
            pltpu.sync_copy(bufp, gs_hbm.at[pl.ds(row, _CHG)])
            pltpu.sync_copy(bufq, gd_hbm.at[pl.ds(row, _CHG)])
            return carry

        lax.fori_loop(0, nch, body, 0)

    return k(p, q, src3d, dst3d)


def _sc_scatter(ecn, dst3d, zeros):
    E, l = ecn.shape
    n = zeros.shape[0]
    nch = dst3d.shape[1]
    epw = nch * _CHS
    rpt = n // 16
    mesh = plsc.VectorSubcoreMesh(core_axis_name="c", subcore_axis_name="s")

    @functools.partial(
        pl.kernel, mesh=mesh,
        out_type=jax.ShapeDtypeStruct((2, n, l), F32),
        scratch_types=[pltpu.VMEM((nch, _CHS), jnp.int32),
                       pltpu.VMEM((_CHS, l), F32),
                       pltpu.VMEM((_CHS, l), F32),
                       pltpu.VMEM_SHARED((n, l), F32)]
        + [pltpu.SemaphoreType.DMA] * 2,
    )
    def k(ecn_hbm, dst_hbm, z_hbm, out_hbm, dstv, ba, bb, acc, sa, sb):
        cid = lax.axis_index("c")
        sid = lax.axis_index("s")
        wid = sid * 2 + cid
        base = wid * epw
        pltpu.sync_copy(z_hbm.at[pl.ds(sid * rpt, rpt)],
                        acc.at[pl.ds(sid * rpt, rpt)])
        pltpu.sync_copy(dst_hbm.at[wid], dstv)
        plsc.subcore_barrier()

        def startr(j, b, s_):
            pltpu.async_copy(ecn_hbm.at[pl.ds(base + j * _CHS, _CHS)], b, s_)

        def waitr(b, s_):
            pltpu.make_async_copy(ecn_hbm.at[pl.ds(0, _CHS)], b, s_).wait()

        startr(0, ba, sa)

        def body(g, carry):
            ja = 2 * g
            startr(ja + 1, bb, sb)
            waitr(ba, sa)
            pltpu.sync_copy(ba, acc.at[dstv.at[ja]], add=True)

            @pl.when(ja + 2 < nch)
            def _():
                startr(ja + 2, ba, sa)

            waitr(bb, sb)
            pltpu.sync_copy(bb, acc.at[dstv.at[ja + 1]], add=True)
            return carry

        lax.fori_loop(0, nch // 2, body, 0)
        plsc.subcore_barrier()
        pltpu.sync_copy(acc.at[pl.ds(sid * rpt, rpt)],
                        out_hbm.at[cid, pl.ds(sid * rpt, rpt)])

    return k(ecn, dst3d, zeros)



def kernel(x, e, g, params, edges, node_idx, edge_idx, steps):
    del g, node_idx, edge_idx, steps
    N = x.shape[0]
    E = e.shape[0]
    L = _L
    n_pad = ((N + _BM - 1) // _BM) * _BM
    blk = _NW * _CHS
    e_pad = ((E + blk - 1) // blk) * blk
    assert E % (_NW * _CHG) == 0

    We = params["core_e"][0]["W"]
    We0, Wec = We[0:L], We[L:2 * L]
    Ws0, Ws1 = We[2 * L:3 * L], We[3 * L:4 * L]
    Wd0, Wd1 = We[4 * L:5 * L], We[5 * L:6 * L]
    Wge = We[6 * L:6 * L + 2]
    Wx = params["core_x"][0]["W"]
    A0, A1, A2 = Wx[0:L], Wx[L:2 * L], Wx[2 * L:3 * L]
    Wgx = Wx[3 * L:3 * L + 2]

    g0 = params["enc_g"][0]["beta"][0]
    gc1 = params["core_g"][0]["beta"][0]
    og = (params["dec_g"][0]["beta"].reshape(1, 1) @ params["out_g"]["W"]
          + params["out_g"]["b"]).astype(F32)

    r = lambda v: v.reshape(1, L)
    gvec_e = [r(g0 * Wge[0] + g0 * Wge[1] + params["core_e"][0]["b"]),
              r(g0 * Wge[0] + gc1 * Wge[1] + params["core_e"][0]["b"])]
    gvec_x = [r(g0 * Wgx[0] + g0 * Wgx[1] + params["core_x"][0]["b"]),
              r(g0 * Wgx[0] + gc1 * Wgx[1] + params["core_x"][0]["b"])]

    pe, px = params["enc_e"][0], params["enc_x"][0]
    ce_ln = (r(params["core_e"][0]["gamma"]), r(params["core_e"][0]["beta"]))
    cx_ln = (r(params["core_x"][0]["gamma"]), r(params["core_x"][0]["beta"]))
    d1e, d2e = params["dec_e"]
    d1x, d2x = params["dec_x"]
    dec_e_args = (d1e["W"], r(d1e["b"]), r(d1e["gamma"]), r(d1e["beta"]),
                  d2e["W"], r(d2e["b"]), r(d2e["gamma"]), r(d2e["beta"]),
                  params["out_e"]["W"].reshape(1, L),
                  params["out_e"]["b"].reshape(1, 1))
    dec_x_args = (d1x["W"], r(d1x["b"]), r(d1x["gamma"]), r(d1x["beta"]),
                  d2x["W"], r(d2x["b"]), r(d2x["gamma"]), r(d2x["beta"]),
                  params["out_x"]["W"].reshape(1, L),
                  params["out_x"]["b"].reshape(1, 1))

    xp = jnp.concatenate([x, jnp.zeros((n_pad - N, x.shape[1]), F32)])
    ep = jnp.concatenate([e, jnp.zeros((e_pad - E, e.shape[1]), F32)])
    RH = e_pad // 2
    offb = RH // _BM
    eb = E - RH
    pad_idx = jnp.full((e_pad - E,), N, jnp.int32)
    srcA = edges[0][:RH].reshape(_NW, -1, _CHG)
    dstA = edges[1][:RH].reshape(_NW, -1, _CHG)
    srcB = edges[0][RH:].reshape(_NW, -1, _CHG)
    dstB = edges[1][RH:].reshape(_NW, -1, _CHG)
    dstsA = edges[1][:RH].reshape(_NW, -1, _CHS)
    dstsB = jnp.concatenate([edges[1][RH:], pad_idx]).reshape(_NW, -1, _CHS)
    zeros = jnp.zeros((n_pad, L), F32)

    u1, ce = _enc_e_call(ep, pe["W"], r(pe["b"]), r(pe["gamma"]),
                         r(pe["beta"]), We0 + Wec, We0)
    xc, cs, cd, c0, p, q = _enc_x_call(
        xp, px["W"], r(px["b"]), r(px["gamma"]), r(px["beta"]),
        Ws0, Wd0, A0, Ws0 + Ws1, Wd0 + Wd1)

    outs = []
    ecA = ecB = None
    for s in range(2):
        gsA, gdA = _sc_gather(p, q, srcA, dstA, RH)
        gsB, gdB = _sc_gather(p, q, srcB, dstB, RH)
        if s == 0:
            ecA, oeA = _edge1_call(u1, gsA, gdA, gvec_e[s], *ce_ln,
                                   *dec_e_args, 0)
            aggsA = _sc_scatter(ecA, dstsA, zeros)
            ecB, oeB = _edge1_call(u1, gsB, gdB, gvec_e[s], *ce_ln,
                                   *dec_e_args, offb)
        else:
            ecA, oeA = _edge2_call(ce, ecA, gsA, gdA, Wec, gvec_e[s], *ce_ln,
                                   *dec_e_args, 0)
            aggsA = _sc_scatter(ecA, dstsA, zeros)
            ecB, oeB = _edge2_call(ce, ecB, gsB, gdB, Wec, gvec_e[s], *ce_ln,
                                   *dec_e_args, offb)
        aggsB = _sc_scatter(ecB, dstsB, zeros)
        xc, ox, p, q = _node_call(
            c0, xc, aggsA, aggsB, cs, cd, A1, A2, gvec_x[s], *cx_ln,
            *dec_x_args, Ws1, Wd1)
        oe = jnp.concatenate([oeA.reshape(-1), oeB.reshape(-1)[:eb]])
        outs.append((ox.reshape(-1)[:N].reshape(N, 1),
                     oe.reshape(E, 1), og))
    return tuple(outs)

# --- scband reference (transcript-rebuilt; emitter-appended) ---
"""Pipeline reference for scband-network-36232344109329 (READ-ONLY COPY).

The authoritative reference and input builder live on the scoring server;
editing this copy changes nothing except your own understanding.
"""

import jax, jax.numpy as jnp
import numpy as np

N = 10000
E = 160000
DX = 128
DE = 16
DG = 1
L_E, L_X, L_G = 128, 128, 1
STEPS = 2


def _glorot(key, din, dout):
    lim = (6.0 / (din + dout)) ** 0.5
    return jax.random.uniform(key, (din, dout), jnp.float32, -lim, lim)


def _block_params(key, din, dout):
    return {"W": _glorot(key, din, dout), "b": jnp.zeros((dout,), jnp.float32),
            "gamma": jnp.ones((dout,), jnp.float32), "beta": jnp.zeros((dout,), jnp.float32)}


def _lin_params(key, din, dout):
    k1, k2 = jax.random.split(key)
    lim = 1.0 / (din ** 0.5)
    return {"W": jax.random.uniform(k1, (din, dout), jnp.float32, -lim, lim),
            "b": jax.random.uniform(k2, (dout,), jnp.float32, -lim, lim)}


def _block(p, x):
    # MLPBlock: Linear -> ReLU -> LayerNorm
    h = jax.nn.relu(x @ p["W"] + p["b"])
    m = jnp.mean(h, axis=-1, keepdims=True)
    v = jnp.mean((h - m) ** 2, axis=-1, keepdims=True)
    return (h - m) / jnp.sqrt(v + 1e-5) * p["gamma"] + p["beta"]


def _mlp(ps, x):
    for p in ps:
        x = _block(p, x)
    return x


def make_params(key):
    ks = jax.random.split(key, 14)
    core_e_in = 2 * L_E + 2 * (2 * L_X) + 2 * L_G  # 770: cat(e, x_src, x_dst, g_per_edge)
    core_x_in = 2 * L_X + L_E + 2 * L_G            # 386: cat(x, edge_agg, g_per_node)
    core_g_in = 2 * L_G + L_X + L_E                # 258: cat(g, node_agg, edge_agg)
    return {
        "enc_e": [_block_params(ks[0], DE, L_E)],
        "enc_x": [_block_params(ks[1], DX, L_X)],
        "enc_g": [_block_params(ks[2], DG, L_G)],
        "core_e": [_block_params(ks[3], core_e_in, L_E)],
        "core_x": [_block_params(ks[4], core_x_in, L_X)],
        "core_g": [_block_params(ks[5], core_g_in, L_G)],
        "dec_e": [_block_params(ks[6], L_E, L_E), _block_params(ks[7], L_E, L_E)],
        "dec_x": [_block_params(ks[8], L_X, L_X), _block_params(ks[9], L_X, L_X)],
        "dec_g": [_block_params(ks[10], L_G, L_G)],
        "out_e": _lin_params(ks[11], L_E, 1),
        "out_x": _lin_params(ks[12], L_X, 1),
        "out_g": _lin_params(ks[13], L_G, 1),
    }


def setup_inputs(seed: int = 0) -> dict:
    key = jax.random.key(seed)
    k = jax.random.split(key, 5)
    x = jax.random.normal(k[0], (N, DX), jnp.float32)
    e = jax.random.normal(k[1], (E, DE), jnp.float32)
    g = jax.random.normal(k[2], (1, DG), jnp.float32)
    edges = jax.random.randint(k[3], (2, E), 0, N, jnp.int32)
    node_idx = jnp.zeros((N,), jnp.int32)
    edge_idx = jnp.zeros((E,), jnp.int32)
    params = make_params(k[4])
    return {"x": x, "e": e, "g": g, "params": params, "edges": edges,
            "node_idx": node_idx, "edge_idx": edge_idx, "steps": STEPS}


def reference(x, e, g, params, edges, node_idx, edge_idx, steps):
    src = edges[0]
    dst = edges[1]
    Bn = g.shape[0]
    Nn = x.shape[0]
    edge_idx = edge_idx + (jnp.asarray(steps) - jnp.asarray(steps)).astype(edge_idx.dtype)
    # encoder (independent blocks)
    ec = _mlp(params["enc_e"], e)
    xc = _mlp(params["enc_x"], x)
    gc = _mlp(params["enc_g"], g)
    e0, x0, g0 = ec, xc, gc
    outs = []
    for _ in range(STEPS):
        ecat = jnp.concatenate([e0, ec], axis=1)
        xcat = jnp.concatenate([x0, xc], axis=1)
        gcat = jnp.concatenate([g0, gc], axis=1)
        # core: aggregating edge block (pass_global_to_edge=True)
        e_in = jnp.concatenate([ecat, xcat[src], xcat[dst], gcat[edge_idx]], axis=1)
        ec = _mlp(params["core_e"], e_in)
        # core: aggregating node block ('add' aggregation over incoming edges)
        agg = jax.ops.segment_sum(ec, dst, num_segments=Nn)
        x_in = jnp.concatenate([xcat, agg, gcat[node_idx]], axis=1)
        xc = _mlp(params["core_x"], x_in)
        # core: aggregating global block ('add' over nodes and edges)
        node_agg = jax.ops.segment_sum(xc, node_idx, num_segments=Bn)
        edge_agg = jax.ops.segment_sum(ec, edge_idx, num_segments=Bn)
        g_in = jnp.concatenate([gcat, node_agg, edge_agg], axis=1)
        gc = _mlp(params["core_g"], g_in)
        # decoder (independent blocks)
        de = _mlp(params["dec_e"], ec)
        dx = _mlp(params["dec_x"], xc)
        dg = _mlp(params["dec_g"], gc)
        # output transform (plain linear to 1 channel)
        ox = dx @ params["out_x"]["W"] + params["out_x"]["b"]
        oe = de @ params["out_e"]["W"] + params["out_e"]["b"]
        og = dg @ params["out_g"]["W"] + params["out_g"]["b"]
        outs.append((ox, oe, og))
    return tuple(outs)

if __name__ == "__main__":
    import jax
    _d = setup_inputs()
    print(jax.jit(kernel)(*tuple(_d.values())))

</pallas_src>

<mosaic_0001>
#map = affine_map<(d0, d1) -> (0, 0)>
#map1 = affine_map<(d0, d1) -> (0, 0, 0)>
module attributes {stable_mosaic.version = 14 : i64} {
  func.func @k(%arg0: i32, %arg1: i32, %arg2: memref<10240x128xf32, #tpu.memory_space<hbm>>, %arg3: memref<10240x128xf32, #tpu.memory_space<hbm>>, %arg4: memref<32x64x40xi32, #tpu.memory_space<hbm>>, %arg5: memref<32x64x40xi32, #tpu.memory_space<hbm>>, %arg6: memref<81920x128xf32, #tpu.memory_space<hbm>>, %arg7: memref<81920x128xf32, #tpu.memory_space<hbm>>, %arg8: memref<64x40xi32, #tpu.memory_space<vmem>>, %arg9: memref<64x40xi32, #tpu.memory_space<vmem>>, %arg10: memref<40x128xf32, #tpu.memory_space<vmem>>, %arg11: memref<40x128xf32, #tpu.memory_space<vmem>>, %arg12: memref<!tpu.dma_semaphore, #tpu.memory_space<semaphore_mem>>, %arg13: memref<!tpu.dma_semaphore, #tpu.memory_space<semaphore_mem>>) attributes {dimension_semantics = [#tpu.dimension_semantics<core_parallel>, #tpu.dimension_semantics<subcore_parallel>], iteration_bounds = array<i64: 2, 16>, scalar_prefetch = 0 : i64, scratch_operands = 6 : i64, tpu.core_type = #tpu.core_type<sc_vector_subcore>, window_params = [{transform_indices = #map}, {transform_indices = #map}, {transform_indices = #map1}, {transform_indices = #map1}, {transform_indices = #map}, {transform_indices = #map}]} {
    %mul3A = arith.constant 2 : i32
    %mul3A_0 = arith.muli %arg1, %mul3A : i32
    %add3A = arith.addi %mul3A_0, %arg0 : i32
    %mul3A_1 = arith.constant 2560 : i32
    %mul3A_2 = arith.muli %add3A, %mul3A_1 : i32
    "tpu.region"() ({
      %run_scoped3A = tpu.sem_alloc : memref<!tpu.dma_semaphore, #tpu.memory_space<semaphore_mem>>
      %dma_start3A = arith.constant 0 : i32
      %dma_start3A_8 = arith.constant 0 : i32
      %dma_start3A_9 = tpu.memref_slice %arg4[%add3A, %dma_start3A, %dma_start3A_8] : memref<32x64x40xi32, #tpu.memory_space<hbm>> -> memref<1x64x40xi32, #tpu.memory_space<hbm>>
      %dma_start3A_10 = tpu.memref_squeeze %dma_start3A_9 : memref<1x64x40xi32, #tpu.memory_space<hbm>> -> memref<64x40xi32, #tpu.memory_space<hbm>>
      %dma_start3A_11 = arith.constant 0 : i32
      %dma_start3A_12 = arith.constant 0 : i32
      %dma_start3A_13 = tpu.memref_slice %arg4[%add3A, %dma_start3A_11, %dma_start3A_12] : memref<32x64x40xi32, #tpu.memory_space<hbm>> -> memref<1x64x40xi32, #tpu.memory_space<hbm>>
      %dma_start3A_14 = tpu.memref_squeeze %dma_start3A_13 : memref<1x64x40xi32, #tpu.memory_space<hbm>> -> memref<64x40xi32, #tpu.memory_space<hbm>>
      tpu.enqueue_dma source(%dma_start3A_14 : memref<64x40xi32, #tpu.memory_space<hbm>>) target(%arg8 : memref<64x40xi32, #tpu.memory_space<vmem>>) target_semaphore(%run_scoped3A : memref<!tpu.dma_semaphore, #tpu.memory_space<semaphore_mem>>)
      %dma_wait3A = arith.constant 0 : i32
      %dma_wait3A_15 = arith.constant 0 : i32
      %dma_wait3A_16 = tpu.memref_slice %arg4[%add3A, %dma_wait3A, %dma_wait3A_15] : memref<32x64x40xi32, #tpu.memory_space<hbm>> -> memref<1x64x40xi32, #tpu.memory_space<hbm>>
      %dma_wait3A_17 = tpu.memref_squeeze %dma_wait3A_16 : memref<1x64x40xi32, #tpu.memory_space<hbm>> -> memref<64x40xi32, #tpu.memory_space<hbm>>
      %dma_wait3A_18 = arith.constant 0 : i32
      %dma_wait3A_19 = arith.constant 0 : i32
      %dma_wait3A_20 = tpu.memref_slice %arg4[%add3A, %dma_wait3A_18, %dma_wait3A_19] : memref<32x64x40xi32, #tpu.memory_space<hbm>> -> memref<1x64x40xi32, #tpu.memory_space<hbm>>
      %dma_wait3A_21 = tpu.memref_squeeze %dma_wait3A_20 : memref<1x64x40xi32, #tpu.memory_space<hbm>> -> memref<64x40xi32, #tpu.memory_space<hbm>>
      tpu.wait_dma2 semaphore(%run_scoped3A : memref<!tpu.dma_semaphore, #tpu.memory_space<semaphore_mem>>) src(%dma_wait3A_21 : memref<64x40xi32, #tpu.memory_space<hbm>>) dst(%arg8 : memref<64x40xi32, #tpu.memory_space<vmem>>)
      tpu.yield
    }) : () -> ()
    "tpu.region"() ({
      %run_scoped3A = tpu.sem_alloc : memref<!tpu.dma_semaphore, #tpu.memory_space<semaphore_mem>>
      %dma_start3A = arith.constant 0 : i32
      %dma_start3A_8 = arith.constant 0 : i32
      %dma_start3A_9 = tpu.memref_slice %arg5[%add3A, %dma_start3A, %dma_start3A_8] : memref<32x64x40xi32, #tpu.memory_space<hbm>> -> memref<1x64x40xi32, #tpu.memory_space<hbm>>
      %dma_start3A_10 = tpu.memref_squeeze %dma_start3A_9 : memref<1x64x40xi32, #tpu.memory_space<hbm>> -> memref<64x40xi32, #tpu.memory_space<hbm>>
      %dma_start3A_11 = arith.constant 0 : i32
      %dma_start3A_12 = arith.constant 0 : i32
      %dma_start3A_13 = tpu.memref_slice %arg5[%add3A, %dma_start3A_11, %dma_start3A_12] : memref<32x64x40xi32, #tpu.memory_space<hbm>> -> memref<1x64x40xi32, #tpu.memory_space<hbm>>
      %dma_start3A_14 = tpu.memref_squeeze %dma_start3A_13 : memref<1x64x40xi32, #tpu.memory_space<hbm>> -> memref<64x40xi32, #tpu.memory_space<hbm>>
      tpu.enqueue_dma source(%dma_start3A_14 : memref<64x40xi32, #tpu.memory_space<hbm>>) target(%arg9 : memref<64x40xi32, #tpu.memory_space<vmem>>) target_semaphore(%run_scoped3A : memref<!tpu.dma_semaphore, #tpu.memory_space<semaphore_mem>>)
      %dma_wait3A = arith.constant 0 : i32
      %dma_wait3A_15 = arith.constant 0 : i32
      %dma_wait3A_16 = tpu.memref_slice %arg5[%add3A, %dma_wait3A, %dma_wait3A_15] : memref<32x64x40xi32, #tpu.memory_space<hbm>> -> memref<1x64x40xi32, #tpu.memory_space<hbm>>
      %dma_wait3A_17 = tpu.memref_squeeze %dma_wait3A_16 : memref<1x64x40xi32, #tpu.memory_space<hbm>> -> memref<64x40xi32, #tpu.memory_space<hbm>>
      %dma_wait3A_18 = arith.constant 0 : i32
      %dma_wait3A_19 = arith.constant 0 : i32
      %dma_wait3A_20 = tpu.memref_slice %arg5[%add3A, %dma_wait3A_18, %dma_wait3A_19] : memref<32x64x40xi32, #tpu.memory_space<hbm>> -> memref<1x64x40xi32, #tpu.memory_space<hbm>>
      %dma_wait3A_21 = tpu.memref_squeeze %dma_wait3A_20 : memref<1x64x40xi32, #tpu.memory_space<hbm>> -> memref<64x40xi32, #tpu.memory_space<hbm>>
      tpu.wait_dma2 semaphore(%run_scoped3A : memref<!tpu.dma_semaphore, #tpu.memory_space<semaphore_mem>>) src(%dma_wait3A_21 : memref<64x40xi32, #tpu.memory_space<hbm>>) dst(%arg9 : memref<64x40xi32, #tpu.memory_space<vmem>>)
      tpu.yield
    }) : () -> ()
    %scan3A = arith.constant 0 : i32
    %scan3A_3 = arith.constant 0 : i32
    %scan3A_4 = arith.constant 64 : i32
    %scan3A_5 = arith.addi %scan3A_3, %scan3A_4 : i32
    %scan3A_6 = arith.constant 1 : i32
    scf.for %scan3A_8 = %scan3A_3 to %scan3A_5 step %scan3A_6  : i32 {
      %dma_start3A = arith.constant 0 : i32
      %dma_start3A_9 = tpu.memref_slice %arg8[%scan3A_8, %dma_start3A] : memref<64x40xi32, #tpu.memory_space<vmem>> -> memref<1x40xi32, #tpu.memory_space<vmem>>
      %dma_start3A_10 = tpu.memref_squeeze %dma_start3A_9 : memref<1x40xi32, #tpu.memory_space<vmem>> -> memref<40xi32, #tpu.memory_space<vmem>>
      %dma_start3A_11 = arith.constant 0 : i32
      %dma_start3A_12 = arith.constant 0 : i32
      %dma_start3A_13 = tpu.memref_slice %arg2[%dma_start3A_11, %dma_start3A_12] : memref<10240x128xf32, #tpu.memory_space<hbm>> -> memref<10240x128xf32, #tpu.memory_space<hbm>>
      tpu.enqueue_indirect_dma source(%dma_start3A_13 : memref<10240x128xf32, #tpu.memory_space<hbm>>) target(%arg10 : memref<40x128xf32, #tpu.memory_space<vmem>>) offsets(%dma_start3A_10 : memref<40xi32, #tpu.memory_space<vmem>>) semaphore(%arg12 : memref<!tpu.dma_semaphore, #tpu.memory_space<semaphore_mem>>)
      %dma_start3A_14 = arith.constant 0 : i32
      %dma_start3A_15 = tpu.memref_slice %arg9[%scan3A_8, %dma_start3A_14] : memref<64x40xi32, #tpu.memory_space<vmem>> -> memref<1x40xi32, #tpu.memory_space<vmem>>
      %dma_start3A_16 = tpu.memref_squeeze %dma_start3A_15 : memref<1x40xi32, #tpu.memory_space<vmem>> -> memref<40xi32, #tpu.memory_space<vmem>>
      %dma_start3A_17 = arith.constant 0 : i32
      %dma_start3A_18 = arith.constant 0 : i32
      %dma_start3A_19 = tpu.memref_slice %arg3[%dma_start3A_17, %dma_start3A_18] : memref<10240x128xf32, #tpu.memory_space<hbm>> -> memref<10240x128xf32, #tpu.memory_space<hbm>>
      tpu.enqueue_indirect_dma source(%dma_start3A_19 : memref<10240x128xf32, #tpu.memory_space<hbm>>) target(%arg11 : memref<40x128xf32, #tpu.memory_space<vmem>>) offsets(%dma_start3A_16 : memref<40xi32, #tpu.memory_space<vmem>>) semaphore(%arg13 : memref<!tpu.dma_semaphore, #tpu.memory_space<semaphore_mem>>)
      %dma_wait3A = arith.constant 0 : i32
      %dma_wait3A_20 = tpu.memref_slice %arg8[%scan3A_8, %dma_wait3A] : memref<64x40xi32, #tpu.memory_space<vmem>> -> memref<1x40xi32, #tpu.memory_space<vmem>>
      %dma_wait3A_21 = tpu.memref_squeeze %dma_wait3A_20 : memref<1x40xi32, #tpu.memory_space<vmem>> -> memref<40xi32, #tpu.memory_space<vmem>>
      %dma_wait3A_22 = arith.constant 0 : i32
      %dma_wait3A_23 = arith.constant 0 : i32
      %dma_wait3A_24 = tpu.memref_slice %arg2[%dma_wait3A_22, %dma_wait3A_23] : memref<10240x128xf32, #tpu.memory_space<hbm>> -> memref<10240x128xf32, #tpu.memory_space<hbm>>
      tpu.wait_indirect_dma semaphore(%arg12 : memref<!tpu.dma_semaphore, #tpu.memory_space<semaphore_mem>>) src(%dma_wait3A_24 : memref<10240x128xf32, #tpu.memory_space<hbm>>) dst(%arg10 : memref<40x128xf32, #tpu.memory_space<vmem>>)
      %dma_wait3A_25 = arith.constant 0 : i32
      %dma_wait3A_26 = tpu.memref_slice %arg9[%scan3A_8, %dma_wait3A_25] : memref<64x40xi32, #tpu.memory_space<vmem>> -> memref<1x40xi32, #tpu.memory_space<vmem>>
      %dma_wait3A_27 = tpu.memref_squeeze %dma_wait3A_26 : memref<1x40xi32, #tpu.memory_space<vmem>> -> memref<40xi32, #tpu.memory_space<vmem>>
      %dma_wait3A_28 = arith.constant 0 : i32
      %dma_wait3A_29 = arith.constant 0 : i32
      %dma_wait3A_30 = tpu.memref_slice %arg3[%dma_wait3A_28, %dma_wait3A_29] : memref<10240x128xf32, #tpu.memory_space<hbm>> -> memref<10240x128xf32, #tpu.memory_space<hbm>>
      tpu.wait_indirect_dma semaphore(%arg13 : memref<!tpu.dma_semaphore, #tpu.memory_space<semaphore_mem>>) src(%dma_wait3A_30 : memref<10240x128xf32, #tpu.memory_space<hbm>>) dst(%arg11 : memref<40x128xf32, #tpu.memory_space<vmem>>)
      %mul3A_31 = arith.constant 40 : i32
      %mul3A_32 = arith.muli %scan3A_8, %mul3A_31 : i32
      %add3A_33 = arith.addi %mul3A_2, %mul3A_32 : i32
      "tpu.region"() ({
        %run_scoped3A = tpu.sem_alloc : memref<!tpu.dma_semaphore, #tpu.memory_space<semaphore_mem>>
        %dma_start3A_34 = arith.constant 0 : i32
        %dma_start3A_35 = tpu.memref_slice %arg6[%add3A_33, %dma_start3A_34] : memref<81920x128xf32, #tpu.memory_space<hbm>> -> memref<40x128xf32, #tpu.memory_space<hbm>>
        %dma_start3A_36 = arith.constant 0 : i32
        %dma_start3A_37 = tpu.memref_slice %arg6[%add3A_33, %dma_start3A_36] : memref<81920x128xf32, #tpu.memory_space<hbm>> -> memref<40x128xf32, #tpu.memory_space<hbm>>
        tpu.enqueue_dma source(%arg10 : memref<40x128xf32, #tpu.memory_space<vmem>>) target(%dma_start3A_37 : memref<40x128xf32, #tpu.memory_space<hbm>>) target_semaphore(%run_scoped3A : memref<!tpu.dma_semaphore, #tpu.memory_space<semaphore_mem>>)
        %dma_wait3A_38 = arith.constant 0 : i32
        %dma_wait3A_39 = tpu.memref_slice %arg6[%add3A_33, %dma_wait3A_38] : memref<81920x128xf32, #tpu.memory_space<hbm>> -> memref<40x128xf32, #tpu.memory_space<hbm>>
        %dma_wait3A_40 = arith.constant 0 : i32
        %dma_wait3A_41 = tpu.memref_slice %arg6[%add3A_33, %dma_wait3A_40] : memref<81920x128xf32, #tpu.memory_space<hbm>> -> memref<40x128xf32, #tpu.memory_space<hbm>>
        tpu.wait_dma2 semaphore(%run_scoped3A : memref<!tpu.dma_semaphore, #tpu.memory_space<semaphore_mem>>) src(%arg10 : memref<40x128xf32, #tpu.memory_space<vmem>>) dst(%dma_wait3A_41 : memref<40x128xf32, #tpu.memory_space<hbm>>)
        tpu.yield
      }) : () -> ()
      "tpu.region"() ({
        %run_scoped3A = tpu.sem_alloc : memref<!tpu.dma_semaphore, #tpu.memory_space<semaphore_mem>>
        %dma_start3A_34 = arith.constant 0 : i32
        %dma_start3A_35 = tpu.memref_slice %arg7[%add3A_33, %dma_start3A_34] : memref<81920x128xf32, #tpu.memory_space<hbm>> -> memref<40x128xf32, #tpu.memory_space<hbm>>
        %dma_start3A_36 = arith.constant 0 : i32
        %dma_start3A_37 = tpu.memref_slice %arg7[%add3A_33, %dma_start3A_36] : memref<81920x128xf32, #tpu.memory_space<hbm>> -> memref<40x128xf32, #tpu.memory_space<hbm>>
        tpu.enqueue_dma source(%arg11 : memref<40x128xf32, #tpu.memory_space<vmem>>) target(%dma_start3A_37 : memref<40x128xf32, #tpu.memory_space<hbm>>) target_semaphore(%run_scoped3A : memref<!tpu.dma_semaphore, #tpu.memory_space<semaphore_mem>>)
        %dma_wait3A_38 = arith.constant 0 : i32
        %dma_wait3A_39 = tpu.memref_slice %arg7[%add3A_33, %dma_wait3A_38] : memref<81920x128xf32, #tpu.memory_space<hbm>> -> memref<40x128xf32, #tpu.memory_space<hbm>>
        %dma_wait3A_40 = arith.constant 0 : i32
        %dma_wait3A_41 = tpu.memref_slice %arg7[%add3A_33, %dma_wait3A_40] : memref<81920x128xf32, #tpu.memory_space<hbm>> -> memref<40x128xf32, #tpu.memory_space<hbm>>
        tpu.wait_dma2 semaphore(%run_scoped3A : memref<!tpu.dma_semaphore, #tpu.memory_space<semaphore_mem>>) src(%arg11 : memref<40x128xf32, #tpu.memory_space<vmem>>) dst(%dma_wait3A_41 : memref<40x128xf32, #tpu.memory_space<hbm>>)
        tpu.yield
      }) : () -> ()
    }
    %scan3A_7 = arith.constant 64 : i32
    return
  }
}

#map = affine_map<(d0, d1) -> (0, 0)>
#map1 = affine_map<(d0, d1) -> (0, 0, 0)>
module attributes {stable_mosaic.version = 14 : i64} {
  func.func @k(%arg0: i32, %arg1: i32, %arg2: memref<81920x128xf32, #tpu.memory_space<hbm>>, %arg3: memref<32x20x128xi32, #tpu.memory_space<hbm>>, %arg4: memref<10240x128xf32, #tpu.memory_space<hbm>>, %arg5: memref<2x10240x128xf32, #tpu.memory_space<hbm>>, %arg6: memref<20x128xi32, #tpu.memory_space<vmem>>, %arg7: memref<128x128xf32, #tpu.memory_space<vmem>>, %arg8: memref<128x128xf32, #tpu.memory_space<vmem>>, %arg9: memref<10240x128xf32, #tpu.memory_space<vmem_shared>>, %arg10: memref<!tpu.dma_semaphore, #tpu.memory_space<semaphore_mem>>, %arg11: memref<!tpu.dma_semaphore, #tpu.memory_space<semaphore_mem>>) attributes {dimension_semantics = [#tpu.dimension_semantics<core_parallel>, #tpu.dimension_semantics<subcore_parallel>], iteration_bounds = array<i64: 2, 16>, scalar_prefetch = 0 : i64, scratch_operands = 6 : i64, tpu.core_type = #tpu.core_type<sc_vector_subcore>, window_params = [{transform_indices = #map}, {transform_indices = #map1}, {transform_indices = #map}, {transform_indices = #map1}]} {
    %mul3A = arith.constant 2 : i32
    %mul3A_0 = arith.muli %arg1, %mul3A : i32
    %add3A = arith.addi %mul3A_0, %arg0 : i32
    %mul3A_1 = arith.constant 2560 : i32
    %mul3A_2 = arith.muli %add3A, %mul3A_1 : i32
    %mul3A_3 = arith.constant 640 : i32
    %mul3A_4 = arith.muli %arg1, %mul3A_3 : i32
    %mul3A_5 = arith.constant 640 : i32
    %mul3A_6 = arith.muli %arg1, %mul3A_5 : i32
    "tpu.region"() ({
      %run_scoped3A = tpu.sem_alloc : memref<!tpu.dma_semaphore, #tpu.memory_space<semaphore_mem>>
      %dma_start3A_22 = arith.constant 0 : i32
      %dma_start3A_23 = tpu.memref_slice %arg9[%mul3A_6, %dma_start3A_22] : memref<10240x128xf32, #tpu.memory_space<vmem_shared>> -> memref<640x128xf32, #tpu.memory_space<vmem_shared>>
      %dma_start3A_24 = arith.constant 0 : i32
      %dma_start3A_25 = tpu.memref_slice %arg4[%mul3A_4, %dma_start3A_24] : memref<10240x128xf32, #tpu.memory_space<hbm>> -> memref<640x128xf32, #tpu.memory_space<hbm>>
      tpu.enqueue_dma source(%dma_start3A_25 : memref<640x128xf32, #tpu.memory_space<hbm>>) target(%dma_start3A_23 : memref<640x128xf32, #tpu.memory_space<vmem_shared>>) target_semaphore(%run_scoped3A : memref<!tpu.dma_semaphore, #tpu.memory_space<semaphore_mem>>)
      %dma_wait3A = arith.constant 0 : i32
      %dma_wait3A_26 = tpu.memref_slice %arg9[%mul3A_6, %dma_wait3A] : memref<10240x128xf32, #tpu.memory_space<vmem_shared>> -> memref<640x128xf32, #tpu.memory_space<vmem_shared>>
      %dma_wait3A_27 = arith.constant 0 : i32
      %dma_wait3A_28 = tpu.memref_slice %arg4[%mul3A_4, %dma_wait3A_27] : memref<10240x128xf32, #tpu.memory_space<hbm>> -> memref<640x128xf32, #tpu.memory_space<hbm>>
      tpu.wait_dma2 semaphore(%run_scoped3A : memref<!tpu.dma_semaphore, #tpu.memory_space<semaphore_mem>>) src(%dma_wait3A_28 : memref<640x128xf32, #tpu.memory_space<hbm>>) dst(%dma_wait3A_26 : memref<640x128xf32, #tpu.memory_space<vmem_shared>>)
      tpu.yield
    }) : () -> ()
    "tpu.region"() ({
      %run_scoped3A = tpu.sem_alloc : memref<!tpu.dma_semaphore, #tpu.memory_space<semaphore_mem>>
      %dma_start3A_22 = arith.constant 0 : i32
      %dma_start3A_23 = arith.constant 0 : i32
      %dma_start3A_24 = tpu.memref_slice %arg3[%add3A, %dma_start3A_22, %dma_start3A_23] : memref<32x20x128xi32, #tpu.memory_space<hbm>> -> memref<1x20x128xi32, #tpu.memory_space<hbm>>
      %dma_start3A_25 = tpu.memref_squeeze %dma_start3A_24 : memref<1x20x128xi32, #tpu.memory_space<hbm>> -> memref<20x128xi32, #tpu.memory_space<hbm>>
      %dma_start3A_26 = arith.constant 0 : i32
      %dma_start3A_27 = arith.constant 0 : i32
      %dma_start3A_28 = tpu.memref_slice %arg3[%add3A, %dma_start3A_26, %dma_start3A_27] : memref<32x20x128xi32, #tpu.memory_space<hbm>> -> memref<1x20x128xi32, #tpu.memory_space<hbm>>
      %dma_start3A_29 = tpu.memref_squeeze %dma_start3A_28 : memref<1x20x128xi32, #tpu.memory_space<hbm>> -> memref<20x128xi32, #tpu.memory_space<hbm>>
      tpu.enqueue_dma source(%dma_start3A_29 : memref<20x128xi32, #tpu.memory_space<hbm>>) target(%arg6 : memref<20x128xi32, #tpu.memory_space<vmem>>) target_semaphore(%run_scoped3A : memref<!tpu.dma_semaphore, #tpu.memory_space<semaphore_mem>>)
      %dma_wait3A = arith.constant 0 : i32
      %dma_wait3A_30 = arith.constant 0 : i32
      %dma_wait3A_31 = tpu.memref_slice %arg3[%add3A, %dma_wait3A, %dma_wait3A_30] : memref<32x20x128xi32, #tpu.memory_space<hbm>> -> memref<1x20x128xi32, #tpu.memory_space<hbm>>
      %dma_wait3A_32 = tpu.memref_squeeze %dma_wait3A_31 : memref<1x20x128xi32, #tpu.memory_space<hbm>> -> memref<20x128xi32, #tpu.memory_space<hbm>>
      %dma_wait3A_33 = arith.constant 0 : i32
      %dma_wait3A_34 = arith.constant 0 : i32
      %dma_wait3A_35 = tpu.memref_slice %arg3[%add3A, %dma_wait3A_33, %dma_wait3A_34] : memref<32x20x128xi32, #tpu.memory_space<hbm>> -> memref<1x20x128xi32, #tpu.memory_space<hbm>>
      %dma_wait3A_36 = tpu.memref_squeeze %dma_wait3A_35 : memref<1x20x128xi32, #tpu.memory_space<hbm>> -> memref<20x128xi32, #tpu.memory_space<hbm>>
      tpu.wait_dma2 semaphore(%run_scoped3A : memref<!tpu.dma_semaphore, #tpu.memory_space<semaphore_mem>>) src(%dma_wait3A_36 : memref<20x128xi32, #tpu.memory_space<hbm>>) dst(%arg6 : memref<20x128xi32, #tpu.memory_space<vmem>>)
      tpu.yield
    }) : () -> ()
    %barrier3A = arith.constant 0 : index
    tpu.barrier barrier_id(%barrier3A)
    %add3A_7 = arith.constant 0 : i32
    %add3A_8 = arith.addi %mul3A_2, %add3A_7 : i32
    %dma_start3A = arith.constant 0 : i32
    %dma_start3A_9 = tpu.memref_slice %arg2[%add3A_8, %dma_start3A] : memref<81920x128xf32, #tpu.memory_space<hbm>> -> memref<128x128xf32, #tpu.memory_space<hbm>>
    %dma_start3A_10 = arith.constant 0 : i32
    %dma_start3A_11 = tpu.memref_slice %arg2[%add3A_8, %dma_start3A_10] : memref<81920x128xf32, #tpu.memory_space<hbm>> -> memref<128x128xf32, #tpu.memory_space<hbm>>
    tpu.enqueue_dma source(%dma_start3A_11 : memref<128x128xf32, #tpu.memory_space<hbm>>) target(%arg7 : memref<128x128xf32, #tpu.memory_space<vmem>>) target_semaphore(%arg10 : memref<!tpu.dma_semaphore, #tpu.memory_space<semaphore_mem>>)
    %scan3A = arith.constant 0 : i32
    %scan3A_12 = arith.constant 0 : i32
    %scan3A_13 = arith.constant 10 : i32
    %scan3A_14 = arith.addi %scan3A_12, %scan3A_13 : i32
    %scan3A_15 = arith.constant 1 : i32
    scf.for %scan3A_22 = %scan3A_12 to %scan3A_14 step %scan3A_15  : i32 {
      %mul3A_23 = arith.constant 2 : i32
      %mul3A_24 = arith.muli %mul3A_23, %scan3A_22 : i32
      %add3A_25 = arith.constant 1 : i32
      %add3A_26 = arith.addi %mul3A_24, %add3A_25 : i32
      %mul3A_27 = arith.constant 128 : i32
      %mul3A_28 = arith.muli %add3A_26, %mul3A_27 : i32
      %add3A_29 = arith.addi %mul3A_2, %mul3A_28 : i32
      %dma_start3A_30 = arith.constant 0 : i32
      %dma_start3A_31 = tpu.memref_slice %arg2[%add3A_29, %dma_start3A_30] : memref<81920x128xf32, #tpu.memory_space<hbm>> -> memref<128x128xf32, #tpu.memory_space<hbm>>
      %dma_start3A_32 = arith.constant 0 : i32
      %dma_start3A_33 = tpu.memref_slice %arg2[%add3A_29, %dma_start3A_32] : memref<81920x128xf32, #tpu.memory_space<hbm>> -> memref<128x128xf32, #tpu.memory_space<hbm>>
      tpu.enqueue_dma source(%dma_start3A_33 : memref<128x128xf32, #tpu.memory_space<hbm>>) target(%arg8 : memref<128x128xf32, #tpu.memory_space<vmem>>) target_semaphore(%arg11 : memref<!tpu.dma_semaphore, #tpu.memory_space<semaphore_mem>>)
      %dma_wait3A = arith.constant 0 : i32
      %dma_wait3A_34 = arith.constant 0 : i32
      %dma_wait3A_35 = tpu.memref_slice %arg2[%dma_wait3A, %dma_wait3A_34] : memref<81920x128xf32, #tpu.memory_space<hbm>> -> memref<128x128xf32, #tpu.memory_space<hbm>>
      %dma_wait3A_36 = arith.constant 0 : i32
      %dma_wait3A_37 = arith.constant 0 : i32
      %dma_wait3A_38 = tpu.memref_slice %arg2[%dma_wait3A_36, %dma_wait3A_37] : memref<81920x128xf32, #tpu.memory_space<hbm>> -> memref<128x128xf32, #tpu.memory_space<hbm>>
      tpu.wait_dma2 semaphore(%arg10 : memref<!tpu.dma_semaphore, #tpu.memory_space<semaphore_mem>>) src(%dma_wait3A_38 : memref<128x128xf32, #tpu.memory_space<hbm>>) dst(%arg7 : memref<128x128xf32, #tpu.memory_space<vmem>>)
      "tpu.region"() ({
        %run_scoped3A = tpu.sem_alloc : memref<!tpu.dma_semaphore, #tpu.memory_space<semaphore_mem>>
        %dma_start3A_51 = arith.constant 0 : i32
        %dma_start3A_52 = tpu.memref_slice %arg6[%mul3A_24, %dma_start3A_51] : memref<20x128xi32, #tpu.memory_space<vmem>> -> memref<1x128xi32, #tpu.memory_space<vmem>>
        %dma_start3A_53 = tpu.memref_squeeze %dma_start3A_52 : memref<1x128xi32, #tpu.memory_space<vmem>> -> memref<128xi32, #tpu.memory_space<vmem>>
        %dma_start3A_54 = arith.constant 0 : i32
        %dma_start3A_55 = arith.constant 0 : i32
        %dma_start3A_56 = tpu.memref_slice %arg9[%dma_start3A_54, %dma_start3A_55] : memref<10240x128xf32, #tpu.memory_space<vmem_shared>> -> memref<10240x128xf32, #tpu.memory_space<vmem_shared>>
        tpu.enqueue_indirect_dma source(%arg7 : memref<128x128xf32, #tpu.memory_space<vmem>>) target(%dma_start3A_56 : memref<10240x128xf32, #tpu.memory_space<vmem_shared>>) offsets(%dma_start3A_53 : memref<128xi32, #tpu.memory_space<vmem>>) semaphore(%run_scoped3A : memref<!tpu.dma_semaphore, #tpu.memory_space<semaphore_mem>>) {add = true}
        %dma_wait3A_57 = arith.constant 0 : i32
        %dma_wait3A_58 = tpu.memref_slice %arg6[%mul3A_24, %dma_wait3A_57] : memref<20x128xi32, #tpu.memory_space<vmem>> -> memref<1x128xi32, #tpu.memory_space<vmem>>
        %dma_wait3A_59 = tpu.memref_squeeze %dma_wait3A_58 : memref<1x128xi32, #tpu.memory_space<vmem>> -> memref<128xi32, #tpu.memory_space<vmem>>
        %dma_wait3A_60 = arith.constant 0 : i32
        %dma_wait3A_61 = arith.constant 0 : i32
        %dma_wait3A_62 = tpu.memref_slice %arg9[%dma_wait3A_60, %dma_wait3A_61] : memref<10240x128xf32, #tpu.memory_space<vmem_shared>> -> memref<10240x128xf32, #tpu.memory_space<vmem_shared>>
        tpu.wait_indirect_dma semaphore(%run_scoped3A : memref<!tpu.dma_semaphore, #tpu.memory_space<semaphore_mem>>) src(%arg7 : memref<128x128xf32, #tpu.memory_space<vmem>>) dst(%dma_wait3A_62 : memref<10240x128xf32, #tpu.memory_space<vmem_shared>>)
        tpu.yield
      }) : () -> ()
      %add3A_39 = arith.constant 2 : i32
      %add3A_40 = arith.addi %mul3A_24, %add3A_39 : i32
      %lt3A = arith.constant 20 : i32
      %lt3A_41 = arith.cmpi slt, %add3A_40, %lt3A : i32
      %convert_element_type3A = arith.extui %lt3A_41 : i1 to i32
      %cond3A = arith.constant 0 : i32
      %cond3A_42 = arith.cmpi ne, %convert_element_type3A, %cond3A : i32
      scf.if %cond3A_42 {
        %add3A_51 = arith.constant 2 : i32
        %add3A_52 = arith.addi %mul3A_24, %add3A_51 : i32
        %mul3A_53 = arith.constant 128 : i32
        %mul3A_54 = arith.muli %add3A_52, %mul3A_53 : i32
        %add3A_55 = arith.addi %mul3A_2, %mul3A_54 : i32
        %dma_start3A_56 = arith.constant 0 : i32
        %dma_start3A_57 = tpu.memref_slice %arg2[%add3A_55, %dma_start3A_56] : memref<81920x128xf32, #tpu.memory_space<hbm>> -> memref<128x128xf32, #tpu.memory_space<hbm>>
        %dma_start3A_58 = arith.constant 0 : i32
        %dma_start3A_59 = tpu.memref_slice %arg2[%add3A_55, %dma_start3A_58] : memref<81920x128xf32, #tpu.memory_space<hbm>> -> memref<128x128xf32, #tpu.memory_space<hbm>>
        tpu.enqueue_dma source(%dma_start3A_59 : memref<128x128xf32, #tpu.memory_space<hbm>>) target(%arg7 : memref<128x128xf32, #tpu.memory_space<vmem>>) target_semaphore(%arg10 : memref<!tpu.dma_semaphore, #tpu.memory_space<semaphore_mem>>)
      } else {
      }
      %dma_wait3A_43 = arith.constant 0 : i32
      %dma_wait3A_44 = arith.constant 0 : i32
      %dma_wait3A_45 = tpu.memref_slice %arg2[%dma_wait3A_43, %dma_wait3A_44] : memref<81920x128xf32, #tpu.memory_space<hbm>> -> memref<128x128xf32, #tpu.memory_space<hbm>>
      %dma_wait3A_46 = arith.constant 0 : i32
      %dma_wait3A_47 = arith.constant 0 : i32
      %dma_wait3A_48 = tpu.memref_slice %arg2[%dma_wait3A_46, %dma_wait3A_47] : memref<81920x128xf32, #tpu.memory_space<hbm>> -> memref<128x128xf32, #tpu.memory_space<hbm>>
      tpu.wait_dma2 semaphore(%arg11 : memref<!tpu.dma_semaphore, #tpu.memory_space<semaphore_mem>>) src(%dma_wait3A_48 : memref<128x128xf32, #tpu.memory_space<hbm>>) dst(%arg8 : memref<128x128xf32, #tpu.memory_space<vmem>>)
      %add3A_49 = arith.constant 1 : i32
      %add3A_50 = arith.addi %mul3A_24, %add3A_49 : i32
      "tpu.region"() ({
        %run_scoped3A = tpu.sem_alloc : memref<!tpu.dma_semaphore, #tpu.memory_space<semaphore_mem>>
        %dma_start3A_51 = arith.constant 0 : i32
        %dma_start3A_52 = tpu.memref_slice %arg6[%add3A_50, %dma_start3A_51] : memref<20x128xi32, #tpu.memory_space<vmem>> -> memref<1x128xi32, #tpu.memory_space<vmem>>
        %dma_start3A_53 = tpu.memref_squeeze %dma_start3A_52 : memref<1x128xi32, #tpu.memory_space<vmem>> -> memref<128xi32, #tpu.memory_space<vmem>>
        %dma_start3A_54 = arith.constant 0 : i32
        %dma_start3A_55 = arith.constant 0 : i32
        %dma_start3A_56 = tpu.memref_slice %arg9[%dma_start3A_54, %dma_start3A_55] : memref<10240x128xf32, #tpu.memory_space<vmem_shared>> -> memref<10240x128xf32, #tpu.memory_space<vmem_shared>>
        tpu.enqueue_indirect_dma source(%arg8 : memref<128x128xf32, #tpu.memory_space<vmem>>) target(%dma_start3A_56 : memref<10240x128xf32, #tpu.memory_space<vmem_shared>>) offsets(%dma_start3A_53 : memref<128xi32, #tpu.memory_space<vmem>>) semaphore(%run_scoped3A : memref<!tpu.dma_semaphore, #tpu.memory_space<semaphore_mem>>) {add = true}
        %dma_wait3A_57 = arith.constant 0 : i32
        %dma_wait3A_58 = tpu.memref_slice %arg6[%add3A_50, %dma_wait3A_57] : memref<20x128xi32, #tpu.memory_space<vmem>> -> memref<1x128xi32, #tpu.memory_space<vmem>>
        %dma_wait3A_59 = tpu.memref_squeeze %dma_wait3A_58 : memref<1x128xi32, #tpu.memory_space<vmem>> -> memref<128xi32, #tpu.memory_space<vmem>>
        %dma_wait3A_60 = arith.constant 0 : i32
        %dma_wait3A_61 = arith.constant 0 : i32
        %dma_wait3A_62 = tpu.memref_slice %arg9[%dma_wait3A_60, %dma_wait3A_61] : memref<10240x128xf32, #tpu.memory_space<vmem_shared>> -> memref<10240x128xf32, #tpu.memory_space<vmem_shared>>
        tpu.wait_indirect_dma semaphore(%run_scoped3A : memref<!tpu.dma_semaphore, #tpu.memory_space<semaphore_mem>>) src(%arg8 : memref<128x128xf32, #tpu.memory_space<vmem>>) dst(%dma_wait3A_62 : memref<10240x128xf32, #tpu.memory_space<vmem_shared>>)
        tpu.yield
      }) : () -> ()
    }
    %scan3A_16 = arith.constant 10 : i32
    %barrier3A_17 = arith.constant 0 : index
    tpu.barrier barrier_id(%barrier3A_17)
    %mul3A_18 = arith.constant 640 : i32
    %mul3A_19 = arith.muli %arg1, %mul3A_18 : i32
    %mul3A_20 = arith.constant 640 : i32
    %mul3A_21 = arith.muli %arg1, %mul3A_20 : i32
    "tpu.region"() ({
      %run_scoped3A = tpu.sem_alloc : memref<!tpu.dma_semaphore, #tpu.memory_space<semaphore_mem>>
      %dma_start3A_22 = arith.constant 0 : i32
      %dma_start3A_23 = tpu.memref_slice %arg5[%arg0, %mul3A_21, %dma_start3A_22] : memref<2x10240x128xf32, #tpu.memory_space<hbm>> -> memref<1x640x128xf32, #tpu.memory_space<hbm>>
      %dma_start3A_24 = tpu.memref_squeeze %dma_start3A_23 : memref<1x640x128xf32, #tpu.memory_space<hbm>> -> memref<640x128xf32, #tpu.memory_space<hbm>>
      %dma_start3A_25 = arith.constant 0 : i32
      %dma_start3A_26 = tpu.memref_slice %arg9[%mul3A_19, %dma_start3A_25] : memref<10240x128xf32, #tpu.memory_space<vmem_shared>> -> memref<640x128xf32, #tpu.memory_space<vmem_shared>>
      tpu.enqueue_dma source(%dma_start3A_26 : memref<640x128xf32, #tpu.memory_space<vmem_shared>>) target(%dma_start3A_24 : memref<640x128xf32, #tpu.memory_space<hbm>>) target_semaphore(%run_scoped3A : memref<!tpu.dma_semaphore, #tpu.memory_space<semaphore_mem>>)
      %dma_wait3A = arith.constant 0 : i32
      %dma_wait3A_27 = tpu.memref_slice %arg5[%arg0, %mul3A_21, %dma_wait3A] : memref<2x10240x128xf32, #tpu.memory_space<hbm>> -> memref<1x640x128xf32, #tpu.memory_space<hbm>>
      %dma_wait3A_28 = tpu.memref_squeeze %dma_wait3A_27 : memref<1x640x128xf32, #tpu.memory_space<hbm>> -> memref<640x128xf32, #tpu.memory_space<hbm>>
      %dma_wait3A_29 = arith.constant 0 : i32
      %dma_wait3A_30 = tpu.memref_slice %arg9[%mul3A_19, %dma_wait3A_29] : memref<10240x128xf32, #tpu.memory_space<vmem_shared>> -> memref<640x128xf32, #tpu.memory_space<vmem_shared>>
      tpu.wait_dma2 semaphore(%run_scoped3A : memref<!tpu.dma_semaphore, #tpu.memory_space<semaphore_mem>>) src(%dma_wait3A_30 : memref<640x128xf32, #tpu.memory_space<vmem_shared>>) dst(%dma_wait3A_28 : memref<640x128xf32, #tpu.memory_space<hbm>>)
      tpu.yield
    }) : () -> ()
    return
  }
}

#map = affine_map<(d0, d1) -> (0, 0)>
#map1 = affine_map<(d0, d1) -> (0, 0, 0)>
module attributes {stable_mosaic.version = 14 : i64} {
  func.func @k(%arg0: i32, %arg1: i32, %arg2: memref<81920x128xf32, #tpu.memory_space<hbm>>, %arg3: memref<32x20x128xi32, #tpu.memory_space<hbm>>, %arg4: memref<10240x128xf32, #tpu.memory_space<hbm>>, %arg5: memref<2x10240x128xf32, #tpu.memory_space<hbm>>, %arg6: memref<20x128xi32, #tpu.memory_space<vmem>>, %arg7: memref<128x128xf32, #tpu.memory_space<vmem>>, %arg8: memref<128x128xf32, #tpu.memory_space<vmem>>, %arg9: memref<10240x128xf32, #tpu.memory_space<vmem_shared>>, %arg10: memref<!tpu.dma_semaphore, #tpu.memory_space<semaphore_mem>>, %arg11: memref<!tpu.dma_semaphore, #tpu.memory_space<semaphore_mem>>) attributes {dimension_semantics = [#tpu.dimension_semantics<core_parallel>, #tpu.dimension_semantics<subcore_parallel>], iteration_bounds = array<i64: 2, 16>, scalar_prefetch = 0 : i64, scratch_operands = 6 : i64, tpu.core_type = #tpu.core_type<sc_vector_subcore>, window_params = [{transform_indices = #map}, {transform_indices = #map1}, {transform_indices = #map}, {transform_indices = #map1}]} {
    %mul3A = arith.constant 2 : i32
    %mul3A_0 = arith.muli %arg1, %mul3A : i32
    %add3A = arith.addi %mul3A_0, %arg0 : i32
    %mul3A_1 = arith.constant 2560 : i32
    %mul3A_2 = arith.muli %add3A, %mul3A_1 : i32
    %mul3A_3 = arith.constant 640 : i32
    %mul3A_4 = arith.muli %arg1, %mul3A_3 : i32
    %mul3A_5 = arith.constant 640 : i32
    %mul3A_6 = arith.muli %arg1, %mul3A_5 : i32
    "tpu.region"() ({
      %run_scoped3A = tpu.sem_alloc : memref<!tpu.dma_semaphore, #tpu.memory_space<semaphore_mem>>
      %dma_start3A_22 = arith.constant 0 : i32
      %dma_start3A_23 = tpu.memref_slice %arg9[%mul3A_6, %dma_start3A_22] : memref<10240x128xf32, #tpu.memory_space<vmem_shared>> -> memref<640x128xf32, #tpu.memory_space<vmem_shared>>
      %dma_start3A_24 = arith.constant 0 : i32
      %dma_start3A_25 = tpu.memref_slice %arg4[%mul3A_4, %dma_start3A_24] : memref<10240x128xf32, #tpu.memory_space<hbm>> -> memref<640x128xf32, #tpu.memory_space<hbm>>
      tpu.enqueue_dma source(%dma_start3A_25 : memref<640x128xf32, #tpu.memory_space<hbm>>) target(%dma_start3A_23 : memref<640x128xf32, #tpu.memory_space<vmem_shared>>) target_semaphore(%run_scoped3A : memref<!tpu.dma_semaphore, #tpu.memory_space<semaphore_mem>>)
      %dma_wait3A = arith.constant 0 : i32
      %dma_wait3A_26 = tpu.memref_slice %arg9[%mul3A_6, %dma_wait3A] : memref<10240x128xf32, #tpu.memory_space<vmem_shared>> -> memref<640x128xf32, #tpu.memory_space<vmem_shared>>
      %dma_wait3A_27 = arith.constant 0 : i32
      %dma_wait3A_28 = tpu.memref_slice %arg4[%mul3A_4, %dma_wait3A_27] : memref<10240x128xf32, #tpu.memory_space<hbm>> -> memref<640x128xf32, #tpu.memory_space<hbm>>
      tpu.wait_dma2 semaphore(%run_scoped3A : memref<!tpu.dma_semaphore, #tpu.memory_space<semaphore_mem>>) src(%dma_wait3A_28 : memref<640x128xf32, #tpu.memory_space<hbm>>) dst(%dma_wait3A_26 : memref<640x128xf32, #tpu.memory_space<vmem_shared>>)
      tpu.yield
    }) : () -> ()
    "tpu.region"() ({
      %run_scoped3A = tpu.sem_alloc : memref<!tpu.dma_semaphore, #tpu.memory_space<semaphore_mem>>
      %dma_start3A_22 = arith.constant 0 : i32
      %dma_start3A_23 = arith.constant 0 : i32
      %dma_start3A_24 = tpu.memref_slice %arg3[%add3A, %dma_start3A_22, %dma_start3A_23] : memref<32x20x128xi32, #tpu.memory_space<hbm>> -> memref<1x20x128xi32, #tpu.memory_space<hbm>>
      %dma_start3A_25 = tpu.memref_squeeze %dma_start3A_24 : memref<1x20x128xi32, #tpu.memory_space<hbm>> -> memref<20x128xi32, #tpu.memory_space<hbm>>
      %dma_start3A_26 = arith.constant 0 : i32
      %dma_start3A_27 = arith.constant 0 : i32
      %dma_start3A_28 = tpu.memref_slice %arg3[%add3A, %dma_start3A_26, %dma_start3A_27] : memref<32x20x128xi32, #tpu.memory_space<hbm>> -> memref<1x20x128xi32, #tpu.memory_space<hbm>>
      %dma_start3A_29 = tpu.memref_squeeze %dma_start3A_28 : memref<1x20x128xi32, #tpu.memory_space<hbm>> -> memref<20x128xi32, #tpu.memory_space<hbm>>
      tpu.enqueue_dma source(%dma_start3A_29 : memref<20x128xi32, #tpu.memory_space<hbm>>) target(%arg6 : memref<20x128xi32, #tpu.memory_space<vmem>>) target_semaphore(%run_scoped3A : memref<!tpu.dma_semaphore, #tpu.memory_space<semaphore_mem>>)
      %dma_wait3A = arith.constant 0 : i32
      %dma_wait3A_30 = arith.constant 0 : i32
      %dma_wait3A_31 = tpu.memref_slice %arg3[%add3A, %dma_wait3A, %dma_wait3A_30] : memref<32x20x128xi32, #tpu.memory_space<hbm>> -> memref<1x20x128xi32, #tpu.memory_space<hbm>>
      %dma_wait3A_32 = tpu.memref_squeeze %dma_wait3A_31 : memref<1x20x128xi32, #tpu.memory_space<hbm>> -> memref<20x128xi32, #tpu.memory_space<hbm>>
      %dma_wait3A_33 = arith.constant 0 : i32
      %dma_wait3A_34 = arith.constant 0 : i32
      %dma_wait3A_35 = tpu.memref_slice %arg3[%add3A, %dma_wait3A_33, %dma_wait3A_34] : memref<32x20x128xi32, #tpu.memory_space<hbm>> -> memref<1x20x128xi32, #tpu.memory_space<hbm>>
      %dma_wait3A_36 = tpu.memref_squeeze %dma_wait3A_35 : memref<1x20x128xi32, #tpu.memory_space<hbm>> -> memref<20x128xi32, #tpu.memory_space<hbm>>
      tpu.wait_dma2 semaphore(%run_scoped3A : memref<!tpu.dma_semaphore, #tpu.memory_space<semaphore_mem>>) src(%dma_wait3A_36 : memref<20x128xi32, #tpu.memory_space<hbm>>) dst(%arg6 : memref<20x128xi32, #tpu.memory_space<vmem>>)
      tpu.yield
    }) : () -> ()
    %barrier3A = arith.constant 0 : index
    tpu.barrier barrier_id(%barrier3A)
    %add3A_7 = arith.constant 0 : i32
    %add3A_8 = arith.addi %mul3A_2, %add3A_7 : i32
    %dma_start3A = arith.constant 0 : i32
    %dma_start3A_9 = tpu.memref_slice %arg2[%add3A_8, %dma_start3A] : memref<81920x128xf32, #tpu.memory_space<hbm>> -> memref<128x128xf32, #tpu.memory_space<hbm>>
    %dma_start3A_10 = arith.constant 0 : i32
    %dma_start3A_11 = tpu.memref_slice %arg2[%add3A_8, %dma_start3A_10] : memref<81920x128xf32, #tpu.memory_space<hbm>> -> memref<128x128xf32, #tpu.memory_space<hbm>>
    tpu.enqueue_dma source(%dma_start3A_11 : memref<128x128xf32, #tpu.memory_space<hbm>>) target(%arg7 : memref<128x128xf32, #tpu.memory_space<vmem>>) target_semaphore(%arg10 : memref<!tpu.dma_semaphore, #tpu.memory_space<semaphore_mem>>)
    %scan3A = arith.constant 0 : i32
    %scan3A_12 = arith.constant 0 : i32
    %scan3A_13 = arith.constant 10 : i32
    %scan3A_14 = arith.addi %scan3A_12, %scan3A_13 : i32
    %scan3A_15 = arith.constant 1 : i32
    scf.for %scan3A_22 = %scan3A_12 to %scan3A_14 step %scan3A_15  : i32 {
      %mul3A_23 = arith.constant 2 : i32
      %mul3A_24 = arith.muli %mul3A_23, %scan3A_22 : i32
      %add3A_25 = arith.constant 1 : i32
      %add3A_26 = arith.addi %mul3A_24, %add3A_25 : i32
      %mul3A_27 = arith.constant 128 : i32
      %mul3A_28 = arith.muli %add3A_26, %mul3A_27 : i32
      %add3A_29 = arith.addi %mul3A_2, %mul3A_28 : i32
      %dma_start3A_30 = arith.constant 0 : i32
      %dma_start3A_31 = tpu.memref_slice %arg2[%add3A_29, %dma_start3A_30] : memref<81920x128xf32, #tpu.memory_space<hbm>> -> memref<128x128xf32, #tpu.memory_space<hbm>>
      %dma_start3A_32 = arith.constant 0 : i32
      %dma_start3A_33 = tpu.memref_slice %arg2[%add3A_29, %dma_start3A_32] : memref<81920x128xf32, #tpu.memory_space<hbm>> -> memref<128x128xf32, #tpu.memory_space<hbm>>
      tpu.enqueue_dma source(%dma_start3A_33 : memref<128x128xf32, #tpu.memory_space<hbm>>) target(%arg8 : memref<128x128xf32, #tpu.memory_space<vmem>>) target_semaphore(%arg11 : memref<!tpu.dma_semaphore, #tpu.memory_space<semaphore_mem>>)
      %dma_wait3A = arith.constant 0 : i32
      %dma_wait3A_34 = arith.constant 0 : i32
      %dma_wait3A_35 = tpu.memref_slice %arg2[%dma_wait3A, %dma_wait3A_34] : memref<81920x128xf32, #tpu.memory_space<hbm>> -> memref<128x128xf32, #tpu.memory_space<hbm>>
      %dma_wait3A_36 = arith.constant 0 : i32
      %dma_wait3A_37 = arith.constant 0 : i32
      %dma_wait3A_38 = tpu.memref_slice %arg2[%dma_wait3A_36, %dma_wait3A_37] : memref<81920x128xf32, #tpu.memory_space<hbm>> -> memref<128x128xf32, #tpu.memory_space<hbm>>
      tpu.wait_dma2 semaphore(%arg10 : memref<!tpu.dma_semaphore, #tpu.memory_space<semaphore_mem>>) src(%dma_wait3A_38 : memref<128x128xf32, #tpu.memory_space<hbm>>) dst(%arg7 : memref<128x128xf32, #tpu.memory_space<vmem>>)
      "tpu.region"() ({
        %run_scoped3A = tpu.sem_alloc : memref<!tpu.dma_semaphore, #tpu.memory_space<semaphore_mem>>
        %dma_start3A_51 = arith.constant 0 : i32
        %dma_start3A_52 = tpu.memref_slice %arg6[%mul3A_24, %dma_start3A_51] : memref<20x128xi32, #tpu.memory_space<vmem>> -> memref<1x128xi32, #tpu.memory_space<vmem>>
        %dma_start3A_53 = tpu.memref_squeeze %dma_start3A_52 : memref<1x128xi32, #tpu.memory_space<vmem>> -> memref<128xi32, #tpu.memory_space<vmem>>
        %dma_start3A_54 = arith.constant 0 : i32
        %dma_start3A_55 = arith.constant 0 : i32
        %dma_start3A_56 = tpu.memref_slice %arg9[%dma_start3A_54, %dma_start3A_55] : memref<10240x128xf32, #tpu.memory_space<vmem_shared>> -> memref<10240x128xf32, #tpu.memory_space<vmem_shared>>
        tpu.enqueue_indirect_dma source(%arg7 : memref<128x128xf32, #tpu.memory_space<vmem>>) target(%dma_start3A_56 : memref<10240x128xf32, #tpu.memory_space<vmem_shared>>) offsets(%dma_start3A_53 : memref<128xi32, #tpu.memory_space<vmem>>) semaphore(%run_scoped3A : memref<!tpu.dma_semaphore, #tpu.memory_space<semaphore_mem>>) {add = true}
        %dma_wait3A_57 = arith.constant 0 : i32
        %dma_wait3A_58 = tpu.memref_slice %arg6[%mul3A_24, %dma_wait3A_57] : memref<20x128xi32, #tpu.memory_space<vmem>> -> memref<1x128xi32, #tpu.memory_space<vmem>>
        %dma_wait3A_59 = tpu.memref_squeeze %dma_wait3A_58 : memref<1x128xi32, #tpu.memory_space<vmem>> -> memref<128xi32, #tpu.memory_space<vmem>>
        %dma_wait3A_60 = arith.constant 0 : i32
        %dma_wait3A_61 = arith.constant 0 : i32
        %dma_wait3A_62 = tpu.memref_slice %arg9[%dma_wait3A_60, %dma_wait3A_61] : memref<10240x128xf32, #tpu.memory_space<vmem_shared>> -> memref<10240x128xf32, #tpu.memory_space<vmem_shared>>
        tpu.wait_indirect_dma semaphore(%run_scoped3A : memref<!tpu.dma_semaphore, #tpu.memory_space<semaphore_mem>>) src(%arg7 : memref<128x128xf32, #tpu.memory_space<vmem>>) dst(%dma_wait3A_62 : memref<10240x128xf32, #tpu.memory_space<vmem_shared>>)
        tpu.yield
      }) : () -> ()
      %add3A_39 = arith.constant 2 : i32
      %add3A_40 = arith.addi %mul3A_24, %add3A_39 : i32
      %lt3A = arith.constant 20 : i32
      %lt3A_41 = arith.cmpi slt, %add3A_40, %lt3A : i32
      %convert_element_type3A = arith.extui %lt3A_41 : i1 to i32
      %cond3A = arith.constant 0 : i32
      %cond3A_42 = arith.cmpi ne, %convert_element_type3A, %cond3A : i32
      scf.if %cond3A_42 {
        %add3A_51 = arith.constant 2 : i32
        %add3A_52 = arith.addi %mul3A_24, %add3A_51 : i32
        %mul3A_53 = arith.constant 128 : i32
        %mul3A_54 = arith.muli %add3A_52, %mul3A_53 : i32
        %add3A_55 = arith.addi %mul3A_2, %mul3A_54 : i32
        %dma_start3A_56 = arith.constant 0 : i32
        %dma_start3A_57 = tpu.memref_slice %arg2[%add3A_55, %dma_start3A_56] : memref<81920x128xf32, #tpu.memory_space<hbm>> -> memref<128x128xf32, #tpu.memory_space<hbm>>
        %dma_start3A_58 = arith.constant 0 : i32
        %dma_start3A_59 = tpu.memref_slice %arg2[%add3A_55, %dma_start3A_58] : memref<81920x128xf32, #tpu.memory_space<hbm>> -> memref<128x128xf32, #tpu.memory_space<hbm>>
        tpu.enqueue_dma source(%dma_start3A_59 : memref<128x128xf32, #tpu.memory_space<hbm>>) target(%arg7 : memref<128x128xf32, #tpu.memory_space<vmem>>) target_semaphore(%arg10 : memref<!tpu.dma_semaphore, #tpu.memory_space<semaphore_mem>>)
      } else {
      }
      %dma_wait3A_43 = arith.constant 0 : i32
      %dma_wait3A_44 = arith.constant 0 : i32
      %dma_wait3A_45 = tpu.memref_slice %arg2[%dma_wait3A_43, %dma_wait3A_44] : memref<81920x128xf32, #tpu.memory_space<hbm>> -> memref<128x128xf32, #tpu.memory_space<hbm>>
      %dma_wait3A_46 = arith.constant 0 : i32
      %dma_wait3A_47 = arith.constant 0 : i32
      %dma_wait3A_48 = tpu.memref_slice %arg2[%dma_wait3A_46, %dma_wait3A_47] : memref<81920x128xf32, #tpu.memory_space<hbm>> -> memref<128x128xf32, #tpu.memory_space<hbm>>
      tpu.wait_dma2 semaphore(%arg11 : memref<!tpu.dma_semaphore, #tpu.memory_space<semaphore_mem>>) src(%dma_wait3A_48 : memref<128x128xf32, #tpu.memory_space<hbm>>) dst(%arg8 : memref<128x128xf32, #tpu.memory_space<vmem>>)
      %add3A_49 = arith.constant 1 : i32
      %add3A_50 = arith.addi %mul3A_24, %add3A_49 : i32
      "tpu.region"() ({
        %run_scoped3A = tpu.sem_alloc : memref<!tpu.dma_semaphore, #tpu.memory_space<semaphore_mem>>
        %dma_start3A_51 = arith.constant 0 : i32
        %dma_start3A_52 = tpu.memref_slice %arg6[%add3A_50, %dma_start3A_51] : memref<20x128xi32, #tpu.memory_space<vmem>> -> memref<1x128xi32, #tpu.memory_space<vmem>>
        %dma_start3A_53 = tpu.memref_squeeze %dma_start3A_52 : memref<1x128xi32, #tpu.memory_space<vmem>> -> memref<128xi32, #tpu.memory_space<vmem>>
        %dma_start3A_54 = arith.constant 0 : i32
        %dma_start3A_55 = arith.constant 0 : i32
        %dma_start3A_56 = tpu.memref_slice %arg9[%dma_start3A_54, %dma_start3A_55] : memref<10240x128xf32, #tpu.memory_space<vmem_shared>> -> memref<10240x128xf32, #tpu.memory_space<vmem_shared>>
        tpu.enqueue_indirect_dma source(%arg8 : memref<128x128xf32, #tpu.memory_space<vmem>>) target(%dma_start3A_56 : memref<10240x128xf32, #tpu.memory_space<vmem_shared>>) offsets(%dma_start3A_53 : memref<128xi32, #tpu.memory_space<vmem>>) semaphore(%run_scoped3A : memref<!tpu.dma_semaphore, #tpu.memory_space<semaphore_mem>>) {add = true}
        %dma_wait3A_57 = arith.constant 0 : i32
        %dma_wait3A_58 = tpu.memref_slice %arg6[%add3A_50, %dma_wait3A_57] : memref<20x128xi32, #tpu.memory_space<vmem>> -> memref<1x128xi32, #tpu.memory_space<vmem>>
        %dma_wait3A_59 = tpu.memref_squeeze %dma_wait3A_58 : memref<1x128xi32, #tpu.memory_space<vmem>> -> memref<128xi32, #tpu.memory_space<vmem>>
        %dma_wait3A_60 = arith.constant 0 : i32
        %dma_wait3A_61 = arith.constant 0 : i32
        %dma_wait3A_62 = tpu.memref_slice %arg9[%dma_wait3A_60, %dma_wait3A_61] : memref<10240x128xf32, #tpu.memory_space<vmem_shared>> -> memref<10240x128xf32, #tpu.memory_space<vmem_shared>>
        tpu.wait_indirect_dma semaphore(%run_scoped3A : memref<!tpu.dma_semaphore, #tpu.memory_space<semaphore_mem>>) src(%arg8 : memref<128x128xf32, #tpu.memory_space<vmem>>) dst(%dma_wait3A_62 : memref<10240x128xf32, #tpu.memory_space<vmem_shared>>)
        tpu.yield
      }) : () -> ()
    }
    %scan3A_16 = arith.constant 10 : i32
    %barrier3A_17 = arith.constant 0 : index
    tpu.barrier barrier_id(%barrier3A_17)
    %mul3A_18 = arith.constant 640 : i32
    %mul3A_19 = arith.muli %arg1, %mul3A_18 : i32
    %mul3A_20 = arith.constant 640 : i32
    %mul3A_21 = arith.muli %arg1, %mul3A_20 : i32
    "tpu.region"() ({
      %run_scoped3A = tpu.sem_alloc : memref<!tpu.dma_semaphore, #tpu.memory_space<semaphore_mem>>
      %dma_start3A_22 = arith.constant 0 : i32
      %dma_start3A_23 = tpu.memref_slice %arg5[%arg0, %mul3A_21, %dma_start3A_22] : memref<2x10240x128xf32, #tpu.memory_space<hbm>> -> memref<1x640x128xf32, #tpu.memory_space<hbm>>
      %dma_start3A_24 = tpu.memref_squeeze %dma_start3A_23 : memref<1x640x128xf32, #tpu.memory_space<hbm>> -> memref<640x128xf32, #tpu.memory_space<hbm>>
      %dma_start3A_25 = arith.constant 0 : i32
      %dma_start3A_26 = tpu.memref_slice %arg9[%mul3A_19, %dma_start3A_25] : memref<10240x128xf32, #tpu.memory_space<vmem_shared>> -> memref<640x128xf32, #tpu.memory_space<vmem_shared>>
      tpu.enqueue_dma source(%dma_start3A_26 : memref<640x128xf32, #tpu.memory_space<vmem_shared>>) target(%dma_start3A_24 : memref<640x128xf32, #tpu.memory_space<hbm>>) target_semaphore(%run_scoped3A : memref<!tpu.dma_semaphore, #tpu.memory_space<semaphore_mem>>)
      %dma_wait3A = arith.constant 0 : i32
      %dma_wait3A_27 = tpu.memref_slice %arg5[%arg0, %mul3A_21, %dma_wait3A] : memref<2x10240x128xf32, #tpu.memory_space<hbm>> -> memref<1x640x128xf32, #tpu.memory_space<hbm>>
      %dma_wait3A_28 = tpu.memref_squeeze %dma_wait3A_27 : memref<1x640x128xf32, #tpu.memory_space<hbm>> -> memref<640x128xf32, #tpu.memory_space<hbm>>
      %dma_wait3A_29 = arith.constant 0 : i32
      %dma_wait3A_30 = tpu.memref_slice %arg9[%mul3A_19, %dma_wait3A_29] : memref<10240x128xf32, #tpu.memory_space<vmem_shared>> -> memref<640x128xf32, #tpu.memory_space<vmem_shared>>
      tpu.wait_dma2 semaphore(%run_scoped3A : memref<!tpu.dma_semaphore, #tpu.memory_space<semaphore_mem>>) src(%dma_wait3A_30 : memref<640x128xf32, #tpu.memory_space<vmem_shared>>) dst(%dma_wait3A_28 : memref<640x128xf32, #tpu.memory_space<hbm>>)
      tpu.yield
    }) : () -> ()
    return
  }
}

#map = affine_map<(d0, d1) -> (0, 0)>
#map1 = affine_map<(d0, d1) -> (0, 0, 0)>
module attributes {stable_mosaic.version = 14 : i64} {
  func.func @k(%arg0: i32, %arg1: i32, %arg2: memref<10240x128xf32, #tpu.memory_space<hbm>>, %arg3: memref<10240x128xf32, #tpu.memory_space<hbm>>, %arg4: memref<32x61x40xi32, #tpu.memory_space<hbm>>, %arg5: memref<32x61x40xi32, #tpu.memory_space<hbm>>, %arg6: memref<81920x128xf32, #tpu.memory_space<hbm>>, %arg7: memref<81920x128xf32, #tpu.memory_space<hbm>>, %arg8: memref<61x40xi32, #tpu.memory_space<vmem>>, %arg9: memref<61x40xi32, #tpu.memory_space<vmem>>, %arg10: memref<40x128xf32, #tpu.memory_space<vmem>>, %arg11: memref<40x128xf32, #tpu.memory_space<vmem>>, %arg12: memref<!tpu.dma_semaphore, #tpu.memory_space<semaphore_mem>>, %arg13: memref<!tpu.dma_semaphore, #tpu.memory_space<semaphore_mem>>) attributes {dimension_semantics = [#tpu.dimension_semantics<core_parallel>, #tpu.dimension_semantics<subcore_parallel>], iteration_bounds = array<i64: 2, 16>, scalar_prefetch = 0 : i64, scratch_operands = 6 : i64, tpu.core_type = #tpu.core_type<sc_vector_subcore>, window_params = [{transform_indices = #map}, {transform_indices = #map}, {transform_indices = #map1}, {transform_indices = #map1}, {transform_indices = #map}, {transform_indices = #map}]} {
    %mul3A = arith.constant 2 : i32
    %mul3A_0 = arith.muli %arg1, %mul3A : i32
    %add3A = arith.addi %mul3A_0, %arg0 : i32
    %mul3A_1 = arith.constant 2440 : i32
    %mul3A_2 = arith.muli %add3A, %mul3A_1 : i32
    "tpu.region"() ({
      %run_scoped3A = tpu.sem_alloc : memref<!tpu.dma_semaphore, #tpu.memory_space<semaphore_mem>>
      %dma_start3A = arith.constant 0 : i32
      %dma_start3A_8 = arith.constant 0 : i32
      %dma_start3A_9 = tpu.memref_slice %arg4[%add3A, %dma_start3A, %dma_start3A_8] : memref<32x61x40xi32, #tpu.memory_space<hbm>> -> memref<1x61x40xi32, #tpu.memory_space<hbm>>
      %dma_start3A_10 = tpu.memref_squeeze %dma_start3A_9 : memref<1x61x40xi32, #tpu.memory_space<hbm>> -> memref<61x40xi32, #tpu.memory_space<hbm>>
      %dma_start3A_11 = arith.constant 0 : i32
      %dma_start3A_12 = arith.constant 0 : i32
      %dma_start3A_13 = tpu.memref_slice %arg4[%add3A, %dma_start3A_11, %dma_start3A_12] : memref<32x61x40xi32, #tpu.memory_space<hbm>> -> memref<1x61x40xi32, #tpu.memory_space<hbm>>
      %dma_start3A_14 = tpu.memref_squeeze %dma_start3A_13 : memref<1x61x40xi32, #tpu.memory_space<hbm>> -> memref<61x40xi32, #tpu.memory_space<hbm>>
      tpu.enqueue_dma source(%dma_start3A_14 : memref<61x40xi32, #tpu.memory_space<hbm>>) target(%arg8 : memref<61x40xi32, #tpu.memory_space<vmem>>) target_semaphore(%run_scoped3A : memref<!tpu.dma_semaphore, #tpu.memory_space<semaphore_mem>>)
      %dma_wait3A = arith.constant 0 : i32
      %dma_wait3A_15 = arith.constant 0 : i32
      %dma_wait3A_16 = tpu.memref_slice %arg4[%add3A, %dma_wait3A, %dma_wait3A_15] : memref<32x61x40xi32, #tpu.memory_space<hbm>> -> memref<1x61x40xi32, #tpu.memory_space<hbm>>
      %dma_wait3A_17 = tpu.memref_squeeze %dma_wait3A_16 : memref<1x61x40xi32, #tpu.memory_space<hbm>> -> memref<61x40xi32, #tpu.memory_space<hbm>>
      %dma_wait3A_18 = arith.constant 0 : i32
      %dma_wait3A_19 = arith.constant 0 : i32
      %dma_wait3A_20 = tpu.memref_slice %arg4[%add3A, %dma_wait3A_18, %dma_wait3A_19] : memref<32x61x40xi32, #tpu.memory_space<hbm>> -> memref<1x61x40xi32, #tpu.memory_space<hbm>>
      %dma_wait3A_21 = tpu.memref_squeeze %dma_wait3A_20 : memref<1x61x40xi32, #tpu.memory_space<hbm>> -> memref<61x40xi32, #tpu.memory_space<hbm>>
      tpu.wait_dma2 semaphore(%run_scoped3A : memref<!tpu.dma_semaphore, #tpu.memory_space<semaphore_mem>>) src(%dma_wait3A_21 : memref<61x40xi32, #tpu.memory_space<hbm>>) dst(%arg8 : memref<61x40xi32, #tpu.memory_space<vmem>>)
      tpu.yield
    }) : () -> ()
    "tpu.region"() ({
      %run_scoped3A = tpu.sem_alloc : memref<!tpu.dma_semaphore, #tpu.memory_space<semaphore_mem>>
      %dma_start3A = arith.constant 0 : i32
      %dma_start3A_8 = arith.constant 0 : i32
      %dma_start3A_9 = tpu.memref_slice %arg5[%add3A, %dma_start3A, %dma_start3A_8] : memref<32x61x40xi32, #tpu.memory_space<hbm>> -> memref<1x61x40xi32, #tpu.memory_space<hbm>>
      %dma_start3A_10 = tpu.memref_squeeze %dma_start3A_9 : memref<1x61x40xi32, #tpu.memory_space<hbm>> -> memref<61x40xi32, #tpu.memory_space<hbm>>
      %dma_start3A_11 = arith.constant 0 : i32
      %dma_start3A_12 = arith.constant 0 : i32
      %dma_start3A_13 = tpu.memref_slice %arg5[%add3A, %dma_start3A_11, %dma_start3A_12] : memref<32x61x40xi32, #tpu.memory_space<hbm>> -> memref<1x61x40xi32, #tpu.memory_space<hbm>>
      %dma_start3A_14 = tpu.memref_squeeze %dma_start3A_13 : memref<1x61x40xi32, #tpu.memory_space<hbm>> -> memref<61x40xi32, #tpu.memory_space<hbm>>
      tpu.enqueue_dma source(%dma_start3A_14 : memref<61x40xi32, #tpu.memory_space<hbm>>) target(%arg9 : memref<61x40xi32, #tpu.memory_space<vmem>>) target_semaphore(%run_scoped3A : memref<!tpu.dma_semaphore, #tpu.memory_space<semaphore_mem>>)
      %dma_wait3A = arith.constant 0 : i32
      %dma_wait3A_15 = arith.constant 0 : i32
      %dma_wait3A_16 = tpu.memref_slice %arg5[%add3A, %dma_wait3A, %dma_wait3A_15] : memref<32x61x40xi32, #tpu.memory_space<hbm>> -> memref<1x61x40xi32, #tpu.memory_space<hbm>>
      %dma_wait3A_17 = tpu.memref_squeeze %dma_wait3A_16 : memref<1x61x40xi32, #tpu.memory_space<hbm>> -> memref<61x40xi32, #tpu.memory_space<hbm>>
      %dma_wait3A_18 = arith.constant 0 : i32
      %dma_wait3A_19 = arith.constant 0 : i32
      %dma_wait3A_20 = tpu.memref_slice %arg5[%add3A, %dma_wait3A_18, %dma_wait3A_19] : memref<32x61x40xi32, #tpu.memory_space<hbm>> -> memref<1x61x40xi32, #tpu.memory_space<hbm>>
      %dma_wait3A_21 = tpu.memref_squeeze %dma_wait3A_20 : memref<1x61x40xi32, #tpu.memory_space<hbm>> -> memref<61x40xi32, #tpu.memory_space<hbm>>
      tpu.wait_dma2 semaphore(%run_scoped3A : memref<!tpu.dma_semaphore, #tpu.memory_space<semaphore_mem>>) src(%dma_wait3A_21 : memref<61x40xi32, #tpu.memory_space<hbm>>) dst(%arg9 : memref<61x40xi32, #tpu.memory_space<vmem>>)
      tpu.yield
    }) : () -> ()
    %scan3A = arith.constant 0 : i32
    %scan3A_3 = arith.constant 0 : i32
    %scan3A_4 = arith.constant 61 : i32
    %scan3A_5 = arith.addi %scan3A_3, %scan3A_4 : i32
    %scan3A_6 = arith.constant 1 : i32
    scf.for %scan3A_8 = %scan3A_3 to %scan3A_5 step %scan3A_6  : i32 {
      %dma_start3A = arith.constant 0 : i32
      %dma_start3A_9 = tpu.memref_slice %arg8[%scan3A_8, %dma_start3A] : memref<61x40xi32, #tpu.memory_space<vmem>> -> memref<1x40xi32, #tpu.memory_space<vmem>>
      %dma_start3A_10 = tpu.memref_squeeze %dma_start3A_9 : memref<1x40xi32, #tpu.memory_space<vmem>> -> memref<40xi32, #tpu.memory_space<vmem>>
      %dma_start3A_11 = arith.constant 0 : i32
      %dma_start3A_12 = arith.constant 0 : i32
      %dma_start3A_13 = tpu.memref_slice %arg2[%dma_start3A_11, %dma_start3A_12] : memref<10240x128xf32, #tpu.memory_space<hbm>> -> memref<10240x128xf32, #tpu.memory_space<hbm>>
      tpu.enqueue_indirect_dma source(%dma_start3A_13 : memref<10240x128xf32, #tpu.memory_space<hbm>>) target(%arg10 : memref<40x128xf32, #tpu.memory_space<vmem>>) offsets(%dma_start3A_10 : memref<40xi32, #tpu.memory_space<vmem>>) semaphore(%arg12 : memref<!tpu.dma_semaphore, #tpu.memory_space<semaphore_mem>>)
      %dma_start3A_14 = arith.constant 0 : i32
      %dma_start3A_15 = tpu.memref_slice %arg9[%scan3A_8, %dma_start3A_14] : memref<61x40xi32, #tpu.memory_space<vmem>> -> memref<1x40xi32, #tpu.memory_space<vmem>>
      %dma_start3A_16 = tpu.memref_squeeze %dma_start3A_15 : memref<1x40xi32, #tpu.memory_space<vmem>> -> memref<40xi32, #tpu.memory_space<vmem>>
      %dma_start3A_17 = arith.constant 0 : i32
      %dma_start3A_18 = arith.constant 0 : i32
      %dma_start3A_19 = tpu.memref_slice %arg3[%dma_start3A_17, %dma_start3A_18] : memref<10240x128xf32, #tpu.memory_space<hbm>> -> memref<10240x128xf32, #tpu.memory_space<hbm>>
      tpu.enqueue_indirect_dma source(%dma_start3A_19 : memref<10240x128xf32, #tpu.memory_space<hbm>>) target(%arg11 : memref<40x128xf32, #tpu.memory_space<vmem>>) offsets(%dma_start3A_16 : memref<40xi32, #tpu.memory_space<vmem>>) semaphore(%arg13 : memref<!tpu.dma_semaphore, #tpu.memory_space<semaphore_mem>>)
      %dma_wait3A = arith.constant 0 : i32
      %dma_wait3A_20 = tpu.memref_slice %arg8[%scan3A_8, %dma_wait3A] : memref<61x40xi32, #tpu.memory_space<vmem>> -> memref<1x40xi32, #tpu.memory_space<vmem>>
      %dma_wait3A_21 = tpu.memref_squeeze %dma_wait3A_20 : memref<1x40xi32, #tpu.memory_space<vmem>> -> memref<40xi32, #tpu.memory_space<vmem>>
      %dma_wait3A_22 = arith.constant 0 : i32
      %dma_wait3A_23 = arith.constant 0 : i32
      %dma_wait3A_24 = tpu.memref_slice %arg2[%dma_wait3A_22, %dma_wait3A_23] : memref<10240x128xf32, #tpu.memory_space<hbm>> -> memref<10240x128xf32, #tpu.memory_space<hbm>>
      tpu.wait_indirect_dma semaphore(%arg12 : memref<!tpu.dma_semaphore, #tpu.memory_space<semaphore_mem>>) src(%dma_wait3A_24 : memref<10240x128xf32, #tpu.memory_space<hbm>>) dst(%arg10 : memref<40x128xf32, #tpu.memory_space<vmem>>)
      %dma_wait3A_25 = arith.constant 0 : i32
      %dma_wait3A_26 = tpu.memref_slice %arg9[%scan3A_8, %dma_wait3A_25] : memref<61x40xi32, #tpu.memory_space<vmem>> -> memref<1x40xi32, #tpu.memory_space<vmem>>
      %dma_wait3A_27 = tpu.memref_squeeze %dma_wait3A_26 : memref<1x40xi32, #tpu.memory_space<vmem>> -> memref<40xi32, #tpu.memory_space<vmem>>
      %dma_wait3A_28 = arith.constant 0 : i32
      %dma_wait3A_29 = arith.constant 0 : i32
      %dma_wait3A_30 = tpu.memref_slice %arg3[%dma_wait3A_28, %dma_wait3A_29] : memref<10240x128xf32, #tpu.memory_space<hbm>> -> memref<10240x128xf32, #tpu.memory_space<hbm>>
      tpu.wait_indirect_dma semaphore(%arg13 : memref<!tpu.dma_semaphore, #tpu.memory_space<semaphore_mem>>) src(%dma_wait3A_30 : memref<10240x128xf32, #tpu.memory_space<hbm>>) dst(%arg11 : memref<40x128xf32, #tpu.memory_space<vmem>>)
      %mul3A_31 = arith.constant 40 : i32
      %mul3A_32 = arith.muli %scan3A_8, %mul3A_31 : i32
      %add3A_33 = arith.addi %mul3A_2, %mul3A_32 : i32
      "tpu.region"() ({
        %run_scoped3A = tpu.sem_alloc : memref<!tpu.dma_semaphore, #tpu.memory_space<semaphore_mem>>
        %dma_start3A_34 = arith.constant 0 : i32
        %dma_start3A_35 = tpu.memref_slice %arg6[%add3A_33, %dma_start3A_34] : memref<81920x128xf32, #tpu.memory_space<hbm>> -> memref<40x128xf32, #tpu.memory_space<hbm>>
        %dma_start3A_36 = arith.constant 0 : i32
        %dma_start3A_37 = tpu.memref_slice %arg6[%add3A_33, %dma_start3A_36] : memref<81920x128xf32, #tpu.memory_space<hbm>> -> memref<40x128xf32, #tpu.memory_space<hbm>>
        tpu.enqueue_dma source(%arg10 : memref<40x128xf32, #tpu.memory_space<vmem>>) target(%dma_start3A_37 : memref<40x128xf32, #tpu.memory_space<hbm>>) target_semaphore(%run_scoped3A : memref<!tpu.dma_semaphore, #tpu.memory_space<semaphore_mem>>)
        %dma_wait3A_38 = arith.constant 0 : i32
        %dma_wait3A_39 = tpu.memref_slice %arg6[%add3A_33, %dma_wait3A_38] : memref<81920x128xf32, #tpu.memory_space<hbm>> -> memref<40x128xf32, #tpu.memory_space<hbm>>
        %dma_wait3A_40 = arith.constant 0 : i32
        %dma_wait3A_41 = tpu.memref_slice %arg6[%add3A_33, %dma_wait3A_40] : memref<81920x128xf32, #tpu.memory_space<hbm>> -> memref<40x128xf32, #tpu.memory_space<hbm>>
        tpu.wait_dma2 semaphore(%run_scoped3A : memref<!tpu.dma_semaphore, #tpu.memory_space<semaphore_mem>>) src(%arg10 : memref<40x128xf32, #tpu.memory_space<vmem>>) dst(%dma_wait3A_41 : memref<40x128xf32, #tpu.memory_space<hbm>>)
        tpu.yield
      }) : () -> ()
      "tpu.region"() ({
        %run_scoped3A = tpu.sem_alloc : memref<!tpu.dma_semaphore, #tpu.memory_space<semaphore_mem>>
        %dma_start3A_34 = arith.constant 0 : i32
        %dma_start3A_35 = tpu.memref_slice %arg7[%add3A_33, %dma_start3A_34] : memref<81920x128xf32, #tpu.memory_space<hbm>> -> memref<40x128xf32, #tpu.memory_space<hbm>>
        %dma_start3A_36 = arith.constant 0 : i32
        %dma_start3A_37 = tpu.memref_slice %arg7[%add3A_33, %dma_start3A_36] : memref<81920x128xf32, #tpu.memory_space<hbm>> -> memref<40x128xf32, #tpu.memory_space<hbm>>
        tpu.enqueue_dma source(%arg11 : memref<40x128xf32, #tpu.memory_space<vmem>>) target(%dma_start3A_37 : memref<40x128xf32, #tpu.memory_space<hbm>>) target_semaphore(%run_scoped3A : memref<!tpu.dma_semaphore, #tpu.memory_space<semaphore_mem>>)
        %dma_wait3A_38 = arith.constant 0 : i32
        %dma_wait3A_39 = tpu.memref_slice %arg7[%add3A_33, %dma_wait3A_38] : memref<81920x128xf32, #tpu.memory_space<hbm>> -> memref<40x128xf32, #tpu.memory_space<hbm>>
        %dma_wait3A_40 = arith.constant 0 : i32
        %dma_wait3A_41 = tpu.memref_slice %arg7[%add3A_33, %dma_wait3A_40] : memref<81920x128xf32, #tpu.memory_space<hbm>> -> memref<40x128xf32, #tpu.memory_space<hbm>>
        tpu.wait_dma2 semaphore(%run_scoped3A : memref<!tpu.dma_semaphore, #tpu.memory_space<semaphore_mem>>) src(%arg11 : memref<40x128xf32, #tpu.memory_space<vmem>>) dst(%dma_wait3A_41 : memref<40x128xf32, #tpu.memory_space<hbm>>)
        tpu.yield
      }) : () -> ()
    }
    %scan3A_7 = arith.constant 61 : i32
    return
  }
}

#map = affine_map<(d0, d1) -> (0, 0)>
#map1 = affine_map<(d0, d1) -> (0, 0, 0)>
module attributes {stable_mosaic.version = 14 : i64} {
  func.func @k(%arg0: i32, %arg1: i32, %arg2: memref<10240x128xf32, #tpu.memory_space<hbm>>, %arg3: memref<10240x128xf32, #tpu.memory_space<hbm>>, %arg4: memref<32x64x40xi32, #tpu.memory_space<hbm>>, %arg5: memref<32x64x40xi32, #tpu.memory_space<hbm>>, %arg6: memref<81920x128xf32, #tpu.memory_space<hbm>>, %arg7: memref<81920x128xf32, #tpu.memory_space<hbm>>, %arg8: memref<64x40xi32, #tpu.memory_space<vmem>>, %arg9: memref<64x40xi32, #tpu.memory_space<vmem>>, %arg10: memref<40x128xf32, #tpu.memory_space<vmem>>, %arg11: memref<40x128xf32, #tpu.memory_space<vmem>>, %arg12: memref<!tpu.dma_semaphore, #tpu.memory_space<semaphore_mem>>, %arg13: memref<!tpu.dma_semaphore, #tpu.memory_space<semaphore_mem>>) attributes {dimension_semantics = [#tpu.dimension_semantics<core_parallel>, #tpu.dimension_semantics<subcore_parallel>], iteration_bounds = array<i64: 2, 16>, scalar_prefetch = 0 : i64, scratch_operands = 6 : i64, tpu.core_type = #tpu.core_type<sc_vector_subcore>, window_params = [{transform_indices = #map}, {transform_indices = #map}, {transform_indices = #map1}, {transform_indices = #map1}, {transform_indices = #map}, {transform_indices = #map}]} {
    %mul3A = arith.constant 2 : i32
    %mul3A_0 = arith.muli %arg1, %mul3A : i32
    %add3A = arith.addi %mul3A_0, %arg0 : i32
    %mul3A_1 = arith.constant 2560 : i32
    %mul3A_2 = arith.muli %add3A, %mul3A_1 : i32
    "tpu.region"() ({
      %run_scoped3A = tpu.sem_alloc : memref<!tpu.dma_semaphore, #tpu.memory_space<semaphore_mem>>
      %dma_start3A = arith.constant 0 : i32
      %dma_start3A_8 = arith.constant 0 : i32
      %dma_start3A_9 = tpu.memref_slice %arg4[%add3A, %dma_start3A, %dma_start3A_8] : memref<32x64x40xi32, #tpu.memory_space<hbm>> -> memref<1x64x40xi32, #tpu.memory_space<hbm>>
      %dma_start3A_10 = tpu.memref_squeeze %dma_start3A_9 : memref<1x64x40xi32, #tpu.memory_space<hbm>> -> memref<64x40xi32, #tpu.memory_space<hbm>>
      %dma_start3A_11 = arith.constant 0 : i32
      %dma_start3A_12 = arith.constant 0 : i32
      %dma_start3A_13 = tpu.memref_slice %arg4[%add3A, %dma_start3A_11, %dma_start3A_12] : memref<32x64x40xi32, #tpu.memory_space<hbm>> -> memref<1x64x40xi32, #tpu.memory_space<hbm>>
      %dma_start3A_14 = tpu.memref_squeeze %dma_start3A_13 : memref<1x64x40xi32, #tpu.memory_space<hbm>> -> memref<64x40xi32, #tpu.memory_space<hbm>>
      tpu.enqueue_dma source(%dma_start3A_14 : memref<64x40xi32, #tpu.memory_space<hbm>>) target(%arg8 : memref<64x40xi32, #tpu.memory_space<vmem>>) target_semaphore(%run_scoped3A : memref<!tpu.dma_semaphore, #tpu.memory_space<semaphore_mem>>)
      %dma_wait3A = arith.constant 0 : i32
      %dma_wait3A_15 = arith.constant 0 : i32
      %dma_wait3A_16 = tpu.memref_slice %arg4[%add3A, %dma_wait3A, %dma_wait3A_15] : memref<32x64x40xi32, #tpu.memory_space<hbm>> -> memref<1x64x40xi32, #tpu.memory_space<hbm>>
      %dma_wait3A_17 = tpu.memref_squeeze %dma_wait3A_16 : memref<1x64x40xi32, #tpu.memory_space<hbm>> -> memref<64x40xi32, #tpu.memory_space<hbm>>
      %dma_wait3A_18 = arith.constant 0 : i32
      %dma_wait3A_19 = arith.constant 0 : i32
      %dma_wait3A_20 = tpu.memref_slice %arg4[%add3A, %dma_wait3A_18, %dma_wait3A_19] : memref<32x64x40xi32, #tpu.memory_space<hbm>> -> memref<1x64x40xi32, #tpu.memory_space<hbm>>
      %dma_wait3A_21 = tpu.memref_squeeze %dma_wait3A_20 : memref<1x64x40xi32, #tpu.memory_space<hbm>> -> memref<64x40xi32, #tpu.memory_space<hbm>>
      tpu.wait_dma2 semaphore(%run_scoped3A : memref<!tpu.dma_semaphore, #tpu.memory_space<semaphore_mem>>) src(%dma_wait3A_21 : memref<64x40xi32, #tpu.memory_space<hbm>>) dst(%arg8 : memref<64x40xi32, #tpu.memory_space<vmem>>)
      tpu.yield
    }) : () -> ()
    "tpu.region"() ({
      %run_scoped3A = tpu.sem_alloc : memref<!tpu.dma_semaphore, #tpu.memory_space<semaphore_mem>>
      %dma_start3A = arith.constant 0 : i32
      %dma_start3A_8 = arith.constant 0 : i32
      %dma_start3A_9 = tpu.memref_slice %arg5[%add3A, %dma_start3A, %dma_start3A_8] : memref<32x64x40xi32, #tpu.memory_space<hbm>> -> memref<1x64x40xi32, #tpu.memory_space<hbm>>
      %dma_start3A_10 = tpu.memref_squeeze %dma_start3A_9 : memref<1x64x40xi32, #tpu.memory_space<hbm>> -> memref<64x40xi32, #tpu.memory_space<hbm>>
      %dma_start3A_11 = arith.constant 0 : i32
      %dma_start3A_12 = arith.constant 0 : i32
      %dma_start3A_13 = tpu.memref_slice %arg5[%add3A, %dma_start3A_11, %dma_start3A_12] : memref<32x64x40xi32, #tpu.memory_space<hbm>> -> memref<1x64x40xi32, #tpu.memory_space<hbm>>
      %dma_start3A_14 = tpu.memref_squeeze %dma_start3A_13 : memref<1x64x40xi32, #tpu.memory_space<hbm>> -> memref<64x40xi32, #tpu.memory_space<hbm>>
      tpu.enqueue_dma source(%dma_start3A_14 : memref<64x40xi32, #tpu.memory_space<hbm>>) target(%arg9 : memref<64x40xi32, #tpu.memory_space<vmem>>) target_semaphore(%run_scoped3A : memref<!tpu.dma_semaphore, #tpu.memory_space<semaphore_mem>>)
      %dma_wait3A = arith.constant 0 : i32
      %dma_wait3A_15 = arith.constant 0 : i32
      %dma_wait3A_16 = tpu.memref_slice %arg5[%add3A, %dma_wait3A, %dma_wait3A_15] : memref<32x64x40xi32, #tpu.memory_space<hbm>> -> memref<1x64x40xi32, #tpu.memory_space<hbm>>
      %dma_wait3A_17 = tpu.memref_squeeze %dma_wait3A_16 : memref<1x64x40xi32, #tpu.memory_space<hbm>> -> memref<64x40xi32, #tpu.memory_space<hbm>>
      %dma_wait3A_18 = arith.constant 0 : i32
      %dma_wait3A_19 = arith.constant 0 : i32
      %dma_wait3A_20 = tpu.memref_slice %arg5[%add3A, %dma_wait3A_18, %dma_wait3A_19] : memref<32x64x40xi32, #tpu.memory_space<hbm>> -> memref<1x64x40xi32, #tpu.memory_space<hbm>>
      %dma_wait3A_21 = tpu.memref_squeeze %dma_wait3A_20 : memref<1x64x40xi32, #tpu.memory_space<hbm>> -> memref<64x40xi32, #tpu.memory_space<hbm>>
      tpu.wait_dma2 semaphore(%run_scoped3A : memref<!tpu.dma_semaphore, #tpu.memory_space<semaphore_mem>>) src(%dma_wait3A_21 : memref<64x40xi32, #tpu.memory_space<hbm>>) dst(%arg9 : memref<64x40xi32, #tpu.memory_space<vmem>>)
      tpu.yield
    }) : () -> ()
    %scan3A = arith.constant 0 : i32
    %scan3A_3 = arith.constant 0 : i32
    %scan3A_4 = arith.constant 64 : i32
    %scan3A_5 = arith.addi %scan3A_3, %scan3A_4 : i32
    %scan3A_6 = arith.constant 1 : i32
    scf.for %scan3A_8 = %scan3A_3 to %scan3A_5 step %scan3A_6  : i32 {
      %dma_start3A = arith.constant 0 : i32
      %dma_start3A_9 = tpu.memref_slice %arg8[%scan3A_8, %dma_start3A] : memref<64x40xi32, #tpu.memory_space<vmem>> -> memref<1x40xi32, #tpu.memory_space<vmem>>
      %dma_start3A_10 = tpu.memref_squeeze %dma_start3A_9 : memref<1x40xi32, #tpu.memory_space<vmem>> -> memref<40xi32, #tpu.memory_space<vmem>>
      %dma_start3A_11 = arith.constant 0 : i32
      %dma_start3A_12 = arith.constant 0 : i32
      %dma_start3A_13 = tpu.memref_slice %arg2[%dma_start3A_11, %dma_start3A_12] : memref<10240x128xf32, #tpu.memory_space<hbm>> -> memref<10240x128xf32, #tpu.memory_space<hbm>>
      tpu.enqueue_indirect_dma source(%dma_start3A_13 : memref<10240x128xf32, #tpu.memory_space<hbm>>) target(%arg10 : memref<40x128xf32, #tpu.memory_space<vmem>>) offsets(%dma_start3A_10 : memref<40xi32, #tpu.memory_space<vmem>>) semaphore(%arg12 : memref<!tpu.dma_semaphore, #tpu.memory_space<semaphore_mem>>)
      %dma_start3A_14 = arith.constant 0 : i32
      %dma_start3A_15 = tpu.memref_slice %arg9[%scan3A_8, %dma_start3A_14] : memref<64x40xi32, #tpu.memory_space<vmem>> -> memref<1x40xi32, #tpu.memory_space<vmem>>
      %dma_start3A_16 = tpu.memref_squeeze %dma_start3A_15 : memref<1x40xi32, #tpu.memory_space<vmem>> -> memref<40xi32, #tpu.memory_space<vmem>>
      %dma_start3A_17 = arith.constant 0 : i32
      %dma_start3A_18 = arith.constant 0 : i32
      %dma_start3A_19 = tpu.memref_slice %arg3[%dma_start3A_17, %dma_start3A_18] : memref<10240x128xf32, #tpu.memory_space<hbm>> -> memref<10240x128xf32, #tpu.memory_space<hbm>>
      tpu.enqueue_indirect_dma source(%dma_start3A_19 : memref<10240x128xf32, #tpu.memory_space<hbm>>) target(%arg11 : memref<40x128xf32, #tpu.memory_space<vmem>>) offsets(%dma_start3A_16 : memref<40xi32, #tpu.memory_space<vmem>>) semaphore(%arg13 : memref<!tpu.dma_semaphore, #tpu.memory_space<semaphore_mem>>)
      %dma_wait3A = arith.constant 0 : i32
      %dma_wait3A_20 = tpu.memref_slice %arg8[%scan3A_8, %dma_wait3A] : memref<64x40xi32, #tpu.memory_space<vmem>> -> memref<1x40xi32, #tpu.memory_space<vmem>>
      %dma_wait3A_21 = tpu.memref_squeeze %dma_wait3A_20 : memref<1x40xi32, #tpu.memory_space<vmem>> -> memref<40xi32, #tpu.memory_space<vmem>>
      %dma_wait3A_22 = arith.constant 0 : i32
      %dma_wait3A_23 = arith.constant 0 : i32
      %dma_wait3A_24 = tpu.memref_slice %arg2[%dma_wait3A_22, %dma_wait3A_23] : memref<10240x128xf32, #tpu.memory_space<hbm>> -> memref<10240x128xf32, #tpu.memory_space<hbm>>
      tpu.wait_indirect_dma semaphore(%arg12 : memref<!tpu.dma_semaphore, #tpu.memory_space<semaphore_mem>>) src(%dma_wait3A_24 : memref<10240x128xf32, #tpu.memory_space<hbm>>) dst(%arg10 : memref<40x128xf32, #tpu.memory_space<vmem>>)
      %dma_wait3A_25 = arith.constant 0 : i32
      %dma_wait3A_26 = tpu.memref_slice %arg9[%scan3A_8, %dma_wait3A_25] : memref<64x40xi32, #tpu.memory_space<vmem>> -> memref<1x40xi32, #tpu.memory_space<vmem>>
      %dma_wait3A_27 = tpu.memref_squeeze %dma_wait3A_26 : memref<1x40xi32, #tpu.memory_space<vmem>> -> memref<40xi32, #tpu.memory_space<vmem>>
      %dma_wait3A_28 = arith.constant 0 : i32
      %dma_wait3A_29 = arith.constant 0 : i32
      %dma_wait3A_30 = tpu.memref_slice %arg3[%dma_wait3A_28, %dma_wait3A_29] : memref<10240x128xf32, #tpu.memory_space<hbm>> -> memref<10240x128xf32, #tpu.memory_space<hbm>>
      tpu.wait_indirect_dma semaphore(%arg13 : memref<!tpu.dma_semaphore, #tpu.memory_space<semaphore_mem>>) src(%dma_wait3A_30 : memref<10240x128xf32, #tpu.memory_space<hbm>>) dst(%arg11 : memref<40x128xf32, #tpu.memory_space<vmem>>)
      %mul3A_31 = arith.constant 40 : i32
      %mul3A_32 = arith.muli %scan3A_8, %mul3A_31 : i32
      %add3A_33 = arith.addi %mul3A_2, %mul3A_32 : i32
      "tpu.region"() ({
        %run_scoped3A = tpu.sem_alloc : memref<!tpu.dma_semaphore, #tpu.memory_space<semaphore_mem>>
        %dma_start3A_34 = arith.constant 0 : i32
        %dma_start3A_35 = tpu.memref_slice %arg6[%add3A_33, %dma_start3A_34] : memref<81920x128xf32, #tpu.memory_space<hbm>> -> memref<40x128xf32, #tpu.memory_space<hbm>>
        %dma_start3A_36 = arith.constant 0 : i32
        %dma_start3A_37 = tpu.memref_slice %arg6[%add3A_33, %dma_start3A_36] : memref<81920x128xf32, #tpu.memory_space<hbm>> -> memref<40x128xf32, #tpu.memory_space<hbm>>
        tpu.enqueue_dma source(%arg10 : memref<40x128xf32, #tpu.memory_space<vmem>>) target(%dma_start3A_37 : memref<40x128xf32, #tpu.memory_space<hbm>>) target_semaphore(%run_scoped3A : memref<!tpu.dma_semaphore, #tpu.memory_space<semaphore_mem>>)
        %dma_wait3A_38 = arith.constant 0 : i32
        %dma_wait3A_39 = tpu.memref_slice %arg6[%add3A_33, %dma_wait3A_38] : memref<81920x128xf32, #tpu.memory_space<hbm>> -> memref<40x128xf32, #tpu.memory_space<hbm>>
        %dma_wait3A_40 = arith.constant 0 : i32
        %dma_wait3A_41 = tpu.memref_slice %arg6[%add3A_33, %dma_wait3A_40] : memref<81920x128xf32, #tpu.memory_space<hbm>> -> memref<40x128xf32, #tpu.memory_space<hbm>>
        tpu.wait_dma2 semaphore(%run_scoped3A : memref<!tpu.dma_semaphore, #tpu.memory_space<semaphore_mem>>) src(%arg10 : memref<40x128xf32, #tpu.memory_space<vmem>>) dst(%dma_wait3A_41 : memref<40x128xf32, #tpu.memory_space<hbm>>)
        tpu.yield
      }) : () -> ()
      "tpu.region"() ({
        %run_scoped3A = tpu.sem_alloc : memref<!tpu.dma_semaphore, #tpu.memory_space<semaphore_mem>>
        %dma_start3A_34 = arith.constant 0 : i32
        %dma_start3A_35 = tpu.memref_slice %arg7[%add3A_33, %dma_start3A_34] : memref<81920x128xf32, #tpu.memory_space<hbm>> -> memref<40x128xf32, #tpu.memory_space<hbm>>
        %dma_start3A_36 = arith.constant 0 : i32
        %dma_start3A_37 = tpu.memref_slice %arg7[%add3A_33, %dma_start3A_36] : memref<81920x128xf32, #tpu.memory_space<hbm>> -> memref<40x128xf32, #tpu.memory_space<hbm>>
        tpu.enqueue_dma source(%arg11 : memref<40x128xf32, #tpu.memory_space<vmem>>) target(%dma_start3A_37 : memref<40x128xf32, #tpu.memory_space<hbm>>) target_semaphore(%run_scoped3A : memref<!tpu.dma_semaphore, #tpu.memory_space<semaphore_mem>>)
        %dma_wait3A_38 = arith.constant 0 : i32
        %dma_wait3A_39 = tpu.memref_slice %arg7[%add3A_33, %dma_wait3A_38] : memref<81920x128xf32, #tpu.memory_space<hbm>> -> memref<40x128xf32, #tpu.memory_space<hbm>>
        %dma_wait3A_40 = arith.constant 0 : i32
        %dma_wait3A_41 = tpu.memref_slice %arg7[%add3A_33, %dma_wait3A_40] : memref<81920x128xf32, #tpu.memory_space<hbm>> -> memref<40x128xf32, #tpu.memory_space<hbm>>
        tpu.wait_dma2 semaphore(%run_scoped3A : memref<!tpu.dma_semaphore, #tpu.memory_space<semaphore_mem>>) src(%arg11 : memref<40x128xf32, #tpu.memory_space<vmem>>) dst(%dma_wait3A_41 : memref<40x128xf32, #tpu.memory_space<hbm>>)
        tpu.yield
      }) : () -> ()
    }
    %scan3A_7 = arith.constant 64 : i32
    return
  }
}

#map = affine_map<(d0, d1) -> (0, 0)>
#map1 = affine_map<(d0, d1) -> (0, 0, 0)>
module attributes {stable_mosaic.version = 14 : i64} {
  func.func @k(%arg0: i32, %arg1: i32, %arg2: memref<10240x128xf32, #tpu.memory_space<hbm>>, %arg3: memref<10240x128xf32, #tpu.memory_space<hbm>>, %arg4: memref<32x61x40xi32, #tpu.memory_space<hbm>>, %arg5: memref<32x61x40xi32, #tpu.memory_space<hbm>>, %arg6: memref<81920x128xf32, #tpu.memory_space<hbm>>, %arg7: memref<81920x128xf32, #tpu.memory_space<hbm>>, %arg8: memref<61x40xi32, #tpu.memory_space<vmem>>, %arg9: memref<61x40xi32, #tpu.memory_space<vmem>>, %arg10: memref<40x128xf32, #tpu.memory_space<vmem>>, %arg11: memref<40x128xf32, #tpu.memory_space<vmem>>, %arg12: memref<!tpu.dma_semaphore, #tpu.memory_space<semaphore_mem>>, %arg13: memref<!tpu.dma_semaphore, #tpu.memory_space<semaphore_mem>>) attributes {dimension_semantics = [#tpu.dimension_semantics<core_parallel>, #tpu.dimension_semantics<subcore_parallel>], iteration_bounds = array<i64: 2, 16>, scalar_prefetch = 0 : i64, scratch_operands = 6 : i64, tpu.core_type = #tpu.core_type<sc_vector_subcore>, window_params = [{transform_indices = #map}, {transform_indices = #map}, {transform_indices = #map1}, {transform_indices = #map1}, {transform_indices = #map}, {transform_indices = #map}]} {
    %mul3A = arith.constant 2 : i32
    %mul3A_0 = arith.muli %arg1, %mul3A : i32
    %add3A = arith.addi %mul3A_0, %arg0 : i32
    %mul3A_1 = arith.constant 2440 : i32
    %mul3A_2 = arith.muli %add3A, %mul3A_1 : i32
    "tpu.region"() ({
      %run_scoped3A = tpu.sem_alloc : memref<!tpu.dma_semaphore, #tpu.memory_space<semaphore_mem>>
      %dma_start3A = arith.constant 0 : i32
      %dma_start3A_8 = arith.constant 0 : i32
      %dma_start3A_9 = tpu.memref_slice %arg4[%add3A, %dma_start3A, %dma_start3A_8] : memref<32x61x40xi32, #tpu.memory_space<hbm>> -> memref<1x61x40xi32, #tpu.memory_space<hbm>>
      %dma_start3A_10 = tpu.memref_squeeze %dma_start3A_9 : memref<1x61x40xi32, #tpu.memory_space<hbm>> -> memref<61x40xi32, #tpu.memory_space<hbm>>
      %dma_start3A_11 = arith.constant 0 : i32
      %dma_start3A_12 = arith.constant 0 : i32
      %dma_start3A_13 = tpu.memref_slice %arg4[%add3A, %dma_start3A_11, %dma_start3A_12] : memref<32x61x40xi32, #tpu.memory_space<hbm>> -> memref<1x61x40xi32, #tpu.memory_space<hbm>>
      %dma_start3A_14 = tpu.memref_squeeze %dma_start3A_13 : memref<1x61x40xi32, #tpu.memory_space<hbm>> -> memref<61x40xi32, #tpu.memory_space<hbm>>
      tpu.enqueue_dma source(%dma_start3A_14 : memref<61x40xi32, #tpu.memory_space<hbm>>) target(%arg8 : memref<61x40xi32, #tpu.memory_space<vmem>>) target_semaphore(%run_scoped3A : memref<!tpu.dma_semaphore, #tpu.memory_space<semaphore_mem>>)
      %dma_wait3A = arith.constant 0 : i32
      %dma_wait3A_15 = arith.constant 0 : i32
      %dma_wait3A_16 = tpu.memref_slice %arg4[%add3A, %dma_wait3A, %dma_wait3A_15] : memref<32x61x40xi32, #tpu.memory_space<hbm>> -> memref<1x61x40xi32, #tpu.memory_space<hbm>>
      %dma_wait3A_17 = tpu.memref_squeeze %dma_wait3A_16 : memref<1x61x40xi32, #tpu.memory_space<hbm>> -> memref<61x40xi32, #tpu.memory_space<hbm>>
      %dma_wait3A_18 = arith.constant 0 : i32
      %dma_wait3A_19 = arith.constant 0 : i32
      %dma_wait3A_20 = tpu.memref_slice %arg4[%add3A, %dma_wait3A_18, %dma_wait3A_19] : memref<32x61x40xi32, #tpu.memory_space<hbm>> -> memref<1x61x40xi32, #tpu.memory_space<hbm>>
      %dma_wait3A_21 = tpu.memref_squeeze %dma_wait3A_20 : memref<1x61x40xi32, #tpu.memory_space<hbm>> -> memref<61x40xi32, #tpu.memory_space<hbm>>
      tpu.wait_dma2 semaphore(%run_scoped3A : memref<!tpu.dma_semaphore, #tpu.memory_space<semaphore_mem>>) src(%dma_wait3A_21 : memref<61x40xi32, #tpu.memory_space<hbm>>) dst(%arg8 : memref<61x40xi32, #tpu.memory_space<vmem>>)
      tpu.yield
    }) : () -> ()
    "tpu.region"() ({
      %run_scoped3A = tpu.sem_alloc : memref<!tpu.dma_semaphore, #tpu.memory_space<semaphore_mem>>
      %dma_start3A = arith.constant 0 : i32
      %dma_start3A_8 = arith.constant 0 : i32
      %dma_start3A_9 = tpu.memref_slice %arg5[%add3A, %dma_start3A, %dma_start3A_8] : memref<32x61x40xi32, #tpu.memory_space<hbm>> -> memref<1x61x40xi32, #tpu.memory_space<hbm>>
      %dma_start3A_10 = tpu.memref_squeeze %dma_start3A_9 : memref<1x61x40xi32, #tpu.memory_space<hbm>> -> memref<61x40xi32, #tpu.memory_space<hbm>>
      %dma_start3A_11 = arith.constant 0 : i32
      %dma_start3A_12 = arith.constant 0 : i32
      %dma_start3A_13 = tpu.memref_slice %arg5[%add3A, %dma_start3A_11, %dma_start3A_12] : memref<32x61x40xi32, #tpu.memory_space<hbm>> -> memref<1x61x40xi32, #tpu.memory_space<hbm>>
      %dma_start3A_14 = tpu.memref_squeeze %dma_start3A_13 : memref<1x61x40xi32, #tpu.memory_space<hbm>> -> memref<61x40xi32, #tpu.memory_space<hbm>>
      tpu.enqueue_dma source(%dma_start3A_14 : memref<61x40xi32, #tpu.memory_space<hbm>>) target(%arg9 : memref<61x40xi32, #tpu.memory_space<vmem>>) target_semaphore(%run_scoped3A : memref<!tpu.dma_semaphore, #tpu.memory_space<semaphore_mem>>)
      %dma_wait3A = arith.constant 0 : i32
      %dma_wait3A_15 = arith.constant 0 : i32
      %dma_wait3A_16 = tpu.memref_slice %arg5[%add3A, %dma_wait3A, %dma_wait3A_15] : memref<32x61x40xi32, #tpu.memory_space<hbm>> -> memref<1x61x40xi32, #tpu.memory_space<hbm>>
      %dma_wait3A_17 = tpu.memref_squeeze %dma_wait3A_16 : memref<1x61x40xi32, #tpu.memory_space<hbm>> -> memref<61x40xi32, #tpu.memory_space<hbm>>
      %dma_wait3A_18 = arith.constant 0 : i32
      %dma_wait3A_19 = arith.constant 0 : i32
      %dma_wait3A_20 = tpu.memref_slice %arg5[%add3A, %dma_wait3A_18, %dma_wait3A_19] : memref<32x61x40xi32, #tpu.memory_space<hbm>> -> memref<1x61x40xi32, #tpu.memory_space<hbm>>
      %dma_wait3A_21 = tpu.memref_squeeze %dma_wait3A_20 : memref<1x61x40xi32, #tpu.memory_space<hbm>> -> memref<61x40xi32, #tpu.memory_space<hbm>>
      tpu.wait_dma2 semaphore(%run_scoped3A : memref<!tpu.dma_semaphore, #tpu.memory_space<semaphore_mem>>) src(%dma_wait3A_21 : memref<61x40xi32, #tpu.memory_space<hbm>>) dst(%arg9 : memref<61x40xi32, #tpu.memory_space<vmem>>)
      tpu.yield
    }) : () -> ()
    %scan3A = arith.constant 0 : i32
    %scan3A_3 = arith.constant 0 : i32
    %scan3A_4 = arith.constant 61 : i32
    %scan3A_5 = arith.addi %scan3A_3, %scan3A_4 : i32
    %scan3A_6 = arith.constant 1 : i32
    scf.for %scan3A_8 = %scan3A_3 to %scan3A_5 step %scan3A_6  : i32 {
      %dma_start3A = arith.constant 0 : i32
      %dma_start3A_9 = tpu.memref_slice %arg8[%scan3A_8, %dma_start3A] : memref<61x40xi32, #tpu.memory_space<vmem>> -> memref<1x40xi32, #tpu.memory_space<vmem>>
      %dma_start3A_10 = tpu.memref_squeeze %dma_start3A_9 : memref<1x40xi32, #tpu.memory_space<vmem>> -> memref<40xi32, #tpu.memory_space<vmem>>
      %dma_start3A_11 = arith.constant 0 : i32
      %dma_start3A_12 = arith.constant 0 : i32
      %dma_start3A_13 = tpu.memref_slice %arg2[%dma_start3A_11, %dma_start3A_12] : memref<10240x128xf32, #tpu.memory_space<hbm>> -> memref<10240x128xf32, #tpu.memory_space<hbm>>
      tpu.enqueue_indirect_dma source(%dma_start3A_13 : memref<10240x128xf32, #tpu.memory_space<hbm>>) target(%arg10 : memref<40x128xf32, #tpu.memory_space<vmem>>) offsets(%dma_start3A_10 : memref<40xi32, #tpu.memory_space<vmem>>) semaphore(%arg12 : memref<!tpu.dma_semaphore, #tpu.memory_space<semaphore_mem>>)
      %dma_start3A_14 = arith.constant 0 : i32
      %dma_start3A_15 = tpu.memref_slice %arg9[%scan3A_8, %dma_start3A_14] : memref<61x40xi32, #tpu.memory_space<vmem>> -> memref<1x40xi32, #tpu.memory_space<vmem>>
      %dma_start3A_16 = tpu.memref_squeeze %dma_start3A_15 : memref<1x40xi32, #tpu.memory_space<vmem>> -> memref<40xi32, #tpu.memory_space<vmem>>
      %dma_start3A_17 = arith.constant 0 : i32
      %dma_start3A_18 = arith.constant 0 : i32
      %dma_start3A_19 = tpu.memref_slice %arg3[%dma_start3A_17, %dma_start3A_18] : memref<10240x128xf32, #tpu.memory_space<hbm>> -> memref<10240x128xf32, #tpu.memory_space<hbm>>
      tpu.enqueue_indirect_dma source(%dma_start3A_19 : memref<10240x128xf32, #tpu.memory_space<hbm>>) target(%arg11 : memref<40x128xf32, #tpu.memory_space<vmem>>) offsets(%dma_start3A_16 : memref<40xi32, #tpu.memory_space<vmem>>) semaphore(%arg13 : memref<!tpu.dma_semaphore, #tpu.memory_space<semaphore_mem>>)
      %dma_wait3A = arith.constant 0 : i32
      %dma_wait3A_20 = tpu.memref_slice %arg8[%scan3A_8, %dma_wait3A] : memref<61x40xi32, #tpu.memory_space<vmem>> -> memref<1x40xi32, #tpu.memory_space<vmem>>
      %dma_wait3A_21 = tpu.memref_squeeze %dma_wait3A_20 : memref<1x40xi32, #tpu.memory_space<vmem>> -> memref<40xi32, #tpu.memory_space<vmem>>
      %dma_wait3A_22 = arith.constant 0 : i32
      %dma_wait3A_23 = arith.constant 0 : i32
      %dma_wait3A_24 = tpu.memref_slice %arg2[%dma_wait3A_22, %dma_wait3A_23] : memref<10240x128xf32, #tpu.memory_space<hbm>> -> memref<10240x128xf32, #tpu.memory_space<hbm>>
      tpu.wait_indirect_dma semaphore(%arg12 : memref<!tpu.dma_semaphore, #tpu.memory_space<semaphore_mem>>) src(%dma_wait3A_24 : memref<10240x128xf32, #tpu.memory_space<hbm>>) dst(%arg10 : memref<40x128xf32, #tpu.memory_space<vmem>>)
      %dma_wait3A_25 = arith.constant 0 : i32
      %dma_wait3A_26 = tpu.memref_slice %arg9[%scan3A_8, %dma_wait3A_25] : memref<61x40xi32, #tpu.memory_space<vmem>> -> memref<1x40xi32, #tpu.memory_space<vmem>>
      %dma_wait3A_27 = tpu.memref_squeeze %dma_wait3A_26 : memref<1x40xi32, #tpu.memory_space<vmem>> -> memref<40xi32, #tpu.memory_space<vmem>>
      %dma_wait3A_28 = arith.constant 0 : i32
      %dma_wait3A_29 = arith.constant 0 : i32
      %dma_wait3A_30 = tpu.memref_slice %arg3[%dma_wait3A_28, %dma_wait3A_29] : memref<10240x128xf32, #tpu.memory_space<hbm>> -> memref<10240x128xf32, #tpu.memory_space<hbm>>
      tpu.wait_indirect_dma semaphore(%arg13 : memref<!tpu.dma_semaphore, #tpu.memory_space<semaphore_mem>>) src(%dma_wait3A_30 : memref<10240x128xf32, #tpu.memory_space<hbm>>) dst(%arg11 : memref<40x128xf32, #tpu.memory_space<vmem>>)
      %mul3A_31 = arith.constant 40 : i32
      %mul3A_32 = arith.muli %scan3A_8, %mul3A_31 : i32
      %add3A_33 = arith.addi %mul3A_2, %mul3A_32 : i32
      "tpu.region"() ({
        %run_scoped3A = tpu.sem_alloc : memref<!tpu.dma_semaphore, #tpu.memory_space<semaphore_mem>>
        %dma_start3A_34 = arith.constant 0 : i32
        %dma_start3A_35 = tpu.memref_slice %arg6[%add3A_33, %dma_start3A_34] : memref<81920x128xf32, #tpu.memory_space<hbm>> -> memref<40x128xf32, #tpu.memory_space<hbm>>
        %dma_start3A_36 = arith.constant 0 : i32
        %dma_start3A_37 = tpu.memref_slice %arg6[%add3A_33, %dma_start3A_36] : memref<81920x128xf32, #tpu.memory_space<hbm>> -> memref<40x128xf32, #tpu.memory_space<hbm>>
        tpu.enqueue_dma source(%arg10 : memref<40x128xf32, #tpu.memory_space<vmem>>) target(%dma_start3A_37 : memref<40x128xf32, #tpu.memory_space<hbm>>) target_semaphore(%run_scoped3A : memref<!tpu.dma_semaphore, #tpu.memory_space<semaphore_mem>>)
        %dma_wait3A_38 = arith.constant 0 : i32
        %dma_wait3A_39 = tpu.memref_slice %arg6[%add3A_33, %dma_wait3A_38] : memref<81920x128xf32, #tpu.memory_space<hbm>> -> memref<40x128xf32, #tpu.memory_space<hbm>>
        %dma_wait3A_40 = arith.constant 0 : i32
        %dma_wait3A_41 = tpu.memref_slice %arg6[%add3A_33, %dma_wait3A_40] : memref<81920x128xf32, #tpu.memory_space<hbm>> -> memref<40x128xf32, #tpu.memory_space<hbm>>
        tpu.wait_dma2 semaphore(%run_scoped3A : memref<!tpu.dma_semaphore, #tpu.memory_space<semaphore_mem>>) src(%arg10 : memref<40x128xf32, #tpu.memory_space<vmem>>) dst(%dma_wait3A_41 : memref<40x128xf32, #tpu.memory_space<hbm>>)
        tpu.yield
      }) : () -> ()
      "tpu.region"() ({
        %run_scoped3A = tpu.sem_alloc : memref<!tpu.dma_semaphore, #tpu.memory_space<semaphore_mem>>
        %dma_start3A_34 = arith.constant 0 : i32
        %dma_start3A_35 = tpu.memref_slice %arg7[%add3A_33, %dma_start3A_34] : memref<81920x128xf32, #tpu.memory_space<hbm>> -> memref<40x128xf32, #tpu.memory_space<hbm>>
        %dma_start3A_36 = arith.constant 0 : i32
        %dma_start3A_37 = tpu.memref_slice %arg7[%add3A_33, %dma_start3A_36] : memref<81920x128xf32, #tpu.memory_space<hbm>> -> memref<40x128xf32, #tpu.memory_space<hbm>>
        tpu.enqueue_dma source(%arg11 : memref<40x128xf32, #tpu.memory_space<vmem>>) target(%dma_start3A_37 : memref<40x128xf32, #tpu.memory_space<hbm>>) target_semaphore(%run_scoped3A : memref<!tpu.dma_semaphore, #tpu.memory_space<semaphore_mem>>)
        %dma_wait3A_38 = arith.constant 0 : i32
        %dma_wait3A_39 = tpu.memref_slice %arg7[%add3A_33, %dma_wait3A_38] : memref<81920x128xf32, #tpu.memory_space<hbm>> -> memref<40x128xf32, #tpu.memory_space<hbm>>
        %dma_wait3A_40 = arith.constant 0 : i32
        %dma_wait3A_41 = tpu.memref_slice %arg7[%add3A_33, %dma_wait3A_40] : memref<81920x128xf32, #tpu.memory_space<hbm>> -> memref<40x128xf32, #tpu.memory_space<hbm>>
        tpu.wait_dma2 semaphore(%run_scoped3A : memref<!tpu.dma_semaphore, #tpu.memory_space<semaphore_mem>>) src(%arg11 : memref<40x128xf32, #tpu.memory_space<vmem>>) dst(%dma_wait3A_41 : memref<40x128xf32, #tpu.memory_space<hbm>>)
        tpu.yield
      }) : () -> ()
    }
    %scan3A_7 = arith.constant 61 : i32
    return
  }
}

#map = affine_map<(d0, d1) -> (0, 0)>
#map1 = affine_map<(d0, d1) -> (0, 0, 0)>
module attributes {stable_mosaic.version = 14 : i64} {
  func.func @k(%arg0: i32, %arg1: i32, %arg2: memref<81920x128xf32, #tpu.memory_space<hbm>>, %arg3: memref<32x20x128xi32, #tpu.memory_space<hbm>>, %arg4: memref<10240x128xf32, #tpu.memory_space<hbm>>, %arg5: memref<2x10240x128xf32, #tpu.memory_space<hbm>>, %arg6: memref<20x128xi32, #tpu.memory_space<vmem>>, %arg7: memref<128x128xf32, #tpu.memory_space<vmem>>, %arg8: memref<128x128xf32, #tpu.memory_space<vmem>>, %arg9: memref<10240x128xf32, #tpu.memory_space<vmem_shared>>, %arg10: memref<!tpu.dma_semaphore, #tpu.memory_space<semaphore_mem>>, %arg11: memref<!tpu.dma_semaphore, #tpu.memory_space<semaphore_mem>>) attributes {dimension_semantics = [#tpu.dimension_semantics<core_parallel>, #tpu.dimension_semantics<subcore_parallel>], iteration_bounds = array<i64: 2, 16>, scalar_prefetch = 0 : i64, scratch_operands = 6 : i64, tpu.core_type = #tpu.core_type<sc_vector_subcore>, window_params = [{transform_indices = #map}, {transform_indices = #map1}, {transform_indices = #map}, {transform_indices = #map1}]} {
    %mul3A = arith.constant 2 : i32
    %mul3A_0 = arith.muli %arg1, %mul3A : i32
    %add3A = arith.addi %mul3A_0, %arg0 : i32
    %mul3A_1 = arith.constant 2560 : i32
    %mul3A_2 = arith.muli %add3A, %mul3A_1 : i32
    %mul3A_3 = arith.constant 640 : i32
    %mul3A_4 = arith.muli %arg1, %mul3A_3 : i32
    %mul3A_5 = arith.constant 640 : i32
    %mul3A_6 = arith.muli %arg1, %mul3A_5 : i32
    "tpu.region"() ({
      %run_scoped3A = tpu.sem_alloc : memref<!tpu.dma_semaphore, #tpu.memory_space<semaphore_mem>>
      %dma_start3A_22 = arith.constant 0 : i32
      %dma_start3A_23 = tpu.memref_slice %arg9[%mul3A_6, %dma_start3A_22] : memref<10240x128xf32, #tpu.memory_space<vmem_shared>> -> memref<640x128xf32, #tpu.memory_space<vmem_shared>>
      %dma_start3A_24 = arith.constant 0 : i32
      %dma_start3A_25 = tpu.memref_slice %arg4[%mul3A_4, %dma_start3A_24] : memref<10240x128xf32, #tpu.memory_space<hbm>> -> memref<640x128xf32, #tpu.memory_space<hbm>>
      tpu.enqueue_dma source(%dma_start3A_25 : memref<640x128xf32, #tpu.memory_space<hbm>>) target(%dma_start3A_23 : memref<640x128xf32, #tpu.memory_space<vmem_shared>>) target_semaphore(%run_scoped3A : memref<!tpu.dma_semaphore, #tpu.memory_space<semaphore_mem>>)
      %dma_wait3A = arith.constant 0 : i32
      %dma_wait3A_26 = tpu.memref_slice %arg9[%mul3A_6, %dma_wait3A] : memref<10240x128xf32, #tpu.memory_space<vmem_shared>> -> memref<640x128xf32, #tpu.memory_space<vmem_shared>>
      %dma_wait3A_27 = arith.constant 0 : i32
      %dma_wait3A_28 = tpu.memref_slice %arg4[%mul3A_4, %dma_wait3A_27] : memref<10240x128xf32, #tpu.memory_space<hbm>> -> memref<640x128xf32, #tpu.memory_space<hbm>>
      tpu.wait_dma2 semaphore(%run_scoped3A : memref<!tpu.dma_semaphore, #tpu.memory_space<semaphore_mem>>) src(%dma_wait3A_28 : memref<640x128xf32, #tpu.memory_space<hbm>>) dst(%dma_wait3A_26 : memref<640x128xf32, #tpu.memory_space<vmem_shared>>)
      tpu.yield
    }) : () -> ()
    "tpu.region"() ({
      %run_scoped3A = tpu.sem_alloc : memref<!tpu.dma_semaphore, #tpu.memory_space<semaphore_mem>>
      %dma_start3A_22 = arith.constant 0 : i32
      %dma_start3A_23 = arith.constant 0 : i32
      %dma_start3A_24 = tpu.memref_slice %arg3[%add3A, %dma_start3A_22, %dma_start3A_23] : memref<32x20x128xi32, #tpu.memory_space<hbm>> -> memref<1x20x128xi32, #tpu.memory_space<hbm>>
      %dma_start3A_25 = tpu.memref_squeeze %dma_start3A_24 : memref<1x20x128xi32, #tpu.memory_space<hbm>> -> memref<20x128xi32, #tpu.memory_space<hbm>>
      %dma_start3A_26 = arith.constant 0 : i32
      %dma_start3A_27 = arith.constant 0 : i32
      %dma_start3A_28 = tpu.memref_slice %arg3[%add3A, %dma_start3A_26, %dma_start3A_27] : memref<32x20x128xi32, #tpu.memory_space<hbm>> -> memref<1x20x128xi32, #tpu.memory_space<hbm>>
      %dma_start3A_29 = tpu.memref_squeeze %dma_start3A_28 : memref<1x20x128xi32, #tpu.memory_space<hbm>> -> memref<20x128xi32, #tpu.memory_space<hbm>>
      tpu.enqueue_dma source(%dma_start3A_29 : memref<20x128xi32, #tpu.memory_space<hbm>>) target(%arg6 : memref<20x128xi32, #tpu.memory_space<vmem>>) target_semaphore(%run_scoped3A : memref<!tpu.dma_semaphore, #tpu.memory_space<semaphore_mem>>)
      %dma_wait3A = arith.constant 0 : i32
      %dma_wait3A_30 = arith.constant 0 : i32
      %dma_wait3A_31 = tpu.memref_slice %arg3[%add3A, %dma_wait3A, %dma_wait3A_30] : memref<32x20x128xi32, #tpu.memory_space<hbm>> -> memref<1x20x128xi32, #tpu.memory_space<hbm>>
      %dma_wait3A_32 = tpu.memref_squeeze %dma_wait3A_31 : memref<1x20x128xi32, #tpu.memory_space<hbm>> -> memref<20x128xi32, #tpu.memory_space<hbm>>
      %dma_wait3A_33 = arith.constant 0 : i32
      %dma_wait3A_34 = arith.constant 0 : i32
      %dma_wait3A_35 = tpu.memref_slice %arg3[%add3A, %dma_wait3A_33, %dma_wait3A_34] : memref<32x20x128xi32, #tpu.memory_space<hbm>> -> memref<1x20x128xi32, #tpu.memory_space<hbm>>
      %dma_wait3A_36 = tpu.memref_squeeze %dma_wait3A_35 : memref<1x20x128xi32, #tpu.memory_space<hbm>> -> memref<20x128xi32, #tpu.memory_space<hbm>>
      tpu.wait_dma2 semaphore(%run_scoped3A : memref<!tpu.dma_semaphore, #tpu.memory_space<semaphore_mem>>) src(%dma_wait3A_36 : memref<20x128xi32, #tpu.memory_space<hbm>>) dst(%arg6 : memref<20x128xi32, #tpu.memory_space<vmem>>)
      tpu.yield
    }) : () -> ()
    %barrier3A = arith.constant 0 : index
    tpu.barrier barrier_id(%barrier3A)
    %add3A_7 = arith.constant 0 : i32
    %add3A_8 = arith.addi %mul3A_2, %add3A_7 : i32
    %dma_start3A = arith.constant 0 : i32
    %dma_start3A_9 = tpu.memref_slice %arg2[%add3A_8, %dma_start3A] : memref<81920x128xf32, #tpu.memory_space<hbm>> -> memref<128x128xf32, #tpu.memory_space<hbm>>
    %dma_start3A_10 = arith.constant 0 : i32
    %dma_start3A_11 = tpu.memref_slice %arg2[%add3A_8, %dma_start3A_10] : memref<81920x128xf32, #tpu.memory_space<hbm>> -> memref<128x128xf32, #tpu.memory_space<hbm>>
    tpu.enqueue_dma source(%dma_start3A_11 : memref<128x128xf32, #tpu.memory_space<hbm>>) target(%arg7 : memref<128x128xf32, #tpu.memory_space<vmem>>) target_semaphore(%arg10 : memref<!tpu.dma_semaphore, #tpu.memory_space<semaphore_mem>>)
    %scan3A = arith.constant 0 : i32
    %scan3A_12 = arith.constant 0 : i32
    %scan3A_13 = arith.constant 10 : i32
    %scan3A_14 = arith.addi %scan3A_12, %scan3A_13 : i32
    %scan3A_15 = arith.constant 1 : i32
    scf.for %scan3A_22 = %scan3A_12 to %scan3A_14 step %scan3A_15  : i32 {
      %mul3A_23 = arith.constant 2 : i32
      %mul3A_24 = arith.muli %mul3A_23, %scan3A_22 : i32
      %add3A_25 = arith.constant 1 : i32
      %add3A_26 = arith.addi %mul3A_24, %add3A_25 : i32
      %mul3A_27 = arith.constant 128 : i32
      %mul3A_28 = arith.muli %add3A_26, %mul3A_27 : i32
      %add3A_29 = arith.addi %mul3A_2, %mul3A_28 : i32
      %dma_start3A_30 = arith.constant 0 : i32
      %dma_start3A_31 = tpu.memref_slice %arg2[%add3A_29, %dma_start3A_30] : memref<81920x128xf32, #tpu.memory_space<hbm>> -> memref<128x128xf32, #tpu.memory_space<hbm>>
      %dma_start3A_32 = arith.constant 0 : i32
      %dma_start3A_33 = tpu.memref_slice %arg2[%add3A_29, %dma_start3A_32] : memref<81920x128xf32, #tpu.memory_space<hbm>> -> memref<128x128xf32, #tpu.memory_space<hbm>>
      tpu.enqueue_dma source(%dma_start3A_33 : memref<128x128xf32, #tpu.memory_space<hbm>>) target(%arg8 : memref<128x128xf32, #tpu.memory_space<vmem>>) target_semaphore(%arg11 : memref<!tpu.dma_semaphore, #tpu.memory_space<semaphore_mem>>)
      %dma_wait3A = arith.constant 0 : i32
      %dma_wait3A_34 = arith.constant 0 : i32
      %dma_wait3A_35 = tpu.memref_slice %arg2[%dma_wait3A, %dma_wait3A_34] : memref<81920x128xf32, #tpu.memory_space<hbm>> -> memref<128x128xf32, #tpu.memory_space<hbm>>
      %dma_wait3A_36 = arith.constant 0 : i32
      %dma_wait3A_37 = arith.constant 0 : i32
      %dma_wait3A_38 = tpu.memref_slice %arg2[%dma_wait3A_36, %dma_wait3A_37] : memref<81920x128xf32, #tpu.memory_space<hbm>> -> memref<128x128xf32, #tpu.memory_space<hbm>>
      tpu.wait_dma2 semaphore(%arg10 : memref<!tpu.dma_semaphore, #tpu.memory_space<semaphore_mem>>) src(%dma_wait3A_38 : memref<128x128xf32, #tpu.memory_space<hbm>>) dst(%arg7 : memref<128x128xf32, #tpu.memory_space<vmem>>)
      "tpu.region"() ({
        %run_scoped3A = tpu.sem_alloc : memref<!tpu.dma_semaphore, #tpu.memory_space<semaphore_mem>>
        %dma_start3A_51 = arith.constant 0 : i32
        %dma_start3A_52 = tpu.memref_slice %arg6[%mul3A_24, %dma_start3A_51] : memref<20x128xi32, #tpu.memory_space<vmem>> -> memref<1x128xi32, #tpu.memory_space<vmem>>
        %dma_start3A_53 = tpu.memref_squeeze %dma_start3A_52 : memref<1x128xi32, #tpu.memory_space<vmem>> -> memref<128xi32, #tpu.memory_space<vmem>>
        %dma_start3A_54 = arith.constant 0 : i32
        %dma_start3A_55 = arith.constant 0 : i32
        %dma_start3A_56 = tpu.memref_slice %arg9[%dma_start3A_54, %dma_start3A_55] : memref<10240x128xf32, #tpu.memory_space<vmem_shared>> -> memref<10240x128xf32, #tpu.memory_space<vmem_shared>>
        tpu.enqueue_indirect_dma source(%arg7 : memref<128x128xf32, #tpu.memory_space<vmem>>) target(%dma_start3A_56 : memref<10240x128xf32, #tpu.memory_space<vmem_shared>>) offsets(%dma_start3A_53 : memref<128xi32, #tpu.memory_space<vmem>>) semaphore(%run_scoped3A : memref<!tpu.dma_semaphore, #tpu.memory_space<semaphore_mem>>) {add = true}
        %dma_wait3A_57 = arith.constant 0 : i32
        %dma_wait3A_58 = tpu.memref_slice %arg6[%mul3A_24, %dma_wait3A_57] : memref<20x128xi32, #tpu.memory_space<vmem>> -> memref<1x128xi32, #tpu.memory_space<vmem>>
        %dma_wait3A_59 = tpu.memref_squeeze %dma_wait3A_58 : memref<1x128xi32, #tpu.memory_space<vmem>> -> memref<128xi32, #tpu.memory_space<vmem>>
        %dma_wait3A_60 = arith.constant 0 : i32
        %dma_wait3A_61 = arith.constant 0 : i32
        %dma_wait3A_62 = tpu.memref_slice %arg9[%dma_wait3A_60, %dma_wait3A_61] : memref<10240x128xf32, #tpu.memory_space<vmem_shared>> -> memref<10240x128xf32, #tpu.memory_space<vmem_shared>>
        tpu.wait_indirect_dma semaphore(%run_scoped3A : memref<!tpu.dma_semaphore, #tpu.memory_space<semaphore_mem>>) src(%arg7 : memref<128x128xf32, #tpu.memory_space<vmem>>) dst(%dma_wait3A_62 : memref<10240x128xf32, #tpu.memory_space<vmem_shared>>)
        tpu.yield
      }) : () -> ()
      %add3A_39 = arith.constant 2 : i32
      %add3A_40 = arith.addi %mul3A_24, %add3A_39 : i32
      %lt3A = arith.constant 20 : i32
      %lt3A_41 = arith.cmpi slt, %add3A_40, %lt3A : i32
      %convert_element_type3A = arith.extui %lt3A_41 : i1 to i32
      %cond3A = arith.constant 0 : i32
      %cond3A_42 = arith.cmpi ne, %convert_element_type3A, %cond3A : i32
      scf.if %cond3A_42 {
        %add3A_51 = arith.constant 2 : i32
        %add3A_52 = arith.addi %mul3A_24, %add3A_51 : i32
        %mul3A_53 = arith.constant 128 : i32
        %mul3A_54 = arith.muli %add3A_52, %mul3A_53 : i32
        %add3A_55 = arith.addi %mul3A_2, %mul3A_54 : i32
        %dma_start3A_56 = arith.constant 0 : i32
        %dma_start3A_57 = tpu.memref_slice %arg2[%add3A_55, %dma_start3A_56] : memref<81920x128xf32, #tpu.memory_space<hbm>> -> memref<128x128xf32, #tpu.memory_space<hbm>>
        %dma_start3A_58 = arith.constant 0 : i32
        %dma_start3A_59 = tpu.memref_slice %arg2[%add3A_55, %dma_start3A_58] : memref<81920x128xf32, #tpu.memory_space<hbm>> -> memref<128x128xf32, #tpu.memory_space<hbm>>
        tpu.enqueue_dma source(%dma_start3A_59 : memref<128x128xf32, #tpu.memory_space<hbm>>) target(%arg7 : memref<128x128xf32, #tpu.memory_space<vmem>>) target_semaphore(%arg10 : memref<!tpu.dma_semaphore, #tpu.memory_space<semaphore_mem>>)
      } else {
      }
      %dma_wait3A_43 = arith.constant 0 : i32
      %dma_wait3A_44 = arith.constant 0 : i32
      %dma_wait3A_45 = tpu.memref_slice %arg2[%dma_wait3A_43, %dma_wait3A_44] : memref<81920x128xf32, #tpu.memory_space<hbm>> -> memref<128x128xf32, #tpu.memory_space<hbm>>
      %dma_wait3A_46 = arith.constant 0 : i32
      %dma_wait3A_47 = arith.constant 0 : i32
      %dma_wait3A_48 = tpu.memref_slice %arg2[%dma_wait3A_46, %dma_wait3A_47] : memref<81920x128xf32, #tpu.memory_space<hbm>> -> memref<128x128xf32, #tpu.memory_space<hbm>>
      tpu.wait_dma2 semaphore(%arg11 : memref<!tpu.dma_semaphore, #tpu.memory_space<semaphore_mem>>) src(%dma_wait3A_48 : memref<128x128xf32, #tpu.memory_space<hbm>>) dst(%arg8 : memref<128x128xf32, #tpu.memory_space<vmem>>)
      %add3A_49 = arith.constant 1 : i32
      %add3A_50 = arith.addi %mul3A_24, %add3A_49 : i32
      "tpu.region"() ({
        %run_scoped3A = tpu.sem_alloc : memref<!tpu.dma_semaphore, #tpu.memory_space<semaphore_mem>>
        %dma_start3A_51 = arith.constant 0 : i32
        %dma_start3A_52 = tpu.memref_slice %arg6[%add3A_50, %dma_start3A_51] : memref<20x128xi32, #tpu.memory_space<vmem>> -> memref<1x128xi32, #tpu.memory_space<vmem>>
        %dma_start3A_53 = tpu.memref_squeeze %dma_start3A_52 : memref<1x128xi32, #tpu.memory_space<vmem>> -> memref<128xi32, #tpu.memory_space<vmem>>
        %dma_start3A_54 = arith.constant 0 : i32
        %dma_start3A_55 = arith.constant 0 : i32
        %dma_start3A_56 = tpu.memref_slice %arg9[%dma_start3A_54, %dma_start3A_55] : memref<10240x128xf32, #tpu.memory_space<vmem_shared>> -> memref<10240x128xf32, #tpu.memory_space<vmem_shared>>
        tpu.enqueue_indirect_dma source(%arg8 : memref<128x128xf32, #tpu.memory_space<vmem>>) target(%dma_start3A_56 : memref<10240x128xf32, #tpu.memory_space<vmem_shared>>) offsets(%dma_start3A_53 : memref<128xi32, #tpu.memory_space<vmem>>) semaphore(%run_scoped3A : memref<!tpu.dma_semaphore, #tpu.memory_space<semaphore_mem>>) {add = true}
        %dma_wait3A_57 = arith.constant 0 : i32
        %dma_wait3A_58 = tpu.memref_slice %arg6[%add3A_50, %dma_wait3A_57] : memref<20x128xi32, #tpu.memory_space<vmem>> -> memref<1x128xi32, #tpu.memory_space<vmem>>
        %dma_wait3A_59 = tpu.memref_squeeze %dma_wait3A_58 : memref<1x128xi32, #tpu.memory_space<vmem>> -> memref<128xi32, #tpu.memory_space<vmem>>
        %dma_wait3A_60 = arith.constant 0 : i32
        %dma_wait3A_61 = arith.constant 0 : i32
        %dma_wait3A_62 = tpu.memref_slice %arg9[%dma_wait3A_60, %dma_wait3A_61] : memref<10240x128xf32, #tpu.memory_space<vmem_shared>> -> memref<10240x128xf32, #tpu.memory_space<vmem_shared>>
        tpu.wait_indirect_dma semaphore(%run_scoped3A : memref<!tpu.dma_semaphore, #tpu.memory_space<semaphore_mem>>) src(%arg8 : memref<128x128xf32, #tpu.memory_space<vmem>>) dst(%dma_wait3A_62 : memref<10240x128xf32, #tpu.memory_space<vmem_shared>>)
        tpu.yield
      }) : () -> ()
    }
    %scan3A_16 = arith.constant 10 : i32
    %barrier3A_17 = arith.constant 0 : index
    tpu.barrier barrier_id(%barrier3A_17)
    %mul3A_18 = arith.constant 640 : i32
    %mul3A_19 = arith.muli %arg1, %mul3A_18 : i32
    %mul3A_20 = arith.constant 640 : i32
    %mul3A_21 = arith.muli %arg1, %mul3A_20 : i32
    "tpu.region"() ({
      %run_scoped3A = tpu.sem_alloc : memref<!tpu.dma_semaphore, #tpu.memory_space<semaphore_mem>>
      %dma_start3A_22 = arith.constant 0 : i32
      %dma_start3A_23 = tpu.memref_slice %arg5[%arg0, %mul3A_21, %dma_start3A_22] : memref<2x10240x128xf32, #tpu.memory_space<hbm>> -> memref<1x640x128xf32, #tpu.memory_space<hbm>>
      %dma_start3A_24 = tpu.memref_squeeze %dma_start3A_23 : memref<1x640x128xf32, #tpu.memory_space<hbm>> -> memref<640x128xf32, #tpu.memory_space<hbm>>
      %dma_start3A_25 = arith.constant 0 : i32
      %dma_start3A_26 = tpu.memref_slice %arg9[%mul3A_19, %dma_start3A_25] : memref<10240x128xf32, #tpu.memory_space<vmem_shared>> -> memref<640x128xf32, #tpu.memory_space<vmem_shared>>
      tpu.enqueue_dma source(%dma_start3A_26 : memref<640x128xf32, #tpu.memory_space<vmem_shared>>) target(%dma_start3A_24 : memref<640x128xf32, #tpu.memory_space<hbm>>) target_semaphore(%run_scoped3A : memref<!tpu.dma_semaphore, #tpu.memory_space<semaphore_mem>>)
      %dma_wait3A = arith.constant 0 : i32
      %dma_wait3A_27 = tpu.memref_slice %arg5[%arg0, %mul3A_21, %dma_wait3A] : memref<2x10240x128xf32, #tpu.memory_space<hbm>> -> memref<1x640x128xf32, #tpu.memory_space<hbm>>
      %dma_wait3A_28 = tpu.memref_squeeze %dma_wait3A_27 : memref<1x640x128xf32, #tpu.memory_space<hbm>> -> memref<640x128xf32, #tpu.memory_space<hbm>>
      %dma_wait3A_29 = arith.constant 0 : i32
      %dma_wait3A_30 = tpu.memref_slice %arg9[%mul3A_19, %dma_wait3A_29] : memref<10240x128xf32, #tpu.memory_space<vmem_shared>> -> memref<640x128xf32, #tpu.memory_space<vmem_shared>>
      tpu.wait_dma2 semaphore(%run_scoped3A : memref<!tpu.dma_semaphore, #tpu.memory_space<semaphore_mem>>) src(%dma_wait3A_30 : memref<640x128xf32, #tpu.memory_space<vmem_shared>>) dst(%dma_wait3A_28 : memref<640x128xf32, #tpu.memory_space<hbm>>)
      tpu.yield
    }) : () -> ()
    return
  }
}

#map = affine_map<(d0, d1) -> (0, 0)>
#map1 = affine_map<(d0, d1) -> (0, 0, 0)>
module attributes {stable_mosaic.version = 14 : i64} {
  func.func @k(%arg0: i32, %arg1: i32, %arg2: memref<81920x128xf32, #tpu.memory_space<hbm>>, %arg3: memref<32x20x128xi32, #tpu.memory_space<hbm>>, %arg4: memref<10240x128xf32, #tpu.memory_space<hbm>>, %arg5: memref<2x10240x128xf32, #tpu.memory_space<hbm>>, %arg6: memref<20x128xi32, #tpu.memory_space<vmem>>, %arg7: memref<128x128xf32, #tpu.memory_space<vmem>>, %arg8: memref<128x128xf32, #tpu.memory_space<vmem>>, %arg9: memref<10240x128xf32, #tpu.memory_space<vmem_shared>>, %arg10: memref<!tpu.dma_semaphore, #tpu.memory_space<semaphore_mem>>, %arg11: memref<!tpu.dma_semaphore, #tpu.memory_space<semaphore_mem>>) attributes {dimension_semantics = [#tpu.dimension_semantics<core_parallel>, #tpu.dimension_semantics<subcore_parallel>], iteration_bounds = array<i64: 2, 16>, scalar_prefetch = 0 : i64, scratch_operands = 6 : i64, tpu.core_type = #tpu.core_type<sc_vector_subcore>, window_params = [{transform_indices = #map}, {transform_indices = #map1}, {transform_indices = #map}, {transform_indices = #map1}]} {
    %mul3A = arith.constant 2 : i32
    %mul3A_0 = arith.muli %arg1, %mul3A : i32
    %add3A = arith.addi %mul3A_0, %arg0 : i32
    %mul3A_1 = arith.constant 2560 : i32
    %mul3A_2 = arith.muli %add3A, %mul3A_1 : i32
    %mul3A_3 = arith.constant 640 : i32
    %mul3A_4 = arith.muli %arg1, %mul3A_3 : i32
    %mul3A_5 = arith.constant 640 : i32
    %mul3A_6 = arith.muli %arg1, %mul3A_5 : i32
    "tpu.region"() ({
      %run_scoped3A = tpu.sem_alloc : memref<!tpu.dma_semaphore, #tpu.memory_space<semaphore_mem>>
      %dma_start3A_22 = arith.constant 0 : i32
      %dma_start3A_23 = tpu.memref_slice %arg9[%mul3A_6, %dma_start3A_22] : memref<10240x128xf32, #tpu.memory_space<vmem_shared>> -> memref<640x128xf32, #tpu.memory_space<vmem_shared>>
      %dma_start3A_24 = arith.constant 0 : i32
      %dma_start3A_25 = tpu.memref_slice %arg4[%mul3A_4, %dma_start3A_24] : memref<10240x128xf32, #tpu.memory_space<hbm>> -> memref<640x128xf32, #tpu.memory_space<hbm>>
      tpu.enqueue_dma source(%dma_start3A_25 : memref<640x128xf32, #tpu.memory_space<hbm>>) target(%dma_start3A_23 : memref<640x128xf32, #tpu.memory_space<vmem_shared>>) target_semaphore(%run_scoped3A : memref<!tpu.dma_semaphore, #tpu.memory_space<semaphore_mem>>)
      %dma_wait3A = arith.constant 0 : i32
      %dma_wait3A_26 = tpu.memref_slice %arg9[%mul3A_6, %dma_wait3A] : memref<10240x128xf32, #tpu.memory_space<vmem_shared>> -> memref<640x128xf32, #tpu.memory_space<vmem_shared>>
      %dma_wait3A_27 = arith.constant 0 : i32
      %dma_wait3A_28 = tpu.memref_slice %arg4[%mul3A_4, %dma_wait3A_27] : memref<10240x128xf32, #tpu.memory_space<hbm>> -> memref<640x128xf32, #tpu.memory_space<hbm>>
      tpu.wait_dma2 semaphore(%run_scoped3A : memref<!tpu.dma_semaphore, #tpu.memory_space<semaphore_mem>>) src(%dma_wait3A_28 : memref<640x128xf32, #tpu.memory_space<hbm>>) dst(%dma_wait3A_26 : memref<640x128xf32, #tpu.memory_space<vmem_shared>>)
      tpu.yield
    }) : () -> ()
    "tpu.region"() ({
      %run_scoped3A = tpu.sem_alloc : memref<!tpu.dma_semaphore, #tpu.memory_space<semaphore_mem>>
      %dma_start3A_22 = arith.constant 0 : i32
      %dma_start3A_23 = arith.constant 0 : i32
      %dma_start3A_24 = tpu.memref_slice %arg3[%add3A, %dma_start3A_22, %dma_start3A_23] : memref<32x20x128xi32, #tpu.memory_space<hbm>> -> memref<1x20x128xi32, #tpu.memory_space<hbm>>
      %dma_start3A_25 = tpu.memref_squeeze %dma_start3A_24 : memref<1x20x128xi32, #tpu.memory_space<hbm>> -> memref<20x128xi32, #tpu.memory_space<hbm>>
      %dma_start3A_26 = arith.constant 0 : i32
      %dma_start3A_27 = arith.constant 0 : i32
      %dma_start3A_28 = tpu.memref_slice %arg3[%add3A, %dma_start3A_26, %dma_start3A_27] : memref<32x20x128xi32, #tpu.memory_space<hbm>> -> memref<1x20x128xi32, #tpu.memory_space<hbm>>
      %dma_start3A_29 = tpu.memref_squeeze %dma_start3A_28 : memref<1x20x128xi32, #tpu.memory_space<hbm>> -> memref<20x128xi32, #tpu.memory_space<hbm>>
      tpu.enqueue_dma source(%dma_start3A_29 : memref<20x128xi32, #tpu.memory_space<hbm>>) target(%arg6 : memref<20x128xi32, #tpu.memory_space<vmem>>) target_semaphore(%run_scoped3A : memref<!tpu.dma_semaphore, #tpu.memory_space<semaphore_mem>>)
      %dma_wait3A = arith.constant 0 : i32
      %dma_wait3A_30 = arith.constant 0 : i32
      %dma_wait3A_31 = tpu.memref_slice %arg3[%add3A, %dma_wait3A, %dma_wait3A_30] : memref<32x20x128xi32, #tpu.memory_space<hbm>> -> memref<1x20x128xi32, #tpu.memory_space<hbm>>
      %dma_wait3A_32 = tpu.memref_squeeze %dma_wait3A_31 : memref<1x20x128xi32, #tpu.memory_space<hbm>> -> memref<20x128xi32, #tpu.memory_space<hbm>>
      %dma_wait3A_33 = arith.constant 0 : i32
      %dma_wait3A_34 = arith.constant 0 : i32
      %dma_wait3A_35 = tpu.memref_slice %arg3[%add3A, %dma_wait3A_33, %dma_wait3A_34] : memref<32x20x128xi32, #tpu.memory_space<hbm>> -> memref<1x20x128xi32, #tpu.memory_space<hbm>>
      %dma_wait3A_36 = tpu.memref_squeeze %dma_wait3A_35 : memref<1x20x128xi32, #tpu.memory_space<hbm>> -> memref<20x128xi32, #tpu.memory_space<hbm>>
      tpu.wait_dma2 semaphore(%run_scoped3A : memref<!tpu.dma_semaphore, #tpu.memory_space<semaphore_mem>>) src(%dma_wait3A_36 : memref<20x128xi32, #tpu.memory_space<hbm>>) dst(%arg6 : memref<20x128xi32, #tpu.memory_space<vmem>>)
      tpu.yield
    }) : () -> ()
    %barrier3A = arith.constant 0 : index
    tpu.barrier barrier_id(%barrier3A)
    %add3A_7 = arith.constant 0 : i32
    %add3A_8 = arith.addi %mul3A_2, %add3A_7 : i32
    %dma_start3A = arith.constant 0 : i32
    %dma_start3A_9 = tpu.memref_slice %arg2[%add3A_8, %dma_start3A] : memref<81920x128xf32, #tpu.memory_space<hbm>> -> memref<128x128xf32, #tpu.memory_space<hbm>>
    %dma_start3A_10 = arith.constant 0 : i32
    %dma_start3A_11 = tpu.memref_slice %arg2[%add3A_8, %dma_start3A_10] : memref<81920x128xf32, #tpu.memory_space<hbm>> -> memref<128x128xf32, #tpu.memory_space<hbm>>
    tpu.enqueue_dma source(%dma_start3A_11 : memref<128x128xf32, #tpu.memory_space<hbm>>) target(%arg7 : memref<128x128xf32, #tpu.memory_space<vmem>>) target_semaphore(%arg10 : memref<!tpu.dma_semaphore, #tpu.memory_space<semaphore_mem>>)
    %scan3A = arith.constant 0 : i32
    %scan3A_12 = arith.constant 0 : i32
    %scan3A_13 = arith.constant 10 : i32
    %scan3A_14 = arith.addi %scan3A_12, %scan3A_13 : i32
    %scan3A_15 = arith.constant 1 : i32
    scf.for %scan3A_22 = %scan3A_12 to %scan3A_14 step %scan3A_15  : i32 {
      %mul3A_23 = arith.constant 2 : i32
      %mul3A_24 = arith.muli %mul3A_23, %scan3A_22 : i32
      %add3A_25 = arith.constant 1 : i32
      %add3A_26 = arith.addi %mul3A_24, %add3A_25 : i32
      %mul3A_27 = arith.constant 128 : i32
      %mul3A_28 = arith.muli %add3A_26, %mul3A_27 : i32
      %add3A_29 = arith.addi %mul3A_2, %mul3A_28 : i32
      %dma_start3A_30 = arith.constant 0 : i32
      %dma_start3A_31 = tpu.memref_slice %arg2[%add3A_29, %dma_start3A_30] : memref<81920x128xf32, #tpu.memory_space<hbm>> -> memref<128x128xf32, #tpu.memory_space<hbm>>
      %dma_start3A_32 = arith.constant 0 : i32
      %dma_start3A_33 = tpu.memref_slice %arg2[%add3A_29, %dma_start3A_32] : memref<81920x128xf32, #tpu.memory_space<hbm>> -> memref<128x128xf32, #tpu.memory_space<hbm>>
      tpu.enqueue_dma source(%dma_start3A_33 : memref<128x128xf32, #tpu.memory_space<hbm>>) target(%arg8 : memref<128x128xf32, #tpu.memory_space<vmem>>) target_semaphore(%arg11 : memref<!tpu.dma_semaphore, #tpu.memory_space<semaphore_mem>>)
      %dma_wait3A = arith.constant 0 : i32
      %dma_wait3A_34 = arith.constant 0 : i32
      %dma_wait3A_35 = tpu.memref_slice %arg2[%dma_wait3A, %dma_wait3A_34] : memref<81920x128xf32, #tpu.memory_space<hbm>> -> memref<128x128xf32, #tpu.memory_space<hbm>>
      %dma_wait3A_36 = arith.constant 0 : i32
      %dma_wait3A_37 = arith.constant 0 : i32
      %dma_wait3A_38 = tpu.memref_slice %arg2[%dma_wait3A_36, %dma_wait3A_37] : memref<81920x128xf32, #tpu.memory_space<hbm>> -> memref<128x128xf32, #tpu.memory_space<hbm>>
      tpu.wait_dma2 semaphore(%arg10 : memref<!tpu.dma_semaphore, #tpu.memory_space<semaphore_mem>>) src(%dma_wait3A_38 : memref<128x128xf32, #tpu.memory_space<hbm>>) dst(%arg7 : memref<128x128xf32, #tpu.memory_space<vmem>>)
      "tpu.region"() ({
        %run_scoped3A = tpu.sem_alloc : memref<!tpu.dma_semaphore, #tpu.memory_space<semaphore_mem>>
        %dma_start3A_51 = arith.constant 0 : i32
        %dma_start3A_52 = tpu.memref_slice %arg6[%mul3A_24, %dma_start3A_51] : memref<20x128xi32, #tpu.memory_space<vmem>> -> memref<1x128xi32, #tpu.memory_space<vmem>>
        %dma_start3A_53 = tpu.memref_squeeze %dma_start3A_52 : memref<1x128xi32, #tpu.memory_space<vmem>> -> memref<128xi32, #tpu.memory_space<vmem>>
        %dma_start3A_54 = arith.constant 0 : i32
        %dma_start3A_55 = arith.constant 0 : i32
        %dma_start3A_56 = tpu.memref_slice %arg9[%dma_start3A_54, %dma_start3A_55] : memref<10240x128xf32, #tpu.memory_space<vmem_shared>> -> memref<10240x128xf32, #tpu.memory_space<vmem_shared>>
        tpu.enqueue_indirect_dma source(%arg7 : memref<128x128xf32, #tpu.memory_space<vmem>>) target(%dma_start3A_56 : memref<10240x128xf32, #tpu.memory_space<vmem_shared>>) offsets(%dma_start3A_53 : memref<128xi32, #tpu.memory_space<vmem>>) semaphore(%run_scoped3A : memref<!tpu.dma_semaphore, #tpu.memory_space<semaphore_mem>>) {add = true}
        %dma_wait3A_57 = arith.constant 0 : i32
        %dma_wait3A_58 = tpu.memref_slice %arg6[%mul3A_24, %dma_wait3A_57] : memref<20x128xi32, #tpu.memory_space<vmem>> -> memref<1x128xi32, #tpu.memory_space<vmem>>
        %dma_wait3A_59 = tpu.memref_squeeze %dma_wait3A_58 : memref<1x128xi32, #tpu.memory_space<vmem>> -> memref<128xi32, #tpu.memory_space<vmem>>
        %dma_wait3A_60 = arith.constant 0 : i32
        %dma_wait3A_61 = arith.constant 0 : i32
        %dma_wait3A_62 = tpu.memref_slice %arg9[%dma_wait3A_60, %dma_wait3A_61] : memref<10240x128xf32, #tpu.memory_space<vmem_shared>> -> memref<10240x128xf32, #tpu.memory_space<vmem_shared>>
        tpu.wait_indirect_dma semaphore(%run_scoped3A : memref<!tpu.dma_semaphore, #tpu.memory_space<semaphore_mem>>) src(%arg7 : memref<128x128xf32, #tpu.memory_space<vmem>>) dst(%dma_wait3A_62 : memref<10240x128xf32, #tpu.memory_space<vmem_shared>>)
        tpu.yield
      }) : () -> ()
      %add3A_39 = arith.constant 2 : i32
      %add3A_40 = arith.addi %mul3A_24, %add3A_39 : i32
      %lt3A = arith.constant 20 : i32
      %lt3A_41 = arith.cmpi slt, %add3A_40, %lt3A : i32
      %convert_element_type3A = arith.extui %lt3A_41 : i1 to i32
      %cond3A = arith.constant 0 : i32
      %cond3A_42 = arith.cmpi ne, %convert_element_type3A, %cond3A : i32
      scf.if %cond3A_42 {
        %add3A_51 = arith.constant 2 : i32
        %add3A_52 = arith.addi %mul3A_24, %add3A_51 : i32
        %mul3A_53 = arith.constant 128 : i32
        %mul3A_54 = arith.muli %add3A_52, %mul3A_53 : i32
        %add3A_55 = arith.addi %mul3A_2, %mul3A_54 : i32
        %dma_start3A_56 = arith.constant 0 : i32
        %dma_start3A_57 = tpu.memref_slice %arg2[%add3A_55, %dma_start3A_56] : memref<81920x128xf32, #tpu.memory_space<hbm>> -> memref<128x128xf32, #tpu.memory_space<hbm>>
        %dma_start3A_58 = arith.constant 0 : i32
        %dma_start3A_59 = tpu.memref_slice %arg2[%add3A_55, %dma_start3A_58] : memref<81920x128xf32, #tpu.memory_space<hbm>> -> memref<128x128xf32, #tpu.memory_space<hbm>>
        tpu.enqueue_dma source(%dma_start3A_59 : memref<128x128xf32, #tpu.memory_space<hbm>>) target(%arg7 : memref<128x128xf32, #tpu.memory_space<vmem>>) target_semaphore(%arg10 : memref<!tpu.dma_semaphore, #tpu.memory_space<semaphore_mem>>)
      } else {
      }
      %dma_wait3A_43 = arith.constant 0 : i32
      %dma_wait3A_44 = arith.constant 0 : i32
      %dma_wait3A_45 = tpu.memref_slice %arg2[%dma_wait3A_43, %dma_wait3A_44] : memref<81920x128xf32, #tpu.memory_space<hbm>> -> memref<128x128xf32, #tpu.memory_space<hbm>>
      %dma_wait3A_46 = arith.constant 0 : i32
      %dma_wait3A_47 = arith.constant 0 : i32
      %dma_wait3A_48 = tpu.memref_slice %arg2[%dma_wait3A_46, %dma_wait3A_47] : memref<81920x128xf32, #tpu.memory_space<hbm>> -> memref<128x128xf32, #tpu.memory_space<hbm>>
      tpu.wait_dma2 semaphore(%arg11 : memref<!tpu.dma_semaphore, #tpu.memory_space<semaphore_mem>>) src(%dma_wait3A_48 : memref<128x128xf32, #tpu.memory_space<hbm>>) dst(%arg8 : memref<128x128xf32, #tpu.memory_space<vmem>>)
      %add3A_49 = arith.constant 1 : i32
      %add3A_50 = arith.addi %mul3A_24, %add3A_49 : i32
      "tpu.region"() ({
        %run_scoped3A = tpu.sem_alloc : memref<!tpu.dma_semaphore, #tpu.memory_space<semaphore_mem>>
        %dma_start3A_51 = arith.constant 0 : i32
        %dma_start3A_52 = tpu.memref_slice %arg6[%add3A_50, %dma_start3A_51] : memref<20x128xi32, #tpu.memory_space<vmem>> -> memref<1x128xi32, #tpu.memory_space<vmem>>
        %dma_start3A_53 = tpu.memref_squeeze %dma_start3A_52 : memref<1x128xi32, #tpu.memory_space<vmem>> -> memref<128xi32, #tpu.memory_space<vmem>>
        %dma_start3A_54 = arith.constant 0 : i32
        %dma_start3A_55 = arith.constant 0 : i32
        %dma_start3A_56 = tpu.memref_slice %arg9[%dma_start3A_54, %dma_start3A_55] : memref<10240x128xf32, #tpu.memory_space<vmem_shared>> -> memref<10240x128xf32, #tpu.memory_space<vmem_shared>>
        tpu.enqueue_indirect_dma source(%arg8 : memref<128x128xf32, #tpu.memory_space<vmem>>) target(%dma_start3A_56 : memref<10240x128xf32, #tpu.memory_space<vmem_shared>>) offsets(%dma_start3A_53 : memref<128xi32, #tpu.memory_space<vmem>>) semaphore(%run_scoped3A : memref<!tpu.dma_semaphore, #tpu.memory_space<semaphore_mem>>) {add = true}
        %dma_wait3A_57 = arith.constant 0 : i32
        %dma_wait3A_58 = tpu.memref_slice %arg6[%add3A_50, %dma_wait3A_57] : memref<20x128xi32, #tpu.memory_space<vmem>> -> memref<1x128xi32, #tpu.memory_space<vmem>>
        %dma_wait3A_59 = tpu.memref_squeeze %dma_wait3A_58 : memref<1x128xi32, #tpu.memory_space<vmem>> -> memref<128xi32, #tpu.memory_space<vmem>>
        %dma_wait3A_60 = arith.constant 0 : i32
        %dma_wait3A_61 = arith.constant 0 : i32
        %dma_wait3A_62 = tpu.memref_slice %arg9[%dma_wait3A_60, %dma_wait3A_61] : memref<10240x128xf32, #tpu.memory_space<vmem_shared>> -> memref<10240x128xf32, #tpu.memory_space<vmem_shared>>
        tpu.wait_indirect_dma semaphore(%run_scoped3A : memref<!tpu.dma_semaphore, #tpu.memory_space<semaphore_mem>>) src(%arg8 : memref<128x128xf32, #tpu.memory_space<vmem>>) dst(%dma_wait3A_62 : memref<10240x128xf32, #tpu.memory_space<vmem_shared>>)
        tpu.yield
      }) : () -> ()
    }
    %scan3A_16 = arith.constant 10 : i32
    %barrier3A_17 = arith.constant 0 : index
    tpu.barrier barrier_id(%barrier3A_17)
    %mul3A_18 = arith.constant 640 : i32
    %mul3A_19 = arith.muli %arg1, %mul3A_18 : i32
    %mul3A_20 = arith.constant 640 : i32
    %mul3A_21 = arith.muli %arg1, %mul3A_20 : i32
    "tpu.region"() ({
      %run_scoped3A = tpu.sem_alloc : memref<!tpu.dma_semaphore, #tpu.memory_space<semaphore_mem>>
      %dma_start3A_22 = arith.constant 0 : i32
      %dma_start3A_23 = tpu.memref_slice %arg5[%arg0, %mul3A_21, %dma_start3A_22] : memref<2x10240x128xf32, #tpu.memory_space<hbm>> -> memref<1x640x128xf32, #tpu.memory_space<hbm>>
      %dma_start3A_24 = tpu.memref_squeeze %dma_start3A_23 : memref<1x640x128xf32, #tpu.memory_space<hbm>> -> memref<640x128xf32, #tpu.memory_space<hbm>>
      %dma_start3A_25 = arith.constant 0 : i32
      %dma_start3A_26 = tpu.memref_slice %arg9[%mul3A_19, %dma_start3A_25] : memref<10240x128xf32, #tpu.memory_space<vmem_shared>> -> memref<640x128xf32, #tpu.memory_space<vmem_shared>>
      tpu.enqueue_dma source(%dma_start3A_26 : memref<640x128xf32, #tpu.memory_space<vmem_shared>>) target(%dma_start3A_24 : memref<640x128xf32, #tpu.memory_space<hbm>>) target_semaphore(%run_scoped3A : memref<!tpu.dma_semaphore, #tpu.memory_space<semaphore_mem>>)
      %dma_wait3A = arith.constant 0 : i32
      %dma_wait3A_27 = tpu.memref_slice %arg5[%arg0, %mul3A_21, %dma_wait3A] : memref<2x10240x128xf32, #tpu.memory_space<hbm>> -> memref<1x640x128xf32, #tpu.memory_space<hbm>>
      %dma_wait3A_28 = tpu.memref_squeeze %dma_wait3A_27 : memref<1x640x128xf32, #tpu.memory_space<hbm>> -> memref<640x128xf32, #tpu.memory_space<hbm>>
      %dma_wait3A_29 = arith.constant 0 : i32
      %dma_wait3A_30 = tpu.memref_slice %arg9[%mul3A_19, %dma_wait3A_29] : memref<10240x128xf32, #tpu.memory_space<vmem_shared>> -> memref<640x128xf32, #tpu.memory_space<vmem_shared>>
      tpu.wait_dma2 semaphore(%run_scoped3A : memref<!tpu.dma_semaphore, #tpu.memory_space<semaphore_mem>>) src(%dma_wait3A_30 : memref<640x128xf32, #tpu.memory_space<vmem_shared>>) dst(%dma_wait3A_28 : memref<640x128xf32, #tpu.memory_space<hbm>>)
      tpu.yield
    }) : () -> ()
    return
  }
}

module attributes {stable_mosaic.version = 14 : i64} {
  func.func @body(%arg0: i32, %arg1: memref<2048x128xf32, #tpu.memory_space<vmem>>, %arg2: memref<128x128xf32, #tpu.memory_space<vmem>>, %arg3: memref<1x128xf32, #tpu.memory_space<vmem>>, %arg4: memref<1x128xf32, #tpu.memory_space<vmem>>, %arg5: memref<1x128xf32, #tpu.memory_space<vmem>>, %arg6: memref<128x128xf32, #tpu.memory_space<vmem>>, %arg7: memref<128x128xf32, #tpu.memory_space<vmem>>, %arg8: memref<128x128xf32, #tpu.memory_space<vmem>>, %arg9: memref<128x128xf32, #tpu.memory_space<vmem>>, %arg10: memref<128x128xf32, #tpu.memory_space<vmem>>, %arg11: memref<2048x128xf32, #tpu.memory_space<vmem>>, %arg12: memref<2048x128xf32, #tpu.memory_space<vmem>>, %arg13: memref<2048x128xf32, #tpu.memory_space<vmem>>, %arg14: memref<2048x128xf32, #tpu.memory_space<vmem>>, %arg15: memref<2048x128xf32, #tpu.memory_space<vmem>>, %arg16: memref<2048x128xf32, #tpu.memory_space<vmem>>) attributes {dimension_semantics = [#tpu.dimension_semantics<arbitrary>], iteration_bounds = array<i64: 5>, scalar_prefetch = 0 : i64, scratch_operands = 0 : i64, tpu.core_type = #tpu.core_type<tc>, window_params = [{transform_indices = @transform_0, window_bounds = array<i64: 2048, 128>}, {pipeline_mode = #tpu.pipeline_mode<synchronous>, transform_indices = @transform_1, window_bounds = array<i64: 128, 128>}, {pipeline_mode = #tpu.pipeline_mode<synchronous>, transform_indices = @transform_2, window_bounds = array<i64: 1, 128>}, {pipeline_mode = #tpu.pipeline_mode<synchronous>, transform_indices = @transform_3, window_bounds = array<i64: 1, 128>}, {pipeline_mode = #tpu.pipeline_mode<synchronous>, transform_indices = @transform_4, window_bounds = array<i64: 1, 128>}, {pipeline_mode = #tpu.pipeline_mode<synchronous>, transform_indices = @transform_5, window_bounds = array<i64: 128, 128>}, {pipeline_mode = #tpu.pipeline_mode<synchronous>, transform_indices = @transform_6, window_bounds = array<i64: 128, 128>}, {pipeline_mode = #tpu.pipeline_mode<synchronous>, transform_indices = @transform_7, window_bounds = array<i64: 128, 128>}, {pipeline_mode = #tpu.pipeline_mode<synchronous>, transform_indices = @transform_8, window_bounds = array<i64: 128, 128>}, {pipeline_mode = #tpu.pipeline_mode<synchronous>, transform_indices = @transform_9, window_bounds = array<i64: 128, 128>}, {transform_indices = @transform_10, window_bounds = array<i64: 2048, 128>}, {transform_indices = @transform_11, window_bounds = array<i64: 2048, 128>}, {transform_indices = @transform_12, window_bounds = array<i64: 2048, 128>}, {transform_indices = @transform_13, window_bounds = array<i64: 2048, 128>}, {transform_indices = @transform_14, window_bounds = array<i64: 2048, 128>}, {transform_indices = @transform_15, window_bounds = array<i64: 2048, 128>}]} {
    %get3A = arith.constant 0 : index
    %get3A_0 = arith.constant 0 : index
    %get3A_1 = vector.load %arg1[%get3A, %get3A_0] : memref<2048x128xf32, #tpu.memory_space<vmem>>, vector<2048x128xf32>
    %get3A_2 = arith.constant 0 : index
    %get3A_3 = arith.constant 0 : index
    %get3A_4 = vector.load %arg2[%get3A_2, %get3A_3] : memref<128x128xf32, #tpu.memory_space<vmem>>, vector<128x128xf32>
    %dot_general3A = arith.constant dense<0.000000e+00> : vector<2048x128xf32>
    %dot_general3A_5 = tpu.matmul %get3A_1, %get3A_4, %dot_general3A {dimension_numbers = #tpu.dot_dimension_numbers<[1], [0], [0], [1], [0, 0, 1, 1], [], []>, transpose_lhs_hint = false} : vector<2048x128xf32>, vector<128x128xf32>, vector<2048x128xf32> -> vector<2048x128xf32>
    %get3A_6 = arith.constant 0 : index
    %get3A_7 = arith.constant 0 : index
    %get3A_8 = vector.load %arg3[%get3A_6, %get3A_7] : memref<1x128xf32, #tpu.memory_space<vmem>>, vector<1x128xf32>
    %add3A = vector.broadcast %get3A_8 : vector<1x128xf32> to vector<2048x128xf32>
    %add3A_9 = arith.addf %dot_general3A_5, %add3A : vector<2048x128xf32>
    %get3A_10 = arith.constant 0 : index
    %get3A_11 = arith.constant 0 : index
    %get3A_12 = vector.load %arg4[%get3A_10, %get3A_11] : memref<1x128xf32, #tpu.memory_space<vmem>>, vector<1x128xf32>
    %get3A_13 = arith.constant 0 : index
    %get3A_14 = arith.constant 0 : index
    %get3A_15 = vector.load %arg5[%get3A_13, %get3A_14] : memref<1x128xf32, #tpu.memory_space<vmem>>, vector<1x128xf32>
    %max3A = arith.constant 0.000000e+00 : f32
    %max3A_16 = vector.broadcast %max3A : f32 to vector<2048x128xf32>
    %max3A_17 = arith.maximumf %add3A_9, %max3A_16 : vector<2048x128xf32>
    %reduce_sum3A = arith.constant dense<0.000000e+00> : vector<2048xf32>
    %reduce_sum3A_18 = vector.multi_reduction <add>, %max3A_17, %reduce_sum3A [1] : vector<2048x128xf32> to vector<2048xf32>
    %broadcast_in_dim3A = vector.shape_cast %reduce_sum3A_18 : vector<2048xf32> to vector<2048x1xf32>
    %div3A = arith.constant 1.280000e+02 : f32
    %div3A_19 = vector.broadcast %div3A : f32 to vector<2048x1xf32>
    %div3A_20 = arith.divf %broadcast_in_dim3A, %div3A_19 : vector<2048x1xf32>
    %sub3A = vector.broadcast %div3A_20 : vector<2048x1xf32> to vector<2048x128xf32>
    %sub3A_21 = arith.subf %max3A_17, %sub3A : vector<2048x128xf32>
    %mul3A = arith.mulf %sub3A_21, %sub3A_21 : vector<2048x128xf32>
    %reduce_sum3A_22 = arith.constant dense<0.000000e+00> : vector<2048xf32>
    %reduce_sum3A_23 = vector.multi_reduction <add>, %mul3A, %reduce_sum3A_22 [1] : vector<2048x128xf32> to vector<2048xf32>
    %broadcast_in_dim3A_24 = vector.shape_cast %reduce_sum3A_23 : vector<2048xf32> to vector<2048x1xf32>
    %div3A_25 = arith.constant 1.280000e+02 : f32
    %div3A_26 = vector.broadcast %div3A_25 : f32 to vector<2048x1xf32>
    %div3A_27 = arith.divf %broadcast_in_dim3A_24, %div3A_26 : vector<2048x1xf32>
    %add3A_28 = arith.constant 9.99999974E-6 : f32
    %add3A_29 = vector.broadcast %add3A_28 : f32 to vector<2048x1xf32>
    %add3A_30 = arith.addf %div3A_27, %add3A_29 : vector<2048x1xf32>
    %rsqrt3A = math.rsqrt %add3A_30 : vector<2048x1xf32>
    %mul3A_31 = vector.broadcast %rsqrt3A : vector<2048x1xf32> to vector<2048x128xf32>
    %mul3A_32 = arith.mulf %sub3A_21, %mul3A_31 : vector<2048x128xf32>
    %mul3A_33 = vector.broadcast %get3A_12 : vector<1x128xf32> to vector<2048x128xf32>
    %mul3A_34 = arith.mulf %mul3A_32, %mul3A_33 : vector<2048x128xf32>
    %add3A_35 = vector.broadcast %get3A_15 : vector<1x128xf32> to vector<2048x128xf32>
    %add3A_36 = arith.addf %mul3A_34, %add3A_35 : vector<2048x128xf32>
    %swap3A = arith.constant 0 : index
    %swap3A_37 = arith.constant 0 : index
    %swap3A_38 = vector.load %arg11[%swap3A, %swap3A_37] : memref<2048x128xf32, #tpu.memory_space<vmem>>, vector<2048x128xf32>
    tpu.vector_store %arg11[%swap3A, %swap3A_37], %add3A_36 {strides = array<i32>} : memref<2048x128xf32, #tpu.memory_space<vmem>>, vector<2048x128xf32>,
    %get3A_39 = arith.constant 0 : index
    %get3A_40 = arith.constant 0 : index
    %get3A_41 = vector.load %arg6[%get3A_39, %get3A_40] : memref<128x128xf32, #tpu.memory_space<vmem>>, vector<128x128xf32>
    %dot_general3A_42 = arith.constant dense<0.000000e+00> : vector<2048x128xf32>
    %dot_general3A_43 = tpu.matmul %add3A_36, %get3A_41, %dot_general3A_42 {dimension_numbers = #tpu.dot_dimension_numbers<[1], [0], [0], [1], [0, 0, 1, 1], [], []>, transpose_lhs_hint = false} : vector<2048x128xf32>, vector<128x128xf32>, vector<2048x128xf32> -> vector<2048x128xf32>
    %swap3A_44 = arith.constant 0 : index
    %swap3A_45 = arith.constant 0 : index
    %swap3A_46 = vector.load %arg12[%swap3A_44, %swap3A_45] : memref<2048x128xf32, #tpu.memory_space<vmem>>, vector<2048x128xf32>
    tpu.vector_store %arg12[%swap3A_44, %swap3A_45], %dot_general3A_43 {strides = array<i32>} : memref<2048x128xf32, #tpu.memory_space<vmem>>, vector<2048x128xf32>,
    %get3A_47 = arith.constant 0 : index
    %get3A_48 = arith.constant 0 : index
    %get3A_49 = vector.load %arg7[%get3A_47, %get3A_48] : memref<128x128xf32, #tpu.memory_space<vmem>>, vector<128x128xf32>
    %dot_general3A_50 = arith.constant dense<0.000000e+00> : vector<2048x128xf32>
    %dot_general3A_51 = tpu.matmul %add3A_36, %get3A_49, %dot_general3A_50 {dimension_numbers = #tpu.dot_dimension_numbers<[1], [0], [0], [1], [0, 0, 1, 1], [], []>, transpose_lhs_hint = false} : vector<2048x128xf32>, vector<128x128xf32>, vector<2048x128xf32> -> vector<2048x128xf32>
    %swap3A_52 = arith.constant 0 : index
    %swap3A_53 = arith.constant 0 : index
    %swap3A_54 = vector.load %arg13[%swap3A_52, %swap3A_53] : memref<2048x128xf32, #tpu.memory_space<vmem>>, vector<2048x128xf32>
    tpu.vector_store %arg13[%swap3A_52, %swap3A_53], %dot_general3A_51 {strides = array<i32>} : memref<2048x128xf32, #tpu.memory_space<vmem>>, vector<2048x128xf32>,
    %get3A_55 = arith.constant 0 : index
    %get3A_56 = arith.constant 0 : index
    %get3A_57 = vector.load %arg8[%get3A_55, %get3A_56] : memref<128x128xf32, #tpu.memory_space<vmem>>, vector<128x128xf32>
    %dot_general3A_58 = arith.constant dense<0.000000e+00> : vector<2048x128xf32>
    %dot_general3A_59 = tpu.matmul %add3A_36, %get3A_57, %dot_general3A_58 {dimension_numbers = #tpu.dot_dimension_numbers<[1], [0], [0], [1], [0, 0, 1, 1], [], []>, transpose_lhs_hint = false} : vector<2048x128xf32>, vector<128x128xf32>, vector<2048x128xf32> -> vector<2048x128xf32>
    %swap3A_60 = arith.constant 0 : index
    %swap3A_61 = arith.constant 0 : index
    %swap3A_62 = vector.load %arg14[%swap3A_60, %swap3A_61] : memref<2048x128xf32, #tpu.memory_space<vmem>>, vector<2048x128xf32>
    tpu.vector_store %arg14[%swap3A_60, %swap3A_61], %dot_general3A_59 {strides = array<i32>} : memref<2048x128xf32, #tpu.memory_space<vmem>>, vector<2048x128xf32>,
    %get3A_63 = arith.constant 0 : index
    %get3A_64 = arith.constant 0 : index
    %get3A_65 = vector.load %arg9[%get3A_63, %get3A_64] : memref<128x128xf32, #tpu.memory_space<vmem>>, vector<128x128xf32>
    %dot_general3A_66 = arith.constant dense<0.000000e+00> : vector<2048x128xf32>
    %dot_general3A_67 = tpu.matmul %add3A_36, %get3A_65, %dot_general3A_66 {dimension_numbers = #tpu.dot_dimension_numbers<[1], [0], [0], [1], [0, 0, 1, 1], [], []>, transpose_lhs_hint = false} : vector<2048x128xf32>, vector<128x128xf32>, vector<2048x128xf32> -> vector<2048x128xf32>
    %swap3A_68 = arith.constant 0 : index
    %swap3A_69 = arith.constant 0 : index
    %swap3A_70 = vector.load %arg15[%swap3A_68, %swap3A_69] : memref<2048x128xf32, #tpu.memory_space<vmem>>, vector<2048x128xf32>
    tpu.vector_store %arg15[%swap3A_68, %swap3A_69], %dot_general3A_67 {strides = array<i32>} : memref<2048x128xf32, #tpu.memory_space<vmem>>, vector<2048x128xf32>,
    %get3A_71 = arith.constant 0 : index
    %get3A_72 = arith.constant 0 : index
    %get3A_73 = vector.load %arg10[%get3A_71, %get3A_72] : memref<128x128xf32, #tpu.memory_space<vmem>>, vector<128x128xf32>
    %dot_general3A_74 = arith.constant dense<0.000000e+00> : vector<2048x128xf32>
    %dot_general3A_75 = tpu.matmul %add3A_36, %get3A_73, %dot_general3A_74 {dimension_numbers = #tpu.dot_dimension_numbers<[1], [0], [0], [1], [0, 0, 1, 1], [], []>, transpose_lhs_hint = false} : vector<2048x128xf32>, vector<128x128xf32>, vector<2048x128xf32> -> vector<2048x128xf32>
    %swap3A_76 = arith.constant 0 : index
    %swap3A_77 = arith.constant 0 : index
    %swap3A_78 = vector.load %arg16[%swap3A_76, %swap3A_77] : memref<2048x128xf32, #tpu.memory_space<vmem>>, vector<2048x128xf32>
    tpu.vector_store %arg16[%swap3A_76, %swap3A_77], %dot_general3A_75 {strides = array<i32>} : memref<2048x128xf32, #tpu.memory_space<vmem>>, vector<2048x128xf32>,
    return
  }
  func.func @transform_0(%arg0: i32) -> (i32, i32) {
    %c0_i32 = arith.constant 0 : i32
    %c0_i32_0 = arith.constant 0 : i32
    return %arg0, %c0_i32 : i32, i32
  }
  func.func @transform_1(%arg0: i32) -> (i32, i32) {
    %c0_i32 = arith.constant 0 : i32
    %c0_i32_0 = arith.constant 0 : i32
    %c0_i32_1 = arith.constant 0 : i32
    return %c0_i32, %c0_i32_0 : i32, i32
  }
  func.func @transform_2(%arg0: i32) -> (i32, i32) {
    %c0_i32 = arith.constant 0 : i32
    %c0_i32_0 = arith.constant 0 : i32
    %c0_i32_1 = arith.constant 0 : i32
    return %c0_i32, %c0_i32_0 : i32, i32
  }
  func.func @transform_3(%arg0: i32) -> (i32, i32) {
    %c0_i32 = arith.constant 0 : i32
    %c0_i32_0 = arith.constant 0 : i32
    %c0_i32_1 = arith.constant 0 : i32
    return %c0_i32, %c0_i32_0 : i32, i32
  }
  func.func @transform_4(%arg0: i32) -> (i32, i32) {
    %c0_i32 = arith.constant 0 : i32
    %c0_i32_0 = arith.constant 0 : i32
    %c0_i32_1 = arith.constant 0 : i32
    return %c0_i32, %c0_i32_0 : i32, i32
  }
  func.func @transform_5(%arg0: i32) -> (i32, i32) {
    %c0_i32 = arith.constant 0 : i32
    %c0_i32_0 = arith.constant 0 : i32
    %c0_i32_1 = arith.constant 0 : i32
    return %c0_i32, %c0_i32_0 : i32, i32
  }
  func.func @transform_6(%arg0: i32) -> (i32, i32) {
    %c0_i32 = arith.constant 0 : i32
    %c0_i32_0 = arith.constant 0 : i32
    %c0_i32_1 = arith.constant 0 : i32
    return %c0_i32, %c0_i32_0 : i32, i32
  }
  func.func @transform_7(%arg0: i32) -> (i32, i32) {
    %c0_i32 = arith.constant 0 : i32
    %c0_i32_0 = arith.constant 0 : i32
    %c0_i32_1 = arith.constant 0 : i32
    return %c0_i32, %c0_i32_0 : i32, i32
  }
  func.func @transform_8(%arg0: i32) -> (i32, i32) {
    %c0_i32 = arith.constant 0 : i32
    %c0_i32_0 = arith.constant 0 : i32
    %c0_i32_1 = arith.constant 0 : i32
    return %c0_i32, %c0_i32_0 : i32, i32
  }
  func.func @transform_9(%arg0: i32) -> (i32, i32) {
    %c0_i32 = arith.constant 0 : i32
    %c0_i32_0 = arith.constant 0 : i32
    %c0_i32_1 = arith.constant 0 : i32
    return %c0_i32, %c0_i32_0 : i32, i32
  }
  func.func @transform_10(%arg0: i32) -> (i32, i32) {
    %c0_i32 = arith.constant 0 : i32
    %c0_i32_0 = arith.constant 0 : i32
    return %arg0, %c0_i32 : i32, i32
  }
  func.func @transform_11(%arg0: i32) -> (i32, i32) {
    %c0_i32 = arith.constant 0 : i32
    %c0_i32_0 = arith.constant 0 : i32
    return %arg0, %c0_i32 : i32, i32
  }
  func.func @transform_12(%arg0: i32) -> (i32, i32) {
    %c0_i32 = arith.constant 0 : i32
    %c0_i32_0 = arith.constant 0 : i32
    return %arg0, %c0_i32 : i32, i32
  }
  func.func @transform_13(%arg0: i32) -> (i32, i32) {
    %c0_i32 = arith.constant 0 : i32
    %c0_i32_0 = arith.constant 0 : i32
    return %arg0, %c0_i32 : i32, i32
  }
  func.func @transform_14(%arg0: i32) -> (i32, i32) {
    %c0_i32 = arith.constant 0 : i32
    %c0_i32_0 = arith.constant 0 : i32
    return %arg0, %c0_i32 : i32, i32
  }
  func.func @transform_15(%arg0: i32) -> (i32, i32) {
    %c0_i32 = arith.constant 0 : i32
    %c0_i32_0 = arith.constant 0 : i32
    return %arg0, %c0_i32 : i32, i32
  }
}

module attributes {stable_mosaic.version = 14 : i64} {
  func.func @body(%arg0: i32, %arg1: memref<2048x16xf32, #tpu.memory_space<vmem>>, %arg2: memref<16x128xf32, #tpu.memory_space<vmem>>, %arg3: memref<1x128xf32, #tpu.memory_space<vmem>>, %arg4: memref<1x128xf32, #tpu.memory_space<vmem>>, %arg5: memref<1x128xf32, #tpu.memory_space<vmem>>, %arg6: memref<128x128xf32, #tpu.memory_space<vmem>>, %arg7: memref<128x128xf32, #tpu.memory_space<vmem>>, %arg8: memref<2048x128xf32, #tpu.memory_space<vmem>>, %arg9: memref<2048x128xf32, #tpu.memory_space<vmem>>) attributes {dimension_semantics = [#tpu.dimension_semantics<arbitrary>], iteration_bounds = array<i64: 80>, scalar_prefetch = 0 : i64, scratch_operands = 0 : i64, tpu.core_type = #tpu.core_type<tc>, window_params = [{transform_indices = @transform_0, window_bounds = array<i64: 2048, 16>}, {pipeline_mode = #tpu.pipeline_mode<synchronous>, transform_indices = @transform_1, window_bounds = array<i64: 16, 128>}, {pipeline_mode = #tpu.pipeline_mode<synchronous>, transform_indices = @transform_2, window_bounds = array<i64: 1, 128>}, {pipeline_mode = #tpu.pipeline_mode<synchronous>, transform_indices = @transform_3, window_bounds = array<i64: 1, 128>}, {pipeline_mode = #tpu.pipeline_mode<synchronous>, transform_indices = @transform_4, window_bounds = array<i64: 1, 128>}, {pipeline_mode = #tpu.pipeline_mode<synchronous>, transform_indices = @transform_5, window_bounds = array<i64: 128, 128>}, {pipeline_mode = #tpu.pipeline_mode<synchronous>, transform_indices = @transform_6, window_bounds = array<i64: 128, 128>}, {transform_indices = @transform_7, window_bounds = array<i64: 2048, 128>}, {transform_indices = @transform_8, window_bounds = array<i64: 2048, 128>}]} {
    %get3A = arith.constant 0 : index
    %get3A_0 = arith.constant 0 : index
    %get3A_1 = vector.load %arg1[%get3A, %get3A_0] : memref<2048x16xf32, #tpu.memory_space<vmem>>, vector<2048x16xf32>
    %get3A_2 = arith.constant 0 : index
    %get3A_3 = arith.constant 0 : index
    %get3A_4 = vector.load %arg2[%get3A_2, %get3A_3] : memref<16x128xf32, #tpu.memory_space<vmem>>, vector<16x128xf32>
    %dot_general3A = arith.constant dense<0.000000e+00> : vector<2048x128xf32>
    %dot_general3A_5 = tpu.matmul %get3A_1, %get3A_4, %dot_general3A {dimension_numbers = #tpu.dot_dimension_numbers<[1], [0], [0], [1], [0, 0, 1, 1], [], []>, transpose_lhs_hint = false} : vector<2048x16xf32>, vector<16x128xf32>, vector<2048x128xf32> -> vector<2048x128xf32>
    %get3A_6 = arith.constant 0 : index
    %get3A_7 = arith.constant 0 : index
    %get3A_8 = vector.load %arg3[%get3A_6, %get3A_7] : memref<1x128xf32, #tpu.memory_space<vmem>>, vector<1x128xf32>
    %add3A = vector.broadcast %get3A_8 : vector<1x128xf32> to vector<2048x128xf32>
    %add3A_9 = arith.addf %dot_general3A_5, %add3A : vector<2048x128xf32>
    %get3A_10 = arith.constant 0 : index
    %get3A_11 = arith.constant 0 : index
    %get3A_12 = vector.load %arg4[%get3A_10, %get3A_11] : memref<1x128xf32, #tpu.memory_space<vmem>>, vector<1x128xf32>
    %get3A_13 = arith.constant 0 : index
    %get3A_14 = arith.constant 0 : index
    %get3A_15 = vector.load %arg5[%get3A_13, %get3A_14] : memref<1x128xf32, #tpu.memory_space<vmem>>, vector<1x128xf32>
    %max3A = arith.constant 0.000000e+00 : f32
    %max3A_16 = vector.broadcast %max3A : f32 to vector<2048x128xf32>
    %max3A_17 = arith.maximumf %add3A_9, %max3A_16 : vector<2048x128xf32>
    %reduce_sum3A = arith.constant dense<0.000000e+00> : vector<2048xf32>
    %reduce_sum3A_18 = vector.multi_reduction <add>, %max3A_17, %reduce_sum3A [1] : vector<2048x128xf32> to vector<2048xf32>
    %broadcast_in_dim3A = vector.shape_cast %reduce_sum3A_18 : vector<2048xf32> to vector<2048x1xf32>
    %div3A = arith.constant 1.280000e+02 : f32
    %div3A_19 = vector.broadcast %div3A : f32 to vector<2048x1xf32>
    %div3A_20 = arith.divf %broadcast_in_dim3A, %div3A_19 : vector<2048x1xf32>
    %sub3A = vector.broadcast %div3A_20 : vector<2048x1xf32> to vector<2048x128xf32>
    %sub3A_21 = arith.subf %max3A_17, %sub3A : vector<2048x128xf32>
    %mul3A = arith.mulf %sub3A_21, %sub3A_21 : vector<2048x128xf32>
    %reduce_sum3A_22 = arith.constant dense<0.000000e+00> : vector<2048xf32>
    %reduce_sum3A_23 = vector.multi_reduction <add>, %mul3A, %reduce_sum3A_22 [1] : vector<2048x128xf32> to vector<2048xf32>
    %broadcast_in_dim3A_24 = vector.shape_cast %reduce_sum3A_23 : vector<2048xf32> to vector<2048x1xf32>
    %div3A_25 = arith.constant 1.280000e+02 : f32
    %div3A_26 = vector.broadcast %div3A_25 : f32 to vector<2048x1xf32>
    %div3A_27 = arith.divf %broadcast_in_dim3A_24, %div3A_26 : vector<2048x1xf32>
    %add3A_28 = arith.constant 9.99999974E-6 : f32
    %add3A_29 = vector.broadcast %add3A_28 : f32 to vector<2048x1xf32>
    %add3A_30 = arith.addf %div3A_27, %add3A_29 : vector<2048x1xf32>
    %rsqrt3A = math.rsqrt %add3A_30 : vector<2048x1xf32>
    %mul3A_31 = vector.broadcast %rsqrt3A : vector<2048x1xf32> to vector<2048x128xf32>
    %mul3A_32 = arith.mulf %sub3A_21, %mul3A_31 : vector<2048x128xf32>
    %mul3A_33 = vector.broadcast %get3A_12 : vector<1x128xf32> to vector<2048x128xf32>
    %mul3A_34 = arith.mulf %mul3A_32, %mul3A_33 : vector<2048x128xf32>
    %add3A_35 = vector.broadcast %get3A_15 : vector<1x128xf32> to vector<2048x128xf32>
    %add3A_36 = arith.addf %mul3A_34, %add3A_35 : vector<2048x128xf32>
    %get3A_37 = arith.constant 0 : index
    %get3A_38 = arith.constant 0 : index
    %get3A_39 = vector.load %arg6[%get3A_37, %get3A_38] : memref<128x128xf32, #tpu.memory_space<vmem>>, vector<128x128xf32>
    %dot_general3A_40 = arith.constant dense<0.000000e+00> : vector<2048x128xf32>
    %dot_general3A_41 = tpu.matmul %add3A_36, %get3A_39, %dot_general3A_40 {dimension_numbers = #tpu.dot_dimension_numbers<[1], [0], [0], [1], [0, 0, 1, 1], [], []>, transpose_lhs_hint = false} : vector<2048x128xf32>, vector<128x128xf32>, vector<2048x128xf32> -> vector<2048x128xf32>
    %swap3A = arith.constant 0 : index
    %swap3A_42 = arith.constant 0 : index
    %swap3A_43 = vector.load %arg8[%swap3A, %swap3A_42] : memref<2048x128xf32, #tpu.memory_space<vmem>>, vector<2048x128xf32>
    tpu.vector_store %arg8[%swap3A, %swap3A_42], %dot_general3A_41 {strides = array<i32>} : memref<2048x128xf32, #tpu.memory_space<vmem>>, vector<2048x128xf32>,
    %get3A_44 = arith.constant 0 : index
    %get3A_45 = arith.constant 0 : index
    %get3A_46 = vector.load %arg7[%get3A_44, %get3A_45] : memref<128x128xf32, #tpu.memory_space<vmem>>, vector<128x128xf32>
    %dot_general3A_47 = arith.constant dense<0.000000e+00> : vector<2048x128xf32>
    %dot_general3A_48 = tpu.matmul %add3A_36, %get3A_46, %dot_general3A_47 {dimension_numbers = #tpu.dot_dimension_numbers<[1], [0], [0], [1], [0, 0, 1, 1], [], []>, transpose_lhs_hint = false} : vector<2048x128xf32>, vector<128x128xf32>, vector<2048x128xf32> -> vector<2048x128xf32>
    %swap3A_49 = arith.constant 0 : index
    %swap3A_50 = arith.constant 0 : index
    %swap3A_51 = vector.load %arg9[%swap3A_49, %swap3A_50] : memref<2048x128xf32, #tpu.memory_space<vmem>>, vector<2048x128xf32>
    tpu.vector_store %arg9[%swap3A_49, %swap3A_50], %dot_general3A_48 {strides = array<i32>} : memref<2048x128xf32, #tpu.memory_space<vmem>>, vector<2048x128xf32>,
    return
  }
  func.func @transform_0(%arg0: i32) -> (i32, i32) {
    %c0_i32 = arith.constant 0 : i32
    %c0_i32_0 = arith.constant 0 : i32
    return %arg0, %c0_i32 : i32, i32
  }
  func.func @transform_1(%arg0: i32) -> (i32, i32) {
    %c0_i32 = arith.constant 0 : i32
    %c0_i32_0 = arith.constant 0 : i32
    %c0_i32_1 = arith.constant 0 : i32
    return %c0_i32, %c0_i32_0 : i32, i32
  }
  func.func @transform_2(%arg0: i32) -> (i32, i32) {
    %c0_i32 = arith.constant 0 : i32
    %c0_i32_0 = arith.constant 0 : i32
    %c0_i32_1 = arith.constant 0 : i32
    return %c0_i32, %c0_i32_0 : i32, i32
  }
  func.func @transform_3(%arg0: i32) -> (i32, i32) {
    %c0_i32 = arith.constant 0 : i32
    %c0_i32_0 = arith.constant 0 : i32
    %c0_i32_1 = arith.constant 0 : i32
    return %c0_i32, %c0_i32_0 : i32, i32
  }
  func.func @transform_4(%arg0: i32) -> (i32, i32) {
    %c0_i32 = arith.constant 0 : i32
    %c0_i32_0 = arith.constant 0 : i32
    %c0_i32_1 = arith.constant 0 : i32
    return %c0_i32, %c0_i32_0 : i32, i32
  }
  func.func @transform_5(%arg0: i32) -> (i32, i32) {
    %c0_i32 = arith.constant 0 : i32
    %c0_i32_0 = arith.constant 0 : i32
    %c0_i32_1 = arith.constant 0 : i32
    return %c0_i32, %c0_i32_0 : i32, i32
  }
  func.func @transform_6(%arg0: i32) -> (i32, i32) {
    %c0_i32 = arith.constant 0 : i32
    %c0_i32_0 = arith.constant 0 : i32
    %c0_i32_1 = arith.constant 0 : i32
    return %c0_i32, %c0_i32_0 : i32, i32
  }
  func.func @transform_7(%arg0: i32) -> (i32, i32) {
    %c0_i32 = arith.constant 0 : i32
    %c0_i32_0 = arith.constant 0 : i32
    return %arg0, %c0_i32 : i32, i32
  }
  func.func @transform_8(%arg0: i32) -> (i32, i32) {
    %c0_i32 = arith.constant 0 : i32
    %c0_i32_0 = arith.constant 0 : i32
    return %arg0, %c0_i32 : i32, i32
  }
}

module attributes {stable_mosaic.version = 14 : i64} {
  func.func @body(%arg0: i32, %arg1: memref<2048x128xf32, #tpu.memory_space<vmem>>, %arg2: memref<2048x128xf32, #tpu.memory_space<vmem>>, %arg3: memref<2048x128xf32, #tpu.memory_space<vmem>>, %arg4: memref<1x128xf32, #tpu.memory_space<vmem>>, %arg5: memref<1x128xf32, #tpu.memory_space<vmem>>, %arg6: memref<1x128xf32, #tpu.memory_space<vmem>>, %arg7: memref<128x128xf32, #tpu.memory_space<vmem>>, %arg8: memref<1x128xf32, #tpu.memory_space<vmem>>, %arg9: memref<1x128xf32, #tpu.memory_space<vmem>>, %arg10: memref<1x128xf32, #tpu.memory_space<vmem>>, %arg11: memref<128x128xf32, #tpu.memory_space<vmem>>, %arg12: memref<1x128xf32, #tpu.memory_space<vmem>>, %arg13: memref<1x128xf32, #tpu.memory_space<vmem>>, %arg14: memref<1x128xf32, #tpu.memory_space<vmem>>, %arg15: memref<1x128xf32, #tpu.memory_space<vmem>>, %arg16: memref<1x1xf32, #tpu.memory_space<vmem>>, %arg17: memref<2048x128xf32, #tpu.memory_space<vmem>>, %arg18: memref<16x128xf32, #tpu.memory_space<vmem>>) attributes {dimension_semantics = [#tpu.dimension_semantics<arbitrary>], iteration_bounds = array<i64: 40>, scalar_prefetch = 0 : i64, scratch_operands = 0 : i64, tpu.core_type = #tpu.core_type<tc>, window_params = [{transform_indices = @transform_0, window_bounds = array<i64: 2048, 128>}, {transform_indices = @transform_1, window_bounds = array<i64: 2048, 128>}, {transform_indices = @transform_2, window_bounds = array<i64: 2048, 128>}, {pipeline_mode = #tpu.pipeline_mode<synchronous>, transform_indices = @transform_3, window_bounds = array<i64: 1, 128>}, {pipeline_mode = #tpu.pipeline_mode<synchronous>, transform_indices = @transform_4, window_bounds = array<i64: 1, 128>}, {pipeline_mode = #tpu.pipeline_mode<synchronous>, transform_indices = @transform_5, window_bounds = array<i64: 1, 128>}, {pipeline_mode = #tpu.pipeline_mode<synchronous>, transform_indices = @transform_6, window_bounds = array<i64: 128, 128>}, {pipeline_mode = #tpu.pipeline_mode<synchronous>, transform_indices = @transform_7, window_bounds = array<i64: 1, 128>}, {pipeline_mode = #tpu.pipeline_mode<synchronous>, transform_indices = @transform_8, window_bounds = array<i64: 1, 128>}, {pipeline_mode = #tpu.pipeline_mode<synchronous>, transform_indices = @transform_9, window_bounds = array<i64: 1, 128>}, {pipeline_mode = #tpu.pipeline_mode<synchronous>, transform_indices = @transform_10, window_bounds = array<i64: 128, 128>}, {pipeline_mode = #tpu.pipeline_mode<synchronous>, transform_indices = @transform_11, window_bounds = array<i64: 1, 128>}, {pipeline_mode = #tpu.pipeline_mode<synchronous>, transform_indices = @transform_12, window_bounds = array<i64: 1, 128>}, {pipeline_mode = #tpu.pipeline_mode<synchronous>, transform_indices = @transform_13, window_bounds = array<i64: 1, 128>}, {pipeline_mode = #tpu.pipeline_mode<synchronous>, transform_indices = @transform_14, window_bounds = array<i64: 1, 128>}, {pipeline_mode = #tpu.pipeline_mode<synchronous>, transform_indices = @transform_15, window_bounds = array<i64: 1, 1>}, {transform_indices = @transform_16, window_bounds = array<i64: 2048, 128>}, {transform_indices = @transform_17, window_bounds = array<i64: 16, 128>}]} {
    %get3A = arith.constant 0 : index
    %get3A_0 = arith.constant 0 : index
    %get3A_1 = vector.load %arg1[%get3A, %get3A_0] : memref<2048x128xf32, #tpu.memory_space<vmem>>, vector<2048x128xf32>
    %get3A_2 = arith.constant 0 : index
    %get3A_3 = arith.constant 0 : index
    %get3A_4 = vector.load %arg2[%get3A_2, %get3A_3] : memref<2048x128xf32, #tpu.memory_space<vmem>>, vector<2048x128xf32>
    %add3A = arith.addf %get3A_1, %get3A_4 : vector<2048x128xf32>
    %get3A_5 = arith.constant 0 : index
    %get3A_6 = arith.constant 0 : index
    %get3A_7 = vector.load %arg3[%get3A_5, %get3A_6] : memref<2048x128xf32, #tpu.memory_space<vmem>>, vector<2048x128xf32>
    %add3A_8 = arith.addf %add3A, %get3A_7 : vector<2048x128xf32>
    %get3A_9 = arith.constant 0 : index
    %get3A_10 = arith.constant 0 : index
    %get3A_11 = vector.load %arg4[%get3A_9, %get3A_10] : memref<1x128xf32, #tpu.memory_space<vmem>>, vector<1x128xf32>
    %add3A_12 = vector.broadcast %get3A_11 : vector<1x128xf32> to vector<2048x128xf32>
    %add3A_13 = arith.addf %add3A_8, %add3A_12 : vector<2048x128xf32>
    %get3A_14 = arith.constant 0 : index
    %get3A_15 = arith.constant 0 : index
    %get3A_16 = vector.load %arg5[%get3A_14, %get3A_15] : memref<1x128xf32, #tpu.memory_space<vmem>>, vector<1x128xf32>
    %get3A_17 = arith.constant 0 : index
    %get3A_18 = arith.constant 0 : index
    %get3A_19 = vector.load %arg6[%get3A_17, %get3A_18] : memref<1x128xf32, #tpu.memory_space<vmem>>, vector<1x128xf32>
    %max3A = arith.constant 0.000000e+00 : f32
    %max3A_20 = vector.broadcast %max3A : f32 to vector<2048x128xf32>
    %max3A_21 = arith.maximumf %add3A_13, %max3A_20 : vector<2048x128xf32>
    %reduce_sum3A = arith.constant dense<0.000000e+00> : vector<2048xf32>
    %reduce_sum3A_22 = vector.multi_reduction <add>, %max3A_21, %reduce_sum3A [1] : vector<2048x128xf32> to vector<2048xf32>
    %broadcast_in_dim3A = vector.shape_cast %reduce_sum3A_22 : vector<2048xf32> to vector<2048x1xf32>
    %div3A = arith.constant 1.280000e+02 : f32
    %div3A_23 = vector.broadcast %div3A : f32 to vector<2048x1xf32>
    %div3A_24 = arith.divf %broadcast_in_dim3A, %div3A_23 : vector<2048x1xf32>
    %sub3A = vector.broadcast %div3A_24 : vector<2048x1xf32> to vector<2048x128xf32>
    %sub3A_25 = arith.subf %max3A_21, %sub3A : vector<2048x128xf32>
    %mul3A = arith.mulf %sub3A_25, %sub3A_25 : vector<2048x128xf32>
    %reduce_sum3A_26 = arith.constant dense<0.000000e+00> : vector<2048xf32>
    %reduce_sum3A_27 = vector.multi_reduction <add>, %mul3A, %reduce_sum3A_26 [1] : vector<2048x128xf32> to vector<2048xf32>
    %broadcast_in_dim3A_28 = vector.shape_cast %reduce_sum3A_27 : vector<2048xf32> to vector<2048x1xf32>
    %div3A_29 = arith.constant 1.280000e+02 : f32
    %div3A_30 = vector.broadcast %div3A_29 : f32 to vector<2048x1xf32>
    %div3A_31 = arith.divf %broadcast_in_dim3A_28, %div3A_30 : vector<2048x1xf32>
    %add3A_32 = arith.constant 9.99999974E-6 : f32
    %add3A_33 = vector.broadcast %add3A_32 : f32 to vector<2048x1xf32>
    %add3A_34 = arith.addf %div3A_31, %add3A_33 : vector<2048x1xf32>
    %rsqrt3A = math.rsqrt %add3A_34 : vector<2048x1xf32>
    %mul3A_35 = vector.broadcast %rsqrt3A : vector<2048x1xf32> to vector<2048x128xf32>
    %mul3A_36 = arith.mulf %sub3A_25, %mul3A_35 : vector<2048x128xf32>
    %mul3A_37 = vector.broadcast %get3A_16 : vector<1x128xf32> to vector<2048x128xf32>
    %mul3A_38 = arith.mulf %mul3A_36, %mul3A_37 : vector<2048x128xf32>
    %add3A_39 = vector.broadcast %get3A_19 : vector<1x128xf32> to vector<2048x128xf32>
    %add3A_40 = arith.addf %mul3A_38, %add3A_39 : vector<2048x128xf32>
    %swap3A = arith.constant 0 : index
    %swap3A_41 = arith.constant 0 : index
    %swap3A_42 = vector.load %arg17[%swap3A, %swap3A_41] : memref<2048x128xf32, #tpu.memory_space<vmem>>, vector<2048x128xf32>
    tpu.vector_store %arg17[%swap3A, %swap3A_41], %add3A_40 {strides = array<i32>} : memref<2048x128xf32, #tpu.memory_space<vmem>>, vector<2048x128xf32>,
    %get3A_43 = arith.constant 0 : index
    %get3A_44 = arith.constant 0 : index
    %get3A_45 = vector.load %arg7[%get3A_43, %get3A_44] : memref<128x128xf32, #tpu.memory_space<vmem>>, vector<128x128xf32>
    %dot_general3A = arith.constant dense<0.000000e+00> : vector<2048x128xf32>
    %dot_general3A_46 = tpu.matmul %add3A_40, %get3A_45, %dot_general3A {dimension_numbers = #tpu.dot_dimension_numbers<[1], [0], [0], [1], [0, 0, 1, 1], [], []>, transpose_lhs_hint = false} : vector<2048x128xf32>, vector<128x128xf32>, vector<2048x128xf32> -> vector<2048x128xf32>
    %get3A_47 = arith.constant 0 : index
    %get3A_48 = arith.constant 0 : index
    %get3A_49 = vector.load %arg8[%get3A_47, %get3A_48] : memref<1x128xf32, #tpu.memory_space<vmem>>, vector<1x128xf32>
    %add3A_50 = vector.broadcast %get3A_49 : vector<1x128xf32> to vector<2048x128xf32>
    %add3A_51 = arith.addf %dot_general3A_46, %add3A_50 : vector<2048x128xf32>
    %get3A_52 = arith.constant 0 : index
    %get3A_53 = arith.constant 0 : index
    %get3A_54 = vector.load %arg9[%get3A_52, %get3A_53] : memref<1x128xf32, #tpu.memory_space<vmem>>, vector<1x128xf32>
    %get3A_55 = arith.constant 0 : index
    %get3A_56 = arith.constant 0 : index
    %get3A_57 = vector.load %arg10[%get3A_55, %get3A_56] : memref<1x128xf32, #tpu.memory_space<vmem>>, vector<1x128xf32>
    %max3A_58 = arith.constant 0.000000e+00 : f32
    %max3A_59 = vector.broadcast %max3A_58 : f32 to vector<2048x128xf32>
    %max3A_60 = arith.maximumf %add3A_51, %max3A_59 : vector<2048x128xf32>
    %reduce_sum3A_61 = arith.constant dense<0.000000e+00> : vector<2048xf32>
    %reduce_sum3A_62 = vector.multi_reduction <add>, %max3A_60, %reduce_sum3A_61 [1] : vector<2048x128xf32> to vector<2048xf32>
    %broadcast_in_dim3A_63 = vector.shape_cast %reduce_sum3A_62 : vector<2048xf32> to vector<2048x1xf32>
    %div3A_64 = arith.constant 1.280000e+02 : f32
    %div3A_65 = vector.broadcast %div3A_64 : f32 to vector<2048x1xf32>
    %div3A_66 = arith.divf %broadcast_in_dim3A_63, %div3A_65 : vector<2048x1xf32>
    %sub3A_67 = vector.broadcast %div3A_66 : vector<2048x1xf32> to vector<2048x128xf32>
    %sub3A_68 = arith.subf %max3A_60, %sub3A_67 : vector<2048x128xf32>
    %mul3A_69 = arith.mulf %sub3A_68, %sub3A_68 : vector<2048x128xf32>
    %reduce_sum3A_70 = arith.constant dense<0.000000e+00> : vector<2048xf32>
    %reduce_sum3A_71 = vector.multi_reduction <add>, %mul3A_69, %reduce_sum3A_70 [1] : vector<2048x128xf32> to vector<2048xf32>
    %broadcast_in_dim3A_72 = vector.shape_cast %reduce_sum3A_71 : vector<2048xf32> to vector<2048x1xf32>
    %div3A_73 = arith.constant 1.280000e+02 : f32
    %div3A_74 = vector.broadcast %div3A_73 : f32 to vector<2048x1xf32>
    %div3A_75 = arith.divf %broadcast_in_dim3A_72, %div3A_74 : vector<2048x1xf32>
    %add3A_76 = arith.constant 9.99999974E-6 : f32
    %add3A_77 = vector.broadcast %add3A_76 : f32 to vector<2048x1xf32>
    %add3A_78 = arith.addf %div3A_75, %add3A_77 : vector<2048x1xf32>
    %rsqrt3A_79 = math.rsqrt %add3A_78 : vector<2048x1xf32>
    %mul3A_80 = vector.broadcast %rsqrt3A_79 : vector<2048x1xf32> to vector<2048x128xf32>
    %mul3A_81 = arith.mulf %sub3A_68, %mul3A_80 : vector<2048x128xf32>
    %mul3A_82 = vector.broadcast %get3A_54 : vector<1x128xf32> to vector<2048x128xf32>
    %mul3A_83 = arith.mulf %mul3A_81, %mul3A_82 : vector<2048x128xf32>
    %add3A_84 = vector.broadcast %get3A_57 : vector<1x128xf32> to vector<2048x128xf32>
    %add3A_85 = arith.addf %mul3A_83, %add3A_84 : vector<2048x128xf32>
    %get3A_86 = arith.constant 0 : index
    %get3A_87 = arith.constant 0 : index
    %get3A_88 = vector.load %arg11[%get3A_86, %get3A_87] : memref<128x128xf32, #tpu.memory_space<vmem>>, vector<128x128xf32>
    %dot_general3A_89 = arith.constant dense<0.000000e+00> : vector<2048x128xf32>
    %dot_general3A_90 = tpu.matmul %add3A_85, %get3A_88, %dot_general3A_89 {dimension_numbers = #tpu.dot_dimension_numbers<[1], [0], [0], [1], [0, 0, 1, 1], [], []>, transpose_lhs_hint = false} : vector<2048x128xf32>, vector<128x128xf32>, vector<2048x128xf32> -> vector<2048x128xf32>
    %get3A_91 = arith.constant 0 : index
    %get3A_92 = arith.constant 0 : index
    %get3A_93 = vector.load %arg12[%get3A_91, %get3A_92] : memref<1x128xf32, #tpu.memory_space<vmem>>, vector<1x128xf32>
    %add3A_94 = vector.broadcast %get3A_93 : vector<1x128xf32> to vector<2048x128xf32>
    %add3A_95 = arith.addf %dot_general3A_90, %add3A_94 : vector<2048x128xf32>
    %get3A_96 = arith.constant 0 : index
    %get3A_97 = arith.constant 0 : index
    %get3A_98 = vector.load %arg13[%get3A_96, %get3A_97] : memref<1x128xf32, #tpu.memory_space<vmem>>, vector<1x128xf32>
    %get3A_99 = arith.constant 0 : index
    %get3A_100 = arith.constant 0 : index
    %get3A_101 = vector.load %arg14[%get3A_99, %get3A_100] : memref<1x128xf32, #tpu.memory_space<vmem>>, vector<1x128xf32>
    %max3A_102 = arith.constant 0.000000e+00 : f32
    %max3A_103 = vector.broadcast %max3A_102 : f32 to vector<2048x128xf32>
    %max3A_104 = arith.maximumf %add3A_95, %max3A_103 : vector<2048x128xf32>
    %reduce_sum3A_105 = arith.constant dense<0.000000e+00> : vector<2048xf32>
    %reduce_sum3A_106 = vector.multi_reduction <add>, %max3A_104, %reduce_sum3A_105 [1] : vector<2048x128xf32> to vector<2048xf32>
    %broadcast_in_dim3A_107 = vector.shape_cast %reduce_sum3A_106 : vector<2048xf32> to vector<2048x1xf32>
    %div3A_108 = arith.constant 1.280000e+02 : f32
    %div3A_109 = vector.broadcast %div3A_108 : f32 to vector<2048x1xf32>
    %div3A_110 = arith.divf %broadcast_in_dim3A_107, %div3A_109 : vector<2048x1xf32>
    %sub3A_111 = vector.broadcast %div3A_110 : vector<2048x1xf32> to vector<2048x128xf32>
    %sub3A_112 = arith.subf %max3A_104, %sub3A_111 : vector<2048x128xf32>
    %mul3A_113 = arith.mulf %sub3A_112, %sub3A_112 : vector<2048x128xf32>
    %reduce_sum3A_114 = arith.constant dense<0.000000e+00> : vector<2048xf32>
    %reduce_sum3A_115 = vector.multi_reduction <add>, %mul3A_113, %reduce_sum3A_114 [1] : vector<2048x128xf32> to vector<2048xf32>
    %broadcast_in_dim3A_116 = vector.shape_cast %reduce_sum3A_115 : vector<2048xf32> to vector<2048x1xf32>
    %div3A_117 = arith.constant 1.280000e+02 : f32
    %div3A_118 = vector.broadcast %div3A_117 : f32 to vector<2048x1xf32>
    %div3A_119 = arith.divf %broadcast_in_dim3A_116, %div3A_118 : vector<2048x1xf32>
    %add3A_120 = arith.constant 9.99999974E-6 : f32
    %add3A_121 = vector.broadcast %add3A_120 : f32 to vector<2048x1xf32>
    %add3A_122 = arith.addf %div3A_119, %add3A_121 : vector<2048x1xf32>
    %rsqrt3A_123 = math.rsqrt %add3A_122 : vector<2048x1xf32>
    %mul3A_124 = vector.broadcast %rsqrt3A_123 : vector<2048x1xf32> to vector<2048x128xf32>
    %mul3A_125 = arith.mulf %sub3A_112, %mul3A_124 : vector<2048x128xf32>
    %mul3A_126 = vector.broadcast %get3A_98 : vector<1x128xf32> to vector<2048x128xf32>
    %mul3A_127 = arith.mulf %mul3A_125, %mul3A_126 : vector<2048x128xf32>
    %add3A_128 = vector.broadcast %get3A_101 : vector<1x128xf32> to vector<2048x128xf32>
    %add3A_129 = arith.addf %mul3A_127, %add3A_128 : vector<2048x128xf32>
    %get3A_130 = arith.constant 0 : index
    %get3A_131 = arith.constant 0 : index
    %get3A_132 = vector.load %arg15[%get3A_130, %get3A_131] : memref<1x128xf32, #tpu.memory_space<vmem>>, vector<1x128xf32>
    %mul3A_133 = vector.broadcast %get3A_132 : vector<1x128xf32> to vector<2048x128xf32>
    %mul3A_134 = arith.mulf %add3A_129, %mul3A_133 : vector<2048x128xf32>
    %reduce_sum3A_135 = arith.constant dense<0.000000e+00> : vector<2048xf32>
    %reduce_sum3A_136 = vector.multi_reduction <add>, %mul3A_134, %reduce_sum3A_135 [1] : vector<2048x128xf32> to vector<2048xf32>
    %get3A_137 = arith.constant 0 : index
    %get3A_138 = arith.constant 0 : index
    %get3A_139 = vector.load %arg16[%get3A_137, %get3A_138] : memref<1x1xf32, #tpu.memory_space<vmem>>, vector<1x1xf32>
    %get3A_140 = vector.extract %get3A_139[0, 0] : f32 from vector<1x1xf32>
    %add3A_141 = vector.broadcast %get3A_140 : f32 to vector<2048xf32>
    %add3A_142 = arith.addf %reduce_sum3A_136, %add3A_141 : vector<2048xf32>
    %reshape3A = vector.shape_cast %add3A_142 : vector<2048xf32> to vector<16x128xf32>
    %swap3A_143 = arith.constant 0 : index
    %swap3A_144 = arith.constant 0 : index
    %swap3A_145 = vector.load %arg18[%swap3A_143, %swap3A_144] : memref<16x128xf32, #tpu.memory_space<vmem>>, vector<16x128xf32>
    tpu.vector_store %arg18[%swap3A_143, %swap3A_144], %reshape3A {strides = array<i32>} : memref<16x128xf32, #tpu.memory_space<vmem>>, vector<16x128xf32>,
    return
  }
  func.func @transform_0(%arg0: i32) -> (i32, i32) {
    %add3A = arith.constant 0 : i32
    %add3A_0 = arith.addi %arg0, %add3A : i32
    %c0_i32 = arith.constant 0 : i32
    %c0_i32_1 = arith.constant 0 : i32
    return %add3A_0, %c0_i32 : i32, i32
  }
  func.func @transform_1(%arg0: i32) -> (i32, i32) {
    %c0_i32 = arith.constant 0 : i32
    %c0_i32_0 = arith.constant 0 : i32
    return %arg0, %c0_i32 : i32, i32
  }
  func.func @transform_2(%arg0: i32) -> (i32, i32) {
    %c0_i32 = arith.constant 0 : i32
    %c0_i32_0 = arith.constant 0 : i32
    return %arg0, %c0_i32 : i32, i32
  }
  func.func @transform_3(%arg0: i32) -> (i32, i32) {
    %c0_i32 = arith.constant 0 : i32
    %c0_i32_0 = arith.constant 0 : i32
    %c0_i32_1 = arith.constant 0 : i32
    return %c0_i32, %c0_i32_0 : i32, i32
  }
  func.func @transform_4(%arg0: i32) -> (i32, i32) {
    %c0_i32 = arith.constant 0 : i32
    %c0_i32_0 = arith.constant 0 : i32
    %c0_i32_1 = arith.constant 0 : i32
    return %c0_i32, %c0_i32_0 : i32, i32
  }
  func.func @transform_5(%arg0: i32) -> (i32, i32) {
    %c0_i32 = arith.constant 0 : i32
    %c0_i32_0 = arith.constant 0 : i32
    %c0_i32_1 = arith.constant 0 : i32
    return %c0_i32, %c0_i32_0 : i32, i32
  }
  func.func @transform_6(%arg0: i32) -> (i32, i32) {
    %c0_i32 = arith.constant 0 : i32
    %c0_i32_0 = arith.constant 0 : i32
    %c0_i32_1 = arith.constant 0 : i32
    return %c0_i32, %c0_i32_0 : i32, i32
  }
  func.func @transform_7(%arg0: i32) -> (i32, i32) {
    %c0_i32 = arith.constant 0 : i32
    %c0_i32_0 = arith.constant 0 : i32
    %c0_i32_1 = arith.constant 0 : i32
    return %c0_i32, %c0_i32_0 : i32, i32
  }
  func.func @transform_8(%arg0: i32) -> (i32, i32) {
    %c0_i32 = arith.constant 0 : i32
    %c0_i32_0 = arith.constant 0 : i32
    %c0_i32_1 = arith.constant 0 : i32
    return %c0_i32, %c0_i32_0 : i32, i32
  }
  func.func @transform_9(%arg0: i32) -> (i32, i32) {
    %c0_i32 = arith.constant 0 : i32
    %c0_i32_0 = arith.constant 0 : i32
    %c0_i32_1 = arith.constant 0 : i32
    return %c0_i32, %c0_i32_0 : i32, i32
  }
  func.func @transform_10(%arg0: i32) -> (i32, i32) {
    %c0_i32 = arith.constant 0 : i32
    %c0_i32_0 = arith.constant 0 : i32
    %c0_i32_1 = arith.constant 0 : i32
    return %c0_i32, %c0_i32_0 : i32, i32
  }
  func.func @transform_11(%arg0: i32) -> (i32, i32) {
    %c0_i32 = arith.constant 0 : i32
    %c0_i32_0 = arith.constant 0 : i32
    %c0_i32_1 = arith.constant 0 : i32
    return %c0_i32, %c0_i32_0 : i32, i32
  }
  func.func @transform_12(%arg0: i32) -> (i32, i32) {
    %c0_i32 = arith.constant 0 : i32
    %c0_i32_0 = arith.constant 0 : i32
    %c0_i32_1 = arith.constant 0 : i32
    return %c0_i32, %c0_i32_0 : i32, i32
  }
  func.func @transform_13(%arg0: i32) -> (i32, i32) {
    %c0_i32 = arith.constant 0 : i32
    %c0_i32_0 = arith.constant 0 : i32
    %c0_i32_1 = arith.constant 0 : i32
    return %c0_i32, %c0_i32_0 : i32, i32
  }
  func.func @transform_14(%arg0: i32) -> (i32, i32) {
    %c0_i32 = arith.constant 0 : i32
    %c0_i32_0 = arith.constant 0 : i32
    %c0_i32_1 = arith.constant 0 : i32
    return %c0_i32, %c0_i32_0 : i32, i32
  }
  func.func @transform_15(%arg0: i32) -> (i32, i32) {
    %c0_i32 = arith.constant 0 : i32
    %c0_i32_0 = arith.constant 0 : i32
    %c0_i32_1 = arith.constant 0 : i32
    return %c0_i32, %c0_i32_0 : i32, i32
  }
  func.func @transform_16(%arg0: i32) -> (i32, i32) {
    %c0_i32 = arith.constant 0 : i32
    %c0_i32_0 = arith.constant 0 : i32
    return %arg0, %c0_i32 : i32, i32
  }
  func.func @transform_17(%arg0: i32) -> (i32, i32) {
    %c0_i32 = arith.constant 0 : i32
    %c0_i32_0 = arith.constant 0 : i32
    return %arg0, %c0_i32 : i32, i32
  }
}

module attributes {stable_mosaic.version = 14 : i64} {
  func.func @body(%arg0: i32, %arg1: memref<2048x128xf32, #tpu.memory_space<vmem>>, %arg2: memref<2048x128xf32, #tpu.memory_space<vmem>>, %arg3: memref<2048x128xf32, #tpu.memory_space<vmem>>, %arg4: memref<1x128xf32, #tpu.memory_space<vmem>>, %arg5: memref<1x128xf32, #tpu.memory_space<vmem>>, %arg6: memref<1x128xf32, #tpu.memory_space<vmem>>, %arg7: memref<128x128xf32, #tpu.memory_space<vmem>>, %arg8: memref<1x128xf32, #tpu.memory_space<vmem>>, %arg9: memref<1x128xf32, #tpu.memory_space<vmem>>, %arg10: memref<1x128xf32, #tpu.memory_space<vmem>>, %arg11: memref<128x128xf32, #tpu.memory_space<vmem>>, %arg12: memref<1x128xf32, #tpu.memory_space<vmem>>, %arg13: memref<1x128xf32, #tpu.memory_space<vmem>>, %arg14: memref<1x128xf32, #tpu.memory_space<vmem>>, %arg15: memref<1x128xf32, #tpu.memory_space<vmem>>, %arg16: memref<1x1xf32, #tpu.memory_space<vmem>>, %arg17: memref<2048x128xf32, #tpu.memory_space<vmem>>, %arg18: memref<16x128xf32, #tpu.memory_space<vmem>>) attributes {dimension_semantics = [#tpu.dimension_semantics<arbitrary>], iteration_bounds = array<i64: 40>, scalar_prefetch = 0 : i64, scratch_operands = 0 : i64, tpu.core_type = #tpu.core_type<tc>, window_params = [{transform_indices = @transform_0, window_bounds = array<i64: 2048, 128>}, {transform_indices = @transform_1, window_bounds = array<i64: 2048, 128>}, {transform_indices = @transform_2, window_bounds = array<i64: 2048, 128>}, {pipeline_mode = #tpu.pipeline_mode<synchronous>, transform_indices = @transform_3, window_bounds = array<i64: 1, 128>}, {pipeline_mode = #tpu.pipeline_mode<synchronous>, transform_indices = @transform_4, window_bounds = array<i64: 1, 128>}, {pipeline_mode = #tpu.pipeline_mode<synchronous>, transform_indices = @transform_5, window_bounds = array<i64: 1, 128>}, {pipeline_mode = #tpu.pipeline_mode<synchronous>, transform_indices = @transform_6, window_bounds = array<i64: 128, 128>}, {pipeline_mode = #tpu.pipeline_mode<synchronous>, transform_indices = @transform_7, window_bounds = array<i64: 1, 128>}, {pipeline_mode = #tpu.pipeline_mode<synchronous>, transform_indices = @transform_8, window_bounds = array<i64: 1, 128>}, {pipeline_mode = #tpu.pipeline_mode<synchronous>, transform_indices = @transform_9, window_bounds = array<i64: 1, 128>}, {pipeline_mode = #tpu.pipeline_mode<synchronous>, transform_indices = @transform_10, window_bounds = array<i64: 128, 128>}, {pipeline_mode = #tpu.pipeline_mode<synchronous>, transform_indices = @transform_11, window_bounds = array<i64: 1, 128>}, {pipeline_mode = #tpu.pipeline_mode<synchronous>, transform_indices = @transform_12, window_bounds = array<i64: 1, 128>}, {pipeline_mode = #tpu.pipeline_mode<synchronous>, transform_indices = @transform_13, window_bounds = array<i64: 1, 128>}, {pipeline_mode = #tpu.pipeline_mode<synchronous>, transform_indices = @transform_14, window_bounds = array<i64: 1, 128>}, {pipeline_mode = #tpu.pipeline_mode<synchronous>, transform_indices = @transform_15, window_bounds = array<i64: 1, 1>}, {transform_indices = @transform_16, window_bounds = array<i64: 2048, 128>}, {transform_indices = @transform_17, window_bounds = array<i64: 16, 128>}]} {
    %get3A = arith.constant 0 : index
    %get3A_0 = arith.constant 0 : index
    %get3A_1 = vector.load %arg1[%get3A, %get3A_0] : memref<2048x128xf32, #tpu.memory_space<vmem>>, vector<2048x128xf32>
    %get3A_2 = arith.constant 0 : index
    %get3A_3 = arith.constant 0 : index
    %get3A_4 = vector.load %arg2[%get3A_2, %get3A_3] : memref<2048x128xf32, #tpu.memory_space<vmem>>, vector<2048x128xf32>
    %add3A = arith.addf %get3A_1, %get3A_4 : vector<2048x128xf32>
    %get3A_5 = arith.constant 0 : index
    %get3A_6 = arith.constant 0 : index
    %get3A_7 = vector.load %arg3[%get3A_5, %get3A_6] : memref<2048x128xf32, #tpu.memory_space<vmem>>, vector<2048x128xf32>
    %add3A_8 = arith.addf %add3A, %get3A_7 : vector<2048x128xf32>
    %get3A_9 = arith.constant 0 : index
    %get3A_10 = arith.constant 0 : index
    %get3A_11 = vector.load %arg4[%get3A_9, %get3A_10] : memref<1x128xf32, #tpu.memory_space<vmem>>, vector<1x128xf32>
    %add3A_12 = vector.broadcast %get3A_11 : vector<1x128xf32> to vector<2048x128xf32>
    %add3A_13 = arith.addf %add3A_8, %add3A_12 : vector<2048x128xf32>
    %get3A_14 = arith.constant 0 : index
    %get3A_15 = arith.constant 0 : index
    %get3A_16 = vector.load %arg5[%get3A_14, %get3A_15] : memref<1x128xf32, #tpu.memory_space<vmem>>, vector<1x128xf32>
    %get3A_17 = arith.constant 0 : index
    %get3A_18 = arith.constant 0 : index
    %get3A_19 = vector.load %arg6[%get3A_17, %get3A_18] : memref<1x128xf32, #tpu.memory_space<vmem>>, vector<1x128xf32>
    %max3A = arith.constant 0.000000e+00 : f32
    %max3A_20 = vector.broadcast %max3A : f32 to vector<2048x128xf32>
    %max3A_21 = arith.maximumf %add3A_13, %max3A_20 : vector<2048x128xf32>
    %reduce_sum3A = arith.constant dense<0.000000e+00> : vector<2048xf32>
    %reduce_sum3A_22 = vector.multi_reduction <add>, %max3A_21, %reduce_sum3A [1] : vector<2048x128xf32> to vector<2048xf32>
    %broadcast_in_dim3A = vector.shape_cast %reduce_sum3A_22 : vector<2048xf32> to vector<2048x1xf32>
    %div3A = arith.constant 1.280000e+02 : f32
    %div3A_23 = vector.broadcast %div3A : f32 to vector<2048x1xf32>
    %div3A_24 = arith.divf %broadcast_in_dim3A, %div3A_23 : vector<2048x1xf32>
    %sub3A = vector.broadcast %div3A_24 : vector<2048x1xf32> to vector<2048x128xf32>
    %sub3A_25 = arith.subf %max3A_21, %sub3A : vector<2048x128xf32>
    %mul3A = arith.mulf %sub3A_25, %sub3A_25 : vector<2048x128xf32>
    %reduce_sum3A_26 = arith.constant dense<0.000000e+00> : vector<2048xf32>
    %reduce_sum3A_27 = vector.multi_reduction <add>, %mul3A, %reduce_sum3A_26 [1] : vector<2048x128xf32> to vector<2048xf32>
    %broadcast_in_dim3A_28 = vector.shape_cast %reduce_sum3A_27 : vector<2048xf32> to vector<2048x1xf32>
    %div3A_29 = arith.constant 1.280000e+02 : f32
    %div3A_30 = vector.broadcast %div3A_29 : f32 to vector<2048x1xf32>
    %div3A_31 = arith.divf %broadcast_in_dim3A_28, %div3A_30 : vector<2048x1xf32>
    %add3A_32 = arith.constant 9.99999974E-6 : f32
    %add3A_33 = vector.broadcast %add3A_32 : f32 to vector<2048x1xf32>
    %add3A_34 = arith.addf %div3A_31, %add3A_33 : vector<2048x1xf32>
    %rsqrt3A = math.rsqrt %add3A_34 : vector<2048x1xf32>
    %mul3A_35 = vector.broadcast %rsqrt3A : vector<2048x1xf32> to vector<2048x128xf32>
    %mul3A_36 = arith.mulf %sub3A_25, %mul3A_35 : vector<2048x128xf32>
    %mul3A_37 = vector.broadcast %get3A_16 : vector<1x128xf32> to vector<2048x128xf32>
    %mul3A_38 = arith.mulf %mul3A_36, %mul3A_37 : vector<2048x128xf32>
    %add3A_39 = vector.broadcast %get3A_19 : vector<1x128xf32> to vector<2048x128xf32>
    %add3A_40 = arith.addf %mul3A_38, %add3A_39 : vector<2048x128xf32>
    %swap3A = arith.constant 0 : index
    %swap3A_41 = arith.constant 0 : index
    %swap3A_42 = vector.load %arg17[%swap3A, %swap3A_41] : memref<2048x128xf32, #tpu.memory_space<vmem>>, vector<2048x128xf32>
    tpu.vector_store %arg17[%swap3A, %swap3A_41], %add3A_40 {strides = array<i32>} : memref<2048x128xf32, #tpu.memory_space<vmem>>, vector<2048x128xf32>,
    %get3A_43 = arith.constant 0 : index
    %get3A_44 = arith.constant 0 : index
    %get3A_45 = vector.load %arg7[%get3A_43, %get3A_44] : memref<128x128xf32, #tpu.memory_space<vmem>>, vector<128x128xf32>
    %dot_general3A = arith.constant dense<0.000000e+00> : vector<2048x128xf32>
    %dot_general3A_46 = tpu.matmul %add3A_40, %get3A_45, %dot_general3A {dimension_numbers = #tpu.dot_dimension_numbers<[1], [0], [0], [1], [0, 0, 1, 1], [], []>, transpose_lhs_hint = false} : vector<2048x128xf32>, vector<128x128xf32>, vector<2048x128xf32> -> vector<2048x128xf32>
    %get3A_47 = arith.constant 0 : index
    %get3A_48 = arith.constant 0 : index
    %get3A_49 = vector.load %arg8[%get3A_47, %get3A_48] : memref<1x128xf32, #tpu.memory_space<vmem>>, vector<1x128xf32>
    %add3A_50 = vector.broadcast %get3A_49 : vector<1x128xf32> to vector<2048x128xf32>
    %add3A_51 = arith.addf %dot_general3A_46, %add3A_50 : vector<2048x128xf32>
    %get3A_52 = arith.constant 0 : index
    %get3A_53 = arith.constant 0 : index
    %get3A_54 = vector.load %arg9[%get3A_52, %get3A_53] : memref<1x128xf32, #tpu.memory_space<vmem>>, vector<1x128xf32>
    %get3A_55 = arith.constant 0 : index
    %get3A_56 = arith.constant 0 : index
    %get3A_57 = vector.load %arg10[%get3A_55, %get3A_56] : memref<1x128xf32, #tpu.memory_space<vmem>>, vector<1x128xf32>
    %max3A_58 = arith.constant 0.000000e+00 : f32
    %max3A_59 = vector.broadcast %max3A_58 : f32 to vector<2048x128xf32>
    %max3A_60 = arith.maximumf %add3A_51, %max3A_59 : vector<2048x128xf32>
    %reduce_sum3A_61 = arith.constant dense<0.000000e+00> : vector<2048xf32>
    %reduce_sum3A_62 = vector.multi_reduction <add>, %max3A_60, %reduce_sum3A_61 [1] : vector<2048x128xf32> to vector<2048xf32>
    %broadcast_in_dim3A_63 = vector.shape_cast %reduce_sum3A_62 : vector<2048xf32> to vector<2048x1xf32>
    %div3A_64 = arith.constant 1.280000e+02 : f32
    %div3A_65 = vector.broadcast %div3A_64 : f32 to vector<2048x1xf32>
    %div3A_66 = arith.divf %broadcast_in_dim3A_63, %div3A_65 : vector<2048x1xf32>
    %sub3A_67 = vector.broadcast %div3A_66 : vector<2048x1xf32> to vector<2048x128xf32>
    %sub3A_68 = arith.subf %max3A_60, %sub3A_67 : vector<2048x128xf32>
    %mul3A_69 = arith.mulf %sub3A_68, %sub3A_68 : vector<2048x128xf32>
    %reduce_sum3A_70 = arith.constant dense<0.000000e+00> : vector<2048xf32>
    %reduce_sum3A_71 = vector.multi_reduction <add>, %mul3A_69, %reduce_sum3A_70 [1] : vector<2048x128xf32> to vector<2048xf32>
    %broadcast_in_dim3A_72 = vector.shape_cast %reduce_sum3A_71 : vector<2048xf32> to vector<2048x1xf32>
    %div3A_73 = arith.constant 1.280000e+02 : f32
    %div3A_74 = vector.broadcast %div3A_73 : f32 to vector<2048x1xf32>
    %div3A_75 = arith.divf %broadcast_in_dim3A_72, %div3A_74 : vector<2048x1xf32>
    %add3A_76 = arith.constant 9.99999974E-6 : f32
    %add3A_77 = vector.broadcast %add3A_76 : f32 to vector<2048x1xf32>
    %add3A_78 = arith.addf %div3A_75, %add3A_77 : vector<2048x1xf32>
    %rsqrt3A_79 = math.rsqrt %add3A_78 : vector<2048x1xf32>
    %mul3A_80 = vector.broadcast %rsqrt3A_79 : vector<2048x1xf32> to vector<2048x128xf32>
    %mul3A_81 = arith.mulf %sub3A_68, %mul3A_80 : vector<2048x128xf32>
    %mul3A_82 = vector.broadcast %get3A_54 : vector<1x128xf32> to vector<2048x128xf32>
    %mul3A_83 = arith.mulf %mul3A_81, %mul3A_82 : vector<2048x128xf32>
    %add3A_84 = vector.broadcast %get3A_57 : vector<1x128xf32> to vector<2048x128xf32>
    %add3A_85 = arith.addf %mul3A_83, %add3A_84 : vector<2048x128xf32>
    %get3A_86 = arith.constant 0 : index
    %get3A_87 = arith.constant 0 : index
    %get3A_88 = vector.load %arg11[%get3A_86, %get3A_87] : memref<128x128xf32, #tpu.memory_space<vmem>>, vector<128x128xf32>
    %dot_general3A_89 = arith.constant dense<0.000000e+00> : vector<2048x128xf32>
    %dot_general3A_90 = tpu.matmul %add3A_85, %get3A_88, %dot_general3A_89 {dimension_numbers = #tpu.dot_dimension_numbers<[1], [0], [0], [1], [0, 0, 1, 1], [], []>, transpose_lhs_hint = false} : vector<2048x128xf32>, vector<128x128xf32>, vector<2048x128xf32> -> vector<2048x128xf32>
    %get3A_91 = arith.constant 0 : index
    %get3A_92 = arith.constant 0 : index
    %get3A_93 = vector.load %arg12[%get3A_91, %get3A_92] : memref<1x128xf32, #tpu.memory_space<vmem>>, vector<1x128xf32>
    %add3A_94 = vector.broadcast %get3A_93 : vector<1x128xf32> to vector<2048x128xf32>
    %add3A_95 = arith.addf %dot_general3A_90, %add3A_94 : vector<2048x128xf32>
    %get3A_96 = arith.constant 0 : index
    %get3A_97 = arith.constant 0 : index
    %get3A_98 = vector.load %arg13[%get3A_96, %get3A_97] : memref<1x128xf32, #tpu.memory_space<vmem>>, vector<1x128xf32>
    %get3A_99 = arith.constant 0 : index
    %get3A_100 = arith.constant 0 : index
    %get3A_101 = vector.load %arg14[%get3A_99, %get3A_100] : memref<1x128xf32, #tpu.memory_space<vmem>>, vector<1x128xf32>
    %max3A_102 = arith.constant 0.000000e+00 : f32
    %max3A_103 = vector.broadcast %max3A_102 : f32 to vector<2048x128xf32>
    %max3A_104 = arith.maximumf %add3A_95, %max3A_103 : vector<2048x128xf32>
    %reduce_sum3A_105 = arith.constant dense<0.000000e+00> : vector<2048xf32>
    %reduce_sum3A_106 = vector.multi_reduction <add>, %max3A_104, %reduce_sum3A_105 [1] : vector<2048x128xf32> to vector<2048xf32>
    %broadcast_in_dim3A_107 = vector.shape_cast %reduce_sum3A_106 : vector<2048xf32> to vector<2048x1xf32>
    %div3A_108 = arith.constant 1.280000e+02 : f32
    %div3A_109 = vector.broadcast %div3A_108 : f32 to vector<2048x1xf32>
    %div3A_110 = arith.divf %broadcast_in_dim3A_107, %div3A_109 : vector<2048x1xf32>
    %sub3A_111 = vector.broadcast %div3A_110 : vector<2048x1xf32> to vector<2048x128xf32>
    %sub3A_112 = arith.subf %max3A_104, %sub3A_111 : vector<2048x128xf32>
    %mul3A_113 = arith.mulf %sub3A_112, %sub3A_112 : vector<2048x128xf32>
    %reduce_sum3A_114 = arith.constant dense<0.000000e+00> : vector<2048xf32>
    %reduce_sum3A_115 = vector.multi_reduction <add>, %mul3A_113, %reduce_sum3A_114 [1] : vector<2048x128xf32> to vector<2048xf32>
    %broadcast_in_dim3A_116 = vector.shape_cast %reduce_sum3A_115 : vector<2048xf32> to vector<2048x1xf32>
    %div3A_117 = arith.constant 1.280000e+02 : f32
    %div3A_118 = vector.broadcast %div3A_117 : f32 to vector<2048x1xf32>
    %div3A_119 = arith.divf %broadcast_in_dim3A_116, %div3A_118 : vector<2048x1xf32>
    %add3A_120 = arith.constant 9.99999974E-6 : f32
    %add3A_121 = vector.broadcast %add3A_120 : f32 to vector<2048x1xf32>
    %add3A_122 = arith.addf %div3A_119, %add3A_121 : vector<2048x1xf32>
    %rsqrt3A_123 = math.rsqrt %add3A_122 : vector<2048x1xf32>
    %mul3A_124 = vector.broadcast %rsqrt3A_123 : vector<2048x1xf32> to vector<2048x128xf32>
    %mul3A_125 = arith.mulf %sub3A_112, %mul3A_124 : vector<2048x128xf32>
    %mul3A_126 = vector.broadcast %get3A_98 : vector<1x128xf32> to vector<2048x128xf32>
    %mul3A_127 = arith.mulf %mul3A_125, %mul3A_126 : vector<2048x128xf32>
    %add3A_128 = vector.broadcast %get3A_101 : vector<1x128xf32> to vector<2048x128xf32>
    %add3A_129 = arith.addf %mul3A_127, %add3A_128 : vector<2048x128xf32>
    %get3A_130 = arith.constant 0 : index
    %get3A_131 = arith.constant 0 : index
    %get3A_132 = vector.load %arg15[%get3A_130, %get3A_131] : memref<1x128xf32, #tpu.memory_space<vmem>>, vector<1x128xf32>
    %mul3A_133 = vector.broadcast %get3A_132 : vector<1x128xf32> to vector<2048x128xf32>
    %mul3A_134 = arith.mulf %add3A_129, %mul3A_133 : vector<2048x128xf32>
    %reduce_sum3A_135 = arith.constant dense<0.000000e+00> : vector<2048xf32>
    %reduce_sum3A_136 = vector.multi_reduction <add>, %mul3A_134, %reduce_sum3A_135 [1] : vector<2048x128xf32> to vector<2048xf32>
    %get3A_137 = arith.constant 0 : index
    %get3A_138 = arith.constant 0 : index
    %get3A_139 = vector.load %arg16[%get3A_137, %get3A_138] : memref<1x1xf32, #tpu.memory_space<vmem>>, vector<1x1xf32>
    %get3A_140 = vector.extract %get3A_139[0, 0] : f32 from vector<1x1xf32>
    %add3A_141 = vector.broadcast %get3A_140 : f32 to vector<2048xf32>
    %add3A_142 = arith.addf %reduce_sum3A_136, %add3A_141 : vector<2048xf32>
    %reshape3A = vector.shape_cast %add3A_142 : vector<2048xf32> to vector<16x128xf32>
    %swap3A_143 = arith.constant 0 : index
    %swap3A_144 = arith.constant 0 : index
    %swap3A_145 = vector.load %arg18[%swap3A_143, %swap3A_144] : memref<16x128xf32, #tpu.memory_space<vmem>>, vector<16x128xf32>
    tpu.vector_store %arg18[%swap3A_143, %swap3A_144], %reshape3A {strides = array<i32>} : memref<16x128xf32, #tpu.memory_space<vmem>>, vector<16x128xf32>,
    return
  }
  func.func @transform_0(%arg0: i32) -> (i32, i32) {
    %add3A = arith.constant 40 : i32
    %add3A_0 = arith.addi %arg0, %add3A : i32
    %c0_i32 = arith.constant 0 : i32
    %c0_i32_1 = arith.constant 0 : i32
    return %add3A_0, %c0_i32 : i32, i32
  }
  func.func @transform_1(%arg0: i32) -> (i32, i32) {
    %c0_i32 = arith.constant 0 : i32
    %c0_i32_0 = arith.constant 0 : i32
    return %arg0, %c0_i32 : i32, i32
  }
  func.func @transform_2(%arg0: i32) -> (i32, i32) {
    %c0_i32 = arith.constant 0 : i32
    %c0_i32_0 = arith.constant 0 : i32
    return %arg0, %c0_i32 : i32, i32
  }
  func.func @transform_3(%arg0: i32) -> (i32, i32) {
    %c0_i32 = arith.constant 0 : i32
    %c0_i32_0 = arith.constant 0 : i32
    %c0_i32_1 = arith.constant 0 : i32
    return %c0_i32, %c0_i32_0 : i32, i32
  }
  func.func @transform_4(%arg0: i32) -> (i32, i32) {
    %c0_i32 = arith.constant 0 : i32
    %c0_i32_0 = arith.constant 0 : i32
    %c0_i32_1 = arith.constant 0 : i32
    return %c0_i32, %c0_i32_0 : i32, i32
  }
  func.func @transform_5(%arg0: i32) -> (i32, i32) {
    %c0_i32 = arith.constant 0 : i32
    %c0_i32_0 = arith.constant 0 : i32
    %c0_i32_1 = arith.constant 0 : i32
    return %c0_i32, %c0_i32_0 : i32, i32
  }
  func.func @transform_6(%arg0: i32) -> (i32, i32) {
    %c0_i32 = arith.constant 0 : i32
    %c0_i32_0 = arith.constant 0 : i32
    %c0_i32_1 = arith.constant 0 : i32
    return %c0_i32, %c0_i32_0 : i32, i32
  }
  func.func @transform_7(%arg0: i32) -> (i32, i32) {
    %c0_i32 = arith.constant 0 : i32
    %c0_i32_0 = arith.constant 0 : i32
    %c0_i32_1 = arith.constant 0 : i32
    return %c0_i32, %c0_i32_0 : i32, i32
  }
  func.func @transform_8(%arg0: i32) -> (i32, i32) {
    %c0_i32 = arith.constant 0 : i32
    %c0_i32_0 = arith.constant 0 : i32
    %c0_i32_1 = arith.constant 0 : i32
    return %c0_i32, %c0_i32_0 : i32, i32
  }
  func.func @transform_9(%arg0: i32) -> (i32, i32) {
    %c0_i32 = arith.constant 0 : i32
    %c0_i32_0 = arith.constant 0 : i32
    %c0_i32_1 = arith.constant 0 : i32
    return %c0_i32, %c0_i32_0 : i32, i32
  }
  func.func @transform_10(%arg0: i32) -> (i32, i32) {
    %c0_i32 = arith.constant 0 : i32
    %c0_i32_0 = arith.constant 0 : i32
    %c0_i32_1 = arith.constant 0 : i32
    return %c0_i32, %c0_i32_0 : i32, i32
  }
  func.func @transform_11(%arg0: i32) -> (i32, i32) {
    %c0_i32 = arith.constant 0 : i32
    %c0_i32_0 = arith.constant 0 : i32
    %c0_i32_1 = arith.constant 0 : i32
    return %c0_i32, %c0_i32_0 : i32, i32
  }
  func.func @transform_12(%arg0: i32) -> (i32, i32) {
    %c0_i32 = arith.constant 0 : i32
    %c0_i32_0 = arith.constant 0 : i32
    %c0_i32_1 = arith.constant 0 : i32
    return %c0_i32, %c0_i32_0 : i32, i32
  }
  func.func @transform_13(%arg0: i32) -> (i32, i32) {
    %c0_i32 = arith.constant 0 : i32
    %c0_i32_0 = arith.constant 0 : i32
    %c0_i32_1 = arith.constant 0 : i32
    return %c0_i32, %c0_i32_0 : i32, i32
  }
  func.func @transform_14(%arg0: i32) -> (i32, i32) {
    %c0_i32 = arith.constant 0 : i32
    %c0_i32_0 = arith.constant 0 : i32
    %c0_i32_1 = arith.constant 0 : i32
    return %c0_i32, %c0_i32_0 : i32, i32
  }
  func.func @transform_15(%arg0: i32) -> (i32, i32) {
    %c0_i32 = arith.constant 0 : i32
    %c0_i32_0 = arith.constant 0 : i32
    %c0_i32_1 = arith.constant 0 : i32
    return %c0_i32, %c0_i32_0 : i32, i32
  }
  func.func @transform_16(%arg0: i32) -> (i32, i32) {
    %c0_i32 = arith.constant 0 : i32
    %c0_i32_0 = arith.constant 0 : i32
    return %arg0, %c0_i32 : i32, i32
  }
  func.func @transform_17(%arg0: i32) -> (i32, i32) {
    %c0_i32 = arith.constant 0 : i32
    %c0_i32_0 = arith.constant 0 : i32
    return %arg0, %c0_i32 : i32, i32
  }
}

module attributes {stable_mosaic.version = 14 : i64} {
  func.func @body(%arg0: i32, %arg1: memref<2048x128xf32, #tpu.memory_space<vmem>>, %arg2: memref<2048x128xf32, #tpu.memory_space<vmem>>, %arg3: memref<1x2048x128xf32, #tpu.memory_space<vmem>>, %arg4: memref<1x2048x128xf32, #tpu.memory_space<vmem>>, %arg5: memref<1x2048x128xf32, #tpu.memory_space<vmem>>, %arg6: memref<1x2048x128xf32, #tpu.memory_space<vmem>>, %arg7: memref<2048x128xf32, #tpu.memory_space<vmem>>, %arg8: memref<2048x128xf32, #tpu.memory_space<vmem>>, %arg9: memref<128x128xf32, #tpu.memory_space<vmem>>, %arg10: memref<128x128xf32, #tpu.memory_space<vmem>>, %arg11: memref<1x128xf32, #tpu.memory_space<vmem>>, %arg12: memref<1x128xf32, #tpu.memory_space<vmem>>, %arg13: memref<1x128xf32, #tpu.memory_space<vmem>>, %arg14: memref<128x128xf32, #tpu.memory_space<vmem>>, %arg15: memref<1x128xf32, #tpu.memory_space<vmem>>, %arg16: memref<1x128xf32, #tpu.memory_space<vmem>>, %arg17: memref<1x128xf32, #tpu.memory_space<vmem>>, %arg18: memref<128x128xf32, #tpu.memory_space<vmem>>, %arg19: memref<1x128xf32, #tpu.memory_space<vmem>>, %arg20: memref<1x128xf32, #tpu.memory_space<vmem>>, %arg21: memref<1x128xf32, #tpu.memory_space<vmem>>, %arg22: memref<1x128xf32, #tpu.memory_space<vmem>>, %arg23: memref<1x1xf32, #tpu.memory_space<vmem>>, %arg24: memref<128x128xf32, #tpu.memory_space<vmem>>, %arg25: memref<128x128xf32, #tpu.memory_space<vmem>>, %arg26: memref<2048x128xf32, #tpu.memory_space<vmem>>, %arg27: memref<16x128xf32, #tpu.memory_space<vmem>>, %arg28: memref<2048x128xf32, #tpu.memory_space<vmem>>, %arg29: memref<2048x128xf32, #tpu.memory_space<vmem>>) attributes {dimension_semantics = [#tpu.dimension_semantics<arbitrary>], iteration_bounds = array<i64: 5>, scalar_prefetch = 0 : i64, scratch_operands = 0 : i64, tpu.core_type = #tpu.core_type<tc>, window_params = [{transform_indices = @transform_0, window_bounds = array<i64: 2048, 128>}, {transform_indices = @transform_1, window_bounds = array<i64: 2048, 128>}, {transform_indices = @transform_2, window_bounds = array<i64: 1, 2048, 128>}, {transform_indices = @transform_3, window_bounds = array<i64: 1, 2048, 128>}, {transform_indices = @transform_4, window_bounds = array<i64: 1, 2048, 128>}, {transform_indices = @transform_5, window_bounds = array<i64: 1, 2048, 128>}, {transform_indices = @transform_6, window_bounds = array<i64: 2048, 128>}, {transform_indices = @transform_7, window_bounds = array<i64: 2048, 128>}, {pipeline_mode = #tpu.pipeline_mode<synchronous>, transform_indices = @transform_8, window_bounds = array<i64: 128, 128>}, {pipeline_mode = #tpu.pipeline_mode<synchronous>, transform_indices = @transform_9, window_bounds = array<i64: 128, 128>}, {pipeline_mode = #tpu.pipeline_mode<synchronous>, transform_indices = @transform_10, window_bounds = array<i64: 1, 128>}, {pipeline_mode = #tpu.pipeline_mode<synchronous>, transform_indices = @transform_11, window_bounds = array<i64: 1, 128>}, {pipeline_mode = #tpu.pipeline_mode<synchronous>, transform_indices = @transform_12, window_bounds = array<i64: 1, 128>}, {pipeline_mode = #tpu.pipeline_mode<synchronous>, transform_indices = @transform_13, window_bounds = array<i64: 128, 128>}, {pipeline_mode = #tpu.pipeline_mode<synchronous>, transform_indices = @transform_14, window_bounds = array<i64: 1, 128>}, {pipeline_mode = #tpu.pipeline_mode<synchronous>, transform_indices = @transform_15, window_bounds = array<i64: 1, 128>}, {pipeline_mode = #tpu.pipeline_mode<synchronous>, transform_indices = @transform_16, window_bounds = array<i64: 1, 128>}, {pipeline_mode = #tpu.pipeline_mode<synchronous>, transform_indices = @transform_17, window_bounds = array<i64: 128, 128>}, {pipeline_mode = #tpu.pipeline_mode<synchronous>, transform_indices = @transform_18, window_bounds = array<i64: 1, 128>}, {pipeline_mode = #tpu.pipeline_mode<synchronous>, transform_indices = @transform_19, window_bounds = array<i64: 1, 128>}, {pipeline_mode = #tpu.pipeline_mode<synchronous>, transform_indices = @transform_20, window_bounds = array<i64: 1, 128>}, {pipeline_mode = #tpu.pipeline_mode<synchronous>, transform_indices = @transform_21, window_bounds = array<i64: 1, 128>}, {pipeline_mode = #tpu.pipeline_mode<synchronous>, transform_indices = @transform_22, window_bounds = array<i64: 1, 1>}, {pipeline_mode = #tpu.pipeline_mode<synchronous>, transform_indices = @transform_23, window_bounds = array<i64: 128, 128>}, {pipeline_mode = #tpu.pipeline_mode<synchronous>, transform_indices = @transform_24, window_bounds = array<i64: 128, 128>}, {transform_indices = @transform_25, window_bounds = array<i64: 2048, 128>}, {transform_indices = @transform_26, window_bounds = array<i64: 16, 128>}, {transform_indices = @transform_27, window_bounds = array<i64: 2048, 128>}, {transform_indices = @transform_28, window_bounds = array<i64: 2048, 128>}]} {
    %get3A = arith.constant 0 : index
    %get3A_0 = arith.constant 0 : index
    %get3A_1 = arith.constant 0 : index
    %get3A_2 = vector.load %arg3[%get3A, %get3A_0, %get3A_1] : memref<1x2048x128xf32, #tpu.memory_space<vmem>>, vector<1x2048x128xf32>
    %get3A_3 = vector.shape_cast %get3A_2 : vector<1x2048x128xf32> to vector<2048x128xf32>
    %get3A_4 = arith.constant 0 : index
    %get3A_5 = arith.constant 0 : index
    %get3A_6 = arith.constant 0 : index
    %get3A_7 = vector.load %arg4[%get3A_4, %get3A_5, %get3A_6] : memref<1x2048x128xf32, #tpu.memory_space<vmem>>, vector<1x2048x128xf32>
    %get3A_8 = vector.shape_cast %get3A_7 : vector<1x2048x128xf32> to vector<2048x128xf32>
    %add3A = arith.addf %get3A_3, %get3A_8 : vector<2048x128xf32>
    %get3A_9 = arith.constant 0 : index
    %get3A_10 = arith.constant 0 : index
    %get3A_11 = arith.constant 0 : index
    %get3A_12 = vector.load %arg5[%get3A_9, %get3A_10, %get3A_11] : memref<1x2048x128xf32, #tpu.memory_space<vmem>>, vector<1x2048x128xf32>
    %get3A_13 = vector.shape_cast %get3A_12 : vector<1x2048x128xf32> to vector<2048x128xf32>
    %get3A_14 = arith.constant 0 : index
    %get3A_15 = arith.constant 0 : index
    %get3A_16 = arith.constant 0 : index
    %get3A_17 = vector.load %arg6[%get3A_14, %get3A_15, %get3A_16] : memref<1x2048x128xf32, #tpu.memory_space<vmem>>, vector<1x2048x128xf32>
    %get3A_18 = vector.shape_cast %get3A_17 : vector<1x2048x128xf32> to vector<2048x128xf32>
    %add3A_19 = arith.addf %get3A_13, %get3A_18 : vector<2048x128xf32>
    %add3A_20 = arith.addf %add3A, %add3A_19 : vector<2048x128xf32>
    %get3A_21 = arith.constant 0 : index
    %get3A_22 = arith.constant 0 : index
    %get3A_23 = vector.load %arg1[%get3A_21, %get3A_22] : memref<2048x128xf32, #tpu.memory_space<vmem>>, vector<2048x128xf32>
    %get3A_24 = arith.constant 0 : index
    %get3A_25 = arith.constant 0 : index
    %get3A_26 = vector.load %arg11[%get3A_24, %get3A_25] : memref<1x128xf32, #tpu.memory_space<vmem>>, vector<1x128xf32>
    %add3A_27 = vector.broadcast %get3A_26 : vector<1x128xf32> to vector<2048x128xf32>
    %add3A_28 = arith.addf %get3A_23, %add3A_27 : vector<2048x128xf32>
    %get3A_29 = arith.constant 0 : index
    %get3A_30 = arith.constant 0 : index
    %get3A_31 = vector.load %arg2[%get3A_29, %get3A_30] : memref<2048x128xf32, #tpu.memory_space<vmem>>, vector<2048x128xf32>
    %get3A_32 = arith.constant 0 : index
    %get3A_33 = arith.constant 0 : index
    %get3A_34 = vector.load %arg9[%get3A_32, %get3A_33] : memref<128x128xf32, #tpu.memory_space<vmem>>, vector<128x128xf32>
    %dot_general3A = arith.constant dense<0.000000e+00> : vector<2048x128xf32>
    %dot_general3A_35 = tpu.matmul %get3A_31, %get3A_34, %dot_general3A {dimension_numbers = #tpu.dot_dimension_numbers<[1], [0], [0], [1], [0, 0, 1, 1], [], []>, transpose_lhs_hint = false} : vector<2048x128xf32>, vector<128x128xf32>, vector<2048x128xf32> -> vector<2048x128xf32>
    %add3A_36 = arith.addf %add3A_28, %dot_general3A_35 : vector<2048x128xf32>
    %get3A_37 = arith.constant 0 : index
    %get3A_38 = arith.constant 0 : index
    %get3A_39 = vector.load %arg10[%get3A_37, %get3A_38] : memref<128x128xf32, #tpu.memory_space<vmem>>, vector<128x128xf32>
    %dot_general3A_40 = arith.constant dense<0.000000e+00> : vector<2048x128xf32>
    %dot_general3A_41 = tpu.matmul %add3A_20, %get3A_39, %dot_general3A_40 {dimension_numbers = #tpu.dot_dimension_numbers<[1], [0], [0], [1], [0, 0, 1, 1], [], []>, transpose_lhs_hint = false} : vector<2048x128xf32>, vector<128x128xf32>, vector<2048x128xf32> -> vector<2048x128xf32>
    %add3A_42 = arith.addf %add3A_36, %dot_general3A_41 : vector<2048x128xf32>
    %get3A_43 = arith.constant 0 : index
    %get3A_44 = arith.constant 0 : index
    %get3A_45 = vector.load %arg12[%get3A_43, %get3A_44] : memref<1x128xf32, #tpu.memory_space<vmem>>, vector<1x128xf32>
    %get3A_46 = arith.constant 0 : index
    %get3A_47 = arith.constant 0 : index
    %get3A_48 = vector.load %arg13[%get3A_46, %get3A_47] : memref<1x128xf32, #tpu.memory_space<vmem>>, vector<1x128xf32>
    %max3A = arith.constant 0.000000e+00 : f32
    %max3A_49 = vector.broadcast %max3A : f32 to vector<2048x128xf32>
    %max3A_50 = arith.maximumf %add3A_42, %max3A_49 : vector<2048x128xf32>
    %reduce_sum3A = arith.constant dense<0.000000e+00> : vector<2048xf32>
    %reduce_sum3A_51 = vector.multi_reduction <add>, %max3A_50, %reduce_sum3A [1] : vector<2048x128xf32> to vector<2048xf32>
    %broadcast_in_dim3A = vector.shape_cast %reduce_sum3A_51 : vector<2048xf32> to vector<2048x1xf32>
    %div3A = arith.constant 1.280000e+02 : f32
    %div3A_52 = vector.broadcast %div3A : f32 to vector<2048x1xf32>
    %div3A_53 = arith.divf %broadcast_in_dim3A, %div3A_52 : vector<2048x1xf32>
    %sub3A = vector.broadcast %div3A_53 : vector<2048x1xf32> to vector<2048x128xf32>
    %sub3A_54 = arith.subf %max3A_50, %sub3A : vector<2048x128xf32>
    %mul3A = arith.mulf %sub3A_54, %sub3A_54 : vector<2048x128xf32>
    %reduce_sum3A_55 = arith.constant dense<0.000000e+00> : vector<2048xf32>
    %reduce_sum3A_56 = vector.multi_reduction <add>, %mul3A, %reduce_sum3A_55 [1] : vector<2048x128xf32> to vector<2048xf32>
    %broadcast_in_dim3A_57 = vector.shape_cast %reduce_sum3A_56 : vector<2048xf32> to vector<2048x1xf32>
    %div3A_58 = arith.constant 1.280000e+02 : f32
    %div3A_59 = vector.broadcast %div3A_58 : f32 to vector<2048x1xf32>
    %div3A_60 = arith.divf %broadcast_in_dim3A_57, %div3A_59 : vector<2048x1xf32>
    %add3A_61 = arith.constant 9.99999974E-6 : f32
    %add3A_62 = vector.broadcast %add3A_61 : f32 to vector<2048x1xf32>
    %add3A_63 = arith.addf %div3A_60, %add3A_62 : vector<2048x1xf32>
    %rsqrt3A = math.rsqrt %add3A_63 : vector<2048x1xf32>
    %mul3A_64 = vector.broadcast %rsqrt3A : vector<2048x1xf32> to vector<2048x128xf32>
    %mul3A_65 = arith.mulf %sub3A_54, %mul3A_64 : vector<2048x128xf32>
    %mul3A_66 = vector.broadcast %get3A_45 : vector<1x128xf32> to vector<2048x128xf32>
    %mul3A_67 = arith.mulf %mul3A_65, %mul3A_66 : vector<2048x128xf32>
    %add3A_68 = vector.broadcast %get3A_48 : vector<1x128xf32> to vector<2048x128xf32>
    %add3A_69 = arith.addf %mul3A_67, %add3A_68 : vector<2048x128xf32>
    %swap3A = arith.constant 0 : index
    %swap3A_70 = arith.constant 0 : index
    %swap3A_71 = vector.load %arg26[%swap3A, %swap3A_70] : memref<2048x128xf32, #tpu.memory_space<vmem>>, vector<2048x128xf32>
    tpu.vector_store %arg26[%swap3A, %swap3A_70], %add3A_69 {strides = array<i32>} : memref<2048x128xf32, #tpu.memory_space<vmem>>, vector<2048x128xf32>,
    %get3A_72 = arith.constant 0 : index
    %get3A_73 = arith.constant 0 : index
    %get3A_74 = vector.load %arg7[%get3A_72, %get3A_73] : memref<2048x128xf32, #tpu.memory_space<vmem>>, vector<2048x128xf32>
    %get3A_75 = arith.constant 0 : index
    %get3A_76 = arith.constant 0 : index
    %get3A_77 = vector.load %arg24[%get3A_75, %get3A_76] : memref<128x128xf32, #tpu.memory_space<vmem>>, vector<128x128xf32>
    %dot_general3A_78 = arith.constant dense<0.000000e+00> : vector<2048x128xf32>
    %dot_general3A_79 = tpu.matmul %add3A_69, %get3A_77, %dot_general3A_78 {dimension_numbers = #tpu.dot_dimension_numbers<[1], [0], [0], [1], [0, 0, 1, 1], [], []>, transpose_lhs_hint = false} : vector<2048x128xf32>, vector<128x128xf32>, vector<2048x128xf32> -> vector<2048x128xf32>
    %add3A_80 = arith.addf %get3A_74, %dot_general3A_79 : vector<2048x128xf32>
    %swap3A_81 = arith.constant 0 : index
    %swap3A_82 = arith.constant 0 : index
    %swap3A_83 = vector.load %arg28[%swap3A_81, %swap3A_82] : memref<2048x128xf32, #tpu.memory_space<vmem>>, vector<2048x128xf32>
    tpu.vector_store %arg28[%swap3A_81, %swap3A_82], %add3A_80 {strides = array<i32>} : memref<2048x128xf32, #tpu.memory_space<vmem>>, vector<2048x128xf32>,
    %get3A_84 = arith.constant 0 : index
    %get3A_85 = arith.constant 0 : index
    %get3A_86 = vector.load %arg8[%get3A_84, %get3A_85] : memref<2048x128xf32, #tpu.memory_space<vmem>>, vector<2048x128xf32>
    %get3A_87 = arith.constant 0 : index
    %get3A_88 = arith.constant 0 : index
    %get3A_89 = vector.load %arg25[%get3A_87, %get3A_88] : memref<128x128xf32, #tpu.memory_space<vmem>>, vector<128x128xf32>
    %dot_general3A_90 = arith.constant dense<0.000000e+00> : vector<2048x128xf32>
    %dot_general3A_91 = tpu.matmul %add3A_69, %get3A_89, %dot_general3A_90 {dimension_numbers = #tpu.dot_dimension_numbers<[1], [0], [0], [1], [0, 0, 1, 1], [], []>, transpose_lhs_hint = false} : vector<2048x128xf32>, vector<128x128xf32>, vector<2048x128xf32> -> vector<2048x128xf32>
    %add3A_92 = arith.addf %get3A_86, %dot_general3A_91 : vector<2048x128xf32>
    %swap3A_93 = arith.constant 0 : index
    %swap3A_94 = arith.constant 0 : index
    %swap3A_95 = vector.load %arg29[%swap3A_93, %swap3A_94] : memref<2048x128xf32, #tpu.memory_space<vmem>>, vector<2048x128xf32>
    tpu.vector_store %arg29[%swap3A_93, %swap3A_94], %add3A_92 {strides = array<i32>} : memref<2048x128xf32, #tpu.memory_space<vmem>>, vector<2048x128xf32>,
    %get3A_96 = arith.constant 0 : index
    %get3A_97 = arith.constant 0 : index
    %get3A_98 = vector.load %arg14[%get3A_96, %get3A_97] : memref<128x128xf32, #tpu.memory_space<vmem>>, vector<128x128xf32>
    %dot_general3A_99 = arith.constant dense<0.000000e+00> : vector<2048x128xf32>
    %dot_general3A_100 = tpu.matmul %add3A_69, %get3A_98, %dot_general3A_99 {dimension_numbers = #tpu.dot_dimension_numbers<[1], [0], [0], [1], [0, 0, 1, 1], [], []>, transpose_lhs_hint = false} : vector<2048x128xf32>, vector<128x128xf32>, vector<2048x128xf32> -> vector<2048x128xf32>
    %get3A_101 = arith.constant 0 : index
    %get3A_102 = arith.constant 0 : index
    %get3A_103 = vector.load %arg15[%get3A_101, %get3A_102] : memref<1x128xf32, #tpu.memory_space<vmem>>, vector<1x128xf32>
    %add3A_104 = vector.broadcast %get3A_103 : vector<1x128xf32> to vector<2048x128xf32>
    %add3A_105 = arith.addf %dot_general3A_100, %add3A_104 : vector<2048x128xf32>
    %get3A_106 = arith.constant 0 : index
    %get3A_107 = arith.constant 0 : index
    %get3A_108 = vector.load %arg16[%get3A_106, %get3A_107] : memref<1x128xf32, #tpu.memory_space<vmem>>, vector<1x128xf32>
    %get3A_109 = arith.constant 0 : index
    %get3A_110 = arith.constant 0 : index
    %get3A_111 = vector.load %arg17[%get3A_109, %get3A_110] : memref<1x128xf32, #tpu.memory_space<vmem>>, vector<1x128xf32>
    %max3A_112 = arith.constant 0.000000e+00 : f32
    %max3A_113 = vector.broadcast %max3A_112 : f32 to vector<2048x128xf32>
    %max3A_114 = arith.maximumf %add3A_105, %max3A_113 : vector<2048x128xf32>
    %reduce_sum3A_115 = arith.constant dense<0.000000e+00> : vector<2048xf32>
    %reduce_sum3A_116 = vector.multi_reduction <add>, %max3A_114, %reduce_sum3A_115 [1] : vector<2048x128xf32> to vector<2048xf32>
    %broadcast_in_dim3A_117 = vector.shape_cast %reduce_sum3A_116 : vector<2048xf32> to vector<2048x1xf32>
    %div3A_118 = arith.constant 1.280000e+02 : f32
    %div3A_119 = vector.broadcast %div3A_118 : f32 to vector<2048x1xf32>
    %div3A_120 = arith.divf %broadcast_in_dim3A_117, %div3A_119 : vector<2048x1xf32>
    %sub3A_121 = vector.broadcast %div3A_120 : vector<2048x1xf32> to vector<2048x128xf32>
    %sub3A_122 = arith.subf %max3A_114, %sub3A_121 : vector<2048x128xf32>
    %mul3A_123 = arith.mulf %sub3A_122, %sub3A_122 : vector<2048x128xf32>
    %reduce_sum3A_124 = arith.constant dense<0.000000e+00> : vector<2048xf32>
    %reduce_sum3A_125 = vector.multi_reduction <add>, %mul3A_123, %reduce_sum3A_124 [1] : vector<2048x128xf32> to vector<2048xf32>
    %broadcast_in_dim3A_126 = vector.shape_cast %reduce_sum3A_125 : vector<2048xf32> to vector<2048x1xf32>
    %div3A_127 = arith.constant 1.280000e+02 : f32
    %div3A_128 = vector.broadcast %div3A_127 : f32 to vector<2048x1xf32>
    %div3A_129 = arith.divf %broadcast_in_dim3A_126, %div3A_128 : vector<2048x1xf32>
    %add3A_130 = arith.constant 9.99999974E-6 : f32
    %add3A_131 = vector.broadcast %add3A_130 : f32 to vector<2048x1xf32>
    %add3A_132 = arith.addf %div3A_129, %add3A_131 : vector<2048x1xf32>
    %rsqrt3A_133 = math.rsqrt %add3A_132 : vector<2048x1xf32>
    %mul3A_134 = vector.broadcast %rsqrt3A_133 : vector<2048x1xf32> to vector<2048x128xf32>
    %mul3A_135 = arith.mulf %sub3A_122, %mul3A_134 : vector<2048x128xf32>
    %mul3A_136 = vector.broadcast %get3A_108 : vector<1x128xf32> to vector<2048x128xf32>
    %mul3A_137 = arith.mulf %mul3A_135, %mul3A_136 : vector<2048x128xf32>
    %add3A_138 = vector.broadcast %get3A_111 : vector<1x128xf32> to vector<2048x128xf32>
    %add3A_139 = arith.addf %mul3A_137, %add3A_138 : vector<2048x128xf32>
    %get3A_140 = arith.constant 0 : index
    %get3A_141 = arith.constant 0 : index
    %get3A_142 = vector.load %arg18[%get3A_140, %get3A_141] : memref<128x128xf32, #tpu.memory_space<vmem>>, vector<128x128xf32>
    %dot_general3A_143 = arith.constant dense<0.000000e+00> : vector<2048x128xf32>
    %dot_general3A_144 = tpu.matmul %add3A_139, %get3A_142, %dot_general3A_143 {dimension_numbers = #tpu.dot_dimension_numbers<[1], [0], [0], [1], [0, 0, 1, 1], [], []>, transpose_lhs_hint = false} : vector<2048x128xf32>, vector<128x128xf32>, vector<2048x128xf32> -> vector<2048x128xf32>
    %get3A_145 = arith.constant 0 : index
    %get3A_146 = arith.constant 0 : index
    %get3A_147 = vector.load %arg19[%get3A_145, %get3A_146] : memref<1x128xf32, #tpu.memory_space<vmem>>, vector<1x128xf32>
    %add3A_148 = vector.broadcast %get3A_147 : vector<1x128xf32> to vector<2048x128xf32>
    %add3A_149 = arith.addf %dot_general3A_144, %add3A_148 : vector<2048x128xf32>
    %get3A_150 = arith.constant 0 : index
    %get3A_151 = arith.constant 0 : index
    %get3A_152 = vector.load %arg20[%get3A_150, %get3A_151] : memref<1x128xf32, #tpu.memory_space<vmem>>, vector<1x128xf32>
    %get3A_153 = arith.constant 0 : index
    %get3A_154 = arith.constant 0 : index
    %get3A_155 = vector.load %arg21[%get3A_153, %get3A_154] : memref<1x128xf32, #tpu.memory_space<vmem>>, vector<1x128xf32>
    %max3A_156 = arith.constant 0.000000e+00 : f32
    %max3A_157 = vector.broadcast %max3A_156 : f32 to vector<2048x128xf32>
    %max3A_158 = arith.maximumf %add3A_149, %max3A_157 : vector<2048x128xf32>
    %reduce_sum3A_159 = arith.constant dense<0.000000e+00> : vector<2048xf32>
    %reduce_sum3A_160 = vector.multi_reduction <add>, %max3A_158, %reduce_sum3A_159 [1] : vector<2048x128xf32> to vector<2048xf32>
    %broadcast_in_dim3A_161 = vector.shape_cast %reduce_sum3A_160 : vector<2048xf32> to vector<2048x1xf32>
    %div3A_162 = arith.constant 1.280000e+02 : f32
    %div3A_163 = vector.broadcast %div3A_162 : f32 to vector<2048x1xf32>
    %div3A_164 = arith.divf %broadcast_in_dim3A_161, %div3A_163 : vector<2048x1xf32>
    %sub3A_165 = vector.broadcast %div3A_164 : vector<2048x1xf32> to vector<2048x128xf32>
    %sub3A_166 = arith.subf %max3A_158, %sub3A_165 : vector<2048x128xf32>
    %mul3A_167 = arith.mulf %sub3A_166, %sub3A_166 : vector<2048x128xf32>
    %reduce_sum3A_168 = arith.constant dense<0.000000e+00> : vector<2048xf32>
    %reduce_sum3A_169 = vector.multi_reduction <add>, %mul3A_167, %reduce_sum3A_168 [1] : vector<2048x128xf32> to vector<2048xf32>
    %broadcast_in_dim3A_170 = vector.shape_cast %reduce_sum3A_169 : vector<2048xf32> to vector<2048x1xf32>
    %div3A_171 = arith.constant 1.280000e+02 : f32
    %div3A_172 = vector.broadcast %div3A_171 : f32 to vector<2048x1xf32>
    %div3A_173 = arith.divf %broadcast_in_dim3A_170, %div3A_172 : vector<2048x1xf32>
    %add3A_174 = arith.constant 9.99999974E-6 : f32
    %add3A_175 = vector.broadcast %add3A_174 : f32 to vector<2048x1xf32>
    %add3A_176 = arith.addf %div3A_173, %add3A_175 : vector<2048x1xf32>
    %rsqrt3A_177 = math.rsqrt %add3A_176 : vector<2048x1xf32>
    %mul3A_178 = vector.broadcast %rsqrt3A_177 : vector<2048x1xf32> to vector<2048x128xf32>
    %mul3A_179 = arith.mulf %sub3A_166, %mul3A_178 : vector<2048x128xf32>
    %mul3A_180 = vector.broadcast %get3A_152 : vector<1x128xf32> to vector<2048x128xf32>
    %mul3A_181 = arith.mulf %mul3A_179, %mul3A_180 : vector<2048x128xf32>
    %add3A_182 = vector.broadcast %get3A_155 : vector<1x128xf32> to vector<2048x128xf32>
    %add3A_183 = arith.addf %mul3A_181, %add3A_182 : vector<2048x128xf32>
    %get3A_184 = arith.constant 0 : index
    %get3A_185 = arith.constant 0 : index
    %get3A_186 = vector.load %arg22[%get3A_184, %get3A_185] : memref<1x128xf32, #tpu.memory_space<vmem>>, vector<1x128xf32>
    %mul3A_187 = vector.broadcast %get3A_186 : vector<1x128xf32> to vector<2048x128xf32>
    %mul3A_188 = arith.mulf %add3A_183, %mul3A_187 : vector<2048x128xf32>
    %reduce_sum3A_189 = arith.constant dense<0.000000e+00> : vector<2048xf32>
    %reduce_sum3A_190 = vector.multi_reduction <add>, %mul3A_188, %reduce_sum3A_189 [1] : vector<2048x128xf32> to vector<2048xf32>
    %get3A_191 = arith.constant 0 : index
    %get3A_192 = arith.constant 0 : index
    %get3A_193 = vector.load %arg23[%get3A_191, %get3A_192] : memref<1x1xf32, #tpu.memory_space<vmem>>, vector<1x1xf32>
    %get3A_194 = vector.extract %get3A_193[0, 0] : f32 from vector<1x1xf32>
    %add3A_195 = vector.broadcast %get3A_194 : f32 to vector<2048xf32>
    %add3A_196 = arith.addf %reduce_sum3A_190, %add3A_195 : vector<2048xf32>
    %reshape3A = vector.shape_cast %add3A_196 : vector<2048xf32> to vector<16x128xf32>
    %swap3A_197 = arith.constant 0 : index
    %swap3A_198 = arith.constant 0 : index
    %swap3A_199 = vector.load %arg27[%swap3A_197, %swap3A_198] : memref<16x128xf32, #tpu.memory_space<vmem>>, vector<16x128xf32>
    tpu.vector_store %arg27[%swap3A_197, %swap3A_198], %reshape3A {strides = array<i32>} : memref<16x128xf32, #tpu.memory_space<vmem>>, vector<16x128xf32>,
    return
  }
  func.func @transform_0(%arg0: i32) -> (i32, i32) {
    %c0_i32 = arith.constant 0 : i32
    %c0_i32_0 = arith.constant 0 : i32
    return %arg0, %c0_i32 : i32, i32
  }
  func.func @transform_1(%arg0: i32) -> (i32, i32) {
    %c0_i32 = arith.constant 0 : i32
    %c0_i32_0 = arith.constant 0 : i32
    return %arg0, %c0_i32 : i32, i32
  }
  func.func @transform_2(%arg0: i32) -> (i32, i32, i32) {
    %c0_i32 = arith.constant 0 : i32
    %c0_i32_0 = arith.constant 0 : i32
    %c0_i32_1 = arith.constant 0 : i32
    return %c0_i32, %arg0, %c0_i32_0 : i32, i32, i32
  }
  func.func @transform_3(%arg0: i32) -> (i32, i32, i32) {
    %c1_i32 = arith.constant 1 : i32
    %c0_i32 = arith.constant 0 : i32
    %c0_i32_0 = arith.constant 0 : i32
    return %c1_i32, %arg0, %c0_i32 : i32, i32, i32
  }
  func.func @transform_4(%arg0: i32) -> (i32, i32, i32) {
    %c0_i32 = arith.constant 0 : i32
    %c0_i32_0 = arith.constant 0 : i32
    %c0_i32_1 = arith.constant 0 : i32
    return %c0_i32, %arg0, %c0_i32_0 : i32, i32, i32
  }
  func.func @transform_5(%arg0: i32) -> (i32, i32, i32) {
    %c1_i32 = arith.constant 1 : i32
    %c0_i32 = arith.constant 0 : i32
    %c0_i32_0 = arith.constant 0 : i32
    return %c1_i32, %arg0, %c0_i32 : i32, i32, i32
  }
  func.func @transform_6(%arg0: i32) -> (i32, i32) {
    %c0_i32 = arith.constant 0 : i32
    %c0_i32_0 = arith.constant 0 : i32
    return %arg0, %c0_i32 : i32, i32
  }
  func.func @transform_7(%arg0: i32) -> (i32, i32) {
    %c0_i32 = arith.constant 0 : i32
    %c0_i32_0 = arith.constant 0 : i32
    return %arg0, %c0_i32 : i32, i32
  }
  func.func @transform_8(%arg0: i32) -> (i32, i32) {
    %c0_i32 = arith.constant 0 : i32
    %c0_i32_0 = arith.constant 0 : i32
    %c0_i32_1 = arith.constant 0 : i32
    return %c0_i32, %c0_i32_0 : i32, i32
  }
  func.func @transform_9(%arg0: i32) -> (i32, i32) {
    %c0_i32 = arith.constant 0 : i32
    %c0_i32_0 = arith.constant 0 : i32
    %c0_i32_1 = arith.constant 0 : i32
    return %c0_i32, %c0_i32_0 : i32, i32
  }
  func.func @transform_10(%arg0: i32) -> (i32, i32) {
    %c0_i32 = arith.constant 0 : i32
    %c0_i32_0 = arith.constant 0 : i32
    %c0_i32_1 = arith.constant 0 : i32
    return %c0_i32, %c0_i32_0 : i32, i32
  }
  func.func @transform_11(%arg0: i32) -> (i32, i32) {
    %c0_i32 = arith.constant 0 : i32
    %c0_i32_0 = arith.constant 0 : i32
    %c0_i32_1 = arith.constant 0 : i32
    return %c0_i32, %c0_i32_0 : i32, i32
  }
  func.func @transform_12(%arg0: i32) -> (i32, i32) {
    %c0_i32 = arith.constant 0 : i32
    %c0_i32_0 = arith.constant 0 : i32
    %c0_i32_1 = arith.constant 0 : i32
    return %c0_i32, %c0_i32_0 : i32, i32
  }
  func.func @transform_13(%arg0: i32) -> (i32, i32) {
    %c0_i32 = arith.constant 0 : i32
    %c0_i32_0 = arith.constant 0 : i32
    %c0_i32_1 = arith.constant 0 : i32
    return %c0_i32, %c0_i32_0 : i32, i32
  }
  func.func @transform_14(%arg0: i32) -> (i32, i32) {
    %c0_i32 = arith.constant 0 : i32
    %c0_i32_0 = arith.constant 0 : i32
    %c0_i32_1 = arith.constant 0 : i32
    return %c0_i32, %c0_i32_0 : i32, i32
  }
  func.func @transform_15(%arg0: i32) -> (i32, i32) {
    %c0_i32 = arith.constant 0 : i32
    %c0_i32_0 = arith.constant 0 : i32
    %c0_i32_1 = arith.constant 0 : i32
    return %c0_i32, %c0_i32_0 : i32, i32
  }
  func.func @transform_16(%arg0: i32) -> (i32, i32) {
    %c0_i32 = arith.constant 0 : i32
    %c0_i32_0 = arith.constant 0 : i32
    %c0_i32_1 = arith.constant 0 : i32
    return %c0_i32, %c0_i32_0 : i32, i32
  }
  func.func @transform_17(%arg0: i32) -> (i32, i32) {
    %c0_i32 = arith.constant 0 : i32
    %c0_i32_0 = arith.constant 0 : i32
    %c0_i32_1 = arith.constant 0 : i32
    return %c0_i32, %c0_i32_0 : i32, i32
  }
  func.func @transform_18(%arg0: i32) -> (i32, i32) {
    %c0_i32 = arith.constant 0 : i32
    %c0_i32_0 = arith.constant 0 : i32
    %c0_i32_1 = arith.constant 0 : i32
    return %c0_i32, %c0_i32_0 : i32, i32
  }
  func.func @transform_19(%arg0: i32) -> (i32, i32) {
    %c0_i32 = arith.constant 0 : i32
    %c0_i32_0 = arith.constant 0 : i32
    %c0_i32_1 = arith.constant 0 : i32
    return %c0_i32, %c0_i32_0 : i32, i32
  }
  func.func @transform_20(%arg0: i32) -> (i32, i32) {
    %c0_i32 = arith.constant 0 : i32
    %c0_i32_0 = arith.constant 0 : i32
    %c0_i32_1 = arith.constant 0 : i32
    return %c0_i32, %c0_i32_0 : i32, i32
  }
  func.func @transform_21(%arg0: i32) -> (i32, i32) {
    %c0_i32 = arith.constant 0 : i32
    %c0_i32_0 = arith.constant 0 : i32
    %c0_i32_1 = arith.constant 0 : i32
    return %c0_i32, %c0_i32_0 : i32, i32
  }
  func.func @transform_22(%arg0: i32) -> (i32, i32) {
    %c0_i32 = arith.constant 0 : i32
    %c0_i32_0 = arith.constant 0 : i32
    %c0_i32_1 = arith.constant 0 : i32
    return %c0_i32, %c0_i32_0 : i32, i32
  }
  func.func @transform_23(%arg0: i32) -> (i32, i32) {
    %c0_i32 = arith.constant 0 : i32
    %c0_i32_0 = arith.constant 0 : i32
    %c0_i32_1 = arith.constant 0 : i32
    return %c0_i32, %c0_i32_0 : i32, i32
  }
  func.func @transform_24(%arg0: i32) -> (i32, i32) {
    %c0_i32 = arith.constant 0 : i32
    %c0_i32_0 = arith.constant 0 : i32
    %c0_i32_1 = arith.constant 0 : i32
    return %c0_i32, %c0_i32_0 : i32, i32
  }
  func.func @transform_25(%arg0: i32) -> (i32, i32) {
    %c0_i32 = arith.constant 0 : i32
    %c0_i32_0 = arith.constant 0 : i32
    return %arg0, %c0_i32 : i32, i32
  }
  func.func @transform_26(%arg0: i32) -> (i32, i32) {
    %c0_i32 = arith.constant 0 : i32
    %c0_i32_0 = arith.constant 0 : i32
    return %arg0, %c0_i32 : i32, i32
  }
  func.func @transform_27(%arg0: i32) -> (i32, i32) {
    %c0_i32 = arith.constant 0 : i32
    %c0_i32_0 = arith.constant 0 : i32
    return %arg0, %c0_i32 : i32, i32
  }
  func.func @transform_28(%arg0: i32) -> (i32, i32) {
    %c0_i32 = arith.constant 0 : i32
    %c0_i32_0 = arith.constant 0 : i32
    return %arg0, %c0_i32 : i32, i32
  }
}

module attributes {stable_mosaic.version = 14 : i64} {
  func.func @body(%arg0: i32, %arg1: memref<2048x128xf32, #tpu.memory_space<vmem>>, %arg2: memref<2048x128xf32, #tpu.memory_space<vmem>>, %arg3: memref<2048x128xf32, #tpu.memory_space<vmem>>, %arg4: memref<2048x128xf32, #tpu.memory_space<vmem>>, %arg5: memref<128x128xf32, #tpu.memory_space<vmem>>, %arg6: memref<1x128xf32, #tpu.memory_space<vmem>>, %arg7: memref<1x128xf32, #tpu.memory_space<vmem>>, %arg8: memref<1x128xf32, #tpu.memory_space<vmem>>, %arg9: memref<128x128xf32, #tpu.memory_space<vmem>>, %arg10: memref<1x128xf32, #tpu.memory_space<vmem>>, %arg11: memref<1x128xf32, #tpu.memory_space<vmem>>, %arg12: memref<1x128xf32, #tpu.memory_space<vmem>>, %arg13: memref<128x128xf32, #tpu.memory_space<vmem>>, %arg14: memref<1x128xf32, #tpu.memory_space<vmem>>, %arg15: memref<1x128xf32, #tpu.memory_space<vmem>>, %arg16: memref<1x128xf32, #tpu.memory_space<vmem>>, %arg17: memref<1x128xf32, #tpu.memory_space<vmem>>, %arg18: memref<1x1xf32, #tpu.memory_space<vmem>>, %arg19: memref<2048x128xf32, #tpu.memory_space<vmem>>, %arg20: memref<16x128xf32, #tpu.memory_space<vmem>>) attributes {dimension_semantics = [#tpu.dimension_semantics<arbitrary>], iteration_bounds = array<i64: 40>, scalar_prefetch = 0 : i64, scratch_operands = 0 : i64, tpu.core_type = #tpu.core_type<tc>, window_params = [{transform_indices = @transform_0, window_bounds = array<i64: 2048, 128>}, {transform_indices = @transform_1, window_bounds = array<i64: 2048, 128>}, {transform_indices = @transform_2, window_bounds = array<i64: 2048, 128>}, {transform_indices = @transform_3, window_bounds = array<i64: 2048, 128>}, {pipeline_mode = #tpu.pipeline_mode<synchronous>, transform_indices = @transform_4, window_bounds = array<i64: 128, 128>}, {pipeline_mode = #tpu.pipeline_mode<synchronous>, transform_indices = @transform_5, window_bounds = array<i64: 1, 128>}, {pipeline_mode = #tpu.pipeline_mode<synchronous>, transform_indices = @transform_6, window_bounds = array<i64: 1, 128>}, {pipeline_mode = #tpu.pipeline_mode<synchronous>, transform_indices = @transform_7, window_bounds = array<i64: 1, 128>}, {pipeline_mode = #tpu.pipeline_mode<synchronous>, transform_indices = @transform_8, window_bounds = array<i64: 128, 128>}, {pipeline_mode = #tpu.pipeline_mode<synchronous>, transform_indices = @transform_9, window_bounds = array<i64: 1, 128>}, {pipeline_mode = #tpu.pipeline_mode<synchronous>, transform_indices = @transform_10, window_bounds = array<i64: 1, 128>}, {pipeline_mode = #tpu.pipeline_mode<synchronous>, transform_indices = @transform_11, window_bounds = array<i64: 1, 128>}, {pipeline_mode = #tpu.pipeline_mode<synchronous>, transform_indices = @transform_12, window_bounds = array<i64: 128, 128>}, {pipeline_mode = #tpu.pipeline_mode<synchronous>, transform_indices = @transform_13, window_bounds = array<i64: 1, 128>}, {pipeline_mode = #tpu.pipeline_mode<synchronous>, transform_indices = @transform_14, window_bounds = array<i64: 1, 128>}, {pipeline_mode = #tpu.pipeline_mode<synchronous>, transform_indices = @transform_15, window_bounds = array<i64: 1, 128>}, {pipeline_mode = #tpu.pipeline_mode<synchronous>, transform_indices = @transform_16, window_bounds = array<i64: 1, 128>}, {pipeline_mode = #tpu.pipeline_mode<synchronous>, transform_indices = @transform_17, window_bounds = array<i64: 1, 1>}, {transform_indices = @transform_18, window_bounds = array<i64: 2048, 128>}, {transform_indices = @transform_19, window_bounds = array<i64: 16, 128>}]} {
    %get3A = arith.constant 0 : index
    %get3A_0 = arith.constant 0 : index
    %get3A_1 = vector.load %arg1[%get3A, %get3A_0] : memref<2048x128xf32, #tpu.memory_space<vmem>>, vector<2048x128xf32>
    %get3A_2 = arith.constant 0 : index
    %get3A_3 = arith.constant 0 : index
    %get3A_4 = vector.load %arg3[%get3A_2, %get3A_3] : memref<2048x128xf32, #tpu.memory_space<vmem>>, vector<2048x128xf32>
    %add3A = arith.addf %get3A_1, %get3A_4 : vector<2048x128xf32>
    %get3A_5 = arith.constant 0 : index
    %get3A_6 = arith.constant 0 : index
    %get3A_7 = vector.load %arg4[%get3A_5, %get3A_6] : memref<2048x128xf32, #tpu.memory_space<vmem>>, vector<2048x128xf32>
    %add3A_8 = arith.addf %add3A, %get3A_7 : vector<2048x128xf32>
    %get3A_9 = arith.constant 0 : index
    %get3A_10 = arith.constant 0 : index
    %get3A_11 = vector.load %arg6[%get3A_9, %get3A_10] : memref<1x128xf32, #tpu.memory_space<vmem>>, vector<1x128xf32>
    %add3A_12 = vector.broadcast %get3A_11 : vector<1x128xf32> to vector<2048x128xf32>
    %add3A_13 = arith.addf %add3A_8, %add3A_12 : vector<2048x128xf32>
    %get3A_14 = arith.constant 0 : index
    %get3A_15 = arith.constant 0 : index
    %get3A_16 = vector.load %arg2[%get3A_14, %get3A_15] : memref<2048x128xf32, #tpu.memory_space<vmem>>, vector<2048x128xf32>
    %get3A_17 = arith.constant 0 : index
    %get3A_18 = arith.constant 0 : index
    %get3A_19 = vector.load %arg5[%get3A_17, %get3A_18] : memref<128x128xf32, #tpu.memory_space<vmem>>, vector<128x128xf32>
    %dot_general3A = arith.constant dense<0.000000e+00> : vector<2048x128xf32>
    %dot_general3A_20 = tpu.matmul %get3A_16, %get3A_19, %dot_general3A {dimension_numbers = #tpu.dot_dimension_numbers<[1], [0], [0], [1], [0, 0, 1, 1], [], []>, transpose_lhs_hint = false} : vector<2048x128xf32>, vector<128x128xf32>, vector<2048x128xf32> -> vector<2048x128xf32>
    %add3A_21 = arith.addf %add3A_13, %dot_general3A_20 : vector<2048x128xf32>
    %get3A_22 = arith.constant 0 : index
    %get3A_23 = arith.constant 0 : index
    %get3A_24 = vector.load %arg7[%get3A_22, %get3A_23] : memref<1x128xf32, #tpu.memory_space<vmem>>, vector<1x128xf32>
    %get3A_25 = arith.constant 0 : index
    %get3A_26 = arith.constant 0 : index
    %get3A_27 = vector.load %arg8[%get3A_25, %get3A_26] : memref<1x128xf32, #tpu.memory_space<vmem>>, vector<1x128xf32>
    %max3A = arith.constant 0.000000e+00 : f32
    %max3A_28 = vector.broadcast %max3A : f32 to vector<2048x128xf32>
    %max3A_29 = arith.maximumf %add3A_21, %max3A_28 : vector<2048x128xf32>
    %reduce_sum3A = arith.constant dense<0.000000e+00> : vector<2048xf32>
    %reduce_sum3A_30 = vector.multi_reduction <add>, %max3A_29, %reduce_sum3A [1] : vector<2048x128xf32> to vector<2048xf32>
    %broadcast_in_dim3A = vector.shape_cast %reduce_sum3A_30 : vector<2048xf32> to vector<2048x1xf32>
    %div3A = arith.constant 1.280000e+02 : f32
    %div3A_31 = vector.broadcast %div3A : f32 to vector<2048x1xf32>
    %div3A_32 = arith.divf %broadcast_in_dim3A, %div3A_31 : vector<2048x1xf32>
    %sub3A = vector.broadcast %div3A_32 : vector<2048x1xf32> to vector<2048x128xf32>
    %sub3A_33 = arith.subf %max3A_29, %sub3A : vector<2048x128xf32>
    %mul3A = arith.mulf %sub3A_33, %sub3A_33 : vector<2048x128xf32>
    %reduce_sum3A_34 = arith.constant dense<0.000000e+00> : vector<2048xf32>
    %reduce_sum3A_35 = vector.multi_reduction <add>, %mul3A, %reduce_sum3A_34 [1] : vector<2048x128xf32> to vector<2048xf32>
    %broadcast_in_dim3A_36 = vector.shape_cast %reduce_sum3A_35 : vector<2048xf32> to vector<2048x1xf32>
    %div3A_37 = arith.constant 1.280000e+02 : f32
    %div3A_38 = vector.broadcast %div3A_37 : f32 to vector<2048x1xf32>
    %div3A_39 = arith.divf %broadcast_in_dim3A_36, %div3A_38 : vector<2048x1xf32>
    %add3A_40 = arith.constant 9.99999974E-6 : f32
    %add3A_41 = vector.broadcast %add3A_40 : f32 to vector<2048x1xf32>
    %add3A_42 = arith.addf %div3A_39, %add3A_41 : vector<2048x1xf32>
    %rsqrt3A = math.rsqrt %add3A_42 : vector<2048x1xf32>
    %mul3A_43 = vector.broadcast %rsqrt3A : vector<2048x1xf32> to vector<2048x128xf32>
    %mul3A_44 = arith.mulf %sub3A_33, %mul3A_43 : vector<2048x128xf32>
    %mul3A_45 = vector.broadcast %get3A_24 : vector<1x128xf32> to vector<2048x128xf32>
    %mul3A_46 = arith.mulf %mul3A_44, %mul3A_45 : vector<2048x128xf32>
    %add3A_47 = vector.broadcast %get3A_27 : vector<1x128xf32> to vector<2048x128xf32>
    %add3A_48 = arith.addf %mul3A_46, %add3A_47 : vector<2048x128xf32>
    %swap3A = arith.constant 0 : index
    %swap3A_49 = arith.constant 0 : index
    %swap3A_50 = vector.load %arg19[%swap3A, %swap3A_49] : memref<2048x128xf32, #tpu.memory_space<vmem>>, vector<2048x128xf32>
    tpu.vector_store %arg19[%swap3A, %swap3A_49], %add3A_48 {strides = array<i32>} : memref<2048x128xf32, #tpu.memory_space<vmem>>, vector<2048x128xf32>,
    %get3A_51 = arith.constant 0 : index
    %get3A_52 = arith.constant 0 : index
    %get3A_53 = vector.load %arg9[%get3A_51, %get3A_52] : memref<128x128xf32, #tpu.memory_space<vmem>>, vector<128x128xf32>
    %dot_general3A_54 = arith.constant dense<0.000000e+00> : vector<2048x128xf32>
    %dot_general3A_55 = tpu.matmul %add3A_48, %get3A_53, %dot_general3A_54 {dimension_numbers = #tpu.dot_dimension_numbers<[1], [0], [0], [1], [0, 0, 1, 1], [], []>, transpose_lhs_hint = false} : vector<2048x128xf32>, vector<128x128xf32>, vector<2048x128xf32> -> vector<2048x128xf32>
    %get3A_56 = arith.constant 0 : index
    %get3A_57 = arith.constant 0 : index
    %get3A_58 = vector.load %arg10[%get3A_56, %get3A_57] : memref<1x128xf32, #tpu.memory_space<vmem>>, vector<1x128xf32>
    %add3A_59 = vector.broadcast %get3A_58 : vector<1x128xf32> to vector<2048x128xf32>
    %add3A_60 = arith.addf %dot_general3A_55, %add3A_59 : vector<2048x128xf32>
    %get3A_61 = arith.constant 0 : index
    %get3A_62 = arith.constant 0 : index
    %get3A_63 = vector.load %arg11[%get3A_61, %get3A_62] : memref<1x128xf32, #tpu.memory_space<vmem>>, vector<1x128xf32>
    %get3A_64 = arith.constant 0 : index
    %get3A_65 = arith.constant 0 : index
    %get3A_66 = vector.load %arg12[%get3A_64, %get3A_65] : memref<1x128xf32, #tpu.memory_space<vmem>>, vector<1x128xf32>
    %max3A_67 = arith.constant 0.000000e+00 : f32
    %max3A_68 = vector.broadcast %max3A_67 : f32 to vector<2048x128xf32>
    %max3A_69 = arith.maximumf %add3A_60, %max3A_68 : vector<2048x128xf32>
    %reduce_sum3A_70 = arith.constant dense<0.000000e+00> : vector<2048xf32>
    %reduce_sum3A_71 = vector.multi_reduction <add>, %max3A_69, %reduce_sum3A_70 [1] : vector<2048x128xf32> to vector<2048xf32>
    %broadcast_in_dim3A_72 = vector.shape_cast %reduce_sum3A_71 : vector<2048xf32> to vector<2048x1xf32>
    %div3A_73 = arith.constant 1.280000e+02 : f32
    %div3A_74 = vector.broadcast %div3A_73 : f32 to vector<2048x1xf32>
    %div3A_75 = arith.divf %broadcast_in_dim3A_72, %div3A_74 : vector<2048x1xf32>
    %sub3A_76 = vector.broadcast %div3A_75 : vector<2048x1xf32> to vector<2048x128xf32>
    %sub3A_77 = arith.subf %max3A_69, %sub3A_76 : vector<2048x128xf32>
    %mul3A_78 = arith.mulf %sub3A_77, %sub3A_77 : vector<2048x128xf32>
    %reduce_sum3A_79 = arith.constant dense<0.000000e+00> : vector<2048xf32>
    %reduce_sum3A_80 = vector.multi_reduction <add>, %mul3A_78, %reduce_sum3A_79 [1] : vector<2048x128xf32> to vector<2048xf32>
    %broadcast_in_dim3A_81 = vector.shape_cast %reduce_sum3A_80 : vector<2048xf32> to vector<2048x1xf32>
    %div3A_82 = arith.constant 1.280000e+02 : f32
    %div3A_83 = vector.broadcast %div3A_82 : f32 to vector<2048x1xf32>
    %div3A_84 = arith.divf %broadcast_in_dim3A_81, %div3A_83 : vector<2048x1xf32>
    %add3A_85 = arith.constant 9.99999974E-6 : f32
    %add3A_86 = vector.broadcast %add3A_85 : f32 to vector<2048x1xf32>
    %add3A_87 = arith.addf %div3A_84, %add3A_86 : vector<2048x1xf32>
    %rsqrt3A_88 = math.rsqrt %add3A_87 : vector<2048x1xf32>
    %mul3A_89 = vector.broadcast %rsqrt3A_88 : vector<2048x1xf32> to vector<2048x128xf32>
    %mul3A_90 = arith.mulf %sub3A_77, %mul3A_89 : vector<2048x128xf32>
    %mul3A_91 = vector.broadcast %get3A_63 : vector<1x128xf32> to vector<2048x128xf32>
    %mul3A_92 = arith.mulf %mul3A_90, %mul3A_91 : vector<2048x128xf32>
    %add3A_93 = vector.broadcast %get3A_66 : vector<1x128xf32> to vector<2048x128xf32>
    %add3A_94 = arith.addf %mul3A_92, %add3A_93 : vector<2048x128xf32>
    %get3A_95 = arith.constant 0 : index
    %get3A_96 = arith.constant 0 : index
    %get3A_97 = vector.load %arg13[%get3A_95, %get3A_96] : memref<128x128xf32, #tpu.memory_space<vmem>>, vector<128x128xf32>
    %dot_general3A_98 = arith.constant dense<0.000000e+00> : vector<2048x128xf32>
    %dot_general3A_99 = tpu.matmul %add3A_94, %get3A_97, %dot_general3A_98 {dimension_numbers = #tpu.dot_dimension_numbers<[1], [0], [0], [1], [0, 0, 1, 1], [], []>, transpose_lhs_hint = false} : vector<2048x128xf32>, vector<128x128xf32>, vector<2048x128xf32> -> vector<2048x128xf32>
    %get3A_100 = arith.constant 0 : index
    %get3A_101 = arith.constant 0 : index
    %get3A_102 = vector.load %arg14[%get3A_100, %get3A_101] : memref<1x128xf32, #tpu.memory_space<vmem>>, vector<1x128xf32>
    %add3A_103 = vector.broadcast %get3A_102 : vector<1x128xf32> to vector<2048x128xf32>
    %add3A_104 = arith.addf %dot_general3A_99, %add3A_103 : vector<2048x128xf32>
    %get3A_105 = arith.constant 0 : index
    %get3A_106 = arith.constant 0 : index
    %get3A_107 = vector.load %arg15[%get3A_105, %get3A_106] : memref<1x128xf32, #tpu.memory_space<vmem>>, vector<1x128xf32>
    %get3A_108 = arith.constant 0 : index
    %get3A_109 = arith.constant 0 : index
    %get3A_110 = vector.load %arg16[%get3A_108, %get3A_109] : memref<1x128xf32, #tpu.memory_space<vmem>>, vector<1x128xf32>
    %max3A_111 = arith.constant 0.000000e+00 : f32
    %max3A_112 = vector.broadcast %max3A_111 : f32 to vector<2048x128xf32>
    %max3A_113 = arith.maximumf %add3A_104, %max3A_112 : vector<2048x128xf32>
    %reduce_sum3A_114 = arith.constant dense<0.000000e+00> : vector<2048xf32>
    %reduce_sum3A_115 = vector.multi_reduction <add>, %max3A_113, %reduce_sum3A_114 [1] : vector<2048x128xf32> to vector<2048xf32>
    %broadcast_in_dim3A_116 = vector.shape_cast %reduce_sum3A_115 : vector<2048xf32> to vector<2048x1xf32>
    %div3A_117 = arith.constant 1.280000e+02 : f32
    %div3A_118 = vector.broadcast %div3A_117 : f32 to vector<2048x1xf32>
    %div3A_119 = arith.divf %broadcast_in_dim3A_116, %div3A_118 : vector<2048x1xf32>
    %sub3A_120 = vector.broadcast %div3A_119 : vector<2048x1xf32> to vector<2048x128xf32>
    %sub3A_121 = arith.subf %max3A_113, %sub3A_120 : vector<2048x128xf32>
    %mul3A_122 = arith.mulf %sub3A_121, %sub3A_121 : vector<2048x128xf32>
    %reduce_sum3A_123 = arith.constant dense<0.000000e+00> : vector<2048xf32>
    %reduce_sum3A_124 = vector.multi_reduction <add>, %mul3A_122, %reduce_sum3A_123 [1] : vector<2048x128xf32> to vector<2048xf32>
    %broadcast_in_dim3A_125 = vector.shape_cast %reduce_sum3A_124 : vector<2048xf32> to vector<2048x1xf32>
    %div3A_126 = arith.constant 1.280000e+02 : f32
    %div3A_127 = vector.broadcast %div3A_126 : f32 to vector<2048x1xf32>
    %div3A_128 = arith.divf %broadcast_in_dim3A_125, %div3A_127 : vector<2048x1xf32>
    %add3A_129 = arith.constant 9.99999974E-6 : f32
    %add3A_130 = vector.broadcast %add3A_129 : f32 to vector<2048x1xf32>
    %add3A_131 = arith.addf %div3A_128, %add3A_130 : vector<2048x1xf32>
    %rsqrt3A_132 = math.rsqrt %add3A_131 : vector<2048x1xf32>
    %mul3A_133 = vector.broadcast %rsqrt3A_132 : vector<2048x1xf32> to vector<2048x128xf32>
    %mul3A_134 = arith.mulf %sub3A_121, %mul3A_133 : vector<2048x128xf32>
    %mul3A_135 = vector.broadcast %get3A_107 : vector<1x128xf32> to vector<2048x128xf32>
    %mul3A_136 = arith.mulf %mul3A_134, %mul3A_135 : vector<2048x128xf32>
    %add3A_137 = vector.broadcast %get3A_110 : vector<1x128xf32> to vector<2048x128xf32>
    %add3A_138 = arith.addf %mul3A_136, %add3A_137 : vector<2048x128xf32>
    %get3A_139 = arith.constant 0 : index
    %get3A_140 = arith.constant 0 : index
    %get3A_141 = vector.load %arg17[%get3A_139, %get3A_140] : memref<1x128xf32, #tpu.memory_space<vmem>>, vector<1x128xf32>
    %mul3A_142 = vector.broadcast %get3A_141 : vector<1x128xf32> to vector<2048x128xf32>
    %mul3A_143 = arith.mulf %add3A_138, %mul3A_142 : vector<2048x128xf32>
    %reduce_sum3A_144 = arith.constant dense<0.000000e+00> : vector<2048xf32>
    %reduce_sum3A_145 = vector.multi_reduction <add>, %mul3A_143, %reduce_sum3A_144 [1] : vector<2048x128xf32> to vector<2048xf32>
    %get3A_146 = arith.constant 0 : index
    %get3A_147 = arith.constant 0 : index
    %get3A_148 = vector.load %arg18[%get3A_146, %get3A_147] : memref<1x1xf32, #tpu.memory_space<vmem>>, vector<1x1xf32>
    %get3A_149 = vector.extract %get3A_148[0, 0] : f32 from vector<1x1xf32>
    %add3A_150 = vector.broadcast %get3A_149 : f32 to vector<2048xf32>
    %add3A_151 = arith.addf %reduce_sum3A_145, %add3A_150 : vector<2048xf32>
    %reshape3A = vector.shape_cast %add3A_151 : vector<2048xf32> to vector<16x128xf32>
    %swap3A_152 = arith.constant 0 : index
    %swap3A_153 = arith.constant 0 : index
    %swap3A_154 = vector.load %arg20[%swap3A_152, %swap3A_153] : memref<16x128xf32, #tpu.memory_space<vmem>>, vector<16x128xf32>
    tpu.vector_store %arg20[%swap3A_152, %swap3A_153], %reshape3A {strides = array<i32>} : memref<16x128xf32, #tpu.memory_space<vmem>>, vector<16x128xf32>,
    return
  }
  func.func @transform_0(%arg0: i32) -> (i32, i32) {
    %add3A = arith.constant 0 : i32
    %add3A_0 = arith.addi %arg0, %add3A : i32
    %c0_i32 = arith.constant 0 : i32
    %c0_i32_1 = arith.constant 0 : i32
    return %add3A_0, %c0_i32 : i32, i32
  }
  func.func @transform_1(%arg0: i32) -> (i32, i32) {
    %c0_i32 = arith.constant 0 : i32
    %c0_i32_0 = arith.constant 0 : i32
    return %arg0, %c0_i32 : i32, i32
  }
  func.func @transform_2(%arg0: i32) -> (i32, i32) {
    %c0_i32 = arith.constant 0 : i32
    %c0_i32_0 = arith.constant 0 : i32
    return %arg0, %c0_i32 : i32, i32
  }
  func.func @transform_3(%arg0: i32) -> (i32, i32) {
    %c0_i32 = arith.constant 0 : i32
    %c0_i32_0 = arith.constant 0 : i32
    return %arg0, %c0_i32 : i32, i32
  }
  func.func @transform_4(%arg0: i32) -> (i32, i32) {
    %c0_i32 = arith.constant 0 : i32
    %c0_i32_0 = arith.constant 0 : i32
    %c0_i32_1 = arith.constant 0 : i32
    return %c0_i32, %c0_i32_0 : i32, i32
  }
  func.func @transform_5(%arg0: i32) -> (i32, i32) {
    %c0_i32 = arith.constant 0 : i32
    %c0_i32_0 = arith.constant 0 : i32
    %c0_i32_1 = arith.constant 0 : i32
    return %c0_i32, %c0_i32_0 : i32, i32
  }
  func.func @transform_6(%arg0: i32) -> (i32, i32) {
    %c0_i32 = arith.constant 0 : i32
    %c0_i32_0 = arith.constant 0 : i32
    %c0_i32_1 = arith.constant 0 : i32
    return %c0_i32, %c0_i32_0 : i32, i32
  }
  func.func @transform_7(%arg0: i32) -> (i32, i32) {
    %c0_i32 = arith.constant 0 : i32
    %c0_i32_0 = arith.constant 0 : i32
    %c0_i32_1 = arith.constant 0 : i32
    return %c0_i32, %c0_i32_0 : i32, i32
  }
  func.func @transform_8(%arg0: i32) -> (i32, i32) {
    %c0_i32 = arith.constant 0 : i32
    %c0_i32_0 = arith.constant 0 : i32
    %c0_i32_1 = arith.constant 0 : i32
    return %c0_i32, %c0_i32_0 : i32, i32
  }
  func.func @transform_9(%arg0: i32) -> (i32, i32) {
    %c0_i32 = arith.constant 0 : i32
    %c0_i32_0 = arith.constant 0 : i32
    %c0_i32_1 = arith.constant 0 : i32
    return %c0_i32, %c0_i32_0 : i32, i32
  }
  func.func @transform_10(%arg0: i32) -> (i32, i32) {
    %c0_i32 = arith.constant 0 : i32
    %c0_i32_0 = arith.constant 0 : i32
    %c0_i32_1 = arith.constant 0 : i32
    return %c0_i32, %c0_i32_0 : i32, i32
  }
  func.func @transform_11(%arg0: i32) -> (i32, i32) {
    %c0_i32 = arith.constant 0 : i32
    %c0_i32_0 = arith.constant 0 : i32
    %c0_i32_1 = arith.constant 0 : i32
    return %c0_i32, %c0_i32_0 : i32, i32
  }
  func.func @transform_12(%arg0: i32) -> (i32, i32) {
    %c0_i32 = arith.constant 0 : i32
    %c0_i32_0 = arith.constant 0 : i32
    %c0_i32_1 = arith.constant 0 : i32
    return %c0_i32, %c0_i32_0 : i32, i32
  }
  func.func @transform_13(%arg0: i32) -> (i32, i32) {
    %c0_i32 = arith.constant 0 : i32
    %c0_i32_0 = arith.constant 0 : i32
    %c0_i32_1 = arith.constant 0 : i32
    return %c0_i32, %c0_i32_0 : i32, i32
  }
  func.func @transform_14(%arg0: i32) -> (i32, i32) {
    %c0_i32 = arith.constant 0 : i32
    %c0_i32_0 = arith.constant 0 : i32
    %c0_i32_1 = arith.constant 0 : i32
    return %c0_i32, %c0_i32_0 : i32, i32
  }
  func.func @transform_15(%arg0: i32) -> (i32, i32) {
    %c0_i32 = arith.constant 0 : i32
    %c0_i32_0 = arith.constant 0 : i32
    %c0_i32_1 = arith.constant 0 : i32
    return %c0_i32, %c0_i32_0 : i32, i32
  }
  func.func @transform_16(%arg0: i32) -> (i32, i32) {
    %c0_i32 = arith.constant 0 : i32
    %c0_i32_0 = arith.constant 0 : i32
    %c0_i32_1 = arith.constant 0 : i32
    return %c0_i32, %c0_i32_0 : i32, i32
  }
  func.func @transform_17(%arg0: i32) -> (i32, i32) {
    %c0_i32 = arith.constant 0 : i32
    %c0_i32_0 = arith.constant 0 : i32
    %c0_i32_1 = arith.constant 0 : i32
    return %c0_i32, %c0_i32_0 : i32, i32
  }
  func.func @transform_18(%arg0: i32) -> (i32, i32) {
    %c0_i32 = arith.constant 0 : i32
    %c0_i32_0 = arith.constant 0 : i32
    return %arg0, %c0_i32 : i32, i32
  }
  func.func @transform_19(%arg0: i32) -> (i32, i32) {
    %c0_i32 = arith.constant 0 : i32
    %c0_i32_0 = arith.constant 0 : i32
    return %arg0, %c0_i32 : i32, i32
  }
}

module attributes {stable_mosaic.version = 14 : i64} {
  func.func @body(%arg0: i32, %arg1: memref<2048x128xf32, #tpu.memory_space<vmem>>, %arg2: memref<2048x128xf32, #tpu.memory_space<vmem>>, %arg3: memref<2048x128xf32, #tpu.memory_space<vmem>>, %arg4: memref<2048x128xf32, #tpu.memory_space<vmem>>, %arg5: memref<128x128xf32, #tpu.memory_space<vmem>>, %arg6: memref<1x128xf32, #tpu.memory_space<vmem>>, %arg7: memref<1x128xf32, #tpu.memory_space<vmem>>, %arg8: memref<1x128xf32, #tpu.memory_space<vmem>>, %arg9: memref<128x128xf32, #tpu.memory_space<vmem>>, %arg10: memref<1x128xf32, #tpu.memory_space<vmem>>, %arg11: memref<1x128xf32, #tpu.memory_space<vmem>>, %arg12: memref<1x128xf32, #tpu.memory_space<vmem>>, %arg13: memref<128x128xf32, #tpu.memory_space<vmem>>, %arg14: memref<1x128xf32, #tpu.memory_space<vmem>>, %arg15: memref<1x128xf32, #tpu.memory_space<vmem>>, %arg16: memref<1x128xf32, #tpu.memory_space<vmem>>, %arg17: memref<1x128xf32, #tpu.memory_space<vmem>>, %arg18: memref<1x1xf32, #tpu.memory_space<vmem>>, %arg19: memref<2048x128xf32, #tpu.memory_space<vmem>>, %arg20: memref<16x128xf32, #tpu.memory_space<vmem>>) attributes {dimension_semantics = [#tpu.dimension_semantics<arbitrary>], iteration_bounds = array<i64: 40>, scalar_prefetch = 0 : i64, scratch_operands = 0 : i64, tpu.core_type = #tpu.core_type<tc>, window_params = [{transform_indices = @transform_0, window_bounds = array<i64: 2048, 128>}, {transform_indices = @transform_1, window_bounds = array<i64: 2048, 128>}, {transform_indices = @transform_2, window_bounds = array<i64: 2048, 128>}, {transform_indices = @transform_3, window_bounds = array<i64: 2048, 128>}, {pipeline_mode = #tpu.pipeline_mode<synchronous>, transform_indices = @transform_4, window_bounds = array<i64: 128, 128>}, {pipeline_mode = #tpu.pipeline_mode<synchronous>, transform_indices = @transform_5, window_bounds = array<i64: 1, 128>}, {pipeline_mode = #tpu.pipeline_mode<synchronous>, transform_indices = @transform_6, window_bounds = array<i64: 1, 128>}, {pipeline_mode = #tpu.pipeline_mode<synchronous>, transform_indices = @transform_7, window_bounds = array<i64: 1, 128>}, {pipeline_mode = #tpu.pipeline_mode<synchronous>, transform_indices = @transform_8, window_bounds = array<i64: 128, 128>}, {pipeline_mode = #tpu.pipeline_mode<synchronous>, transform_indices = @transform_9, window_bounds = array<i64: 1, 128>}, {pipeline_mode = #tpu.pipeline_mode<synchronous>, transform_indices = @transform_10, window_bounds = array<i64: 1, 128>}, {pipeline_mode = #tpu.pipeline_mode<synchronous>, transform_indices = @transform_11, window_bounds = array<i64: 1, 128>}, {pipeline_mode = #tpu.pipeline_mode<synchronous>, transform_indices = @transform_12, window_bounds = array<i64: 128, 128>}, {pipeline_mode = #tpu.pipeline_mode<synchronous>, transform_indices = @transform_13, window_bounds = array<i64: 1, 128>}, {pipeline_mode = #tpu.pipeline_mode<synchronous>, transform_indices = @transform_14, window_bounds = array<i64: 1, 128>}, {pipeline_mode = #tpu.pipeline_mode<synchronous>, transform_indices = @transform_15, window_bounds = array<i64: 1, 128>}, {pipeline_mode = #tpu.pipeline_mode<synchronous>, transform_indices = @transform_16, window_bounds = array<i64: 1, 128>}, {pipeline_mode = #tpu.pipeline_mode<synchronous>, transform_indices = @transform_17, window_bounds = array<i64: 1, 1>}, {transform_indices = @transform_18, window_bounds = array<i64: 2048, 128>}, {transform_indices = @transform_19, window_bounds = array<i64: 16, 128>}]} {
    %get3A = arith.constant 0 : index
    %get3A_0 = arith.constant 0 : index
    %get3A_1 = vector.load %arg1[%get3A, %get3A_0] : memref<2048x128xf32, #tpu.memory_space<vmem>>, vector<2048x128xf32>
    %get3A_2 = arith.constant 0 : index
    %get3A_3 = arith.constant 0 : index
    %get3A_4 = vector.load %arg3[%get3A_2, %get3A_3] : memref<2048x128xf32, #tpu.memory_space<vmem>>, vector<2048x128xf32>
    %add3A = arith.addf %get3A_1, %get3A_4 : vector<2048x128xf32>
    %get3A_5 = arith.constant 0 : index
    %get3A_6 = arith.constant 0 : index
    %get3A_7 = vector.load %arg4[%get3A_5, %get3A_6] : memref<2048x128xf32, #tpu.memory_space<vmem>>, vector<2048x128xf32>
    %add3A_8 = arith.addf %add3A, %get3A_7 : vector<2048x128xf32>
    %get3A_9 = arith.constant 0 : index
    %get3A_10 = arith.constant 0 : index
    %get3A_11 = vector.load %arg6[%get3A_9, %get3A_10] : memref<1x128xf32, #tpu.memory_space<vmem>>, vector<1x128xf32>
    %add3A_12 = vector.broadcast %get3A_11 : vector<1x128xf32> to vector<2048x128xf32>
    %add3A_13 = arith.addf %add3A_8, %add3A_12 : vector<2048x128xf32>
    %get3A_14 = arith.constant 0 : index
    %get3A_15 = arith.constant 0 : index
    %get3A_16 = vector.load %arg2[%get3A_14, %get3A_15] : memref<2048x128xf32, #tpu.memory_space<vmem>>, vector<2048x128xf32>
    %get3A_17 = arith.constant 0 : index
    %get3A_18 = arith.constant 0 : index
    %get3A_19 = vector.load %arg5[%get3A_17, %get3A_18] : memref<128x128xf32, #tpu.memory_space<vmem>>, vector<128x128xf32>
    %dot_general3A = arith.constant dense<0.000000e+00> : vector<2048x128xf32>
    %dot_general3A_20 = tpu.matmul %get3A_16, %get3A_19, %dot_general3A {dimension_numbers = #tpu.dot_dimension_numbers<[1], [0], [0], [1], [0, 0, 1, 1], [], []>, transpose_lhs_hint = false} : vector<2048x128xf32>, vector<128x128xf32>, vector<2048x128xf32> -> vector<2048x128xf32>
    %add3A_21 = arith.addf %add3A_13, %dot_general3A_20 : vector<2048x128xf32>
    %get3A_22 = arith.constant 0 : index
    %get3A_23 = arith.constant 0 : index
    %get3A_24 = vector.load %arg7[%get3A_22, %get3A_23] : memref<1x128xf32, #tpu.memory_space<vmem>>, vector<1x128xf32>
    %get3A_25 = arith.constant 0 : index
    %get3A_26 = arith.constant 0 : index
    %get3A_27 = vector.load %arg8[%get3A_25, %get3A_26] : memref<1x128xf32, #tpu.memory_space<vmem>>, vector<1x128xf32>
    %max3A = arith.constant 0.000000e+00 : f32
    %max3A_28 = vector.broadcast %max3A : f32 to vector<2048x128xf32>
    %max3A_29 = arith.maximumf %add3A_21, %max3A_28 : vector<2048x128xf32>
    %reduce_sum3A = arith.constant dense<0.000000e+00> : vector<2048xf32>
    %reduce_sum3A_30 = vector.multi_reduction <add>, %max3A_29, %reduce_sum3A [1] : vector<2048x128xf32> to vector<2048xf32>
    %broadcast_in_dim3A = vector.shape_cast %reduce_sum3A_30 : vector<2048xf32> to vector<2048x1xf32>
    %div3A = arith.constant 1.280000e+02 : f32
    %div3A_31 = vector.broadcast %div3A : f32 to vector<2048x1xf32>
    %div3A_32 = arith.divf %broadcast_in_dim3A, %div3A_31 : vector<2048x1xf32>
    %sub3A = vector.broadcast %div3A_32 : vector<2048x1xf32> to vector<2048x128xf32>
    %sub3A_33 = arith.subf %max3A_29, %sub3A : vector<2048x128xf32>
    %mul3A = arith.mulf %sub3A_33, %sub3A_33 : vector<2048x128xf32>
    %reduce_sum3A_34 = arith.constant dense<0.000000e+00> : vector<2048xf32>
    %reduce_sum3A_35 = vector.multi_reduction <add>, %mul3A, %reduce_sum3A_34 [1] : vector<2048x128xf32> to vector<2048xf32>
    %broadcast_in_dim3A_36 = vector.shape_cast %reduce_sum3A_35 : vector<2048xf32> to vector<2048x1xf32>
    %div3A_37 = arith.constant 1.280000e+02 : f32
    %div3A_38 = vector.broadcast %div3A_37 : f32 to vector<2048x1xf32>
    %div3A_39 = arith.divf %broadcast_in_dim3A_36, %div3A_38 : vector<2048x1xf32>
    %add3A_40 = arith.constant 9.99999974E-6 : f32
    %add3A_41 = vector.broadcast %add3A_40 : f32 to vector<2048x1xf32>
    %add3A_42 = arith.addf %div3A_39, %add3A_41 : vector<2048x1xf32>
    %rsqrt3A = math.rsqrt %add3A_42 : vector<2048x1xf32>
    %mul3A_43 = vector.broadcast %rsqrt3A : vector<2048x1xf32> to vector<2048x128xf32>
    %mul3A_44 = arith.mulf %sub3A_33, %mul3A_43 : vector<2048x128xf32>
    %mul3A_45 = vector.broadcast %get3A_24 : vector<1x128xf32> to vector<2048x128xf32>
    %mul3A_46 = arith.mulf %mul3A_44, %mul3A_45 : vector<2048x128xf32>
    %add3A_47 = vector.broadcast %get3A_27 : vector<1x128xf32> to vector<2048x128xf32>
    %add3A_48 = arith.addf %mul3A_46, %add3A_47 : vector<2048x128xf32>
    %swap3A = arith.constant 0 : index
    %swap3A_49 = arith.constant 0 : index
    %swap3A_50 = vector.load %arg19[%swap3A, %swap3A_49] : memref<2048x128xf32, #tpu.memory_space<vmem>>, vector<2048x128xf32>
    tpu.vector_store %arg19[%swap3A, %swap3A_49], %add3A_48 {strides = array<i32>} : memref<2048x128xf32, #tpu.memory_space<vmem>>, vector<2048x128xf32>,
    %get3A_51 = arith.constant 0 : index
    %get3A_52 = arith.constant 0 : index
    %get3A_53 = vector.load %arg9[%get3A_51, %get3A_52] : memref<128x128xf32, #tpu.memory_space<vmem>>, vector<128x128xf32>
    %dot_general3A_54 = arith.constant dense<0.000000e+00> : vector<2048x128xf32>
    %dot_general3A_55 = tpu.matmul %add3A_48, %get3A_53, %dot_general3A_54 {dimension_numbers = #tpu.dot_dimension_numbers<[1], [0], [0], [1], [0, 0, 1, 1], [], []>, transpose_lhs_hint = false} : vector<2048x128xf32>, vector<128x128xf32>, vector<2048x128xf32> -> vector<2048x128xf32>
    %get3A_56 = arith.constant 0 : index
    %get3A_57 = arith.constant 0 : index
    %get3A_58 = vector.load %arg10[%get3A_56, %get3A_57] : memref<1x128xf32, #tpu.memory_space<vmem>>, vector<1x128xf32>
    %add3A_59 = vector.broadcast %get3A_58 : vector<1x128xf32> to vector<2048x128xf32>
    %add3A_60 = arith.addf %dot_general3A_55, %add3A_59 : vector<2048x128xf32>
    %get3A_61 = arith.constant 0 : index
    %get3A_62 = arith.constant 0 : index
    %get3A_63 = vector.load %arg11[%get3A_61, %get3A_62] : memref<1x128xf32, #tpu.memory_space<vmem>>, vector<1x128xf32>
    %get3A_64 = arith.constant 0 : index
    %get3A_65 = arith.constant 0 : index
    %get3A_66 = vector.load %arg12[%get3A_64, %get3A_65] : memref<1x128xf32, #tpu.memory_space<vmem>>, vector<1x128xf32>
    %max3A_67 = arith.constant 0.000000e+00 : f32
    %max3A_68 = vector.broadcast %max3A_67 : f32 to vector<2048x128xf32>
    %max3A_69 = arith.maximumf %add3A_60, %max3A_68 : vector<2048x128xf32>
    %reduce_sum3A_70 = arith.constant dense<0.000000e+00> : vector<2048xf32>
    %reduce_sum3A_71 = vector.multi_reduction <add>, %max3A_69, %reduce_sum3A_70 [1] : vector<2048x128xf32> to vector<2048xf32>
    %broadcast_in_dim3A_72 = vector.shape_cast %reduce_sum3A_71 : vector<2048xf32> to vector<2048x1xf32>
    %div3A_73 = arith.constant 1.280000e+02 : f32
    %div3A_74 = vector.broadcast %div3A_73 : f32 to vector<2048x1xf32>
    %div3A_75 = arith.divf %broadcast_in_dim3A_72, %div3A_74 : vector<2048x1xf32>
    %sub3A_76 = vector.broadcast %div3A_75 : vector<2048x1xf32> to vector<2048x128xf32>
    %sub3A_77 = arith.subf %max3A_69, %sub3A_76 : vector<2048x128xf32>
    %mul3A_78 = arith.mulf %sub3A_77, %sub3A_77 : vector<2048x128xf32>
    %reduce_sum3A_79 = arith.constant dense<0.000000e+00> : vector<2048xf32>
    %reduce_sum3A_80 = vector.multi_reduction <add>, %mul3A_78, %reduce_sum3A_79 [1] : vector<2048x128xf32> to vector<2048xf32>
    %broadcast_in_dim3A_81 = vector.shape_cast %reduce_sum3A_80 : vector<2048xf32> to vector<2048x1xf32>
    %div3A_82 = arith.constant 1.280000e+02 : f32
    %div3A_83 = vector.broadcast %div3A_82 : f32 to vector<2048x1xf32>
    %div3A_84 = arith.divf %broadcast_in_dim3A_81, %div3A_83 : vector<2048x1xf32>
    %add3A_85 = arith.constant 9.99999974E-6 : f32
    %add3A_86 = vector.broadcast %add3A_85 : f32 to vector<2048x1xf32>
    %add3A_87 = arith.addf %div3A_84, %add3A_86 : vector<2048x1xf32>
    %rsqrt3A_88 = math.rsqrt %add3A_87 : vector<2048x1xf32>
    %mul3A_89 = vector.broadcast %rsqrt3A_88 : vector<2048x1xf32> to vector<2048x128xf32>
    %mul3A_90 = arith.mulf %sub3A_77, %mul3A_89 : vector<2048x128xf32>
    %mul3A_91 = vector.broadcast %get3A_63 : vector<1x128xf32> to vector<2048x128xf32>
    %mul3A_92 = arith.mulf %mul3A_90, %mul3A_91 : vector<2048x128xf32>
    %add3A_93 = vector.broadcast %get3A_66 : vector<1x128xf32> to vector<2048x128xf32>
    %add3A_94 = arith.addf %mul3A_92, %add3A_93 : vector<2048x128xf32>
    %get3A_95 = arith.constant 0 : index
    %get3A_96 = arith.constant 0 : index
    %get3A_97 = vector.load %arg13[%get3A_95, %get3A_96] : memref<128x128xf32, #tpu.memory_space<vmem>>, vector<128x128xf32>
    %dot_general3A_98 = arith.constant dense<0.000000e+00> : vector<2048x128xf32>
    %dot_general3A_99 = tpu.matmul %add3A_94, %get3A_97, %dot_general3A_98 {dimension_numbers = #tpu.dot_dimension_numbers<[1], [0], [0], [1], [0, 0, 1, 1], [], []>, transpose_lhs_hint = false} : vector<2048x128xf32>, vector<128x128xf32>, vector<2048x128xf32> -> vector<2048x128xf32>
    %get3A_100 = arith.constant 0 : index
    %get3A_101 = arith.constant 0 : index
    %get3A_102 = vector.load %arg14[%get3A_100, %get3A_101] : memref<1x128xf32, #tpu.memory_space<vmem>>, vector<1x128xf32>
    %add3A_103 = vector.broadcast %get3A_102 : vector<1x128xf32> to vector<2048x128xf32>
    %add3A_104 = arith.addf %dot_general3A_99, %add3A_103 : vector<2048x128xf32>
    %get3A_105 = arith.constant 0 : index
    %get3A_106 = arith.constant 0 : index
    %get3A_107 = vector.load %arg15[%get3A_105, %get3A_106] : memref<1x128xf32, #tpu.memory_space<vmem>>, vector<1x128xf32>
    %get3A_108 = arith.constant 0 : index
    %get3A_109 = arith.constant 0 : index
    %get3A_110 = vector.load %arg16[%get3A_108, %get3A_109] : memref<1x128xf32, #tpu.memory_space<vmem>>, vector<1x128xf32>
    %max3A_111 = arith.constant 0.000000e+00 : f32
    %max3A_112 = vector.broadcast %max3A_111 : f32 to vector<2048x128xf32>
    %max3A_113 = arith.maximumf %add3A_104, %max3A_112 : vector<2048x128xf32>
    %reduce_sum3A_114 = arith.constant dense<0.000000e+00> : vector<2048xf32>
    %reduce_sum3A_115 = vector.multi_reduction <add>, %max3A_113, %reduce_sum3A_114 [1] : vector<2048x128xf32> to vector<2048xf32>
    %broadcast_in_dim3A_116 = vector.shape_cast %reduce_sum3A_115 : vector<2048xf32> to vector<2048x1xf32>
    %div3A_117 = arith.constant 1.280000e+02 : f32
    %div3A_118 = vector.broadcast %div3A_117 : f32 to vector<2048x1xf32>
    %div3A_119 = arith.divf %broadcast_in_dim3A_116, %div3A_118 : vector<2048x1xf32>
    %sub3A_120 = vector.broadcast %div3A_119 : vector<2048x1xf32> to vector<2048x128xf32>
    %sub3A_121 = arith.subf %max3A_113, %sub3A_120 : vector<2048x128xf32>
    %mul3A_122 = arith.mulf %sub3A_121, %sub3A_121 : vector<2048x128xf32>
    %reduce_sum3A_123 = arith.constant dense<0.000000e+00> : vector<2048xf32>
    %reduce_sum3A_124 = vector.multi_reduction <add>, %mul3A_122, %reduce_sum3A_123 [1] : vector<2048x128xf32> to vector<2048xf32>
    %broadcast_in_dim3A_125 = vector.shape_cast %reduce_sum3A_124 : vector<2048xf32> to vector<2048x1xf32>
    %div3A_126 = arith.constant 1.280000e+02 : f32
    %div3A_127 = vector.broadcast %div3A_126 : f32 to vector<2048x1xf32>
    %div3A_128 = arith.divf %broadcast_in_dim3A_125, %div3A_127 : vector<2048x1xf32>
    %add3A_129 = arith.constant 9.99999974E-6 : f32
    %add3A_130 = vector.broadcast %add3A_129 : f32 to vector<2048x1xf32>
    %add3A_131 = arith.addf %div3A_128, %add3A_130 : vector<2048x1xf32>
    %rsqrt3A_132 = math.rsqrt %add3A_131 : vector<2048x1xf32>
    %mul3A_133 = vector.broadcast %rsqrt3A_132 : vector<2048x1xf32> to vector<2048x128xf32>
    %mul3A_134 = arith.mulf %sub3A_121, %mul3A_133 : vector<2048x128xf32>
    %mul3A_135 = vector.broadcast %get3A_107 : vector<1x128xf32> to vector<2048x128xf32>
    %mul3A_136 = arith.mulf %mul3A_134, %mul3A_135 : vector<2048x128xf32>
    %add3A_137 = vector.broadcast %get3A_110 : vector<1x128xf32> to vector<2048x128xf32>
    %add3A_138 = arith.addf %mul3A_136, %add3A_137 : vector<2048x128xf32>
    %get3A_139 = arith.constant 0 : index
    %get3A_140 = arith.constant 0 : index
    %get3A_141 = vector.load %arg17[%get3A_139, %get3A_140] : memref<1x128xf32, #tpu.memory_space<vmem>>, vector<1x128xf32>
    %mul3A_142 = vector.broadcast %get3A_141 : vector<1x128xf32> to vector<2048x128xf32>
    %mul3A_143 = arith.mulf %add3A_138, %mul3A_142 : vector<2048x128xf32>
    %reduce_sum3A_144 = arith.constant dense<0.000000e+00> : vector<2048xf32>
    %reduce_sum3A_145 = vector.multi_reduction <add>, %mul3A_143, %reduce_sum3A_144 [1] : vector<2048x128xf32> to vector<2048xf32>
    %get3A_146 = arith.constant 0 : index
    %get3A_147 = arith.constant 0 : index
    %get3A_148 = vector.load %arg18[%get3A_146, %get3A_147] : memref<1x1xf32, #tpu.memory_space<vmem>>, vector<1x1xf32>
    %get3A_149 = vector.extract %get3A_148[0, 0] : f32 from vector<1x1xf32>
    %add3A_150 = vector.broadcast %get3A_149 : f32 to vector<2048xf32>
    %add3A_151 = arith.addf %reduce_sum3A_145, %add3A_150 : vector<2048xf32>
    %reshape3A = vector.shape_cast %add3A_151 : vector<2048xf32> to vector<16x128xf32>
    %swap3A_152 = arith.constant 0 : index
    %swap3A_153 = arith.constant 0 : index
    %swap3A_154 = vector.load %arg20[%swap3A_152, %swap3A_153] : memref<16x128xf32, #tpu.memory_space<vmem>>, vector<16x128xf32>
    tpu.vector_store %arg20[%swap3A_152, %swap3A_153], %reshape3A {strides = array<i32>} : memref<16x128xf32, #tpu.memory_space<vmem>>, vector<16x128xf32>,
    return
  }
  func.func @transform_0(%arg0: i32) -> (i32, i32) {
    %add3A = arith.constant 40 : i32
    %add3A_0 = arith.addi %arg0, %add3A : i32
    %c0_i32 = arith.constant 0 : i32
    %c0_i32_1 = arith.constant 0 : i32
    return %add3A_0, %c0_i32 : i32, i32
  }
  func.func @transform_1(%arg0: i32) -> (i32, i32) {
    %c0_i32 = arith.constant 0 : i32
    %c0_i32_0 = arith.constant 0 : i32
    return %arg0, %c0_i32 : i32, i32
  }
  func.func @transform_2(%arg0: i32) -> (i32, i32) {
    %c0_i32 = arith.constant 0 : i32
    %c0_i32_0 = arith.constant 0 : i32
    return %arg0, %c0_i32 : i32, i32
  }
  func.func @transform_3(%arg0: i32) -> (i32, i32) {
    %c0_i32 = arith.constant 0 : i32
    %c0_i32_0 = arith.constant 0 : i32
    return %arg0, %c0_i32 : i32, i32
  }
  func.func @transform_4(%arg0: i32) -> (i32, i32) {
    %c0_i32 = arith.constant 0 : i32
    %c0_i32_0 = arith.constant 0 : i32
    %c0_i32_1 = arith.constant 0 : i32
    return %c0_i32, %c0_i32_0 : i32, i32
  }
  func.func @transform_5(%arg0: i32) -> (i32, i32) {
    %c0_i32 = arith.constant 0 : i32
    %c0_i32_0 = arith.constant 0 : i32
    %c0_i32_1 = arith.constant 0 : i32
    return %c0_i32, %c0_i32_0 : i32, i32
  }
  func.func @transform_6(%arg0: i32) -> (i32, i32) {
    %c0_i32 = arith.constant 0 : i32
    %c0_i32_0 = arith.constant 0 : i32
    %c0_i32_1 = arith.constant 0 : i32
    return %c0_i32, %c0_i32_0 : i32, i32
  }
  func.func @transform_7(%arg0: i32) -> (i32, i32) {
    %c0_i32 = arith.constant 0 : i32
    %c0_i32_0 = arith.constant 0 : i32
    %c0_i32_1 = arith.constant 0 : i32
    return %c0_i32, %c0_i32_0 : i32, i32
  }
  func.func @transform_8(%arg0: i32) -> (i32, i32) {
    %c0_i32 = arith.constant 0 : i32
    %c0_i32_0 = arith.constant 0 : i32
    %c0_i32_1 = arith.constant 0 : i32
    return %c0_i32, %c0_i32_0 : i32, i32
  }
  func.func @transform_9(%arg0: i32) -> (i32, i32) {
    %c0_i32 = arith.constant 0 : i32
    %c0_i32_0 = arith.constant 0 : i32
    %c0_i32_1 = arith.constant 0 : i32
    return %c0_i32, %c0_i32_0 : i32, i32
  }
  func.func @transform_10(%arg0: i32) -> (i32, i32) {
    %c0_i32 = arith.constant 0 : i32
    %c0_i32_0 = arith.constant 0 : i32
    %c0_i32_1 = arith.constant 0 : i32
    return %c0_i32, %c0_i32_0 : i32, i32
  }
  func.func @transform_11(%arg0: i32) -> (i32, i32) {
    %c0_i32 = arith.constant 0 : i32
    %c0_i32_0 = arith.constant 0 : i32
    %c0_i32_1 = arith.constant 0 : i32
    return %c0_i32, %c0_i32_0 : i32, i32
  }
  func.func @transform_12(%arg0: i32) -> (i32, i32) {
    %c0_i32 = arith.constant 0 : i32
    %c0_i32_0 = arith.constant 0 : i32
    %c0_i32_1 = arith.constant 0 : i32
    return %c0_i32, %c0_i32_0 : i32, i32
  }
  func.func @transform_13(%arg0: i32) -> (i32, i32) {
    %c0_i32 = arith.constant 0 : i32
    %c0_i32_0 = arith.constant 0 : i32
    %c0_i32_1 = arith.constant 0 : i32
    return %c0_i32, %c0_i32_0 : i32, i32
  }
  func.func @transform_14(%arg0: i32) -> (i32, i32) {
    %c0_i32 = arith.constant 0 : i32
    %c0_i32_0 = arith.constant 0 : i32
    %c0_i32_1 = arith.constant 0 : i32
    return %c0_i32, %c0_i32_0 : i32, i32
  }
  func.func @transform_15(%arg0: i32) -> (i32, i32) {
    %c0_i32 = arith.constant 0 : i32
    %c0_i32_0 = arith.constant 0 : i32
    %c0_i32_1 = arith.constant 0 : i32
    return %c0_i32, %c0_i32_0 : i32, i32
  }
  func.func @transform_16(%arg0: i32) -> (i32, i32) {
    %c0_i32 = arith.constant 0 : i32
    %c0_i32_0 = arith.constant 0 : i32
    %c0_i32_1 = arith.constant 0 : i32
    return %c0_i32, %c0_i32_0 : i32, i32
  }
  func.func @transform_17(%arg0: i32) -> (i32, i32) {
    %c0_i32 = arith.constant 0 : i32
    %c0_i32_0 = arith.constant 0 : i32
    %c0_i32_1 = arith.constant 0 : i32
    return %c0_i32, %c0_i32_0 : i32, i32
  }
  func.func @transform_18(%arg0: i32) -> (i32, i32) {
    %c0_i32 = arith.constant 0 : i32
    %c0_i32_0 = arith.constant 0 : i32
    return %arg0, %c0_i32 : i32, i32
  }
  func.func @transform_19(%arg0: i32) -> (i32, i32) {
    %c0_i32 = arith.constant 0 : i32
    %c0_i32_0 = arith.constant 0 : i32
    return %arg0, %c0_i32 : i32, i32
  }
}

module attributes {stable_mosaic.version = 14 : i64} {
  func.func @body(%arg0: i32, %arg1: memref<2048x128xf32, #tpu.memory_space<vmem>>, %arg2: memref<2048x128xf32, #tpu.memory_space<vmem>>, %arg3: memref<1x2048x128xf32, #tpu.memory_space<vmem>>, %arg4: memref<1x2048x128xf32, #tpu.memory_space<vmem>>, %arg5: memref<1x2048x128xf32, #tpu.memory_space<vmem>>, %arg6: memref<1x2048x128xf32, #tpu.memory_space<vmem>>, %arg7: memref<2048x128xf32, #tpu.memory_space<vmem>>, %arg8: memref<2048x128xf32, #tpu.memory_space<vmem>>, %arg9: memref<128x128xf32, #tpu.memory_space<vmem>>, %arg10: memref<128x128xf32, #tpu.memory_space<vmem>>, %arg11: memref<1x128xf32, #tpu.memory_space<vmem>>, %arg12: memref<1x128xf32, #tpu.memory_space<vmem>>, %arg13: memref<1x128xf32, #tpu.memory_space<vmem>>, %arg14: memref<128x128xf32, #tpu.memory_space<vmem>>, %arg15: memref<1x128xf32, #tpu.memory_space<vmem>>, %arg16: memref<1x128xf32, #tpu.memory_space<vmem>>, %arg17: memref<1x128xf32, #tpu.memory_space<vmem>>, %arg18: memref<128x128xf32, #tpu.memory_space<vmem>>, %arg19: memref<1x128xf32, #tpu.memory_space<vmem>>, %arg20: memref<1x128xf32, #tpu.memory_space<vmem>>, %arg21: memref<1x128xf32, #tpu.memory_space<vmem>>, %arg22: memref<1x128xf32, #tpu.memory_space<vmem>>, %arg23: memref<1x1xf32, #tpu.memory_space<vmem>>, %arg24: memref<128x128xf32, #tpu.memory_space<vmem>>, %arg25: memref<128x128xf32, #tpu.memory_space<vmem>>, %arg26: memref<2048x128xf32, #tpu.memory_space<vmem>>, %arg27: memref<16x128xf32, #tpu.memory_space<vmem>>, %arg28: memref<2048x128xf32, #tpu.memory_space<vmem>>, %arg29: memref<2048x128xf32, #tpu.memory_space<vmem>>) attributes {dimension_semantics = [#tpu.dimension_semantics<arbitrary>], iteration_bounds = array<i64: 5>, scalar_prefetch = 0 : i64, scratch_operands = 0 : i64, tpu.core_type = #tpu.core_type<tc>, window_params = [{transform_indices = @transform_0, window_bounds = array<i64: 2048, 128>}, {transform_indices = @transform_1, window_bounds = array<i64: 2048, 128>}, {transform_indices = @transform_2, window_bounds = array<i64: 1, 2048, 128>}, {transform_indices = @transform_3, window_bounds = array<i64: 1, 2048, 128>}, {transform_indices = @transform_4, window_bounds = array<i64: 1, 2048, 128>}, {transform_indices = @transform_5, window_bounds = array<i64: 1, 2048, 128>}, {transform_indices = @transform_6, window_bounds = array<i64: 2048, 128>}, {transform_indices = @transform_7, window_bounds = array<i64: 2048, 128>}, {pipeline_mode = #tpu.pipeline_mode<synchronous>, transform_indices = @transform_8, window_bounds = array<i64: 128, 128>}, {pipeline_mode = #tpu.pipeline_mode<synchronous>, transform_indices = @transform_9, window_bounds = array<i64: 128, 128>}, {pipeline_mode = #tpu.pipeline_mode<synchronous>, transform_indices = @transform_10, window_bounds = array<i64: 1, 128>}, {pipeline_mode = #tpu.pipeline_mode<synchronous>, transform_indices = @transform_11, window_bounds = array<i64: 1, 128>}, {pipeline_mode = #tpu.pipeline_mode<synchronous>, transform_indices = @transform_12, window_bounds = array<i64: 1, 128>}, {pipeline_mode = #tpu.pipeline_mode<synchronous>, transform_indices = @transform_13, window_bounds = array<i64: 128, 128>}, {pipeline_mode = #tpu.pipeline_mode<synchronous>, transform_indices = @transform_14, window_bounds = array<i64: 1, 128>}, {pipeline_mode = #tpu.pipeline_mode<synchronous>, transform_indices = @transform_15, window_bounds = array<i64: 1, 128>}, {pipeline_mode = #tpu.pipeline_mode<synchronous>, transform_indices = @transform_16, window_bounds = array<i64: 1, 128>}, {pipeline_mode = #tpu.pipeline_mode<synchronous>, transform_indices = @transform_17, window_bounds = array<i64: 128, 128>}, {pipeline_mode = #tpu.pipeline_mode<synchronous>, transform_indices = @transform_18, window_bounds = array<i64: 1, 128>}, {pipeline_mode = #tpu.pipeline_mode<synchronous>, transform_indices = @transform_19, window_bounds = array<i64: 1, 128>}, {pipeline_mode = #tpu.pipeline_mode<synchronous>, transform_indices = @transform_20, window_bounds = array<i64: 1, 128>}, {pipeline_mode = #tpu.pipeline_mode<synchronous>, transform_indices = @transform_21, window_bounds = array<i64: 1, 128>}, {pipeline_mode = #tpu.pipeline_mode<synchronous>, transform_indices = @transform_22, window_bounds = array<i64: 1, 1>}, {pipeline_mode = #tpu.pipeline_mode<synchronous>, transform_indices = @transform_23, window_bounds = array<i64: 128, 128>}, {pipeline_mode = #tpu.pipeline_mode<synchronous>, transform_indices = @transform_24, window_bounds = array<i64: 128, 128>}, {transform_indices = @transform_25, window_bounds = array<i64: 2048, 128>}, {transform_indices = @transform_26, window_bounds = array<i64: 16, 128>}, {transform_indices = @transform_27, window_bounds = array<i64: 2048, 128>}, {transform_indices = @transform_28, window_bounds = array<i64: 2048, 128>}]} {
    %get3A = arith.constant 0 : index
    %get3A_0 = arith.constant 0 : index
    %get3A_1 = arith.constant 0 : index
    %get3A_2 = vector.load %arg3[%get3A, %get3A_0, %get3A_1] : memref<1x2048x128xf32, #tpu.memory_space<vmem>>, vector<1x2048x128xf32>
    %get3A_3 = vector.shape_cast %get3A_2 : vector<1x2048x128xf32> to vector<2048x128xf32>
    %get3A_4 = arith.constant 0 : index
    %get3A_5 = arith.constant 0 : index
    %get3A_6 = arith.constant 0 : index
    %get3A_7 = vector.load %arg4[%get3A_4, %get3A_5, %get3A_6] : memref<1x2048x128xf32, #tpu.memory_space<vmem>>, vector<1x2048x128xf32>
    %get3A_8 = vector.shape_cast %get3A_7 : vector<1x2048x128xf32> to vector<2048x128xf32>
    %add3A = arith.addf %get3A_3, %get3A_8 : vector<2048x128xf32>
    %get3A_9 = arith.constant 0 : index
    %get3A_10 = arith.constant 0 : index
    %get3A_11 = arith.constant 0 : index
    %get3A_12 = vector.load %arg5[%get3A_9, %get3A_10, %get3A_11] : memref<1x2048x128xf32, #tpu.memory_space<vmem>>, vector<1x2048x128xf32>
    %get3A_13 = vector.shape_cast %get3A_12 : vector<1x2048x128xf32> to vector<2048x128xf32>
    %get3A_14 = arith.constant 0 : index
    %get3A_15 = arith.constant 0 : index
    %get3A_16 = arith.constant 0 : index
    %get3A_17 = vector.load %arg6[%get3A_14, %get3A_15, %get3A_16] : memref<1x2048x128xf32, #tpu.memory_space<vmem>>, vector<1x2048x128xf32>
    %get3A_18 = vector.shape_cast %get3A_17 : vector<1x2048x128xf32> to vector<2048x128xf32>
    %add3A_19 = arith.addf %get3A_13, %get3A_18 : vector<2048x128xf32>
    %add3A_20 = arith.addf %add3A, %add3A_19 : vector<2048x128xf32>
    %get3A_21 = arith.constant 0 : index
    %get3A_22 = arith.constant 0 : index
    %get3A_23 = vector.load %arg1[%get3A_21, %get3A_22] : memref<2048x128xf32, #tpu.memory_space<vmem>>, vector<2048x128xf32>
    %get3A_24 = arith.constant 0 : index
    %get3A_25 = arith.constant 0 : index
    %get3A_26 = vector.load %arg11[%get3A_24, %get3A_25] : memref<1x128xf32, #tpu.memory_space<vmem>>, vector<1x128xf32>
    %add3A_27 = vector.broadcast %get3A_26 : vector<1x128xf32> to vector<2048x128xf32>
    %add3A_28 = arith.addf %get3A_23, %add3A_27 : vector<2048x128xf32>
    %get3A_29 = arith.constant 0 : index
    %get3A_30 = arith.constant 0 : index
    %get3A_31 = vector.load %arg2[%get3A_29, %get3A_30] : memref<2048x128xf32, #tpu.memory_space<vmem>>, vector<2048x128xf32>
    %get3A_32 = arith.constant 0 : index
    %get3A_33 = arith.constant 0 : index
    %get3A_34 = vector.load %arg9[%get3A_32, %get3A_33] : memref<128x128xf32, #tpu.memory_space<vmem>>, vector<128x128xf32>
    %dot_general3A = arith.constant dense<0.000000e+00> : vector<2048x128xf32>
    %dot_general3A_35 = tpu.matmul %get3A_31, %get3A_34, %dot_general3A {dimension_numbers = #tpu.dot_dimension_numbers<[1], [0], [0], [1], [0, 0, 1, 1], [], []>, transpose_lhs_hint = false} : vector<2048x128xf32>, vector<128x128xf32>, vector<2048x128xf32> -> vector<2048x128xf32>
    %add3A_36 = arith.addf %add3A_28, %dot_general3A_35 : vector<2048x128xf32>
    %get3A_37 = arith.constant 0 : index
    %get3A_38 = arith.constant 0 : index
    %get3A_39 = vector.load %arg10[%get3A_37, %get3A_38] : memref<128x128xf32, #tpu.memory_space<vmem>>, vector<128x128xf32>
    %dot_general3A_40 = arith.constant dense<0.000000e+00> : vector<2048x128xf32>
    %dot_general3A_41 = tpu.matmul %add3A_20, %get3A_39, %dot_general3A_40 {dimension_numbers = #tpu.dot_dimension_numbers<[1], [0], [0], [1], [0, 0, 1, 1], [], []>, transpose_lhs_hint = false} : vector<2048x128xf32>, vector<128x128xf32>, vector<2048x128xf32> -> vector<2048x128xf32>
    %add3A_42 = arith.addf %add3A_36, %dot_general3A_41 : vector<2048x128xf32>
    %get3A_43 = arith.constant 0 : index
    %get3A_44 = arith.constant 0 : index
    %get3A_45 = vector.load %arg12[%get3A_43, %get3A_44] : memref<1x128xf32, #tpu.memory_space<vmem>>, vector<1x128xf32>
    %get3A_46 = arith.constant 0 : index
    %get3A_47 = arith.constant 0 : index
    %get3A_48 = vector.load %arg13[%get3A_46, %get3A_47] : memref<1x128xf32, #tpu.memory_space<vmem>>, vector<1x128xf32>
    %max3A = arith.constant 0.000000e+00 : f32
    %max3A_49 = vector.broadcast %max3A : f32 to vector<2048x128xf32>
    %max3A_50 = arith.maximumf %add3A_42, %max3A_49 : vector<2048x128xf32>
    %reduce_sum3A = arith.constant dense<0.000000e+00> : vector<2048xf32>
    %reduce_sum3A_51 = vector.multi_reduction <add>, %max3A_50, %reduce_sum3A [1] : vector<2048x128xf32> to vector<2048xf32>
    %broadcast_in_dim3A = vector.shape_cast %reduce_sum3A_51 : vector<2048xf32> to vector<2048x1xf32>
    %div3A = arith.constant 1.280000e+02 : f32
    %div3A_52 = vector.broadcast %div3A : f32 to vector<2048x1xf32>
    %div3A_53 = arith.divf %broadcast_in_dim3A, %div3A_52 : vector<2048x1xf32>
    %sub3A = vector.broadcast %div3A_53 : vector<2048x1xf32> to vector<2048x128xf32>
    %sub3A_54 = arith.subf %max3A_50, %sub3A : vector<2048x128xf32>
    %mul3A = arith.mulf %sub3A_54, %sub3A_54 : vector<2048x128xf32>
    %reduce_sum3A_55 = arith.constant dense<0.000000e+00> : vector<2048xf32>
    %reduce_sum3A_56 = vector.multi_reduction <add>, %mul3A, %reduce_sum3A_55 [1] : vector<2048x128xf32> to vector<2048xf32>
    %broadcast_in_dim3A_57 = vector.shape_cast %reduce_sum3A_56 : vector<2048xf32> to vector<2048x1xf32>
    %div3A_58 = arith.constant 1.280000e+02 : f32
    %div3A_59 = vector.broadcast %div3A_58 : f32 to vector<2048x1xf32>
    %div3A_60 = arith.divf %broadcast_in_dim3A_57, %div3A_59 : vector<2048x1xf32>
    %add3A_61 = arith.constant 9.99999974E-6 : f32
    %add3A_62 = vector.broadcast %add3A_61 : f32 to vector<2048x1xf32>
    %add3A_63 = arith.addf %div3A_60, %add3A_62 : vector<2048x1xf32>
    %rsqrt3A = math.rsqrt %add3A_63 : vector<2048x1xf32>
    %mul3A_64 = vector.broadcast %rsqrt3A : vector<2048x1xf32> to vector<2048x128xf32>
    %mul3A_65 = arith.mulf %sub3A_54, %mul3A_64 : vector<2048x128xf32>
    %mul3A_66 = vector.broadcast %get3A_45 : vector<1x128xf32> to vector<2048x128xf32>
    %mul3A_67 = arith.mulf %mul3A_65, %mul3A_66 : vector<2048x128xf32>
    %add3A_68 = vector.broadcast %get3A_48 : vector<1x128xf32> to vector<2048x128xf32>
    %add3A_69 = arith.addf %mul3A_67, %add3A_68 : vector<2048x128xf32>
    %swap3A = arith.constant 0 : index
    %swap3A_70 = arith.constant 0 : index
    %swap3A_71 = vector.load %arg26[%swap3A, %swap3A_70] : memref<2048x128xf32, #tpu.memory_space<vmem>>, vector<2048x128xf32>
    tpu.vector_store %arg26[%swap3A, %swap3A_70], %add3A_69 {strides = array<i32>} : memref<2048x128xf32, #tpu.memory_space<vmem>>, vector<2048x128xf32>,
    %get3A_72 = arith.constant 0 : index
    %get3A_73 = arith.constant 0 : index
    %get3A_74 = vector.load %arg7[%get3A_72, %get3A_73] : memref<2048x128xf32, #tpu.memory_space<vmem>>, vector<2048x128xf32>
    %get3A_75 = arith.constant 0 : index
    %get3A_76 = arith.constant 0 : index
    %get3A_77 = vector.load %arg24[%get3A_75, %get3A_76] : memref<128x128xf32, #tpu.memory_space<vmem>>, vector<128x128xf32>
    %dot_general3A_78 = arith.constant dense<0.000000e+00> : vector<2048x128xf32>
    %dot_general3A_79 = tpu.matmul %add3A_69, %get3A_77, %dot_general3A_78 {dimension_numbers = #tpu.dot_dimension_numbers<[1], [0], [0], [1], [0, 0, 1, 1], [], []>, transpose_lhs_hint = false} : vector<2048x128xf32>, vector<128x128xf32>, vector<2048x128xf32> -> vector<2048x128xf32>
    %add3A_80 = arith.addf %get3A_74, %dot_general3A_79 : vector<2048x128xf32>
    %swap3A_81 = arith.constant 0 : index
    %swap3A_82 = arith.constant 0 : index
    %swap3A_83 = vector.load %arg28[%swap3A_81, %swap3A_82] : memref<2048x128xf32, #tpu.memory_space<vmem>>, vector<2048x128xf32>
    tpu.vector_store %arg28[%swap3A_81, %swap3A_82], %add3A_80 {strides = array<i32>} : memref<2048x128xf32, #tpu.memory_space<vmem>>, vector<2048x128xf32>,
    %get3A_84 = arith.constant 0 : index
    %get3A_85 = arith.constant 0 : index
    %get3A_86 = vector.load %arg8[%get3A_84, %get3A_85] : memref<2048x128xf32, #tpu.memory_space<vmem>>, vector<2048x128xf32>
    %get3A_87 = arith.constant 0 : index
    %get3A_88 = arith.constant 0 : index
    %get3A_89 = vector.load %arg25[%get3A_87, %get3A_88] : memref<128x128xf32, #tpu.memory_space<vmem>>, vector<128x128xf32>
    %dot_general3A_90 = arith.constant dense<0.000000e+00> : vector<2048x128xf32>
    %dot_general3A_91 = tpu.matmul %add3A_69, %get3A_89, %dot_general3A_90 {dimension_numbers = #tpu.dot_dimension_numbers<[1], [0], [0], [1], [0, 0, 1, 1], [], []>, transpose_lhs_hint = false} : vector<2048x128xf32>, vector<128x128xf32>, vector<2048x128xf32> -> vector<2048x128xf32>
    %add3A_92 = arith.addf %get3A_86, %dot_general3A_91 : vector<2048x128xf32>
    %swap3A_93 = arith.constant 0 : index
    %swap3A_94 = arith.constant 0 : index
    %swap3A_95 = vector.load %arg29[%swap3A_93, %swap3A_94] : memref<2048x128xf32, #tpu.memory_space<vmem>>, vector<2048x128xf32>
    tpu.vector_store %arg29[%swap3A_93, %swap3A_94], %add3A_92 {strides = array<i32>} : memref<2048x128xf32, #tpu.memory_space<vmem>>, vector<2048x128xf32>,
    %get3A_96 = arith.constant 0 : index
    %get3A_97 = arith.constant 0 : index
    %get3A_98 = vector.load %arg14[%get3A_96, %get3A_97] : memref<128x128xf32, #tpu.memory_space<vmem>>, vector<128x128xf32>
    %dot_general3A_99 = arith.constant dense<0.000000e+00> : vector<2048x128xf32>
    %dot_general3A_100 = tpu.matmul %add3A_69, %get3A_98, %dot_general3A_99 {dimension_numbers = #tpu.dot_dimension_numbers<[1], [0], [0], [1], [0, 0, 1, 1], [], []>, transpose_lhs_hint = false} : vector<2048x128xf32>, vector<128x128xf32>, vector<2048x128xf32> -> vector<2048x128xf32>
    %get3A_101 = arith.constant 0 : index
    %get3A_102 = arith.constant 0 : index
    %get3A_103 = vector.load %arg15[%get3A_101, %get3A_102] : memref<1x128xf32, #tpu.memory_space<vmem>>, vector<1x128xf32>
    %add3A_104 = vector.broadcast %get3A_103 : vector<1x128xf32> to vector<2048x128xf32>
    %add3A_105 = arith.addf %dot_general3A_100, %add3A_104 : vector<2048x128xf32>
    %get3A_106 = arith.constant 0 : index
    %get3A_107 = arith.constant 0 : index
    %get3A_108 = vector.load %arg16[%get3A_106, %get3A_107] : memref<1x128xf32, #tpu.memory_space<vmem>>, vector<1x128xf32>
    %get3A_109 = arith.constant 0 : index
    %get3A_110 = arith.constant 0 : index
    %get3A_111 = vector.load %arg17[%get3A_109, %get3A_110] : memref<1x128xf32, #tpu.memory_space<vmem>>, vector<1x128xf32>
    %max3A_112 = arith.constant 0.000000e+00 : f32
    %max3A_113 = vector.broadcast %max3A_112 : f32 to vector<2048x128xf32>
    %max3A_114 = arith.maximumf %add3A_105, %max3A_113 : vector<2048x128xf32>
    %reduce_sum3A_115 = arith.constant dense<0.000000e+00> : vector<2048xf32>
    %reduce_sum3A_116 = vector.multi_reduction <add>, %max3A_114, %reduce_sum3A_115 [1] : vector<2048x128xf32> to vector<2048xf32>
    %broadcast_in_dim3A_117 = vector.shape_cast %reduce_sum3A_116 : vector<2048xf32> to vector<2048x1xf32>
    %div3A_118 = arith.constant 1.280000e+02 : f32
    %div3A_119 = vector.broadcast %div3A_118 : f32 to vector<2048x1xf32>
    %div3A_120 = arith.divf %broadcast_in_dim3A_117, %div3A_119 : vector<2048x1xf32>
    %sub3A_121 = vector.broadcast %div3A_120 : vector<2048x1xf32> to vector<2048x128xf32>
    %sub3A_122 = arith.subf %max3A_114, %sub3A_121 : vector<2048x128xf32>
    %mul3A_123 = arith.mulf %sub3A_122, %sub3A_122 : vector<2048x128xf32>
    %reduce_sum3A_124 = arith.constant dense<0.000000e+00> : vector<2048xf32>
    %reduce_sum3A_125 = vector.multi_reduction <add>, %mul3A_123, %reduce_sum3A_124 [1] : vector<2048x128xf32> to vector<2048xf32>
    %broadcast_in_dim3A_126 = vector.shape_cast %reduce_sum3A_125 : vector<2048xf32> to vector<2048x1xf32>
    %div3A_127 = arith.constant 1.280000e+02 : f32
    %div3A_128 = vector.broadcast %div3A_127 : f32 to vector<2048x1xf32>
    %div3A_129 = arith.divf %broadcast_in_dim3A_126, %div3A_128 : vector<2048x1xf32>
    %add3A_130 = arith.constant 9.99999974E-6 : f32
    %add3A_131 = vector.broadcast %add3A_130 : f32 to vector<2048x1xf32>
    %add3A_132 = arith.addf %div3A_129, %add3A_131 : vector<2048x1xf32>
    %rsqrt3A_133 = math.rsqrt %add3A_132 : vector<2048x1xf32>
    %mul3A_134 = vector.broadcast %rsqrt3A_133 : vector<2048x1xf32> to vector<2048x128xf32>
    %mul3A_135 = arith.mulf %sub3A_122, %mul3A_134 : vector<2048x128xf32>
    %mul3A_136 = vector.broadcast %get3A_108 : vector<1x128xf32> to vector<2048x128xf32>
    %mul3A_137 = arith.mulf %mul3A_135, %mul3A_136 : vector<2048x128xf32>
    %add3A_138 = vector.broadcast %get3A_111 : vector<1x128xf32> to vector<2048x128xf32>
    %add3A_139 = arith.addf %mul3A_137, %add3A_138 : vector<2048x128xf32>
    %get3A_140 = arith.constant 0 : index
    %get3A_141 = arith.constant 0 : index
    %get3A_142 = vector.load %arg18[%get3A_140, %get3A_141] : memref<128x128xf32, #tpu.memory_space<vmem>>, vector<128x128xf32>
    %dot_general3A_143 = arith.constant dense<0.000000e+00> : vector<2048x128xf32>
    %dot_general3A_144 = tpu.matmul %add3A_139, %get3A_142, %dot_general3A_143 {dimension_numbers = #tpu.dot_dimension_numbers<[1], [0], [0], [1], [0, 0, 1, 1], [], []>, transpose_lhs_hint = false} : vector<2048x128xf32>, vector<128x128xf32>, vector<2048x128xf32> -> vector<2048x128xf32>
    %get3A_145 = arith.constant 0 : index
    %get3A_146 = arith.constant 0 : index
    %get3A_147 = vector.load %arg19[%get3A_145, %get3A_146] : memref<1x128xf32, #tpu.memory_space<vmem>>, vector<1x128xf32>
    %add3A_148 = vector.broadcast %get3A_147 : vector<1x128xf32> to vector<2048x128xf32>
    %add3A_149 = arith.addf %dot_general3A_144, %add3A_148 : vector<2048x128xf32>
    %get3A_150 = arith.constant 0 : index
    %get3A_151 = arith.constant 0 : index
    %get3A_152 = vector.load %arg20[%get3A_150, %get3A_151] : memref<1x128xf32, #tpu.memory_space<vmem>>, vector<1x128xf32>
    %get3A_153 = arith.constant 0 : index
    %get3A_154 = arith.constant 0 : index
    %get3A_155 = vector.load %arg21[%get3A_153, %get3A_154] : memref<1x128xf32, #tpu.memory_space<vmem>>, vector<1x128xf32>
    %max3A_156 = arith.constant 0.000000e+00 : f32
    %max3A_157 = vector.broadcast %max3A_156 : f32 to vector<2048x128xf32>
    %max3A_158 = arith.maximumf %add3A_149, %max3A_157 : vector<2048x128xf32>
    %reduce_sum3A_159 = arith.constant dense<0.000000e+00> : vector<2048xf32>
    %reduce_sum3A_160 = vector.multi_reduction <add>, %max3A_158, %reduce_sum3A_159 [1] : vector<2048x128xf32> to vector<2048xf32>
    %broadcast_in_dim3A_161 = vector.shape_cast %reduce_sum3A_160 : vector<2048xf32> to vector<2048x1xf32>
    %div3A_162 = arith.constant 1.280000e+02 : f32
    %div3A_163 = vector.broadcast %div3A_162 : f32 to vector<2048x1xf32>
    %div3A_164 = arith.divf %broadcast_in_dim3A_161, %div3A_163 : vector<2048x1xf32>
    %sub3A_165 = vector.broadcast %div3A_164 : vector<2048x1xf32> to vector<2048x128xf32>
    %sub3A_166 = arith.subf %max3A_158, %sub3A_165 : vector<2048x128xf32>
    %mul3A_167 = arith.mulf %sub3A_166, %sub3A_166 : vector<2048x128xf32>
    %reduce_sum3A_168 = arith.constant dense<0.000000e+00> : vector<2048xf32>
    %reduce_sum3A_169 = vector.multi_reduction <add>, %mul3A_167, %reduce_sum3A_168 [1] : vector<2048x128xf32> to vector<2048xf32>
    %broadcast_in_dim3A_170 = vector.shape_cast %reduce_sum3A_169 : vector<2048xf32> to vector<2048x1xf32>
    %div3A_171 = arith.constant 1.280000e+02 : f32
    %div3A_172 = vector.broadcast %div3A_171 : f32 to vector<2048x1xf32>
    %div3A_173 = arith.divf %broadcast_in_dim3A_170, %div3A_172 : vector<2048x1xf32>
    %add3A_174 = arith.constant 9.99999974E-6 : f32
    %add3A_175 = vector.broadcast %add3A_174 : f32 to vector<2048x1xf32>
    %add3A_176 = arith.addf %div3A_173, %add3A_175 : vector<2048x1xf32>
    %rsqrt3A_177 = math.rsqrt %add3A_176 : vector<2048x1xf32>
    %mul3A_178 = vector.broadcast %rsqrt3A_177 : vector<2048x1xf32> to vector<2048x128xf32>
    %mul3A_179 = arith.mulf %sub3A_166, %mul3A_178 : vector<2048x128xf32>
    %mul3A_180 = vector.broadcast %get3A_152 : vector<1x128xf32> to vector<2048x128xf32>
    %mul3A_181 = arith.mulf %mul3A_179, %mul3A_180 : vector<2048x128xf32>
    %add3A_182 = vector.broadcast %get3A_155 : vector<1x128xf32> to vector<2048x128xf32>
    %add3A_183 = arith.addf %mul3A_181, %add3A_182 : vector<2048x128xf32>
    %get3A_184 = arith.constant 0 : index
    %get3A_185 = arith.constant 0 : index
    %get3A_186 = vector.load %arg22[%get3A_184, %get3A_185] : memref<1x128xf32, #tpu.memory_space<vmem>>, vector<1x128xf32>
    %mul3A_187 = vector.broadcast %get3A_186 : vector<1x128xf32> to vector<2048x128xf32>
    %mul3A_188 = arith.mulf %add3A_183, %mul3A_187 : vector<2048x128xf32>
    %reduce_sum3A_189 = arith.constant dense<0.000000e+00> : vector<2048xf32>
    %reduce_sum3A_190 = vector.multi_reduction <add>, %mul3A_188, %reduce_sum3A_189 [1] : vector<2048x128xf32> to vector<2048xf32>
    %get3A_191 = arith.constant 0 : index
    %get3A_192 = arith.constant 0 : index
    %get3A_193 = vector.load %arg23[%get3A_191, %get3A_192] : memref<1x1xf32, #tpu.memory_space<vmem>>, vector<1x1xf32>
    %get3A_194 = vector.extract %get3A_193[0, 0] : f32 from vector<1x1xf32>
    %add3A_195 = vector.broadcast %get3A_194 : f32 to vector<2048xf32>
    %add3A_196 = arith.addf %reduce_sum3A_190, %add3A_195 : vector<2048xf32>
    %reshape3A = vector.shape_cast %add3A_196 : vector<2048xf32> to vector<16x128xf32>
    %swap3A_197 = arith.constant 0 : index
    %swap3A_198 = arith.constant 0 : index
    %swap3A_199 = vector.load %arg27[%swap3A_197, %swap3A_198] : memref<16x128xf32, #tpu.memory_space<vmem>>, vector<16x128xf32>
    tpu.vector_store %arg27[%swap3A_197, %swap3A_198], %reshape3A {strides = array<i32>} : memref<16x128xf32, #tpu.memory_space<vmem>>, vector<16x128xf32>,
    return
  }
  func.func @transform_0(%arg0: i32) -> (i32, i32) {
    %c0_i32 = arith.constant 0 : i32
    %c0_i32_0 = arith.constant 0 : i32
    return %arg0, %c0_i32 : i32, i32
  }
  func.func @transform_1(%arg0: i32) -> (i32, i32) {
    %c0_i32 = arith.constant 0 : i32
    %c0_i32_0 = arith.constant 0 : i32
    return %arg0, %c0_i32 : i32, i32
  }
  func.func @transform_2(%arg0: i32) -> (i32, i32, i32) {
    %c0_i32 = arith.constant 0 : i32
    %c0_i32_0 = arith.constant 0 : i32
    %c0_i32_1 = arith.constant 0 : i32
    return %c0_i32, %arg0, %c0_i32_0 : i32, i32, i32
  }
  func.func @transform_3(%arg0: i32) -> (i32, i32, i32) {
    %c1_i32 = arith.constant 1 : i32
    %c0_i32 = arith.constant 0 : i32
    %c0_i32_0 = arith.constant 0 : i32
    return %c1_i32, %arg0, %c0_i32 : i32, i32, i32
  }
  func.func @transform_4(%arg0: i32) -> (i32, i32, i32) {
    %c0_i32 = arith.constant 0 : i32
    %c0_i32_0 = arith.constant 0 : i32
    %c0_i32_1 = arith.constant 0 : i32
    return %c0_i32, %arg0, %c0_i32_0 : i32, i32, i32
  }
  func.func @transform_5(%arg0: i32) -> (i32, i32, i32) {
    %c1_i32 = arith.constant 1 : i32
    %c0_i32 = arith.constant 0 : i32
    %c0_i32_0 = arith.constant 0 : i32
    return %c1_i32, %arg0, %c0_i32 : i32, i32, i32
  }
  func.func @transform_6(%arg0: i32) -> (i32, i32) {
    %c0_i32 = arith.constant 0 : i32
    %c0_i32_0 = arith.constant 0 : i32
    return %arg0, %c0_i32 : i32, i32
  }
  func.func @transform_7(%arg0: i32) -> (i32, i32) {
    %c0_i32 = arith.constant 0 : i32
    %c0_i32_0 = arith.constant 0 : i32
    return %arg0, %c0_i32 : i32, i32
  }
  func.func @transform_8(%arg0: i32) -> (i32, i32) {
    %c0_i32 = arith.constant 0 : i32
    %c0_i32_0 = arith.constant 0 : i32
    %c0_i32_1 = arith.constant 0 : i32
    return %c0_i32, %c0_i32_0 : i32, i32
  }
  func.func @transform_9(%arg0: i32) -> (i32, i32) {
    %c0_i32 = arith.constant 0 : i32
    %c0_i32_0 = arith.constant 0 : i32
    %c0_i32_1 = arith.constant 0 : i32
    return %c0_i32, %c0_i32_0 : i32, i32
  }
  func.func @transform_10(%arg0: i32) -> (i32, i32) {
    %c0_i32 = arith.constant 0 : i32
    %c0_i32_0 = arith.constant 0 : i32
    %c0_i32_1 = arith.constant 0 : i32
    return %c0_i32, %c0_i32_0 : i32, i32
  }
  func.func @transform_11(%arg0: i32) -> (i32, i32) {
    %c0_i32 = arith.constant 0 : i32
    %c0_i32_0 = arith.constant 0 : i32
    %c0_i32_1 = arith.constant 0 : i32
    return %c0_i32, %c0_i32_0 : i32, i32
  }
  func.func @transform_12(%arg0: i32) -> (i32, i32) {
    %c0_i32 = arith.constant 0 : i32
    %c0_i32_0 = arith.constant 0 : i32
    %c0_i32_1 = arith.constant 0 : i32
    return %c0_i32, %c0_i32_0 : i32, i32
  }
  func.func @transform_13(%arg0: i32) -> (i32, i32) {
    %c0_i32 = arith.constant 0 : i32
    %c0_i32_0 = arith.constant 0 : i32
    %c0_i32_1 = arith.constant 0 : i32
    return %c0_i32, %c0_i32_0 : i32, i32
  }
  func.func @transform_14(%arg0: i32) -> (i32, i32) {
    %c0_i32 = arith.constant 0 : i32
    %c0_i32_0 = arith.constant 0 : i32
    %c0_i32_1 = arith.constant 0 : i32
    return %c0_i32, %c0_i32_0 : i32, i32
  }
  func.func @transform_15(%arg0: i32) -> (i32, i32) {
    %c0_i32 = arith.constant 0 : i32
    %c0_i32_0 = arith.constant 0 : i32
    %c0_i32_1 = arith.constant 0 : i32
    return %c0_i32, %c0_i32_0 : i32, i32
  }
  func.func @transform_16(%arg0: i32) -> (i32, i32) {
    %c0_i32 = arith.constant 0 : i32
    %c0_i32_0 = arith.constant 0 : i32
    %c0_i32_1 = arith.constant 0 : i32
    return %c0_i32, %c0_i32_0 : i32, i32
  }
  func.func @transform_17(%arg0: i32) -> (i32, i32) {
    %c0_i32 = arith.constant 0 : i32
    %c0_i32_0 = arith.constant 0 : i32
    %c0_i32_1 = arith.constant 0 : i32
    return %c0_i32, %c0_i32_0 : i32, i32
  }
  func.func @transform_18(%arg0: i32) -> (i32, i32) {
    %c0_i32 = arith.constant 0 : i32
    %c0_i32_0 = arith.constant 0 : i32
    %c0_i32_1 = arith.constant 0 : i32
    return %c0_i32, %c0_i32_0 : i32, i32
  }
  func.func @transform_19(%arg0: i32) -> (i32, i32) {
    %c0_i32 = arith.constant 0 : i32
    %c0_i32_0 = arith.constant 0 : i32
    %c0_i32_1 = arith.constant 0 : i32
    return %c0_i32, %c0_i32_0 : i32, i32
  }
  func.func @transform_20(%arg0: i32) -> (i32, i32) {
    %c0_i32 = arith.constant 0 : i32
    %c0_i32_0 = arith.constant 0 : i32
    %c0_i32_1 = arith.constant 0 : i32
    return %c0_i32, %c0_i32_0 : i32, i32
  }
  func.func @transform_21(%arg0: i32) -> (i32, i32) {
    %c0_i32 = arith.constant 0 : i32
    %c0_i32_0 = arith.constant 0 : i32
    %c0_i32_1 = arith.constant 0 : i32
    return %c0_i32, %c0_i32_0 : i32, i32
  }
  func.func @transform_22(%arg0: i32) -> (i32, i32) {
    %c0_i32 = arith.constant 0 : i32
    %c0_i32_0 = arith.constant 0 : i32
    %c0_i32_1 = arith.constant 0 : i32
    return %c0_i32, %c0_i32_0 : i32, i32
  }
  func.func @transform_23(%arg0: i32) -> (i32, i32) {
    %c0_i32 = arith.constant 0 : i32
    %c0_i32_0 = arith.constant 0 : i32
    %c0_i32_1 = arith.constant 0 : i32
    return %c0_i32, %c0_i32_0 : i32, i32
  }
  func.func @transform_24(%arg0: i32) -> (i32, i32) {
    %c0_i32 = arith.constant 0 : i32
    %c0_i32_0 = arith.constant 0 : i32
    %c0_i32_1 = arith.constant 0 : i32
    return %c0_i32, %c0_i32_0 : i32, i32
  }
  func.func @transform_25(%arg0: i32) -> (i32, i32) {
    %c0_i32 = arith.constant 0 : i32
    %c0_i32_0 = arith.constant 0 : i32
    return %arg0, %c0_i32 : i32, i32
  }
  func.func @transform_26(%arg0: i32) -> (i32, i32) {
    %c0_i32 = arith.constant 0 : i32
    %c0_i32_0 = arith.constant 0 : i32
    return %arg0, %c0_i32 : i32, i32
  }
  func.func @transform_27(%arg0: i32) -> (i32, i32) {
    %c0_i32 = arith.constant 0 : i32
    %c0_i32_0 = arith.constant 0 : i32
    return %arg0, %c0_i32 : i32, i32
  }
  func.func @transform_28(%arg0: i32) -> (i32, i32) {
    %c0_i32 = arith.constant 0 : i32
    %c0_i32_0 = arith.constant 0 : i32
    return %arg0, %c0_i32 : i32, i32
  }
}

</mosaic_0001>

<sc_bundles>
// kernel: kernel.18.cloned.1.call-start
scs
__scs_entry_jumppad:
0x0: {  	(pc) =	sbr.rel $0x88, $3  }
0x1: {  	(tag) =	ssettag $0x0;
	lr =	simm.s32 $0x1  }
0x2: {  	[smem:$0x3F75] =	sst lr;
	_ =	strace $0xD0000000  }
0x3: {  	_ = 	snop  }
0x4: {  	_ = 	snop  }
0x5: {  	_ = 	snop  }
0x6: {  	_ = 	snop  }
0x7: {  	_ = 	snop  }
__scs_overlays_trampoline_lowered:
0x8: {  	[smem:$0x3F84] =	sst s0  }
0x9: {  	[smem:$0x3F85] =	sst s1  }
0xa: {  	[smem:$0x3F86] =	sst s2  }
0xb: {  	[smem:$0x3F87] =	sst s3  }
0xc: {  	[smem:$0x3F88] =	sst s4  }
0xd: {  	[smem:$0x3F89] =	sst s5  }
0xe: {  	[smem:$0x3F8A] =	sst s6  }
0xf: {  	[smem:$0x3F8B] =	sst s7  }
0x10: {  	[smem:$0x3F8C] =	sst s8  }
0x11: {  	[smem:$0x3F8D] =	sst s9;
	s0 =	simm.s32 @!p0 $0x0  }
0x12: {  	s1 =	sld [smem:$0x3F73];
	s0 =	simm.s32 @p0 $0x1  }
0x13: {  	[smem:$0x3F8E] =	sst s0;
	s0 =	simm.s32 @!p1 $0x0  }
0x14: {  	s2 =	sld [smem:$0x3F72];
	s0 =	simm.s32 @p1 $0x1  }
0x15: {  	[smem:$0x3F8F] =	sst s0;
	s0 =	simm.s32 @!p2 $0x0  }
0x16: {  	s3 =	sld [smem:$0x3FDB];
	s0 =	simm.s32 @p2 $0x1  }
0x17: {  	s4 =	simm.s32 $0x1BF5;
	[smem:$0x3F91] =	sst s0  }
0x18: {  	s0 =	sld [smem:$0x3F74];
	_ =	swait.ge [sflag:s4], $0x0  }
0x19: {  	s7 =	sld [smem:$0x3F75]  }
0x1a: {  	s8 =	sadd.s32 $0xFFFFE003, lr  }
0x1b: {  	s9 =	sadd.s32 $0xFFFFFEF7, lr;
	s5 =	simm.s32 $0xFFFFFFFF;
	p2 =	slt.u32 s8, $0xFFFFF086  }
0x1c: {  	p1 =	slt.u32 s9, $0xF7A;
	s5 =	simm.s32 @!p2 $0x0  }
0x1d: {  	s5 =	simm.s32 @p1 $0x1;
	p0 =	seq.s32 s7, s2  }
0x1e: {  	s7 =	smul.u32 @!p0 $0xF7A, s2;
	p2 =	seq.s32 @!p0 s5, $0x0  }
0x1f: {  	s9 =	smul.u32 $0xF7A, s1;
	s8 =	simm.s32 @!p0 $0x1BF5;
	p2 =	por !p2, p0  }
0x20: {  	[sflag:s8] =	ssyncset.s32 @!p0 $0xFFFFF086;
	s6 =	sadd.s32 @!p0 s3, s7;
	s7 =	simm.s32 @!p0 $0x108  }
0x21: {  	s3 =	sadd.s32 s3, s9;
	s6 =	sadd.s32 @!p0 $0x88, s6;
	s7 =	simm.s32 @p2 $0x1082  }
0x22: {  	[simem:s7], [sflag:s8] =	dma.local @!p0 [hbm:s6], $0xF7A  }
0x23: {  	s9 =	sor.u32 $0xD0000000, s2;
	s6 =	simm.s32 $0x108;
	_ =	swait.ge @!p0 [sflag:s8], $0x0  }
0x24: {  	s3 =	sadd.s32 $0x88, s3;
	s6 =	simm.s32 @!p1 $0x1082;
	[sflag:s4] =	ssyncset.s32 $0xFFFFF086  }
0x25: {  	[simem:s6], [sflag:s4] =	dma.local [hbm:s3], $0xF7A  }
0x26: {  	[smem:$0x3F75] =	sst s1;
	(tag) =	ssettag s2;
	_ =	strace s9  }
0x27: {  	s1 =	sld [smem:$0x3F85]  }
0x28: {  	s2 =	sld [smem:$0x3F86]  }
0x29: {  	s4 =	sld [smem:$0x3F88]  }
0x2a: {  	p0 =	seq.s32 s5, $0x0;
	s5 =	sld [smem:$0x3F89]  }
0x2b: {  	s6 =	sld [smem:$0x3F8A]  }
0x2c: {  	s7 =	sld [smem:$0x3F8B]  }
0x2d: {  	s3 =	simm.s32 $0x108;
	s8 =	sld [smem:$0x3F8C]  }
0x2e: {  	s3 =	simm.s32 @!p0 $0x1082;
	s9 =	sld [smem:$0x3F8D]  }
0x2f: {  	lr =	sadd.s32 s0, s3;
	s0 =	sld [smem:$0x3F84]  }
0x30: {  	s3 =	sld [smem:$0x3F87]  }
0x31: {  	[smem:$0x3F90] =	sst s10  }
0x32: {  	s10 =	sld [smem:$0x3F8E];
	_ =	sdelay $0x3  }
0x33: {  	p0 =	seq.s32 s10, $0x1;
	s10 =	sld [smem:$0x3F90];
	_ =	sdelay $0x3  }
0x34: {  	[smem:$0x3F90] =	sst s10  }
0x35: {  	s10 =	sld [smem:$0x3F8F];
	_ =	sdelay $0x3  }
0x36: {  	p1 =	seq.s32 s10, $0x1;
	s10 =	sld [smem:$0x3F90];
	_ =	sdelay $0x3  }
0x37: {  	[smem:$0x3F90] =	sst s10  }
0x38: {  	s10 =	sld [smem:$0x3F91]  }
0x39: {  	_ = 	snop;
	(pc) =	sbr.ind lr, $3  }
0x3a: {  	_ = 	snop  }
0x3b: {  	_ = 	snop  }
0x3c: {  	p2 =	seq.s32 s10, $0x1;
	s10 =	sld [smem:$0x3F90]  }
0x3d: {  	_ =	shalt  }
0x3e: {  	_ =	shalt  }
0x3f: {  	_ =	shalt  }
0x40: {  	_ =	shalt  }
0x41: {  	_ =	shalt  }
0x42: {  	_ =	shalt  }
0x43: {  	_ =	shalt  }
0x44: {  	_ =	shalt  }
0x45: {  	_ =	shalt  }
0x46: {  	_ =	shalt  }
0x47: {  	_ =	shalt  }
0x48: {  	_ =	shalt  }
0x49: {  	_ =	shalt  }
0x4a: {  	_ =	shalt  }
0x4b: {  	_ =	shalt  }
0x4c: {  	_ =	shalt  }
0x4d: {  	_ =	shalt  }
0x4e: {  	_ =	shalt  }
0x4f: {  	_ =	shalt  }
0x50: {  	_ =	shalt  }
0x51: {  	_ =	shalt  }
0x52: {  	_ =	shalt  }
0x53: {  	_ =	shalt  }
0x54: {  	_ =	shalt  }
0x55: {  	_ =	shalt  }
0x56: {  	_ =	shalt  }
0x57: {  	_ =	shalt  }
0x58: {  	_ =	shalt  }
0x59: {  	_ =	shalt  }
0x5a: {  	_ =	shalt  }
0x5b: {  	_ =	shalt  }
0x5c: {  	_ =	shalt  }
0x5d: {  	_ =	shalt  }
0x5e: {  	_ =	shalt  }
0x5f: {  	_ =	shalt  }
0x60: {  	_ =	shalt  }
0x61: {  	_ =	shalt  }
0x62: {  	_ =	shalt  }
0x63: {  	_ =	shalt  }
0x64: {  	_ =	shalt  }
0x65: {  	_ =	shalt  }
0x66: {  	_ =	shalt  }
0x67: {  	_ =	shalt  }
0x68: {  	_ =	shalt  }
0x69: {  	_ =	shalt  }
0x6a: {  	_ =	shalt  }
0x6b: {  	_ =	shalt  }
0x6c: {  	_ =	shalt  }
0x6d: {  	_ =	shalt  }
0x6e: {  	_ =	shalt  }
0x6f: {  	_ =	shalt  }
0x70: {  	_ =	shalt  }
0x71: {  	_ =	shalt  }
0x72: {  	_ =	shalt  }
0x73: {  	_ =	shalt  }
0x74: {  	_ =	shalt  }
0x75: {  	_ =	shalt  }
0x76: {  	_ =	shalt  }
0x77: {  	_ =	shalt  }
0x78: {  	_ =	shalt  }
0x79: {  	_ =	shalt  }
0x7a: {  	_ =	shalt  }
0x7b: {  	_ =	shalt  }
0x7c: {  	_ =	shalt  }
0x7d: {  	_ =	shalt  }
0x7e: {  	_ =	shalt  }
0x7f: {  	_ =	shalt  }
0x80: {  	_ =	shalt  }
0x81: {  	_ =	shalt  }
0x82: {  	_ =	shalt  }
0x83: {  	_ =	shalt  }
0x84: {  	_ =	shalt  }
0x85: {  	_ =	shalt  }
0x86: {  	_ =	shalt  }
0x87: {  	_ =	shalt  }
.Lfunc_end0:
.L_simem_size_0:
called_computation_lowered:
.L_overlay_start_0:
0x88: {  	s2 =	sld [smem:$0x3FD9]  }
0x89: {  	s3 =	sld [smem:$0x3FFE];
	_ =	sdelay $0x1  }
0x8a: {  	s1 =	srdreg.scid  }
0x8b: {  	s0 =	sand.u32 $0x1, s1  }
0x8c: {  	s16 =	sshll.u32 s0, $0xA;
	s2 =	sadd.s32 s3, s2  }
0x8d: {  	s2 =	sadd.s32 s2, s16  }
0x8e: {  	[smem:$0x3F9C] =	sst s2  }
0x8f: {  	_ = 	snop  }
0x90: {  	(tm) =	ssettm $0x1  }
0x91: {  	s17 =	sld [smem:$0x3FFB];
	_ =	sdelay $0x3  }
0x92: {  	_ =	strace s17  }
0x93: {  	s2 =	sld [smem:$0x3FFC];
	_ =	sdelay $0x3  }
0x94: {  	_ =	strace s2  }
0x95: {  	s2 =	sld [smem:$0x3FFD];
	_ =	sdelay $0x3  }
0x96: {  	_ =	strace s2  }
0x97: {  	_ =	strace $0x8FFFFFFF  }
0x98: {  	s18 =	sld [smem:$0x3FDB];
	_ =	sdelay $0x1  }
0x99: {  	s19 =	simm.s32 $_scs_section_size  }
0x9a: {  	s4 =	simm.s32 $_size__tile_overlayer_lowered;
	s5 =	simm.s32 $_tile_overlayer_lowered  }
0x9b: {  	s22 =	simm.s32 $0x1BFF;
	s21 =	sshll.u32 s5, $0x1;
	s2 =	sadd.s32 s19, s18  }
0x9c: {  	s6 =	simm.s32 $0x0;
	s20 =	sshll.u32 s4, $0x1;
	s4 =	sadd.s32 s21, s2  }
0x9d: {  	[timem:s6], [sflag:s22] =	dma.local [hbm:s4], s20  }
0x9e: {  	_ =	swait.ge [sflag:s22], s20  }
0x9f: {  	s3 =	ssub.s32 $0x0, s20;
	[sflag:s22] =	ssyncset.done $0x0  }
0xa0: {  	[sflag:s22] =	ssyncadd.s32 s3;
	_ =	sdelay $0x1  }
0xa1: {  	s23 =	simm.s32 $0x1B8B  }
0xa2: {  	_ =	swait.ge [sflag:s23], $0x1  }
0xa3: {  	[sflag:s23] =	ssyncset.done $0x0  }
0xa4: {  	s25 =	simm.s32 $0x1B8E;
	s24 =	sld [smem:$0x3FFE];
	[sflag:s23] =	ssyncadd.s32 $0xFFFFFFFF  }
0xa5: {  	s26 =	simm.s32 $execute0_lowered;
	[smem:$0x3FD2] =	sst s25  }
0xa6: {  	s4 =	sshll.u32 s26, $0x1;
	_ =	strace $0x80000046;
	[dreg:$0x1] =	wrdreg $0xFFFFFFFF  }
0xa7: {  	s28 =	simm.s32 $_size_execute0_lowered;
	s2 =	sadd.s32 s2, s4;
	[dreg:$0x0] =	wrdreg $0x0  }
0xa8: {  	s4 =	sshll.u32 s28, $0x1;
	[dreg:$0x2] =	wrdreg s2  }
0xa9: {  	[dreg:$0x3] =	wrdreg s4  }
0xaa: {  	[dreg:$0x4] =	wrdreg $0xC0  }
0xab: {  	_ =	task [dreg:s6], $0x5FFFF  }
0xac: {  	[dreg:$0x1] =	wrdreg $0xFFFFFFFF  }
0xad: {  	[dreg:$0x0] =	wrdreg $0x60  }
0xae: {  	[dreg:$0x2] =	wrdreg s24  }
0xaf: {  	[dreg:$0x3] =	wrdreg $0xA  }
0xb0: {  	_ =	task.clear_ibuf [dreg:s6], $0x4FFFF;
	_ =	strace $0x90000046  }
0xb1: {  	s29 =	simm.s32 $0xA;
	_ =	strace $0x80000048  }
0xb2: {  	_ =	swait.ge [sflag:s29], $0x1  }
0xb3: {  	[sflag:s29] =	ssyncadd.s32 $0xFFFFFFFF  }
0xb4: {  	_ =	strace $0x90000048  }
0xb5: {  	_ =	sfence  }
0xb6: {  	s30 =	sld [smem:$0x0];
	_ =	sdelay $0x2  }
0xb7: {  	s31 =	sshll.u32 s1, $0xD;
	s1 =	sshrl.u32 s1, $0x2  }
0xb8: {  	s3 =	sand.u32 $0x4000, s31;
	s1 =	sadd.s32 s1, s30  }
0xb9: {  	s0 =	sor.u32 s3, s0;
	s1 =	sshll.u32 s1, $0x11  }
0xba: {  	s0 =	sor.u32 s1, s0  }
0xbb: {  	s0 =	sadd.s32 $0x8F2B, s0  }
0xbc: {  	[sflag:s0] =	ssyncadd.remote.s32 $0x1  }
0xbd: {  	_ =	sfence.sel $0xFFFF  }
0xbe: {  	[dreg:$0x0] =	wrdreg $0xFFFFFFFF;
	(pc) =	sbr.abs _section_cstart, $3  }
0xbf: {  	[dreg:$0x1] =	wrdreg $0xFFFFFFFF  }
0xc0: {  	_ =	task.clear_ibuf [dreg:s6], $0x2FFFF;
	_ =	strace $0x9FFFFFFF  }
0xc1: {  	(tm) =	ssettm $0x7FFFFFFF  }
tec
execute0_lowered:
.L_overlay_start_1:
0x0: {  	(tag) =	ssettag $0x1  }
0x1: {  	s5 =	rddreg [dreg:$0x0]  }
0x2: {  	s0 =	rddreg [dreg:$0x1];
	s1 =	simm.s32 $0x0;
	s6 =	srdreg.scid  }
0x3: {  	s2 =	stileid.u32;
	s10 =	simm.s32 $0x3;
	s11 =	simm.s32 $0x2000  }
0x4: {  	s12 =	simm.s32 $0x28;
	s13 =	simm.s32 $0x4000;
	s14 =	simm.s32 $0x5400  }
0x5: {  	s15 =	simm.s32 $0x1;
	s16 =	simm.s32 $0x2;
	s17 =	simm.s32 $0x0  }
0x6: {  	[smem:$0x7FF] =	sst s1;
	s3 =	sadd.s32 $0x48600, s5;
	s4 =	sadd.s32 $0x70600, s5  }
0x7: {  	s6 =	sand.u32 $0x1, s6;
	s7 =	sshll.u32 s2, $0xB;
	s9 =	smul.u32 $0x14000, s2  }
0x8: {  	_ =	strace $0x80000047;
	s8 =	sshll.u32 s6, $0xA;
	s30 =	ssub.s32 $0x2, s6  }
0x9: {  	s6 =	smul.u32 $0xA000, s6;
	s7 =	sor.u32 s8, s7;
	s31 =	sshrl.u32 s30, $0x1  }
0xa: {  	s9 =	sadd.s32 s9, s5;
	s7 =	sadd.s32 s7, s5;
	s8 =	ssub.s32 s30, s31  }
0xb: {  	s9 =	sadd.s32 s6, s9;
	s5 =	sadd.s32 $0xDE00, s7;
	s6 =	sadd.s32 $0x15E00, s7  }
0xc: {  	s7 =	smax.u32 s8, $0x1;
	s8 =	sadd.s32 $0x110600, s9;
	s9 =	sadd.s32 $0x250600, s9  }
.LBB2_1:
0xd: {  	[tilespmem:s1], [sflag:$0x3] =	stream.linear.gather [hbm4b:s5+s1], $0x2000, $0x38;
	[tilespmem:$0x6800] =	vst v63  }
0xe: {  	_ =	swait.ge [sflag:s10], $0x2000  }
0xf: {  	[sflag:s10] =	ssyncset.done $0x0  }
0x10: {  	[sflag:s10] =	ssyncadd.s32 $0xFFFFE000  }
0x11: {  	[tilespmem:s11], [sflag:$0x3] =	stream.linear.gather [hbm4b:s6+s1], $0x2000, $0x38;
	[tilespmem:$0x6800] =	vst v63  }
0x12: {  	_ =	swait.ge [sflag:s10], $0x2000  }
0x13: {  	[sflag:s10] =	ssyncset.done $0x0  }
0x14: {  	s18 =	simm.s32 $0x0;
	[sflag:s10] =	ssyncadd.s32 $0xFFFFE000  }
0x15: {  	[tilespmem:s13], [sflag:$0x1] =	stream.indirect.gather [hbm4b:s3+s12], $0x80, s18, s12, $0xb8;
	[tilespmem:$0x6800] =	vst v63  }
0x16: {  	s31 =	simm.s32 $0x2000  }
0x17: {  	[tilespmem:s14], [sflag:$0x2] =	stream.indirect.gather [hbm4b:s4+s12], $0x80, s31, s12, $0xb8;
	[tilespmem:$0x6800] =	vst v63  }
0x18: {  	_ =	swait.ge [sflag:s15], $0x1400  }
0x19: {  	[sflag:s15] =	ssyncset.done $0x0  }
0x1a: {  	[sflag:s15] =	ssyncadd.s32 $0xFFFFEC00  }
0x1b: {  	_ =	swait.ge [sflag:s16], $0x1400  }
0x1c: {  	[sflag:s16] =	ssyncset.done $0x0  }
0x1d: {  	[sflag:s16] =	ssyncadd.s32 $0xFFFFEC00  }
0x1e: {  	[hbm4b:s8+s1] =	stream.linear.scatter [tilespmem:s13], [sflag:$0x3], $0x1400, $0x38;
	[tilespmem:$0x6800] =	vst v63  }
0x1f: {  	_ =	swait.ge [sflag:s10], $0x1400  }
0x20: {  	[sflag:s10] =	ssyncset.done $0x0  }
0x21: {  	[sflag:s10] =	ssyncadd.s32 $0xFFFFEC00  }
0x22: {  	[hbm4b:s9+s1] =	stream.linear.scatter [tilespmem:s14], [sflag:$0x3], $0x1400, $0x38;
	[tilespmem:$0x6800] =	vst v63  }
0x23: {  	s20 =	simm.s32 $0x200;
	s21 =	simm.s32 $0x400;
	_ =	swait.ge [sflag:s10], $0x1400  }
0x24: {  	s19 =	sadd.s32 $0x280, s8;
	s18 =	sadd.s32 $0x280, s9;
	[sflag:s10] =	ssyncset.done $0x0  }
.LBB2_2:
0x25: {  	s22 =	sshra.s32 s20, $0x2  }
0x26: {  	[sflag:s10] =	ssyncadd.s32 $0xFFFFEC00;
	s20 =	smov.u32 s21;
	s23 =	sadd.s32 $0x200, s21  }
0x27: {  	[tilespmem:s13], [sflag:$0x1] =	stream.indirect.gather [hbm4b:s3+s12], $0x80, s22, s12, $0xb8;
	[tilespmem:$0x6800] =	vst v63  }
0x28: {  	p0 =	sne.s32 s21, $0x7E00;
	s21 =	sadd.s32 $0x2000, s22  }
0x29: {  	[tilespmem:s14], [sflag:$0x2] =	stream.indirect.gather [hbm4b:s4+s12], $0x80, s21, s12, $0xb8;
	[tilespmem:$0x6800] =	vst v63  }
0x2a: {  	_ =	swait.ge [sflag:s15], $0x1400  }
0x2b: {  	[sflag:s15] =	ssyncset.done $0x0  }
0x2c: {  	[sflag:s15] =	ssyncadd.s32 $0xFFFFEC00  }
0x2d: {  	_ =	swait.ge [sflag:s16], $0x1400  }
0x2e: {  	[sflag:s16] =	ssyncset.done $0x0  }
0x2f: {  	[sflag:s16] =	ssyncadd.s32 $0xFFFFEC00  }
0x30: {  	[hbm4b:s19+s1] =	stream.linear.scatter [tilespmem:s13], [sflag:$0x3], $0x1400, $0x38;
	[tilespmem:$0x6800] =	vst v63  }
0x31: {  	_ =	swait.ge [sflag:s10], $0x1400  }
.Ltmp0:
0x32: {  	[sflag:s10] =	ssyncset.done $0x0;
	(pc) =	sbr.rel @p0 .LBB2_2-.Ltmp0, $4  }
0x33: {  	[sflag:s10] =	ssyncadd.s32 $0xFFFFEC00  }
0x34: {  	[hbm4b:s18+s1] =	stream.linear.scatter [tilespmem:s14], [sflag:$0x3], $0x1400, $0x38;
	[tilespmem:$0x6800] =	vst v63  }
0x35: {  	s21 =	smov.u32 s23;
	_ =	swait.ge [sflag:s10], $0x1400  }
0x36: {  	s19 =	sadd.s32 $0x280, s19;
	s18 =	sadd.s32 $0x280, s18;
	[sflag:s10] =	ssyncset.done $0x0  }
0x37: {  	s20 =	sshra.s32 s20, $0x2;
	[sflag:s10] =	ssyncadd.s32 $0xFFFFEC00  }
0x38: {  	[tilespmem:s13], [sflag:$0x1] =	stream.indirect.gather [hbm4b:s3+s12], $0x80, s20, s12, $0xb8;
	[tilespmem:$0x6800] =	vst v63  }
0x39: {  	s20 =	sadd.s32 $0x2000, s20  }
0x3a: {  	[tilespmem:s14], [sflag:$0x2] =	stream.indirect.gather [hbm4b:s4+s12], $0x80, s20, s12, $0xb8;
	[tilespmem:$0x6800] =	vst v63  }
0x3b: {  	_ =	swait.ge [sflag:s15], $0x1400  }
0x3c: {  	[sflag:s15] =	ssyncset.done $0x0  }
0x3d: {  	[sflag:s15] =	ssyncadd.s32 $0xFFFFEC00  }
0x3e: {  	_ =	swait.ge [sflag:s16], $0x1400  }
0x3f: {  	[sflag:s16] =	ssyncset.done $0x0  }
0x40: {  	[sflag:s16] =	ssyncadd.s32 $0xFFFFEC00  }
0x41: {  	[hbm4b:s19+s1] =	stream.linear.scatter [tilespmem:s13], [sflag:$0x3], $0x1400, $0x38;
	[tilespmem:$0x6800] =	vst v63  }
0x42: {  	s17 =	sadd.s32 $0x1, s17;
	_ =	swait.ge [sflag:s10], $0x1400  }
0x43: {  	p0 =	sne.s32 s17, s7;
	[sflag:s10] =	ssyncset.done $0x0  }
.Ltmp1:
0x44: {  	[sflag:s10] =	ssyncadd.s32 $0xFFFFEC00;
	(pc) =	sbr.rel @p0 .LBB2_1-.Ltmp1, $4  }
0x45: {  	[hbm4b:s18+s1] =	stream.linear.scatter [tilespmem:s14], [sflag:$0x3], $0x1400, $0x38;
	[tilespmem:$0x6800] =	vst v63  }
0x46: {  	_ =	swait.ge [sflag:s10], $0x1400  }
0x47: {  	[sflag:s10] =	ssyncset.done $0x0  }
0x48: {  	[sflag:s10] =	ssyncadd.s32 $0xFFFFEC00  }
0x49: {  	_ =	sfence.sel $0x180000  }
0x4a: {  	[bflag:$0x0] =	sbarrier.arrive $0xFFFF  }
0x4b: {  	p0 =	sne.s32 s2, $0x0;
	_ =	strace $0x90000047  }
0x4c: {  	s0 =	sadd.s32 @!p0 $0x100000, s0;
	[bflag:$0x2] =	sbarrier.arrive $0xFFFF  }
0x4d: {  	[sflag:s0] =	ssyncadd.tile.s32 @!p0 $0x1;
	_ =	shalt  }
.Lfunc_end2:
_tile_overlayer_lowered:
.L_overlay_start_2:
0x4e: {  	(tag) =	ssettag $0x2  }
0x4f: {  	s0 =	rddreg [dreg:$0x0];
	s2 =	stileid.u32  }
0x50: {  	s1 =	rddreg [dreg:$0x1];
	p0 =	sne.s32 s2, $0x0  }
0x51: {  	s3 =	rddreg [dreg:$0x2];
	[bflag:$0x3] =	sbarrier.arrive $0xFFFF;
	s2 =	simm.s32 @!p0 $0x1C03  }
0x52: {  	[timem:s3], [sflag:s2] =	dma.local @!p0 [hbm:s0], s1  }
0x53: {  	s0 =	simm.s32 @!p0 $0x3  }
0x54: {  	_ =	swait.ge @!p0 [sflag:s0], s1  }
0x55: {  	s1 =	ssub.s32 @!p0 $0x0, s1;
	[sflag:s0] =	ssyncset.done @!p0 $0x0  }
0x56: {  	[sflag:s0] =	ssyncadd.s32 @!p0 s1  }
0x57: {  	[bflag:$0x3] =	sbarrier.arrive $0xFFFF  }
0x58: {  	_ =	shalt  }

// kernel: kernel.21.cloned.1.call-start
scs
__scs_entry_jumppad:
0x0: {  	(pc) =	sbr.rel $0x88, $3  }
0x1: {  	(tag) =	ssettag $0x0;
	lr =	simm.s32 $0x1  }
0x2: {  	[smem:$0x3F75] =	sst lr;
	_ =	strace $0xD0000000  }
0x3: {  	_ = 	snop  }
0x4: {  	_ = 	snop  }
0x5: {  	_ = 	snop  }
0x6: {  	_ = 	snop  }
0x7: {  	_ = 	snop  }
__scs_overlays_trampoline_lowered:
0x8: {  	[smem:$0x3F84] =	sst s0  }
0x9: {  	[smem:$0x3F85] =	sst s1  }
0xa: {  	[smem:$0x3F86] =	sst s2  }
0xb: {  	[smem:$0x3F87] =	sst s3  }
0xc: {  	[smem:$0x3F88] =	sst s4  }
0xd: {  	[smem:$0x3F89] =	sst s5  }
0xe: {  	[smem:$0x3F8A] =	sst s6  }
0xf: {  	[smem:$0x3F8B] =	sst s7  }
0x10: {  	[smem:$0x3F8C] =	sst s8  }
0x11: {  	[smem:$0x3F8D] =	sst s9;
	s0 =	simm.s32 @!p0 $0x0  }
0x12: {  	s1 =	sld [smem:$0x3F73];
	s0 =	simm.s32 @p0 $0x1  }
0x13: {  	[smem:$0x3F8E] =	sst s0;
	s0 =	simm.s32 @!p1 $0x0  }
0x14: {  	s2 =	sld [smem:$0x3F72];
	s0 =	simm.s32 @p1 $0x1  }
0x15: {  	[smem:$0x3F8F] =	sst s0;
	s0 =	simm.s32 @!p2 $0x0  }
0x16: {  	s3 =	sld [smem:$0x3FDB];
	s0 =	simm.s32 @p2 $0x1  }
0x17: {  	s4 =	simm.s32 $0x1BF5;
	[smem:$0x3F91] =	sst s0  }
0x18: {  	s0 =	sld [smem:$0x3F74];
	_ =	swait.ge [sflag:s4], $0x0  }
0x19: {  	s7 =	sld [smem:$0x3F75]  }
0x1a: {  	s8 =	sadd.s32 $0xFFFFE003, lr  }
0x1b: {  	s9 =	sadd.s32 $0xFFFFFEF7, lr;
	s5 =	simm.s32 $0xFFFFFFFF;
	p2 =	slt.u32 s8, $0xFFFFF086  }
0x1c: {  	p1 =	slt.u32 s9, $0xF7A;
	s5 =	simm.s32 @!p2 $0x0  }
0x1d: {  	s5 =	simm.s32 @p1 $0x1;
	p0 =	seq.s32 s7, s2  }
0x1e: {  	s7 =	smul.u32 @!p0 $0xF7A, s2;
	p2 =	seq.s32 @!p0 s5, $0x0  }
0x1f: {  	s9 =	smul.u32 $0xF7A, s1;
	s8 =	simm.s32 @!p0 $0x1BF5;
	p2 =	por !p2, p0  }
0x20: {  	[sflag:s8] =	ssyncset.s32 @!p0 $0xFFFFF086;
	s6 =	sadd.s32 @!p0 s3, s7;
	s7 =	simm.s32 @!p0 $0x108  }
0x21: {  	s3 =	sadd.s32 s3, s9;
	s6 =	sadd.s32 @!p0 $0x88, s6;
	s7 =	simm.s32 @p2 $0x1082  }
0x22: {  	[simem:s7], [sflag:s8] =	dma.local @!p0 [hbm:s6], $0xF7A  }
0x23: {  	s9 =	sor.u32 $0xD0000000, s2;
	s6 =	simm.s32 $0x108;
	_ =	swait.ge @!p0 [sflag:s8], $0x0  }
0x24: {  	s3 =	sadd.s32 $0x88, s3;
	s6 =	simm.s32 @!p1 $0x1082;
	[sflag:s4] =	ssyncset.s32 $0xFFFFF086  }
0x25: {  	[simem:s6], [sflag:s4] =	dma.local [hbm:s3], $0xF7A  }
0x26: {  	[smem:$0x3F75] =	sst s1;
	(tag) =	ssettag s2;
	_ =	strace s9  }
0x27: {  	s1 =	sld [smem:$0x3F85]  }
0x28: {  	s2 =	sld [smem:$0x3F86]  }
0x29: {  	s4 =	sld [smem:$0x3F88]  }
0x2a: {  	p0 =	seq.s32 s5, $0x0;
	s5 =	sld [smem:$0x3F89]  }
0x2b: {  	s6 =	sld [smem:$0x3F8A]  }
0x2c: {  	s7 =	sld [smem:$0x3F8B]  }
0x2d: {  	s3 =	simm.s32 $0x108;
	s8 =	sld [smem:$0x3F8C]  }
0x2e: {  	s3 =	simm.s32 @!p0 $0x1082;
	s9 =	sld [smem:$0x3F8D]  }
0x2f: {  	lr =	sadd.s32 s0, s3;
	s0 =	sld [smem:$0x3F84]  }
0x30: {  	s3 =	sld [smem:$0x3F87]  }
0x31: {  	[smem:$0x3F90] =	sst s10  }
0x32: {  	s10 =	sld [smem:$0x3F8E];
	_ =	sdelay $0x3  }
0x33: {  	p0 =	seq.s32 s10, $0x1;
	s10 =	sld [smem:$0x3F90];
	_ =	sdelay $0x3  }
0x34: {  	[smem:$0x3F90] =	sst s10  }
0x35: {  	s10 =	sld [smem:$0x3F8F];
	_ =	sdelay $0x3  }
0x36: {  	p1 =	seq.s32 s10, $0x1;
	s10 =	sld [smem:$0x3F90];
	_ =	sdelay $0x3  }
0x37: {  	[smem:$0x3F90] =	sst s10  }
0x38: {  	s10 =	sld [smem:$0x3F91]  }
0x39: {  	_ = 	snop;
	(pc) =	sbr.ind lr, $3  }
0x3a: {  	_ = 	snop  }
0x3b: {  	_ = 	snop  }
0x3c: {  	p2 =	seq.s32 s10, $0x1;
	s10 =	sld [smem:$0x3F90]  }
0x3d: {  	_ =	shalt  }
0x3e: {  	_ =	shalt  }
0x3f: {  	_ =	shalt  }
0x40: {  	_ =	shalt  }
0x41: {  	_ =	shalt  }
0x42: {  	_ =	shalt  }
0x43: {  	_ =	shalt  }
0x44: {  	_ =	shalt  }
0x45: {  	_ =	shalt  }
0x46: {  	_ =	shalt  }
0x47: {  	_ =	shalt  }
0x48: {  	_ =	shalt  }
0x49: {  	_ =	shalt  }
0x4a: {  	_ =	shalt  }
0x4b: {  	_ =	shalt  }
0x4c: {  	_ =	shalt  }
0x4d: {  	_ =	shalt  }
0x4e: {  	_ =	shalt  }
0x4f: {  	_ =	shalt  }
0x50: {  	_ =	shalt  }
0x51: {  	_ =	shalt  }
0x52: {  	_ =	shalt  }
0x53: {  	_ =	shalt  }
0x54: {  	_ =	shalt  }
0x55: {  	_ =	shalt  }
0x56: {  	_ =	shalt  }
0x57: {  	_ =	shalt  }
0x58: {  	_ =	shalt  }
0x59: {  	_ =	shalt  }
0x5a: {  	_ =	shalt  }
0x5b: {  	_ =	shalt  }
0x5c: {  	_ =	shalt  }
0x5d: {  	_ =	shalt  }
0x5e: {  	_ =	shalt  }
0x5f: {  	_ =	shalt  }
0x60: {  	_ =	shalt  }
0x61: {  	_ =	shalt  }
0x62: {  	_ =	shalt  }
0x63: {  	_ =	shalt  }
0x64: {  	_ =	shalt  }
0x65: {  	_ =	shalt  }
0x66: {  	_ =	shalt  }
0x67: {  	_ =	shalt  }
0x68: {  	_ =	shalt  }
0x69: {  	_ =	shalt  }
0x6a: {  	_ =	shalt  }
0x6b: {  	_ =	shalt  }
0x6c: {  	_ =	shalt  }
0x6d: {  	_ =	shalt  }
0x6e: {  	_ =	shalt  }
0x6f: {  	_ =	shalt  }
0x70: {  	_ =	shalt  }
0x71: {  	_ =	shalt  }
0x72: {  	_ =	shalt  }
0x73: {  	_ =	shalt  }
0x74: {  	_ =	shalt  }
0x75: {  	_ =	shalt  }
0x76: {  	_ =	shalt  }
0x77: {  	_ =	shalt  }
0x78: {  	_ =	shalt  }
0x79: {  	_ =	shalt  }
0x7a: {  	_ =	shalt  }
0x7b: {  	_ =	shalt  }
0x7c: {  	_ =	shalt  }
0x7d: {  	_ =	shalt  }
0x7e: {  	_ =	shalt  }
0x7f: {  	_ =	shalt  }
0x80: {  	_ =	shalt  }
0x81: {  	_ =	shalt  }
0x82: {  	_ =	shalt  }
0x83: {  	_ =	shalt  }
0x84: {  	_ =	shalt  }
0x85: {  	_ =	shalt  }
0x86: {  	_ =	shalt  }
0x87: {  	_ =	shalt  }
.Lfunc_end0:
.L_simem_size_0:
called_computation.1_lowered:
.L_overlay_start_0:
0x88: {  	s2 =	sld [smem:$0x3FD9]  }
0x89: {  	s3 =	sld [smem:$0x3FFE];
	_ =	sdelay $0x1  }
0x8a: {  	s1 =	srdreg.scid  }
0x8b: {  	s0 =	sand.u32 $0x1, s1  }
0x8c: {  	s17 =	sshll.u32 s0, $0xA;
	s2 =	sadd.s32 s3, s2  }
0x8d: {  	s2 =	sadd.s32 s2, s17  }
0x8e: {  	[smem:$0x3F9C] =	sst s2  }
0x8f: {  	_ = 	snop  }
0x90: {  	(tm) =	ssettm $0x1  }
0x91: {  	s18 =	sld [smem:$0x3FFB];
	_ =	sdelay $0x3  }
0x92: {  	_ =	strace s18  }
0x93: {  	s2 =	sld [smem:$0x3FFC];
	_ =	sdelay $0x3  }
0x94: {  	_ =	strace s2  }
0x95: {  	s2 =	sld [smem:$0x3FFD];
	_ =	sdelay $0x3  }
0x96: {  	_ =	strace s2  }
0x97: {  	_ =	strace $0x8FFFFFFF  }
0x98: {  	s19 =	sld [smem:$0x3FDB];
	_ =	sdelay $0x1  }
0x99: {  	s20 =	simm.s32 $_scs_section_size  }
0x9a: {  	s4 =	simm.s32 $_size__tile_overlayer_lowered;
	s5 =	simm.s32 $_tile_overlayer_lowered  }
0x9b: {  	s6 =	simm.s32 $0x1BFF;
	s21 =	sshll.u32 s5, $0x1;
	s3 =	sadd.s32 s20, s19  }
0x9c: {  	s22 =	simm.s32 $0x0;
	s4 =	sshll.u32 s4, $0x1;
	s5 =	sadd.s32 s21, s3  }
0x9d: {  	[timem:s22], [sflag:s6] =	dma.local [hbm:s5], s4  }
0x9e: {  	_ =	swait.ge [sflag:s6], s4  }
0x9f: {  	s4 =	ssub.s32 $0x0, s4;
	[sflag:s6] =	ssyncset.done $0x0  }
0xa0: {  	[sflag:s6] =	ssyncadd.s32 s4;
	_ =	sdelay $0x1  }
0xa1: {  	s23 =	simm.s32 $0x1B8B  }
0xa2: {  	_ =	swait.ge [sflag:s23], $0x1  }
0xa3: {  	[sflag:s23] =	ssyncset.done $0x0  }
0xa4: {  	[sflag:s23] =	ssyncadd.s32 $0xFFFFFFFF  }
0xa5: {  	s4 =	sld [smem:$0x0]  }
0xa6: {  	s5 =	sand.u32 $0xFFFFFFFE, s1  }
0xa7: {  	p0 =	sne.s32 s1, s5  }
0xa8: {  	s5 =	sshll.u32 @p0 s5, $0xE  }
0xa9: {  	s5 =	sadd.s32 @p0 $0x11B8D, s5;
	s6 =	sshll.u32 @p0 s4, $0x11  }
0xaa: {  	s5 =	sor.u32 @p0 s6, s5  }
0xab: {  	[sflag:s5] =	ssyncadd.remote.s32 @p0 $0x1;
	_ =	sdelay $0x1  }
0xac: {  	s5 =	simm.s32 @p0 $0x1B8D  }
0xad: {  	_ =	swait.eq @p0 [sflag:s5], $0x1  }
0xae: {  	[sflag:s5] =	ssyncadd.s32 @p0 $0xFFFFFFFF  }
0xaf: {  	s6 =	sshll.u32 @!p0 s1, $0xE  }
0xb0: {  	s6 =	sor.u32 @!p0 $0x4000, s6;
	s5 =	simm.s32 @!p0 $0x1B8D  }
0xb1: {  	s4 =	sshll.u32 @!p0 s4, $0x11;
	s6 =	sadd.s32 @!p0 $0x11B8D, s6;
	_ =	swait.eq @!p0 [sflag:s5], $0x1  }
0xb2: {  	s4 =	sor.u32 @!p0 s4, s6;
	[sflag:s5] =	ssyncadd.s32 @!p0 $0xFFFFFFFF  }
0xb3: {  	s25 =	simm.s32 $0x1B8E;
	s24 =	sld [smem:$0x3FFE];
	[sflag:s4] =	ssyncadd.remote.s32 @!p0 $0x1  }
0xb4: {  	s26 =	simm.s32 $execute0_lowered;
	[smem:$0x3FD2] =	sst s25  }
0xb5: {  	s5 =	sshll.u32 s26, $0x1;
	_ =	strace $0x80000049;
	[dreg:$0x1] =	wrdreg $0xFFFFFFFF  }
0xb6: {  	s28 =	simm.s32 $_size_execute0_lowered;
	s3 =	sadd.s32 s3, s5;
	[dreg:$0x0] =	wrdreg $0x0  }
0xb7: {  	s5 =	sshll.u32 s28, $0x1;
	[dreg:$0x2] =	wrdreg s3  }
0xb8: {  	[dreg:$0x3] =	wrdreg s5  }
0xb9: {  	[dreg:$0x4] =	wrdreg $0xC0  }
0xba: {  	_ =	task [dreg:s22], $0x5FFFF  }
0xbb: {  	[dreg:$0x1] =	wrdreg $0xFFFFFFFF  }
0xbc: {  	[dreg:$0x0] =	wrdreg $0x60  }
0xbd: {  	[dreg:$0x2] =	wrdreg s24  }
0xbe: {  	[dreg:$0x3] =	wrdreg $0x9  }
0xbf: {  	_ =	task.clear_ibuf [dreg:s22], $0x4FFFF;
	_ =	strace $0x90000049  }
0xc0: {  	s29 =	simm.s32 $0x9;
	_ =	strace $0x8000004B  }
0xc1: {  	_ =	swait.ge [sflag:s29], $0x1  }
0xc2: {  	[sflag:s29] =	ssyncadd.s32 $0xFFFFFFFF  }
0xc3: {  	_ =	strace $0x9000004B  }
0xc4: {  	_ =	sfence  }
0xc5: {  	s30 =	sld [smem:$0x0];
	_ =	sdelay $0x2  }
0xc6: {  	s31 =	sshll.u32 s1, $0xD;
	s1 =	sshrl.u32 s1, $0x2  }
0xc7: {  	s4 =	sand.u32 $0x4000, s31;
	s1 =	sadd.s32 s1, s30  }
0xc8: {  	s0 =	sor.u32 s4, s0;
	s1 =	sshll.u32 s1, $0x11  }
0xc9: {  	s0 =	sor.u32 s1, s0  }
0xca: {  	s0 =	sadd.s32 $0x8F2B, s0  }
0xcb: {  	[sflag:s0] =	ssyncadd.remote.s32 $0x1  }
0xcc: {  	_ =	sfence.sel $0xFFFF  }
0xcd: {  	[dreg:$0x0] =	wrdreg $0xFFFFFFFF;
	(pc) =	sbr.abs _section_cstart, $3  }
0xce: {  	[dreg:$0x1] =	wrdreg $0xFFFFFFFF  }
0xcf: {  	_ =	task.clear_ibuf [dreg:s22], $0x2FFFF;
	_ =	strace $0x9FFFFFFF  }
0xd0: {  	(tm) =	ssettm $0x7FFFFFFF  }
0xd1: {  	_ =	shalt  }
tec
execute0_lowered:
.L_overlay_start_1:
0x0: {  	(tag) =	ssettag $0x1  }
0x1: {  	s5 =	rddreg [dreg:$0x0]  }
0x2: {  	s0 =	rddreg [dreg:$0x1];
	s1 =	simm.s32 $0x0;
	s6 =	srdreg.scid  }
0x3: {  	s2 =	stileid.u32;
	s10 =	simm.s32 $0x3;
	s11 =	simm.s32 $0x2000  }
0x4: {  	s12 =	simm.s32 $0x28;
	s13 =	simm.s32 $0x4000;
	s14 =	simm.s32 $0x5400  }
0x5: {  	s15 =	simm.s32 $0x1;
	s16 =	simm.s32 $0x2;
	s17 =	simm.s32 $0x0  }
0x6: {  	[smem:$0x7FF] =	sst s1;
	s3 =	sadd.s32 $0x48600, s5;
	s4 =	sadd.s32 $0x70600, s5  }
0x7: {  	s6 =	sand.u32 $0x1, s6;
	s7 =	sshll.u32 s2, $0xB;
	s9 =	smul.u32 $0x13100, s2  }
0x8: {  	_ =	strace $0x8000004A;
	s8 =	sshll.u32 s6, $0xA;
	s30 =	ssub.s32 $0x2, s6  }
0x9: {  	s6 =	smul.u32 $0x9880, s6;
	s7 =	sor.u32 s8, s7;
	s31 =	sshrl.u32 s30, $0x1  }
0xa: {  	s9 =	sadd.s32 s9, s5;
	s7 =	sadd.s32 s7, s5;
	s8 =	ssub.s32 s30, s31  }
0xb: {  	s9 =	sadd.s32 s6, s9;
	s5 =	sadd.s32 $0x390600, s7;
	s6 =	sadd.s32 $0x398600, s7  }
0xc: {  	s7 =	smax.u32 s8, $0x1;
	s8 =	sadd.s32 $0x3A0600, s9;
	s9 =	sadd.s32 $0x4E0600, s9  }
.LBB2_1:
0xd: {  	[tilespmem:s1], [sflag:$0x3] =	stream.linear.gather [hbm4b:s5+s1], $0x1E80, $0x38;
	[tilespmem:$0x6800] =	vst v63  }
0xe: {  	_ =	swait.ge [sflag:s10], $0x1E80  }
0xf: {  	[sflag:s10] =	ssyncset.done $0x0  }
0x10: {  	[sflag:s10] =	ssyncadd.s32 $0xFFFFE180  }
0x11: {  	[tilespmem:s11], [sflag:$0x3] =	stream.linear.gather [hbm4b:s6+s1], $0x1E80, $0x38;
	[tilespmem:$0x6800] =	vst v63  }
0x12: {  	_ =	swait.ge [sflag:s10], $0x1E80  }
0x13: {  	[sflag:s10] =	ssyncset.done $0x0  }
0x14: {  	s18 =	simm.s32 $0x0;
	[sflag:s10] =	ssyncadd.s32 $0xFFFFE180  }
0x15: {  	[tilespmem:s13], [sflag:$0x1] =	stream.indirect.gather [hbm4b:s3+s12], $0x80, s18, s12, $0xb8;
	[tilespmem:$0x6800] =	vst v63  }
0x16: {  	s31 =	simm.s32 $0x2000  }
0x17: {  	[tilespmem:s14], [sflag:$0x2] =	stream.indirect.gather [hbm4b:s4+s12], $0x80, s31, s12, $0xb8;
	[tilespmem:$0x6800] =	vst v63  }
0x18: {  	_ =	swait.ge [sflag:s15], $0x1400  }
0x19: {  	[sflag:s15] =	ssyncset.done $0x0  }
0x1a: {  	[sflag:s15] =	ssyncadd.s32 $0xFFFFEC00  }
0x1b: {  	_ =	swait.ge [sflag:s16], $0x1400  }
0x1c: {  	[sflag:s16] =	ssyncset.done $0x0  }
0x1d: {  	[sflag:s16] =	ssyncadd.s32 $0xFFFFEC00  }
0x1e: {  	[hbm4b:s8+s1] =	stream.linear.scatter [tilespmem:s13], [sflag:$0x3], $0x1400, $0x38;
	[tilespmem:$0x6800] =	vst v63  }
0x1f: {  	_ =	swait.ge [sflag:s10], $0x1400  }
0x20: {  	[sflag:s10] =	ssyncset.done $0x0  }
0x21: {  	[sflag:s10] =	ssyncadd.s32 $0xFFFFEC00  }
0x22: {  	[hbm4b:s9+s1] =	stream.linear.scatter [tilespmem:s14], [sflag:$0x3], $0x1400, $0x38;
	[tilespmem:$0x6800] =	vst v63  }
0x23: {  	s20 =	simm.s32 $0x200;
	s21 =	simm.s32 $0x400;
	_ =	swait.ge [sflag:s10], $0x1400  }
0x24: {  	s19 =	sadd.s32 $0x280, s8;
	s18 =	sadd.s32 $0x280, s9;
	[sflag:s10] =	ssyncset.done $0x0  }
.LBB2_2:
0x25: {  	s22 =	sshra.s32 s20, $0x2  }
0x26: {  	[sflag:s10] =	ssyncadd.s32 $0xFFFFEC00;
	s20 =	smov.u32 s21;
	s23 =	sadd.s32 $0x200, s21  }
0x27: {  	[tilespmem:s13], [sflag:$0x1] =	stream.indirect.gather [hbm4b:s3+s12], $0x80, s22, s12, $0xb8;
	[tilespmem:$0x6800] =	vst v63  }
0x28: {  	p0 =	sne.s32 s21, $0x7800;
	s21 =	sadd.s32 $0x2000, s22  }
0x29: {  	[tilespmem:s14], [sflag:$0x2] =	stream.indirect.gather [hbm4b:s4+s12], $0x80, s21, s12, $0xb8;
	[tilespmem:$0x6800] =	vst v63  }
0x2a: {  	_ =	swait.ge [sflag:s15], $0x1400  }
0x2b: {  	[sflag:s15] =	ssyncset.done $0x0  }
0x2c: {  	[sflag:s15] =	ssyncadd.s32 $0xFFFFEC00  }
0x2d: {  	_ =	swait.ge [sflag:s16], $0x1400  }
0x2e: {  	[sflag:s16] =	ssyncset.done $0x0  }
0x2f: {  	[sflag:s16] =	ssyncadd.s32 $0xFFFFEC00  }
0x30: {  	[hbm4b:s19+s1] =	stream.linear.scatter [tilespmem:s13], [sflag:$0x3], $0x1400, $0x38;
	[tilespmem:$0x6800] =	vst v63  }
0x31: {  	_ =	swait.ge [sflag:s10], $0x1400  }
.Ltmp0:
0x32: {  	[sflag:s10] =	ssyncset.done $0x0;
	(pc) =	sbr.rel @p0 .LBB2_2-.Ltmp0, $4  }
0x33: {  	[sflag:s10] =	ssyncadd.s32 $0xFFFFEC00  }
0x34: {  	[hbm4b:s18+s1] =	stream.linear.scatter [tilespmem:s14], [sflag:$0x3], $0x1400, $0x38;
	[tilespmem:$0x6800] =	vst v63  }
0x35: {  	s21 =	smov.u32 s23;
	_ =	swait.ge [sflag:s10], $0x1400  }
0x36: {  	s19 =	sadd.s32 $0x280, s19;
	s18 =	sadd.s32 $0x280, s18;
	[sflag:s10] =	ssyncset.done $0x0  }
0x37: {  	s20 =	sshra.s32 s20, $0x2;
	[sflag:s10] =	ssyncadd.s32 $0xFFFFEC00  }
0x38: {  	[tilespmem:s13], [sflag:$0x1] =	stream.indirect.gather [hbm4b:s3+s12], $0x80, s20, s12, $0xb8;
	[tilespmem:$0x6800] =	vst v63  }
0x39: {  	s20 =	sadd.s32 $0x2000, s20  }
0x3a: {  	[tilespmem:s14], [sflag:$0x2] =	stream.indirect.gather [hbm4b:s4+s12], $0x80, s20, s12, $0xb8;
	[tilespmem:$0x6800] =	vst v63  }
0x3b: {  	_ =	swait.ge [sflag:s15], $0x1400  }
0x3c: {  	[sflag:s15] =	ssyncset.done $0x0  }
0x3d: {  	[sflag:s15] =	ssyncadd.s32 $0xFFFFEC00  }
0x3e: {  	_ =	swait.ge [sflag:s16], $0x1400  }
0x3f: {  	[sflag:s16] =	ssyncset.done $0x0  }
0x40: {  	[sflag:s16] =	ssyncadd.s32 $0xFFFFEC00  }
0x41: {  	[hbm4b:s19+s1] =	stream.linear.scatter [tilespmem:s13], [sflag:$0x3], $0x1400, $0x38;
	[tilespmem:$0x6800] =	vst v63  }
0x42: {  	s17 =	sadd.s32 $0x1, s17;
	_ =	swait.ge [sflag:s10], $0x1400  }
0x43: {  	p0 =	sne.s32 s17, s7;
	[sflag:s10] =	ssyncset.done $0x0  }
.Ltmp1:
0x44: {  	[sflag:s10] =	ssyncadd.s32 $0xFFFFEC00;
	(pc) =	sbr.rel @p0 .LBB2_1-.Ltmp1, $4  }
0x45: {  	[hbm4b:s18+s1] =	stream.linear.scatter [tilespmem:s14], [sflag:$0x3], $0x1400, $0x38;
	[tilespmem:$0x6800] =	vst v63  }
0x46: {  	_ =	swait.ge [sflag:s10], $0x1400  }
0x47: {  	[sflag:s10] =	ssyncset.done $0x0  }
0x48: {  	[sflag:s10] =	ssyncadd.s32 $0xFFFFEC00  }
0x49: {  	_ =	sfence.sel $0x180000  }
0x4a: {  	[bflag:$0x0] =	sbarrier.arrive $0xFFFF  }
0x4b: {  	p0 =	sne.s32 s2, $0x0;
	_ =	strace $0x9000004A  }
0x4c: {  	s0 =	sadd.s32 @!p0 $0x100000, s0;
	[bflag:$0x2] =	sbarrier.arrive $0xFFFF  }
0x4d: {  	[sflag:s0] =	ssyncadd.tile.s32 @!p0 $0x1;
	_ =	shalt  }
.Lfunc_end2:
_tile_overlayer_lowered:
.L_overlay_start_2:
0x4e: {  	(tag) =	ssettag $0x2  }
0x4f: {  	s0 =	rddreg [dreg:$0x0];
	s2 =	stileid.u32  }
0x50: {  	s1 =	rddreg [dreg:$0x1];
	p0 =	sne.s32 s2, $0x0  }
0x51: {  	s3 =	rddreg [dreg:$0x2];
	[bflag:$0x3] =	sbarrier.arrive $0xFFFF;
	s2 =	simm.s32 @!p0 $0x1C03  }
0x52: {  	[timem:s3], [sflag:s2] =	dma.local @!p0 [hbm:s0], s1  }
0x53: {  	s0 =	simm.s32 @!p0 $0x3  }
0x54: {  	_ =	swait.ge @!p0 [sflag:s0], s1  }
0x55: {  	s1 =	ssub.s32 @!p0 $0x0, s1;
	[sflag:s0] =	ssyncset.done @!p0 $0x0  }
0x56: {  	[sflag:s0] =	ssyncadd.s32 @!p0 s1  }
0x57: {  	[bflag:$0x3] =	sbarrier.arrive $0xFFFF  }
0x58: {  	_ =	shalt  }

// kernel: kernel.24.cloned.1.call-start
scs
__scs_entry_jumppad:
0x0: {  	(pc) =	sbr.rel $0x88, $3  }
0x1: {  	(tag) =	ssettag $0x0;
	lr =	simm.s32 $0x1  }
0x2: {  	[smem:$0x3F75] =	sst lr;
	_ =	strace $0xD0000000  }
0x3: {  	_ = 	snop  }
0x4: {  	_ = 	snop  }
0x5: {  	_ = 	snop  }
0x6: {  	_ = 	snop  }
0x7: {  	_ = 	snop  }
__scs_overlays_trampoline_lowered:
0x8: {  	[smem:$0x3F84] =	sst s0  }
0x9: {  	[smem:$0x3F85] =	sst s1  }
0xa: {  	[smem:$0x3F86] =	sst s2  }
0xb: {  	[smem:$0x3F87] =	sst s3  }
0xc: {  	[smem:$0x3F88] =	sst s4  }
0xd: {  	[smem:$0x3F89] =	sst s5  }
0xe: {  	[smem:$0x3F8A] =	sst s6  }
0xf: {  	[smem:$0x3F8B] =	sst s7  }
0x10: {  	[smem:$0x3F8C] =	sst s8  }
0x11: {  	[smem:$0x3F8D] =	sst s9;
	s0 =	simm.s32 @!p0 $0x0  }
0x12: {  	s1 =	sld [smem:$0x3F73];
	s0 =	simm.s32 @p0 $0x1  }
0x13: {  	[smem:$0x3F8E] =	sst s0;
	s0 =	simm.s32 @!p1 $0x0  }
0x14: {  	s2 =	sld [smem:$0x3F72];
	s0 =	simm.s32 @p1 $0x1  }
0x15: {  	[smem:$0x3F8F] =	sst s0;
	s0 =	simm.s32 @!p2 $0x0  }
0x16: {  	s3 =	sld [smem:$0x3FDB];
	s0 =	simm.s32 @p2 $0x1  }
0x17: {  	s4 =	simm.s32 $0x1BF5;
	[smem:$0x3F91] =	sst s0  }
0x18: {  	s0 =	sld [smem:$0x3F74];
	_ =	swait.ge [sflag:s4], $0x0  }
0x19: {  	s7 =	sld [smem:$0x3F75]  }
0x1a: {  	s8 =	sadd.s32 $0xFFFFE003, lr  }
0x1b: {  	s9 =	sadd.s32 $0xFFFFFEF7, lr;
	s5 =	simm.s32 $0xFFFFFFFF;
	p2 =	slt.u32 s8, $0xFFFFF086  }
0x1c: {  	p1 =	slt.u32 s9, $0xF7A;
	s5 =	simm.s32 @!p2 $0x0  }
0x1d: {  	s5 =	simm.s32 @p1 $0x1;
	p0 =	seq.s32 s7, s2  }
0x1e: {  	s7 =	smul.u32 @!p0 $0xF7A, s2;
	p2 =	seq.s32 @!p0 s5, $0x0  }
0x1f: {  	s9 =	smul.u32 $0xF7A, s1;
	s8 =	simm.s32 @!p0 $0x1BF5;
	p2 =	por !p2, p0  }
0x20: {  	[sflag:s8] =	ssyncset.s32 @!p0 $0xFFFFF086;
	s6 =	sadd.s32 @!p0 s3, s7;
	s7 =	simm.s32 @!p0 $0x108  }
0x21: {  	s3 =	sadd.s32 s3, s9;
	s6 =	sadd.s32 @!p0 $0x88, s6;
	s7 =	simm.s32 @p2 $0x1082  }
0x22: {  	[simem:s7], [sflag:s8] =	dma.local @!p0 [hbm:s6], $0xF7A  }
0x23: {  	s9 =	sor.u32 $0xD0000000, s2;
	s6 =	simm.s32 $0x108;
	_ =	swait.ge @!p0 [sflag:s8], $0x0  }
0x24: {  	s3 =	sadd.s32 $0x88, s3;
	s6 =	simm.s32 @!p1 $0x1082;
	[sflag:s4] =	ssyncset.s32 $0xFFFFF086  }
0x25: {  	[simem:s6], [sflag:s4] =	dma.local [hbm:s3], $0xF7A  }
0x26: {  	[smem:$0x3F75] =	sst s1;
	(tag) =	ssettag s2;
	_ =	strace s9  }
0x27: {  	s1 =	sld [smem:$0x3F85]  }
0x28: {  	s2 =	sld [smem:$0x3F86]  }
0x29: {  	s4 =	sld [smem:$0x3F88]  }
0x2a: {  	p0 =	seq.s32 s5, $0x0;
	s5 =	sld [smem:$0x3F89]  }
0x2b: {  	s6 =	sld [smem:$0x3F8A]  }
0x2c: {  	s7 =	sld [smem:$0x3F8B]  }
0x2d: {  	s3 =	simm.s32 $0x108;
	s8 =	sld [smem:$0x3F8C]  }
0x2e: {  	s3 =	simm.s32 @!p0 $0x1082;
	s9 =	sld [smem:$0x3F8D]  }
0x2f: {  	lr =	sadd.s32 s0, s3;
	s0 =	sld [smem:$0x3F84]  }
0x30: {  	s3 =	sld [smem:$0x3F87]  }
0x31: {  	[smem:$0x3F90] =	sst s10  }
0x32: {  	s10 =	sld [smem:$0x3F8E];
	_ =	sdelay $0x3  }
0x33: {  	p0 =	seq.s32 s10, $0x1;
	s10 =	sld [smem:$0x3F90];
	_ =	sdelay $0x3  }
0x34: {  	[smem:$0x3F90] =	sst s10  }
0x35: {  	s10 =	sld [smem:$0x3F8F];
	_ =	sdelay $0x3  }
0x36: {  	p1 =	seq.s32 s10, $0x1;
	s10 =	sld [smem:$0x3F90];
	_ =	sdelay $0x3  }
0x37: {  	[smem:$0x3F90] =	sst s10  }
0x38: {  	s10 =	sld [smem:$0x3F91]  }
0x39: {  	_ = 	snop;
	(pc) =	sbr.ind lr, $3  }
0x3a: {  	_ = 	snop  }
0x3b: {  	_ = 	snop  }
0x3c: {  	p2 =	seq.s32 s10, $0x1;
	s10 =	sld [smem:$0x3F90]  }
0x3d: {  	_ =	shalt  }
0x3e: {  	_ =	shalt  }
0x3f: {  	_ =	shalt  }
0x40: {  	_ =	shalt  }
0x41: {  	_ =	shalt  }
0x42: {  	_ =	shalt  }
0x43: {  	_ =	shalt  }
0x44: {  	_ =	shalt  }
0x45: {  	_ =	shalt  }
0x46: {  	_ =	shalt  }
0x47: {  	_ =	shalt  }
0x48: {  	_ =	shalt  }
0x49: {  	_ =	shalt  }
0x4a: {  	_ =	shalt  }
0x4b: {  	_ =	shalt  }
0x4c: {  	_ =	shalt  }
0x4d: {  	_ =	shalt  }
0x4e: {  	_ =	shalt  }
0x4f: {  	_ =	shalt  }
0x50: {  	_ =	shalt  }
0x51: {  	_ =	shalt  }
0x52: {  	_ =	shalt  }
0x53: {  	_ =	shalt  }
0x54: {  	_ =	shalt  }
0x55: {  	_ =	shalt  }
0x56: {  	_ =	shalt  }
0x57: {  	_ =	shalt  }
0x58: {  	_ =	shalt  }
0x59: {  	_ =	shalt  }
0x5a: {  	_ =	shalt  }
0x5b: {  	_ =	shalt  }
0x5c: {  	_ =	shalt  }
0x5d: {  	_ =	shalt  }
0x5e: {  	_ =	shalt  }
0x5f: {  	_ =	shalt  }
0x60: {  	_ =	shalt  }
0x61: {  	_ =	shalt  }
0x62: {  	_ =	shalt  }
0x63: {  	_ =	shalt  }
0x64: {  	_ =	shalt  }
0x65: {  	_ =	shalt  }
0x66: {  	_ =	shalt  }
0x67: {  	_ =	shalt  }
0x68: {  	_ =	shalt  }
0x69: {  	_ =	shalt  }
0x6a: {  	_ =	shalt  }
0x6b: {  	_ =	shalt  }
0x6c: {  	_ =	shalt  }
0x6d: {  	_ =	shalt  }
0x6e: {  	_ =	shalt  }
0x6f: {  	_ =	shalt  }
0x70: {  	_ =	shalt  }
0x71: {  	_ =	shalt  }
0x72: {  	_ =	shalt  }
0x73: {  	_ =	shalt  }
0x74: {  	_ =	shalt  }
0x75: {  	_ =	shalt  }
0x76: {  	_ =	shalt  }
0x77: {  	_ =	shalt  }
0x78: {  	_ =	shalt  }
0x79: {  	_ =	shalt  }
0x7a: {  	_ =	shalt  }
0x7b: {  	_ =	shalt  }
0x7c: {  	_ =	shalt  }
0x7d: {  	_ =	shalt  }
0x7e: {  	_ =	shalt  }
0x7f: {  	_ =	shalt  }
0x80: {  	_ =	shalt  }
0x81: {  	_ =	shalt  }
0x82: {  	_ =	shalt  }
0x83: {  	_ =	shalt  }
0x84: {  	_ =	shalt  }
0x85: {  	_ =	shalt  }
0x86: {  	_ =	shalt  }
0x87: {  	_ =	shalt  }
.Lfunc_end0:
.L_simem_size_0:
called_computation.2_lowered:
.L_overlay_start_0:
0x88: {  	s2 =	sld [smem:$0x3FD9]  }
0x89: {  	s3 =	sld [smem:$0x3FFE];
	_ =	sdelay $0x1  }
0x8a: {  	s1 =	srdreg.scid  }
0x8b: {  	s0 =	sand.u32 $0x1, s1  }
0x8c: {  	s17 =	sshll.u32 s0, $0xA;
	s2 =	sadd.s32 s3, s2  }
0x8d: {  	s2 =	sadd.s32 s2, s17  }
0x8e: {  	[smem:$0x3F9C] =	sst s2  }
0x8f: {  	_ = 	snop  }
0x90: {  	(tm) =	ssettm $0x1  }
0x91: {  	s18 =	sld [smem:$0x3FFB];
	_ =	sdelay $0x3  }
0x92: {  	_ =	strace s18  }
0x93: {  	s2 =	sld [smem:$0x3FFC];
	_ =	sdelay $0x3  }
0x94: {  	_ =	strace s2  }
0x95: {  	s2 =	sld [smem:$0x3FFD];
	_ =	sdelay $0x3  }
0x96: {  	_ =	strace s2  }
0x97: {  	_ =	strace $0x8FFFFFFF  }
0x98: {  	s19 =	sld [smem:$0x3FDB];
	_ =	sdelay $0x1  }
0x99: {  	s20 =	simm.s32 $_scs_section_size  }
0x9a: {  	s4 =	simm.s32 $_size__tile_overlayer_lowered;
	s5 =	simm.s32 $_tile_overlayer_lowered  }
0x9b: {  	s6 =	simm.s32 $0x1BFF;
	s21 =	sshll.u32 s5, $0x1;
	s3 =	sadd.s32 s20, s19  }
0x9c: {  	s22 =	simm.s32 $0x0;
	s4 =	sshll.u32 s4, $0x1;
	s5 =	sadd.s32 s21, s3  }
0x9d: {  	[timem:s22], [sflag:s6] =	dma.local [hbm:s5], s4  }
0x9e: {  	_ =	swait.ge [sflag:s6], s4  }
0x9f: {  	s4 =	ssub.s32 $0x0, s4;
	[sflag:s6] =	ssyncset.done $0x0  }
0xa0: {  	[sflag:s6] =	ssyncadd.s32 s4;
	_ =	sdelay $0x1  }
0xa1: {  	s23 =	simm.s32 $0x1B8B  }
0xa2: {  	_ =	swait.ge [sflag:s23], $0x1  }
0xa3: {  	[sflag:s23] =	ssyncset.done $0x0  }
0xa4: {  	[sflag:s23] =	ssyncadd.s32 $0xFFFFFFFF  }
0xa5: {  	s4 =	sld [smem:$0x0]  }
0xa6: {  	s5 =	sand.u32 $0xFFFFFFFE, s1  }
0xa7: {  	p0 =	sne.s32 s1, s5  }
0xa8: {  	s5 =	sshll.u32 @p0 s5, $0xE  }
0xa9: {  	s5 =	sadd.s32 @p0 $0x11B8D, s5;
	s6 =	sshll.u32 @p0 s4, $0x11  }
0xaa: {  	s5 =	sor.u32 @p0 s6, s5  }
0xab: {  	[sflag:s5] =	ssyncadd.remote.s32 @p0 $0x1;
	_ =	sdelay $0x1  }
0xac: {  	s5 =	simm.s32 @p0 $0x1B8D  }
0xad: {  	_ =	swait.eq @p0 [sflag:s5], $0x1  }
0xae: {  	[sflag:s5] =	ssyncadd.s32 @p0 $0xFFFFFFFF  }
0xaf: {  	s6 =	sshll.u32 @!p0 s1, $0xE  }
0xb0: {  	s6 =	sor.u32 @!p0 $0x4000, s6;
	s5 =	simm.s32 @!p0 $0x1B8D  }
0xb1: {  	s4 =	sshll.u32 @!p0 s4, $0x11;
	s6 =	sadd.s32 @!p0 $0x11B8D, s6;
	_ =	swait.eq @!p0 [sflag:s5], $0x1  }
0xb2: {  	s4 =	sor.u32 @!p0 s4, s6;
	[sflag:s5] =	ssyncadd.s32 @!p0 $0xFFFFFFFF  }
0xb3: {  	s25 =	simm.s32 $0x1B8E;
	s24 =	sld [smem:$0x3FFE];
	[sflag:s4] =	ssyncadd.remote.s32 @!p0 $0x1  }
0xb4: {  	s26 =	simm.s32 $execute0_lowered;
	[smem:$0x3FD2] =	sst s25  }
0xb5: {  	s5 =	sshll.u32 s26, $0x1;
	_ =	strace $0x8000004C;
	[dreg:$0x1] =	wrdreg $0xFFFFFFFF  }
0xb6: {  	s28 =	simm.s32 $_size_execute0_lowered;
	s3 =	sadd.s32 s3, s5;
	[dreg:$0x0] =	wrdreg $0x0  }
0xb7: {  	s5 =	sshll.u32 s28, $0x1;
	[dreg:$0x2] =	wrdreg s3  }
0xb8: {  	[dreg:$0x3] =	wrdreg s5  }
0xb9: {  	[dreg:$0x4] =	wrdreg $0xC0  }
0xba: {  	_ =	task [dreg:s22], $0x5FFFF  }
0xbb: {  	[dreg:$0x1] =	wrdreg $0xFFFFFFFF  }
0xbc: {  	[dreg:$0x0] =	wrdreg $0x60  }
0xbd: {  	[dreg:$0x2] =	wrdreg s24  }
0xbe: {  	[dreg:$0x3] =	wrdreg $0x8C000  }
0xbf: {  	[dreg:$0x4] =	wrdreg $0xA  }
0xc0: {  	_ =	task.clear_ibuf [dreg:s22], $0x5FFFF;
	_ =	strace $0x9000004C  }
0xc1: {  	s29 =	simm.s32 $0xA;
	_ =	strace $0x8000004E  }
0xc2: {  	_ =	swait.ge [sflag:s29], $0x1  }
0xc3: {  	[sflag:s29] =	ssyncadd.s32 $0xFFFFFFFF  }
0xc4: {  	_ =	strace $0x9000004E  }
0xc5: {  	_ =	sfence  }
0xc6: {  	s30 =	sld [smem:$0x0];
	_ =	sdelay $0x2  }
0xc7: {  	s31 =	sshll.u32 s1, $0xD;
	s1 =	sshrl.u32 s1, $0x2  }
0xc8: {  	s4 =	sand.u32 $0x4000, s31;
	s1 =	sadd.s32 s1, s30  }
0xc9: {  	s0 =	sor.u32 s4, s0;
	s1 =	sshll.u32 s1, $0x11  }
0xca: {  	s0 =	sor.u32 s1, s0  }
0xcb: {  	s0 =	sadd.s32 $0x8F2B, s0  }
0xcc: {  	[sflag:s0] =	ssyncadd.remote.s32 $0x1  }
0xcd: {  	_ =	sfence.sel $0xFFFF  }
0xce: {  	[dreg:$0x0] =	wrdreg $0xFFFFFFFF;
	(pc) =	sbr.abs _section_cstart, $3  }
0xcf: {  	[dreg:$0x1] =	wrdreg $0xFFFFFFFF  }
0xd0: {  	_ =	task.clear_ibuf [dreg:s22], $0x2FFFF;
	_ =	strace $0x9FFFFFFF  }
0xd1: {  	(tm) =	ssettm $0x7FFFFFFF  }
tec
execute0_lowered:
.L_overlay_start_1:
0x0: {  	(tag) =	ssettag $0x1  }
0x1: {  	s1 =	srdreg.scid;
	s4 =	rddreg [dreg:$0x0]  }
0x2: {  	s0 =	stileid.u32;
	s2 =	rddreg [dreg:$0x1];
	s3 =	simm.s32 $0x0  }
0x3: {  	s18 =	simm.s32 $0x80;
	s19 =	simm.s32 $0x2;
	s10 =	smul.u32 $0x14000, s0  }
0x4: {  	s20 =	simm.s32 $0x900;
	s21 =	simm.s32 $0x980;
	s12 =	smul.u32 $0x50000, s0  }
0x5: {  	s22 =	simm.s32 $0x0;
	s9 =	sand.u32 $0x1, s1;
	s28 =	smul.u32 $0xA0000, s0  }
0x6: {  	s24 =	sshll.u32 s0, $0x1;
	s1 =	rddreg [dreg:$0x2];
	s7 =	smul.u32 $0x140000, s9  }
0x7: {  	[smem:$0x7FF] =	sst s3;
	s11 =	sadd.s32 $0x623A00, s4;
	s17 =	smul.u32 $0x50000, s9  }
0x8: {  	s29 =	sshll.u32 s0, $0x6;
	s5 =	sor.u32 s9, s24;
	s30 =	smul.u32 $0xA000, s9  }
0x9: {  	_ =	strace $0x8000004D;
	s25 =	ssub.s32 $0x2, s9;
	s6 =	smul.u32 $0x180, s5  }
0xa: {  	s8 =	sshrl.u32 s10, $0x3;
	s26 =	sshrl.u32 s25, $0x1;
	s12 =	sshrl.u32 s12, $0x2  }
0xb: {  	s14 =	smul.u32 $0xA000, s5;
	s5 =	sor.u32 $0x1C03, s29;
	s31 =	sadd.s32 s10, s11  }
0xc: {  	s7 =	sadd.s32 s10, s7;
	s8 =	sadd.s32 s8, s4;
	s15 =	ssub.s32 s25, s26  }
0xd: {  	s16 =	sadd.s32 s12, s2;
	s12 =	sadd.s32 s17, s28;
	s17 =	simm.s32 $0x1  }
0xe: {  	s6 =	sadd.s32 s6, s4;
	s7 =	sshrl.u32 s7, $0x3;
	s9 =	smax.u32 s15, $0x1  }
0xf: {  	s12 =	sor.u32 $0x8000, s12;
	s15 =	simm.s32 $0xC00;
	s13 =	sadd.s32 s7, s4  }
0x10: {  	s4 =	sadd.s32 $0x110600, s8;
	s6 =	sadd.s32 $0x620800, s6;
	s7 =	sadd.s32 s11, s14  }
0x11: {  	s12 =	sshrl.u32 s12, $0x3;
	s14 =	simm.s32 $0x3;
	s8 =	sadd.s32 $0x138600, s13  }
0x12: {  	s10 =	sadd.s32 $0x9800, s7;
	s13 =	sadd.s32 s30, s31;
	s11 =	sadd.s32 s12, s11  }
0x13: {  	s12 =	sadd.s32 $0x800, s13;
	s13 =	sshrl.u32 s16, $0x3;
	s16 =	simm.s32 $0x4C00  }
.LBB2_1:
0x14: {  	[spmem:s13], [sflag:s5] =	dma.local [hbm:s4], $0x2800  }
0x15: {  	_ =	swait.ge [sflag:s14], $0x2800  }
0x16: {  	[sflag:s14] =	ssyncset.done $0x0  }
0x17: {  	[sflag:s14] =	ssyncadd.s32 $0xFFFFD800  }
0x18: {  	[tilespmem:s3], [sflag:$0x3] =	stream.linear.gather [hbm4b:s6+s3], $0xA00, $0x38;
	[tilespmem:$0x1CC00] =	vst v63  }
0x19: {  	_ =	swait.ge [sflag:s14], $0xA00  }
0x1a: {  	[sflag:s14] =	ssyncset.done $0x0  }
0x1b: {  	[sflag:s14] =	ssyncadd.s32 $0xFFFFF600  }
0x1c: {  	[bflag:$0x0] =	sbarrier.arrive $0xFFFF  }
0x1d: {  	[tilespmem:s15], [sflag:$0x1] =	stream.linear.gather [hbm4b:s7+s3], $0x4000, $0x38;
	[tilespmem:$0x1CC00] =	vst v63  }
0x1e: {  	s23 =	sadd.s32 $0x0, s12  }
0x1f: {  	[tilespmem:s16], [sflag:$0x2] =	stream.linear.gather [hbm4b:s23+s3], $0x4000, $0x38;
	[tilespmem:$0x1CC00] =	vst v63  }
0x20: {  	_ =	swait.ge [sflag:s17], $0x4000  }
0x21: {  	[sflag:s17] =	ssyncset.done $0x0  }
0x22: {  	[sflag:s17] =	ssyncadd.s32 $0xFFFFC000  }
0x23: {  	[spmem:s2] =	stream.indirect.scatter.add.f32 [tilespmem:s15], [sflag:$0x3], $0x80, s3, s18, $0xb8;
	[tilespmem:$0x1CC00] =	vst v63  }
0x24: {  	_ =	swait.ge [sflag:s14], $0x4000  }
0x25: {  	[sflag:s14] =	ssyncset.done $0x0  }
0x26: {  	s30 =	sadd.s32 $0x0, s11;
	[sflag:s14] =	ssyncadd.s32 $0xFFFFC000  }
0x27: {  	[tilespmem:s15], [sflag:$0x1] =	stream.linear.gather [hbm4b:s30+s3], $0x4000, $0x38;
	[tilespmem:$0x1CC00] =	vst v63  }
0x28: {  	_ =	swait.ge [sflag:s19], $0x4000  }
0x29: {  	[sflag:s19] =	ssyncset.done $0x0  }
0x2a: {  	s31 =	simm.s32 $0x80;
	[sflag:s19] =	ssyncadd.s32 $0xFFFFC000  }
0x2b: {  	[spmem:s2] =	stream.indirect.scatter.add.f32 [tilespmem:s16], [sflag:$0x3], $0x80, s31, s18, $0xb8;
	[tilespmem:$0x1CC00] =	vst v63  }
0x2c: {  	s24 =	simm.s32 $0x1000;
	_ =	swait.ge [sflag:s14], $0x4000  }
0x2d: {  	s25 =	simm.s32 $0x2000;
	s23 =	simm.s32 $0x100;
	[sflag:s14] =	ssyncset.done $0x0  }
.LBB2_2:
0x2e: {  	s26 =	sadd.s32 s24, s12  }
0x2f: {  	[sflag:s14] =	ssyncadd.s32 $0xFFFFC000;
	s28 =	smov.u32 s25;
	s29 =	sadd.s32 $0x1000, s25  }
0x30: {  	[tilespmem:s16], [sflag:$0x2] =	stream.linear.gather [hbm4b:s26+s3], $0x4000, $0x38;
	[tilespmem:$0x1CC00] =	vst v63  }
0x31: {  	p0 =	sne.s32 s25, $0x8000;
	_ =	swait.ge [sflag:s17], $0x4000  }
0x32: {  	[sflag:s17] =	ssyncset.done $0x0  }
0x33: {  	[sflag:s17] =	ssyncadd.s32 $0xFFFFC000  }
0x34: {  	[spmem:s2] =	stream.indirect.scatter.add.f32 [tilespmem:s15], [sflag:$0x3], $0x80, s23, s18, $0xb8;
	[tilespmem:$0x1CC00] =	vst v63  }
0x35: {  	_ =	swait.ge [sflag:s14], $0x4000  }
0x36: {  	[sflag:s14] =	ssyncset.done $0x0  }
0x37: {  	s25 =	sadd.s32 s24, s11;
	s24 =	smov.u32 s28;
	[sflag:s14] =	ssyncadd.s32 $0xFFFFC000  }
0x38: {  	[tilespmem:s15], [sflag:$0x1] =	stream.linear.gather [hbm4b:s25+s3], $0x4000, $0x38;
	[tilespmem:$0x1CC00] =	vst v63  }
0x39: {  	_ =	swait.ge [sflag:s19], $0x4000  }
.Ltmp0:
0x3a: {  	[sflag:s19] =	ssyncset.done $0x0;
	(pc) =	sbr.rel @p0 .LBB2_2-.Ltmp0, $4  }
0x3b: {  	s25 =	sadd.s32 $0x80, s23;
	[sflag:s19] =	ssyncadd.s32 $0xFFFFC000  }
0x3c: {  	[spmem:s2] =	stream.indirect.scatter.add.f32 [tilespmem:s16], [sflag:$0x3], $0x80, s25, s18, $0xb8;
	[tilespmem:$0x1CC00] =	vst v63  }
0x3d: {  	_ =	swait.ge [sflag:s14], $0x4000  }
0x3e: {  	s23 =	sadd.s32 $0x100, s23;
	s25 =	smov.u32 s29;
	[sflag:s14] =	ssyncset.done $0x0  }
0x3f: {  	s25 =	sadd.s32 s24, s12;
	[sflag:s14] =	ssyncadd.s32 $0xFFFFC000  }
0x40: {  	[tilespmem:s16], [sflag:$0x2] =	stream.linear.gather [hbm4b:s25+s3], $0x4000, $0x38;
	[tilespmem:$0x1CC00] =	vst v63  }
0x41: {  	_ =	swait.ge [sflag:s17], $0x4000  }
0x42: {  	[sflag:s17] =	ssyncset.done $0x0  }
0x43: {  	[sflag:s17] =	ssyncadd.s32 $0xFFFFC000  }
0x44: {  	[spmem:s2] =	stream.indirect.scatter.add.f32 [tilespmem:s15], [sflag:$0x3], $0x80, s23, s18, $0xb8;
	[tilespmem:$0x1CC00] =	vst v63  }
0x45: {  	_ =	swait.ge [sflag:s14], $0x4000  }
0x46: {  	[sflag:s14] =	ssyncset.done $0x0  }
0x47: {  	s30 =	sadd.s32 s24, s11;
	[sflag:s14] =	ssyncadd.s32 $0xFFFFC000  }
0x48: {  	[tilespmem:s15], [sflag:$0x1] =	stream.linear.gather [hbm4b:s30+s3], $0x4000, $0x38;
	[tilespmem:$0x1CC00] =	vst v63  }
0x49: {  	_ =	swait.ge [sflag:s19], $0x4000  }
0x4a: {  	[sflag:s19] =	ssyncset.done $0x0  }
0x4b: {  	s31 =	sadd.s32 $0x80, s23;
	[sflag:s19] =	ssyncadd.s32 $0xFFFFC000  }
0x4c: {  	[spmem:s2] =	stream.indirect.scatter.add.f32 [tilespmem:s16], [sflag:$0x3], $0x80, s31, s18, $0xb8;
	[tilespmem:$0x1CC00] =	vst v63  }
0x4d: {  	_ =	swait.ge [sflag:s14], $0x4000  }
0x4e: {  	[sflag:s14] =	ssyncset.done $0x0  }
0x4f: {  	[sflag:s14] =	ssyncadd.s32 $0xFFFFC000  }
0x50: {  	[tilespmem:s16], [sflag:$0x2] =	stream.linear.gather [hbm4b:s10+s3], $0x4000, $0x38;
	[tilespmem:$0x1CC00] =	vst v63  }
0x51: {  	_ =	swait.ge [sflag:s17], $0x4000  }
0x52: {  	[sflag:s17] =	ssyncset.done $0x0  }
0x53: {  	[sflag:s17] =	ssyncadd.s32 $0xFFFFC000  }
0x54: {  	[spmem:s2] =	stream.indirect.scatter.add.f32 [tilespmem:s15], [sflag:$0x3], $0x80, s20, s18, $0xb8;
	[tilespmem:$0x1CC00] =	vst v63  }
0x55: {  	_ =	swait.ge [sflag:s14], $0x4000  }
0x56: {  	[sflag:s14] =	ssyncset.done $0x0  }
0x57: {  	[sflag:s14] =	ssyncadd.s32 $0xFFFFC000  }
0x58: {  	_ =	swait.ge [sflag:s19], $0x4000  }
0x59: {  	[sflag:s19] =	ssyncset.done $0x0  }
0x5a: {  	[sflag:s19] =	ssyncadd.s32 $0xFFFFC000  }
0x5b: {  	[spmem:s2] =	stream.indirect.scatter.add.f32 [tilespmem:s16], [sflag:$0x3], $0x80, s21, s18, $0xb8;
	[tilespmem:$0x1CC00] =	vst v63  }
0x5c: {  	_ =	swait.ge [sflag:s14], $0x4000  }
0x5d: {  	s22 =	sadd.s32 $0x1, s22;
	[sflag:s14] =	ssyncset.done $0x0  }
0x5e: {  	p0 =	sne.s32 s22, s9;
	[sflag:s14] =	ssyncadd.s32 $0xFFFFC000  }
.Ltmp1:
0x5f: {  	[bflag:$0x0] =	sbarrier.arrive $0xFFFF;
	(pc) =	sbr.rel @p0 .LBB2_1-.Ltmp1, $4  }
0x60: {  	[hbm:s8], [sflag:s5] =	dma.local [spmem:s13], $0x2800  }
0x61: {  	_ =	swait.ge [sflag:s14], $0x2800  }
0x62: {  	[sflag:s14] =	ssyncset.done $0x0  }
0x63: {  	[sflag:s14] =	ssyncadd.s32 $0xFFFFD800  }
0x64: {  	_ =	sfence.sel $0x180000  }
0x65: {  	[bflag:$0x0] =	sbarrier.arrive $0xFFFF  }
0x66: {  	p0 =	sne.s32 s0, $0x0;
	_ =	strace $0x9000004D  }
0x67: {  	s0 =	sadd.s32 @!p0 $0x100000, s1;
	[bflag:$0x2] =	sbarrier.arrive $0xFFFF  }
0x68: {  	[sflag:s0] =	ssyncadd.tile.s32 @!p0 $0x1;
	_ =	shalt  }
.Lfunc_end2:
_tile_overlayer_lowered:
.L_overlay_start_2:
0x69: {  	(tag) =	ssettag $0x2  }
0x6a: {  	s0 =	rddreg [dreg:$0x0];
	s2 =	stileid.u32  }
0x6b: {  	s1 =	rddreg [dreg:$0x1];
	p0 =	sne.s32 s2, $0x0  }
0x6c: {  	s3 =	rddreg [dreg:$0x2];
	[bflag:$0x3] =	sbarrier.arrive $0xFFFF;
	s2 =	simm.s32 @!p0 $0x1C03  }
0x6d: {  	[timem:s3], [sflag:s2] =	dma.local @!p0 [hbm:s0], s1  }
0x6e: {  	s0 =	simm.s32 @!p0 $0x3  }
0x6f: {  	_ =	swait.ge @!p0 [sflag:s0], s1  }
0x70: {  	s1 =	ssub.s32 @!p0 $0x0, s1;
	[sflag:s0] =	ssyncset.done @!p0 $0x0  }
0x71: {  	[sflag:s0] =	ssyncadd.s32 @!p0 s1  }
0x72: {  	[bflag:$0x3] =	sbarrier.arrive $0xFFFF  }
0x73: {  	_ =	shalt  }

// kernel: kernel.27.cloned.1.call-start
scs
__scs_entry_jumppad:
0x0: {  	(pc) =	sbr.rel $0x88, $3  }
0x1: {  	(tag) =	ssettag $0x0;
	lr =	simm.s32 $0x1  }
0x2: {  	[smem:$0x3F75] =	sst lr;
	_ =	strace $0xD0000000  }
0x3: {  	_ = 	snop  }
0x4: {  	_ = 	snop  }
0x5: {  	_ = 	snop  }
0x6: {  	_ = 	snop  }
0x7: {  	_ = 	snop  }
__scs_overlays_trampoline_lowered:
0x8: {  	[smem:$0x3F84] =	sst s0  }
0x9: {  	[smem:$0x3F85] =	sst s1  }
0xa: {  	[smem:$0x3F86] =	sst s2  }
0xb: {  	[smem:$0x3F87] =	sst s3  }
0xc: {  	[smem:$0x3F88] =	sst s4  }
0xd: {  	[smem:$0x3F89] =	sst s5  }
0xe: {  	[smem:$0x3F8A] =	sst s6  }
0xf: {  	[smem:$0x3F8B] =	sst s7  }
0x10: {  	[smem:$0x3F8C] =	sst s8  }
0x11: {  	[smem:$0x3F8D] =	sst s9;
	s0 =	simm.s32 @!p0 $0x0  }
0x12: {  	s1 =	sld [smem:$0x3F73];
	s0 =	simm.s32 @p0 $0x1  }
0x13: {  	[smem:$0x3F8E] =	sst s0;
	s0 =	simm.s32 @!p1 $0x0  }
0x14: {  	s2 =	sld [smem:$0x3F72];
	s0 =	simm.s32 @p1 $0x1  }
0x15: {  	[smem:$0x3F8F] =	sst s0;
	s0 =	simm.s32 @!p2 $0x0  }
0x16: {  	s3 =	sld [smem:$0x3FDB];
	s0 =	simm.s32 @p2 $0x1  }
0x17: {  	s4 =	simm.s32 $0x1BF5;
	[smem:$0x3F91] =	sst s0  }
0x18: {  	s0 =	sld [smem:$0x3F74];
	_ =	swait.ge [sflag:s4], $0x0  }
0x19: {  	s7 =	sld [smem:$0x3F75]  }
0x1a: {  	s8 =	sadd.s32 $0xFFFFE003, lr  }
0x1b: {  	s9 =	sadd.s32 $0xFFFFFEF7, lr;
	s5 =	simm.s32 $0xFFFFFFFF;
	p2 =	slt.u32 s8, $0xFFFFF086  }
0x1c: {  	p1 =	slt.u32 s9, $0xF7A;
	s5 =	simm.s32 @!p2 $0x0  }
0x1d: {  	s5 =	simm.s32 @p1 $0x1;
	p0 =	seq.s32 s7, s2  }
0x1e: {  	s7 =	smul.u32 @!p0 $0xF7A, s2;
	p2 =	seq.s32 @!p0 s5, $0x0  }
0x1f: {  	s9 =	smul.u32 $0xF7A, s1;
	s8 =	simm.s32 @!p0 $0x1BF5;
	p2 =	por !p2, p0  }
0x20: {  	[sflag:s8] =	ssyncset.s32 @!p0 $0xFFFFF086;
	s6 =	sadd.s32 @!p0 s3, s7;
	s7 =	simm.s32 @!p0 $0x108  }
0x21: {  	s3 =	sadd.s32 s3, s9;
	s6 =	sadd.s32 @!p0 $0x88, s6;
	s7 =	simm.s32 @p2 $0x1082  }
0x22: {  	[simem:s7], [sflag:s8] =	dma.local @!p0 [hbm:s6], $0xF7A  }
0x23: {  	s9 =	sor.u32 $0xD0000000, s2;
	s6 =	simm.s32 $0x108;
	_ =	swait.ge @!p0 [sflag:s8], $0x0  }
0x24: {  	s3 =	sadd.s32 $0x88, s3;
	s6 =	simm.s32 @!p1 $0x1082;
	[sflag:s4] =	ssyncset.s32 $0xFFFFF086  }
0x25: {  	[simem:s6], [sflag:s4] =	dma.local [hbm:s3], $0xF7A  }
0x26: {  	[smem:$0x3F75] =	sst s1;
	(tag) =	ssettag s2;
	_ =	strace s9  }
0x27: {  	s1 =	sld [smem:$0x3F85]  }
0x28: {  	s2 =	sld [smem:$0x3F86]  }
0x29: {  	s4 =	sld [smem:$0x3F88]  }
0x2a: {  	p0 =	seq.s32 s5, $0x0;
	s5 =	sld [smem:$0x3F89]  }
0x2b: {  	s6 =	sld [smem:$0x3F8A]  }
0x2c: {  	s7 =	sld [smem:$0x3F8B]  }
0x2d: {  	s3 =	simm.s32 $0x108;
	s8 =	sld [smem:$0x3F8C]  }
0x2e: {  	s3 =	simm.s32 @!p0 $0x1082;
	s9 =	sld [smem:$0x3F8D]  }
0x2f: {  	lr =	sadd.s32 s0, s3;
	s0 =	sld [smem:$0x3F84]  }
0x30: {  	s3 =	sld [smem:$0x3F87]  }
0x31: {  	[smem:$0x3F90] =	sst s10  }
0x32: {  	s10 =	sld [smem:$0x3F8E];
	_ =	sdelay $0x3  }
0x33: {  	p0 =	seq.s32 s10, $0x1;
	s10 =	sld [smem:$0x3F90];
	_ =	sdelay $0x3  }
0x34: {  	[smem:$0x3F90] =	sst s10  }
0x35: {  	s10 =	sld [smem:$0x3F8F];
	_ =	sdelay $0x3  }
0x36: {  	p1 =	seq.s32 s10, $0x1;
	s10 =	sld [smem:$0x3F90];
	_ =	sdelay $0x3  }
0x37: {  	[smem:$0x3F90] =	sst s10  }
0x38: {  	s10 =	sld [smem:$0x3F91]  }
0x39: {  	_ = 	snop;
	(pc) =	sbr.ind lr, $3  }
0x3a: {  	_ = 	snop  }
0x3b: {  	_ = 	snop  }
0x3c: {  	p2 =	seq.s32 s10, $0x1;
	s10 =	sld [smem:$0x3F90]  }
0x3d: {  	_ =	shalt  }
0x3e: {  	_ =	shalt  }
0x3f: {  	_ =	shalt  }
0x40: {  	_ =	shalt  }
0x41: {  	_ =	shalt  }
0x42: {  	_ =	shalt  }
0x43: {  	_ =	shalt  }
0x44: {  	_ =	shalt  }
0x45: {  	_ =	shalt  }
0x46: {  	_ =	shalt  }
0x47: {  	_ =	shalt  }
0x48: {  	_ =	shalt  }
0x49: {  	_ =	shalt  }
0x4a: {  	_ =	shalt  }
0x4b: {  	_ =	shalt  }
0x4c: {  	_ =	shalt  }
0x4d: {  	_ =	shalt  }
0x4e: {  	_ =	shalt  }
0x4f: {  	_ =	shalt  }
0x50: {  	_ =	shalt  }
0x51: {  	_ =	shalt  }
0x52: {  	_ =	shalt  }
0x53: {  	_ =	shalt  }
0x54: {  	_ =	shalt  }
0x55: {  	_ =	shalt  }
0x56: {  	_ =	shalt  }
0x57: {  	_ =	shalt  }
0x58: {  	_ =	shalt  }
0x59: {  	_ =	shalt  }
0x5a: {  	_ =	shalt  }
0x5b: {  	_ =	shalt  }
0x5c: {  	_ =	shalt  }
0x5d: {  	_ =	shalt  }
0x5e: {  	_ =	shalt  }
0x5f: {  	_ =	shalt  }
0x60: {  	_ =	shalt  }
0x61: {  	_ =	shalt  }
0x62: {  	_ =	shalt  }
0x63: {  	_ =	shalt  }
0x64: {  	_ =	shalt  }
0x65: {  	_ =	shalt  }
0x66: {  	_ =	shalt  }
0x67: {  	_ =	shalt  }
0x68: {  	_ =	shalt  }
0x69: {  	_ =	shalt  }
0x6a: {  	_ =	shalt  }
0x6b: {  	_ =	shalt  }
0x6c: {  	_ =	shalt  }
0x6d: {  	_ =	shalt  }
0x6e: {  	_ =	shalt  }
0x6f: {  	_ =	shalt  }
0x70: {  	_ =	shalt  }
0x71: {  	_ =	shalt  }
0x72: {  	_ =	shalt  }
0x73: {  	_ =	shalt  }
0x74: {  	_ =	shalt  }
0x75: {  	_ =	shalt  }
0x76: {  	_ =	shalt  }
0x77: {  	_ =	shalt  }
0x78: {  	_ =	shalt  }
0x79: {  	_ =	shalt  }
0x7a: {  	_ =	shalt  }
0x7b: {  	_ =	shalt  }
0x7c: {  	_ =	shalt  }
0x7d: {  	_ =	shalt  }
0x7e: {  	_ =	shalt  }
0x7f: {  	_ =	shalt  }
0x80: {  	_ =	shalt  }
0x81: {  	_ =	shalt  }
0x82: {  	_ =	shalt  }
0x83: {  	_ =	shalt  }
0x84: {  	_ =	shalt  }
0x85: {  	_ =	shalt  }
0x86: {  	_ =	shalt  }
0x87: {  	_ =	shalt  }
.Lfunc_end0:
.L_simem_size_0:
called_computation.3_lowered:
.L_overlay_start_0:
0x88: {  	s2 =	sld [smem:$0x3FD9]  }
0x89: {  	s3 =	sld [smem:$0x3FFE];
	_ =	sdelay $0x1  }
0x8a: {  	s1 =	srdreg.scid  }
0x8b: {  	s0 =	sand.u32 $0x1, s1  }
0x8c: {  	s17 =	sshll.u32 s0, $0xA;
	s2 =	sadd.s32 s3, s2  }
0x8d: {  	s2 =	sadd.s32 s2, s17  }
0x8e: {  	[smem:$0x3F9C] =	sst s2  }
0x8f: {  	_ = 	snop  }
0x90: {  	(tm) =	ssettm $0x1  }
0x91: {  	s18 =	sld [smem:$0x3FFB];
	_ =	sdelay $0x3  }
0x92: {  	_ =	strace s18  }
0x93: {  	s2 =	sld [smem:$0x3FFC];
	_ =	sdelay $0x3  }
0x94: {  	_ =	strace s2  }
0x95: {  	s2 =	sld [smem:$0x3FFD];
	_ =	sdelay $0x3  }
0x96: {  	_ =	strace s2  }
0x97: {  	_ =	strace $0x8FFFFFFF  }
0x98: {  	s19 =	sld [smem:$0x3FDB];
	_ =	sdelay $0x1  }
0x99: {  	s20 =	simm.s32 $_scs_section_size  }
0x9a: {  	s4 =	simm.s32 $_size__tile_overlayer_lowered;
	s5 =	simm.s32 $_tile_overlayer_lowered  }
0x9b: {  	s6 =	simm.s32 $0x1BFF;
	s21 =	sshll.u32 s5, $0x1;
	s3 =	sadd.s32 s20, s19  }
0x9c: {  	s22 =	simm.s32 $0x0;
	s4 =	sshll.u32 s4, $0x1;
	s5 =	sadd.s32 s21, s3  }
0x9d: {  	[timem:s22], [sflag:s6] =	dma.local [hbm:s5], s4  }
0x9e: {  	_ =	swait.ge [sflag:s6], s4  }
0x9f: {  	s4 =	ssub.s32 $0x0, s4;
	[sflag:s6] =	ssyncset.done $0x0  }
0xa0: {  	[sflag:s6] =	ssyncadd.s32 s4;
	_ =	sdelay $0x1  }
0xa1: {  	s23 =	simm.s32 $0x1B8B  }
0xa2: {  	_ =	swait.ge [sflag:s23], $0x1  }
0xa3: {  	[sflag:s23] =	ssyncset.done $0x0  }
0xa4: {  	[sflag:s23] =	ssyncadd.s32 $0xFFFFFFFF  }
0xa5: {  	s4 =	sld [smem:$0x0]  }
0xa6: {  	s5 =	sand.u32 $0xFFFFFFFE, s1  }
0xa7: {  	p0 =	sne.s32 s1, s5  }
0xa8: {  	s5 =	sshll.u32 @p0 s5, $0xE  }
0xa9: {  	s5 =	sadd.s32 @p0 $0x11B8D, s5;
	s6 =	sshll.u32 @p0 s4, $0x11  }
0xaa: {  	s5 =	sor.u32 @p0 s6, s5  }
0xab: {  	[sflag:s5] =	ssyncadd.remote.s32 @p0 $0x1;
	_ =	sdelay $0x1  }
0xac: {  	s5 =	simm.s32 @p0 $0x1B8D  }
0xad: {  	_ =	swait.eq @p0 [sflag:s5], $0x1  }
0xae: {  	[sflag:s5] =	ssyncadd.s32 @p0 $0xFFFFFFFF  }
0xaf: {  	s6 =	sshll.u32 @!p0 s1, $0xE  }
0xb0: {  	s6 =	sor.u32 @!p0 $0x4000, s6;
	s5 =	simm.s32 @!p0 $0x1B8D  }
0xb1: {  	s4 =	sshll.u32 @!p0 s4, $0x11;
	s6 =	sadd.s32 @!p0 $0x11B8D, s6;
	_ =	swait.eq @!p0 [sflag:s5], $0x1  }
0xb2: {  	s4 =	sor.u32 @!p0 s4, s6;
	[sflag:s5] =	ssyncadd.s32 @!p0 $0xFFFFFFFF  }
0xb3: {  	s25 =	simm.s32 $0x1B8E;
	s24 =	sld [smem:$0x3FFE];
	[sflag:s4] =	ssyncadd.remote.s32 @!p0 $0x1  }
0xb4: {  	s26 =	simm.s32 $execute0_lowered;
	[smem:$0x3FD2] =	sst s25  }
0xb5: {  	s5 =	sshll.u32 s26, $0x1;
	_ =	strace $0x8000004F;
	[dreg:$0x1] =	wrdreg $0xFFFFFFFF  }
0xb6: {  	s28 =	simm.s32 $_size_execute0_lowered;
	s3 =	sadd.s32 s3, s5;
	[dreg:$0x0] =	wrdreg $0x0  }
0xb7: {  	s5 =	sshll.u32 s28, $0x1;
	[dreg:$0x2] =	wrdreg s3  }
0xb8: {  	[dreg:$0x3] =	wrdreg s5  }
0xb9: {  	[dreg:$0x4] =	wrdreg $0xC0  }
0xba: {  	_ =	task [dreg:s22], $0x5FFFF  }
0xbb: {  	[dreg:$0x1] =	wrdreg $0xFFFFFFFF  }
0xbc: {  	[dreg:$0x0] =	wrdreg $0x60  }
0xbd: {  	[dreg:$0x2] =	wrdreg s24  }
0xbe: {  	[dreg:$0x3] =	wrdreg $0x8C000  }
0xbf: {  	[dreg:$0x4] =	wrdreg $0x9  }
0xc0: {  	_ =	task.clear_ibuf [dreg:s22], $0x5FFFF;
	_ =	strace $0x9000004F  }
0xc1: {  	s29 =	simm.s32 $0x9;
	_ =	strace $0x80000051  }
0xc2: {  	_ =	swait.ge [sflag:s29], $0x1  }
0xc3: {  	[sflag:s29] =	ssyncadd.s32 $0xFFFFFFFF  }
0xc4: {  	_ =	strace $0x90000051  }
0xc5: {  	_ =	sfence  }
0xc6: {  	s30 =	sld [smem:$0x0];
	_ =	sdelay $0x2  }
0xc7: {  	s31 =	sshll.u32 s1, $0xD;
	s1 =	sshrl.u32 s1, $0x2  }
0xc8: {  	s4 =	sand.u32 $0x4000, s31;
	s1 =	sadd.s32 s1, s30  }
0xc9: {  	s0 =	sor.u32 s4, s0;
	s1 =	sshll.u32 s1, $0x11  }
0xca: {  	s0 =	sor.u32 s1, s0  }
0xcb: {  	s0 =	sadd.s32 $0x8F2B, s0  }
0xcc: {  	[sflag:s0] =	ssyncadd.remote.s32 $0x1  }
0xcd: {  	_ =	sfence.sel $0xFFFF  }
0xce: {  	[dreg:$0x0] =	wrdreg $0xFFFFFFFF;
	(pc) =	sbr.abs _section_cstart, $3  }
0xcf: {  	[dreg:$0x1] =	wrdreg $0xFFFFFFFF  }
0xd0: {  	_ =	task.clear_ibuf [dreg:s22], $0x2FFFF;
	_ =	strace $0x9FFFFFFF  }
0xd1: {  	(tm) =	ssettm $0x7FFFFFFF  }
tec
execute0_lowered:
.L_overlay_start_1:
0x0: {  	(tag) =	ssettag $0x1  }
0x1: {  	s1 =	srdreg.scid;
	s4 =	rddreg [dreg:$0x0]  }
0x2: {  	s0 =	stileid.u32;
	s2 =	rddreg [dreg:$0x1];
	s3 =	simm.s32 $0x0  }
0x3: {  	s18 =	simm.s32 $0x80;
	s19 =	simm.s32 $0x2;
	s10 =	smul.u32 $0x14000, s0  }
0x4: {  	s20 =	simm.s32 $0x900;
	s21 =	simm.s32 $0x980;
	s12 =	smul.u32 $0x50000, s0  }
0x5: {  	s22 =	simm.s32 $0x0;
	s9 =	sand.u32 $0x1, s1;
	s28 =	smul.u32 $0xA0000, s0  }
0x6: {  	s24 =	sshll.u32 s0, $0x1;
	s1 =	rddreg [dreg:$0x2];
	s7 =	smul.u32 $0x140000, s9  }
0x7: {  	[smem:$0x7FF] =	sst s3;
	s11 =	sadd.s32 $0x18B600, s4;
	s17 =	smul.u32 $0x50000, s9  }
0x8: {  	s29 =	sshll.u32 s0, $0x6;
	s5 =	sor.u32 s9, s24;
	s30 =	smul.u32 $0xA000, s9  }
0x9: {  	_ =	strace $0x80000050;
	s25 =	ssub.s32 $0x2, s9;
	s6 =	smul.u32 $0x180, s5  }
0xa: {  	s8 =	sshrl.u32 s10, $0x3;
	s26 =	sshrl.u32 s25, $0x1;
	s12 =	sshrl.u32 s12, $0x2  }
0xb: {  	s14 =	smul.u32 $0xA000, s5;
	s5 =	sor.u32 $0x1C03, s29;
	s31 =	sadd.s32 s10, s11  }
0xc: {  	s7 =	sadd.s32 s10, s7;
	s8 =	sadd.s32 s8, s4;
	s15 =	ssub.s32 s25, s26  }
0xd: {  	s16 =	sadd.s32 s12, s2;
	s12 =	sadd.s32 s17, s28;
	s17 =	simm.s32 $0x1  }
0xe: {  	s6 =	sadd.s32 s6, s4;
	s7 =	sshrl.u32 s7, $0x3;
	s9 =	smax.u32 s15, $0x1  }
0xf: {  	s12 =	sor.u32 $0x8000, s12;
	s15 =	simm.s32 $0xC00;
	s13 =	sadd.s32 s7, s4  }
0x10: {  	s4 =	sadd.s32 $0x110600, s8;
	s6 =	sadd.s32 $0x188600, s6;
	s7 =	sadd.s32 s11, s14  }
0x11: {  	s12 =	sshrl.u32 s12, $0x3;
	s14 =	simm.s32 $0x3;
	s8 =	sadd.s32 $0x48600, s13  }
0x12: {  	s10 =	sadd.s32 $0x9800, s7;
	s13 =	sadd.s32 s30, s31;
	s11 =	sadd.s32 s12, s11  }
0x13: {  	s12 =	sadd.s32 $0x800, s13;
	s13 =	sshrl.u32 s16, $0x3;
	s16 =	simm.s32 $0x4C00  }
.LBB2_1:
0x14: {  	[spmem:s13], [sflag:s5] =	dma.local [hbm:s4], $0x2800  }
0x15: {  	_ =	swait.ge [sflag:s14], $0x2800  }
0x16: {  	[sflag:s14] =	ssyncset.done $0x0  }
0x17: {  	[sflag:s14] =	ssyncadd.s32 $0xFFFFD800  }
0x18: {  	[tilespmem:s3], [sflag:$0x3] =	stream.linear.gather [hbm4b:s6+s3], $0xA00, $0x38;
	[tilespmem:$0x1CC00] =	vst v63  }
0x19: {  	_ =	swait.ge [sflag:s14], $0xA00  }
0x1a: {  	[sflag:s14] =	ssyncset.done $0x0  }
0x1b: {  	[sflag:s14] =	ssyncadd.s32 $0xFFFFF600  }
0x1c: {  	[bflag:$0x0] =	sbarrier.arrive $0xFFFF  }
0x1d: {  	[tilespmem:s15], [sflag:$0x1] =	stream.linear.gather [hbm4b:s7+s3], $0x4000, $0x38;
	[tilespmem:$0x1CC00] =	vst v63  }
0x1e: {  	s23 =	sadd.s32 $0x0, s12  }
0x1f: {  	[tilespmem:s16], [sflag:$0x2] =	stream.linear.gather [hbm4b:s23+s3], $0x4000, $0x38;
	[tilespmem:$0x1CC00] =	vst v63  }
0x20: {  	_ =	swait.ge [sflag:s17], $0x4000  }
0x21: {  	[sflag:s17] =	ssyncset.done $0x0  }
0x22: {  	[sflag:s17] =	ssyncadd.s32 $0xFFFFC000  }
0x23: {  	[spmem:s2] =	stream.indirect.scatter.add.f32 [tilespmem:s15], [sflag:$0x3], $0x80, s3, s18, $0xb8;
	[tilespmem:$0x1CC00] =	vst v63  }
0x24: {  	_ =	swait.ge [sflag:s14], $0x4000  }
0x25: {  	[sflag:s14] =	ssyncset.done $0x0  }
0x26: {  	s30 =	sadd.s32 $0x0, s11;
	[sflag:s14] =	ssyncadd.s32 $0xFFFFC000  }
0x27: {  	[tilespmem:s15], [sflag:$0x1] =	stream.linear.gather [hbm4b:s30+s3], $0x4000, $0x38;
	[tilespmem:$0x1CC00] =	vst v63  }
0x28: {  	_ =	swait.ge [sflag:s19], $0x4000  }
0x29: {  	[sflag:s19] =	ssyncset.done $0x0  }
0x2a: {  	s31 =	simm.s32 $0x80;
	[sflag:s19] =	ssyncadd.s32 $0xFFFFC000  }
0x2b: {  	[spmem:s2] =	stream.indirect.scatter.add.f32 [tilespmem:s16], [sflag:$0x3], $0x80, s31, s18, $0xb8;
	[tilespmem:$0x1CC00] =	vst v63  }
0x2c: {  	s24 =	simm.s32 $0x1000;
	_ =	swait.ge [sflag:s14], $0x4000  }
0x2d: {  	s25 =	simm.s32 $0x2000;
	s23 =	simm.s32 $0x100;
	[sflag:s14] =	ssyncset.done $0x0  }
.LBB2_2:
0x2e: {  	s26 =	sadd.s32 s24, s12  }
0x2f: {  	[sflag:s14] =	ssyncadd.s32 $0xFFFFC000;
	s28 =	smov.u32 s25;
	s29 =	sadd.s32 $0x1000, s25  }
0x30: {  	[tilespmem:s16], [sflag:$0x2] =	stream.linear.gather [hbm4b:s26+s3], $0x4000, $0x38;
	[tilespmem:$0x1CC00] =	vst v63  }
0x31: {  	p0 =	sne.s32 s25, $0x8000;
	_ =	swait.ge [sflag:s17], $0x4000  }
0x32: {  	[sflag:s17] =	ssyncset.done $0x0  }
0x33: {  	[sflag:s17] =	ssyncadd.s32 $0xFFFFC000  }
0x34: {  	[spmem:s2] =	stream.indirect.scatter.add.f32 [tilespmem:s15], [sflag:$0x3], $0x80, s23, s18, $0xb8;
	[tilespmem:$0x1CC00] =	vst v63  }
0x35: {  	_ =	swait.ge [sflag:s14], $0x4000  }
0x36: {  	[sflag:s14] =	ssyncset.done $0x0  }
0x37: {  	s25 =	sadd.s32 s24, s11;
	s24 =	smov.u32 s28;
	[sflag:s14] =	ssyncadd.s32 $0xFFFFC000  }
0x38: {  	[tilespmem:s15], [sflag:$0x1] =	stream.linear.gather [hbm4b:s25+s3], $0x4000, $0x38;
	[tilespmem:$0x1CC00] =	vst v63  }
0x39: {  	_ =	swait.ge [sflag:s19], $0x4000  }
.Ltmp0:
0x3a: {  	[sflag:s19] =	ssyncset.done $0x0;
	(pc) =	sbr.rel @p0 .LBB2_2-.Ltmp0, $4  }
0x3b: {  	s25 =	sadd.s32 $0x80, s23;
	[sflag:s19] =	ssyncadd.s32 $0xFFFFC000  }
0x3c: {  	[spmem:s2] =	stream.indirect.scatter.add.f32 [tilespmem:s16], [sflag:$0x3], $0x80, s25, s18, $0xb8;
	[tilespmem:$0x1CC00] =	vst v63  }
0x3d: {  	_ =	swait.ge [sflag:s14], $0x4000  }
0x3e: {  	s23 =	sadd.s32 $0x100, s23;
	s25 =	smov.u32 s29;
	[sflag:s14] =	ssyncset.done $0x0  }
0x3f: {  	s25 =	sadd.s32 s24, s12;
	[sflag:s14] =	ssyncadd.s32 $0xFFFFC000  }
0x40: {  	[tilespmem:s16], [sflag:$0x2] =	stream.linear.gather [hbm4b:s25+s3], $0x4000, $0x38;
	[tilespmem:$0x1CC00] =	vst v63  }
0x41: {  	_ =	swait.ge [sflag:s17], $0x4000  }
0x42: {  	[sflag:s17] =	ssyncset.done $0x0  }
0x43: {  	[sflag:s17] =	ssyncadd.s32 $0xFFFFC000  }
0x44: {  	[spmem:s2] =	stream.indirect.scatter.add.f32 [tilespmem:s15], [sflag:$0x3], $0x80, s23, s18, $0xb8;
	[tilespmem:$0x1CC00] =	vst v63  }
0x45: {  	_ =	swait.ge [sflag:s14], $0x4000  }
0x46: {  	[sflag:s14] =	ssyncset.done $0x0  }
0x47: {  	s30 =	sadd.s32 s24, s11;
	[sflag:s14] =	ssyncadd.s32 $0xFFFFC000  }
0x48: {  	[tilespmem:s15], [sflag:$0x1] =	stream.linear.gather [hbm4b:s30+s3], $0x4000, $0x38;
	[tilespmem:$0x1CC00] =	vst v63  }
0x49: {  	_ =	swait.ge [sflag:s19], $0x4000  }
0x4a: {  	[sflag:s19] =	ssyncset.done $0x0  }
0x4b: {  	s31 =	sadd.s32 $0x80, s23;
	[sflag:s19] =	ssyncadd.s32 $0xFFFFC000  }
0x4c: {  	[spmem:s2] =	stream.indirect.scatter.add.f32 [tilespmem:s16], [sflag:$0x3], $0x80, s31, s18, $0xb8;
	[tilespmem:$0x1CC00] =	vst v63  }
0x4d: {  	_ =	swait.ge [sflag:s14], $0x4000  }
0x4e: {  	[sflag:s14] =	ssyncset.done $0x0  }
0x4f: {  	[sflag:s14] =	ssyncadd.s32 $0xFFFFC000  }
0x50: {  	[tilespmem:s16], [sflag:$0x2] =	stream.linear.gather [hbm4b:s10+s3], $0x4000, $0x38;
	[tilespmem:$0x1CC00] =	vst v63  }
0x51: {  	_ =	swait.ge [sflag:s17], $0x4000  }
0x52: {  	[sflag:s17] =	ssyncset.done $0x0  }
0x53: {  	[sflag:s17] =	ssyncadd.s32 $0xFFFFC000  }
0x54: {  	[spmem:s2] =	stream.indirect.scatter.add.f32 [tilespmem:s15], [sflag:$0x3], $0x80, s20, s18, $0xb8;
	[tilespmem:$0x1CC00] =	vst v63  }
0x55: {  	_ =	swait.ge [sflag:s14], $0x4000  }
0x56: {  	[sflag:s14] =	ssyncset.done $0x0  }
0x57: {  	[sflag:s14] =	ssyncadd.s32 $0xFFFFC000  }
0x58: {  	_ =	swait.ge [sflag:s19], $0x4000  }
0x59: {  	[sflag:s19] =	ssyncset.done $0x0  }
0x5a: {  	[sflag:s19] =	ssyncadd.s32 $0xFFFFC000  }
0x5b: {  	[spmem:s2] =	stream.indirect.scatter.add.f32 [tilespmem:s16], [sflag:$0x3], $0x80, s21, s18, $0xb8;
	[tilespmem:$0x1CC00] =	vst v63  }
0x5c: {  	_ =	swait.ge [sflag:s14], $0x4000  }
0x5d: {  	s22 =	sadd.s32 $0x1, s22;
	[sflag:s14] =	ssyncset.done $0x0  }
0x5e: {  	p0 =	sne.s32 s22, s9;
	[sflag:s14] =	ssyncadd.s32 $0xFFFFC000  }
.Ltmp1:
0x5f: {  	[bflag:$0x0] =	sbarrier.arrive $0xFFFF;
	(pc) =	sbr.rel @p0 .LBB2_1-.Ltmp1, $4  }
0x60: {  	[hbm:s8], [sflag:s5] =	dma.local [spmem:s13], $0x2800  }
0x61: {  	_ =	swait.ge [sflag:s14], $0x2800  }
0x62: {  	[sflag:s14] =	ssyncset.done $0x0  }
0x63: {  	[sflag:s14] =	ssyncadd.s32 $0xFFFFD800  }
0x64: {  	_ =	sfence.sel $0x180000  }
0x65: {  	[bflag:$0x0] =	sbarrier.arrive $0xFFFF  }
0x66: {  	p0 =	sne.s32 s0, $0x0;
	_ =	strace $0x90000050  }
0x67: {  	s0 =	sadd.s32 @!p0 $0x100000, s1;
	[bflag:$0x2] =	sbarrier.arrive $0xFFFF  }
0x68: {  	[sflag:s0] =	ssyncadd.tile.s32 @!p0 $0x1;
	_ =	shalt  }
.Lfunc_end2:
_tile_overlayer_lowered:
.L_overlay_start_2:
0x69: {  	(tag) =	ssettag $0x2  }
0x6a: {  	s0 =	rddreg [dreg:$0x0];
	s2 =	stileid.u32  }
0x6b: {  	s1 =	rddreg [dreg:$0x1];
	p0 =	sne.s32 s2, $0x0  }
0x6c: {  	s3 =	rddreg [dreg:$0x2];
	[bflag:$0x3] =	sbarrier.arrive $0xFFFF;
	s2 =	simm.s32 @!p0 $0x1C03  }
0x6d: {  	[timem:s3], [sflag:s2] =	dma.local @!p0 [hbm:s0], s1  }
0x6e: {  	s0 =	simm.s32 @!p0 $0x3  }
0x6f: {  	_ =	swait.ge @!p0 [sflag:s0], s1  }
0x70: {  	s1 =	ssub.s32 @!p0 $0x0, s1;
	[sflag:s0] =	ssyncset.done @!p0 $0x0  }
0x71: {  	[sflag:s0] =	ssyncadd.s32 @!p0 s1  }
0x72: {  	[bflag:$0x3] =	sbarrier.arrive $0xFFFF  }
0x73: {  	_ =	shalt  }

// kernel: kernel.30.cloned.1.call-start
scs
__scs_entry_jumppad:
0x0: {  	(pc) =	sbr.rel $0x88, $3  }
0x1: {  	(tag) =	ssettag $0x0;
	lr =	simm.s32 $0x1  }
0x2: {  	[smem:$0x3F75] =	sst lr;
	_ =	strace $0xD0000000  }
0x3: {  	_ = 	snop  }
0x4: {  	_ = 	snop  }
0x5: {  	_ = 	snop  }
0x6: {  	_ = 	snop  }
0x7: {  	_ = 	snop  }
__scs_overlays_trampoline_lowered:
0x8: {  	[smem:$0x3F84] =	sst s0  }
0x9: {  	[smem:$0x3F85] =	sst s1  }
0xa: {  	[smem:$0x3F86] =	sst s2  }
0xb: {  	[smem:$0x3F87] =	sst s3  }
0xc: {  	[smem:$0x3F88] =	sst s4  }
0xd: {  	[smem:$0x3F89] =	sst s5  }
0xe: {  	[smem:$0x3F8A] =	sst s6  }
0xf: {  	[smem:$0x3F8B] =	sst s7  }
0x10: {  	[smem:$0x3F8C] =	sst s8  }
0x11: {  	[smem:$0x3F8D] =	sst s9;
	s0 =	simm.s32 @!p0 $0x0  }
0x12: {  	s1 =	sld [smem:$0x3F73];
	s0 =	simm.s32 @p0 $0x1  }
0x13: {  	[smem:$0x3F8E] =	sst s0;
	s0 =	simm.s32 @!p1 $0x0  }
0x14: {  	s2 =	sld [smem:$0x3F72];
	s0 =	simm.s32 @p1 $0x1  }
0x15: {  	[smem:$0x3F8F] =	sst s0;
	s0 =	simm.s32 @!p2 $0x0  }
0x16: {  	s3 =	sld [smem:$0x3FDB];
	s0 =	simm.s32 @p2 $0x1  }
0x17: {  	s4 =	simm.s32 $0x1BF5;
	[smem:$0x3F91] =	sst s0  }
0x18: {  	s0 =	sld [smem:$0x3F74];
	_ =	swait.ge [sflag:s4], $0x0  }
0x19: {  	s7 =	sld [smem:$0x3F75]  }
0x1a: {  	s8 =	sadd.s32 $0xFFFFE003, lr  }
0x1b: {  	s9 =	sadd.s32 $0xFFFFFEF7, lr;
	s5 =	simm.s32 $0xFFFFFFFF;
	p2 =	slt.u32 s8, $0xFFFFF086  }
0x1c: {  	p1 =	slt.u32 s9, $0xF7A;
	s5 =	simm.s32 @!p2 $0x0  }
0x1d: {  	s5 =	simm.s32 @p1 $0x1;
	p0 =	seq.s32 s7, s2  }
0x1e: {  	s7 =	smul.u32 @!p0 $0xF7A, s2;
	p2 =	seq.s32 @!p0 s5, $0x0  }
0x1f: {  	s9 =	smul.u32 $0xF7A, s1;
	s8 =	simm.s32 @!p0 $0x1BF5;
	p2 =	por !p2, p0  }
0x20: {  	[sflag:s8] =	ssyncset.s32 @!p0 $0xFFFFF086;
	s6 =	sadd.s32 @!p0 s3, s7;
	s7 =	simm.s32 @!p0 $0x108  }
0x21: {  	s3 =	sadd.s32 s3, s9;
	s6 =	sadd.s32 @!p0 $0x88, s6;
	s7 =	simm.s32 @p2 $0x1082  }
0x22: {  	[simem:s7], [sflag:s8] =	dma.local @!p0 [hbm:s6], $0xF7A  }
0x23: {  	s9 =	sor.u32 $0xD0000000, s2;
	s6 =	simm.s32 $0x108;
	_ =	swait.ge @!p0 [sflag:s8], $0x0  }
0x24: {  	s3 =	sadd.s32 $0x88, s3;
	s6 =	simm.s32 @!p1 $0x1082;
	[sflag:s4] =	ssyncset.s32 $0xFFFFF086  }
0x25: {  	[simem:s6], [sflag:s4] =	dma.local [hbm:s3], $0xF7A  }
0x26: {  	[smem:$0x3F75] =	sst s1;
	(tag) =	ssettag s2;
	_ =	strace s9  }
0x27: {  	s1 =	sld [smem:$0x3F85]  }
0x28: {  	s2 =	sld [smem:$0x3F86]  }
0x29: {  	s4 =	sld [smem:$0x3F88]  }
0x2a: {  	p0 =	seq.s32 s5, $0x0;
	s5 =	sld [smem:$0x3F89]  }
0x2b: {  	s6 =	sld [smem:$0x3F8A]  }
0x2c: {  	s7 =	sld [smem:$0x3F8B]  }
0x2d: {  	s3 =	simm.s32 $0x108;
	s8 =	sld [smem:$0x3F8C]  }
0x2e: {  	s3 =	simm.s32 @!p0 $0x1082;
	s9 =	sld [smem:$0x3F8D]  }
0x2f: {  	lr =	sadd.s32 s0, s3;
	s0 =	sld [smem:$0x3F84]  }
0x30: {  	s3 =	sld [smem:$0x3F87]  }
0x31: {  	[smem:$0x3F90] =	sst s10  }
0x32: {  	s10 =	sld [smem:$0x3F8E];
	_ =	sdelay $0x3  }
0x33: {  	p0 =	seq.s32 s10, $0x1;
	s10 =	sld [smem:$0x3F90];
	_ =	sdelay $0x3  }
0x34: {  	[smem:$0x3F90] =	sst s10  }
0x35: {  	s10 =	sld [smem:$0x3F8F];
	_ =	sdelay $0x3  }
0x36: {  	p1 =	seq.s32 s10, $0x1;
	s10 =	sld [smem:$0x3F90];
	_ =	sdelay $0x3  }
0x37: {  	[smem:$0x3F90] =	sst s10  }
0x38: {  	s10 =	sld [smem:$0x3F91]  }
0x39: {  	_ = 	snop;
	(pc) =	sbr.ind lr, $3  }
0x3a: {  	_ = 	snop  }
0x3b: {  	_ = 	snop  }
0x3c: {  	p2 =	seq.s32 s10, $0x1;
	s10 =	sld [smem:$0x3F90]  }
0x3d: {  	_ =	shalt  }
0x3e: {  	_ =	shalt  }
0x3f: {  	_ =	shalt  }
0x40: {  	_ =	shalt  }
0x41: {  	_ =	shalt  }
0x42: {  	_ =	shalt  }
0x43: {  	_ =	shalt  }
0x44: {  	_ =	shalt  }
0x45: {  	_ =	shalt  }
0x46: {  	_ =	shalt  }
0x47: {  	_ =	shalt  }
0x48: {  	_ =	shalt  }
0x49: {  	_ =	shalt  }
0x4a: {  	_ =	shalt  }
0x4b: {  	_ =	shalt  }
0x4c: {  	_ =	shalt  }
0x4d: {  	_ =	shalt  }
0x4e: {  	_ =	shalt  }
0x4f: {  	_ =	shalt  }
0x50: {  	_ =	shalt  }
0x51: {  	_ =	shalt  }
0x52: {  	_ =	shalt  }
0x53: {  	_ =	shalt  }
0x54: {  	_ =	shalt  }
0x55: {  	_ =	shalt  }
0x56: {  	_ =	shalt  }
0x57: {  	_ =	shalt  }
0x58: {  	_ =	shalt  }
0x59: {  	_ =	shalt  }
0x5a: {  	_ =	shalt  }
0x5b: {  	_ =	shalt  }
0x5c: {  	_ =	shalt  }
0x5d: {  	_ =	shalt  }
0x5e: {  	_ =	shalt  }
0x5f: {  	_ =	shalt  }
0x60: {  	_ =	shalt  }
0x61: {  	_ =	shalt  }
0x62: {  	_ =	shalt  }
0x63: {  	_ =	shalt  }
0x64: {  	_ =	shalt  }
0x65: {  	_ =	shalt  }
0x66: {  	_ =	shalt  }
0x67: {  	_ =	shalt  }
0x68: {  	_ =	shalt  }
0x69: {  	_ =	shalt  }
0x6a: {  	_ =	shalt  }
0x6b: {  	_ =	shalt  }
0x6c: {  	_ =	shalt  }
0x6d: {  	_ =	shalt  }
0x6e: {  	_ =	shalt  }
0x6f: {  	_ =	shalt  }
0x70: {  	_ =	shalt  }
0x71: {  	_ =	shalt  }
0x72: {  	_ =	shalt  }
0x73: {  	_ =	shalt  }
0x74: {  	_ =	shalt  }
0x75: {  	_ =	shalt  }
0x76: {  	_ =	shalt  }
0x77: {  	_ =	shalt  }
0x78: {  	_ =	shalt  }
0x79: {  	_ =	shalt  }
0x7a: {  	_ =	shalt  }
0x7b: {  	_ =	shalt  }
0x7c: {  	_ =	shalt  }
0x7d: {  	_ =	shalt  }
0x7e: {  	_ =	shalt  }
0x7f: {  	_ =	shalt  }
0x80: {  	_ =	shalt  }
0x81: {  	_ =	shalt  }
0x82: {  	_ =	shalt  }
0x83: {  	_ =	shalt  }
0x84: {  	_ =	shalt  }
0x85: {  	_ =	shalt  }
0x86: {  	_ =	shalt  }
0x87: {  	_ =	shalt  }
.Lfunc_end0:
.L_simem_size_0:
called_computation.4_lowered:
.L_overlay_start_0:
0x88: {  	s2 =	sld [smem:$0x3FD9]  }
0x89: {  	s3 =	sld [smem:$0x3FFE];
	_ =	sdelay $0x1  }
0x8a: {  	s1 =	srdreg.scid  }
0x8b: {  	s0 =	sand.u32 $0x1, s1  }
0x8c: {  	s16 =	sshll.u32 s0, $0xA;
	s2 =	sadd.s32 s3, s2  }
0x8d: {  	s2 =	sadd.s32 s2, s16  }
0x8e: {  	[smem:$0x3F9C] =	sst s2  }
0x8f: {  	_ = 	snop  }
0x90: {  	(tm) =	ssettm $0x1  }
0x91: {  	s17 =	sld [smem:$0x3FFB];
	_ =	sdelay $0x3  }
0x92: {  	_ =	strace s17  }
0x93: {  	s2 =	sld [smem:$0x3FFC];
	_ =	sdelay $0x3  }
0x94: {  	_ =	strace s2  }
0x95: {  	s2 =	sld [smem:$0x3FFD];
	_ =	sdelay $0x3  }
0x96: {  	_ =	strace s2  }
0x97: {  	_ =	strace $0x8FFFFFFF  }
0x98: {  	s18 =	sld [smem:$0x3FDB];
	_ =	sdelay $0x1  }
0x99: {  	s19 =	simm.s32 $_scs_section_size  }
0x9a: {  	s4 =	simm.s32 $_size__tile_overlayer_lowered;
	s5 =	simm.s32 $_tile_overlayer_lowered  }
0x9b: {  	s22 =	simm.s32 $0x1BFF;
	s21 =	sshll.u32 s5, $0x1;
	s2 =	sadd.s32 s19, s18  }
0x9c: {  	s6 =	simm.s32 $0x0;
	s20 =	sshll.u32 s4, $0x1;
	s4 =	sadd.s32 s21, s2  }
0x9d: {  	[timem:s6], [sflag:s22] =	dma.local [hbm:s4], s20  }
0x9e: {  	_ =	swait.ge [sflag:s22], s20  }
0x9f: {  	s3 =	ssub.s32 $0x0, s20;
	[sflag:s22] =	ssyncset.done $0x0  }
0xa0: {  	[sflag:s22] =	ssyncadd.s32 s3;
	_ =	sdelay $0x1  }
0xa1: {  	s23 =	simm.s32 $0x1B8B  }
0xa2: {  	_ =	swait.ge [sflag:s23], $0x1  }
0xa3: {  	[sflag:s23] =	ssyncset.done $0x0  }
0xa4: {  	s25 =	simm.s32 $0x1B8E;
	s24 =	sld [smem:$0x3FFE];
	[sflag:s23] =	ssyncadd.s32 $0xFFFFFFFF  }
0xa5: {  	s26 =	simm.s32 $execute0_lowered;
	[smem:$0x3FD2] =	sst s25  }
0xa6: {  	s4 =	sshll.u32 s26, $0x1;
	_ =	strace $0x80000052;
	[dreg:$0x1] =	wrdreg $0xFFFFFFFF  }
0xa7: {  	s28 =	simm.s32 $_size_execute0_lowered;
	s2 =	sadd.s32 s2, s4;
	[dreg:$0x0] =	wrdreg $0x0  }
0xa8: {  	s4 =	sshll.u32 s28, $0x1;
	[dreg:$0x2] =	wrdreg s2  }
0xa9: {  	[dreg:$0x3] =	wrdreg s4  }
0xaa: {  	[dreg:$0x4] =	wrdreg $0xC0  }
0xab: {  	_ =	task [dreg:s6], $0x5FFFF  }
0xac: {  	[dreg:$0x1] =	wrdreg $0xFFFFFFFF  }
0xad: {  	[dreg:$0x0] =	wrdreg $0x60  }
0xae: {  	[dreg:$0x2] =	wrdreg s24  }
0xaf: {  	[dreg:$0x3] =	wrdreg $0xA  }
0xb0: {  	_ =	task.clear_ibuf [dreg:s6], $0x4FFFF;
	_ =	strace $0x90000052  }
0xb1: {  	s29 =	simm.s32 $0xA;
	_ =	strace $0x80000054  }
0xb2: {  	_ =	swait.ge [sflag:s29], $0x1  }
0xb3: {  	[sflag:s29] =	ssyncadd.s32 $0xFFFFFFFF  }
0xb4: {  	_ =	strace $0x90000054  }
0xb5: {  	_ =	sfence  }
0xb6: {  	s30 =	sld [smem:$0x0];
	_ =	sdelay $0x2  }
0xb7: {  	s31 =	sshll.u32 s1, $0xD;
	s1 =	sshrl.u32 s1, $0x2  }
0xb8: {  	s3 =	sand.u32 $0x4000, s31;
	s1 =	sadd.s32 s1, s30  }
0xb9: {  	s0 =	sor.u32 s3, s0;
	s1 =	sshll.u32 s1, $0x11  }
0xba: {  	s0 =	sor.u32 s1, s0  }
0xbb: {  	s0 =	sadd.s32 $0x8F2B, s0  }
0xbc: {  	[sflag:s0] =	ssyncadd.remote.s32 $0x1  }
0xbd: {  	_ =	sfence.sel $0xFFFF  }
0xbe: {  	[dreg:$0x0] =	wrdreg $0xFFFFFFFF;
	(pc) =	sbr.abs _section_cstart, $3  }
0xbf: {  	[dreg:$0x1] =	wrdreg $0xFFFFFFFF  }
0xc0: {  	_ =	task.clear_ibuf [dreg:s6], $0x2FFFF;
	_ =	strace $0x9FFFFFFF  }
0xc1: {  	(tm) =	ssettm $0x7FFFFFFF  }
tec
execute0_lowered:
.L_overlay_start_1:
0x0: {  	(tag) =	ssettag $0x1  }
0x1: {  	s5 =	rddreg [dreg:$0x0]  }
0x2: {  	s0 =	rddreg [dreg:$0x1];
	s1 =	simm.s32 $0x0;
	s6 =	srdreg.scid  }
0x3: {  	s2 =	stileid.u32;
	s10 =	simm.s32 $0x3;
	s11 =	simm.s32 $0x2000  }
0x4: {  	s12 =	simm.s32 $0x28;
	s13 =	simm.s32 $0x4000;
	s14 =	simm.s32 $0x5400  }
0x5: {  	s15 =	simm.s32 $0x1;
	s16 =	simm.s32 $0x2;
	s17 =	simm.s32 $0x0  }
0x6: {  	[smem:$0x7FF] =	sst s1;
	s3 =	sadd.s32 $0xE8600, s5;
	s4 =	sadd.s32 $0x48600, s5  }
0x7: {  	s6 =	sand.u32 $0x1, s6;
	s7 =	sshll.u32 s2, $0xB;
	s9 =	smul.u32 $0x14000, s2  }
0x8: {  	_ =	strace $0x80000053;
	s8 =	sshll.u32 s6, $0xA;
	s30 =	ssub.s32 $0x2, s6  }
0x9: {  	s6 =	smul.u32 $0xA000, s6;
	s7 =	sor.u32 s8, s7;
	s31 =	sshrl.u32 s30, $0x1  }
0xa: {  	s9 =	sadd.s32 s9, s5;
	s7 =	sadd.s32 s7, s5;
	s8 =	ssub.s32 s30, s31  }
0xb: {  	s9 =	sadd.s32 s6, s9;
	s5 =	sadd.s32 $0xDE00, s7;
	s6 =	sadd.s32 $0x15E00, s7  }
0xc: {  	s7 =	smax.u32 s8, $0x1;
	s8 =	sadd.s32 $0x3A0600, s9;
	s9 =	sadd.s32 $0x4E0600, s9  }
.LBB2_1:
0xd: {  	[tilespmem:s1], [sflag:$0x3] =	stream.linear.gather [hbm4b:s5+s1], $0x2000, $0x38;
	[tilespmem:$0x6800] =	vst v63  }
0xe: {  	_ =	swait.ge [sflag:s10], $0x2000  }
0xf: {  	[sflag:s10] =	ssyncset.done $0x0  }
0x10: {  	[sflag:s10] =	ssyncadd.s32 $0xFFFFE000  }
0x11: {  	[tilespmem:s11], [sflag:$0x3] =	stream.linear.gather [hbm4b:s6+s1], $0x2000, $0x38;
	[tilespmem:$0x6800] =	vst v63  }
0x12: {  	_ =	swait.ge [sflag:s10], $0x2000  }
0x13: {  	[sflag:s10] =	ssyncset.done $0x0  }
0x14: {  	s18 =	simm.s32 $0x0;
	[sflag:s10] =	ssyncadd.s32 $0xFFFFE000  }
0x15: {  	[tilespmem:s13], [sflag:$0x1] =	stream.indirect.gather [hbm4b:s3+s12], $0x80, s18, s12, $0xb8;
	[tilespmem:$0x6800] =	vst v63  }
0x16: {  	s31 =	simm.s32 $0x2000  }
0x17: {  	[tilespmem:s14], [sflag:$0x2] =	stream.indirect.gather [hbm4b:s4+s12], $0x80, s31, s12, $0xb8;
	[tilespmem:$0x6800] =	vst v63  }
0x18: {  	_ =	swait.ge [sflag:s15], $0x1400  }
0x19: {  	[sflag:s15] =	ssyncset.done $0x0  }
0x1a: {  	[sflag:s15] =	ssyncadd.s32 $0xFFFFEC00  }
0x1b: {  	_ =	swait.ge [sflag:s16], $0x1400  }
0x1c: {  	[sflag:s16] =	ssyncset.done $0x0  }
0x1d: {  	[sflag:s16] =	ssyncadd.s32 $0xFFFFEC00  }
0x1e: {  	[hbm4b:s8+s1] =	stream.linear.scatter [tilespmem:s13], [sflag:$0x3], $0x1400, $0x38;
	[tilespmem:$0x6800] =	vst v63  }
0x1f: {  	_ =	swait.ge [sflag:s10], $0x1400  }
0x20: {  	[sflag:s10] =	ssyncset.done $0x0  }
0x21: {  	[sflag:s10] =	ssyncadd.s32 $0xFFFFEC00  }
0x22: {  	[hbm4b:s9+s1] =	stream.linear.scatter [tilespmem:s14], [sflag:$0x3], $0x1400, $0x38;
	[tilespmem:$0x6800] =	vst v63  }
0x23: {  	s20 =	simm.s32 $0x200;
	s21 =	simm.s32 $0x400;
	_ =	swait.ge [sflag:s10], $0x1400  }
0x24: {  	s19 =	sadd.s32 $0x280, s8;
	s18 =	sadd.s32 $0x280, s9;
	[sflag:s10] =	ssyncset.done $0x0  }
.LBB2_2:
0x25: {  	s22 =	sshra.s32 s20, $0x2  }
0x26: {  	[sflag:s10] =	ssyncadd.s32 $0xFFFFEC00;
	s20 =	smov.u32 s21;
	s23 =	sadd.s32 $0x200, s21  }
0x27: {  	[tilespmem:s13], [sflag:$0x1] =	stream.indirect.gather [hbm4b:s3+s12], $0x80, s22, s12, $0xb8;
	[tilespmem:$0x6800] =	vst v63  }
0x28: {  	p0 =	sne.s32 s21, $0x7E00;
	s21 =	sadd.s32 $0x2000, s22  }
0x29: {  	[tilespmem:s14], [sflag:$0x2] =	stream.indirect.gather [hbm4b:s4+s12], $0x80, s21, s12, $0xb8;
	[tilespmem:$0x6800] =	vst v63  }
0x2a: {  	_ =	swait.ge [sflag:s15], $0x1400  }
0x2b: {  	[sflag:s15] =	ssyncset.done $0x0  }
0x2c: {  	[sflag:s15] =	ssyncadd.s32 $0xFFFFEC00  }
0x2d: {  	_ =	swait.ge [sflag:s16], $0x1400  }
0x2e: {  	[sflag:s16] =	ssyncset.done $0x0  }
0x2f: {  	[sflag:s16] =	ssyncadd.s32 $0xFFFFEC00  }
0x30: {  	[hbm4b:s19+s1] =	stream.linear.scatter [tilespmem:s13], [sflag:$0x3], $0x1400, $0x38;
	[tilespmem:$0x6800] =	vst v63  }
0x31: {  	_ =	swait.ge [sflag:s10], $0x1400  }
.Ltmp0:
0x32: {  	[sflag:s10] =	ssyncset.done $0x0;
	(pc) =	sbr.rel @p0 .LBB2_2-.Ltmp0, $4  }
0x33: {  	[sflag:s10] =	ssyncadd.s32 $0xFFFFEC00  }
0x34: {  	[hbm4b:s18+s1] =	stream.linear.scatter [tilespmem:s14], [sflag:$0x3], $0x1400, $0x38;
	[tilespmem:$0x6800] =	vst v63  }
0x35: {  	s21 =	smov.u32 s23;
	_ =	swait.ge [sflag:s10], $0x1400  }
0x36: {  	s19 =	sadd.s32 $0x280, s19;
	s18 =	sadd.s32 $0x280, s18;
	[sflag:s10] =	ssyncset.done $0x0  }
0x37: {  	s20 =	sshra.s32 s20, $0x2;
	[sflag:s10] =	ssyncadd.s32 $0xFFFFEC00  }
0x38: {  	[tilespmem:s13], [sflag:$0x1] =	stream.indirect.gather [hbm4b:s3+s12], $0x80, s20, s12, $0xb8;
	[tilespmem:$0x6800] =	vst v63  }
0x39: {  	s20 =	sadd.s32 $0x2000, s20  }
0x3a: {  	[tilespmem:s14], [sflag:$0x2] =	stream.indirect.gather [hbm4b:s4+s12], $0x80, s20, s12, $0xb8;
	[tilespmem:$0x6800] =	vst v63  }
0x3b: {  	_ =	swait.ge [sflag:s15], $0x1400  }
0x3c: {  	[sflag:s15] =	ssyncset.done $0x0  }
0x3d: {  	[sflag:s15] =	ssyncadd.s32 $0xFFFFEC00  }
0x3e: {  	_ =	swait.ge [sflag:s16], $0x1400  }
0x3f: {  	[sflag:s16] =	ssyncset.done $0x0  }
0x40: {  	[sflag:s16] =	ssyncadd.s32 $0xFFFFEC00  }
0x41: {  	[hbm4b:s19+s1] =	stream.linear.scatter [tilespmem:s13], [sflag:$0x3], $0x1400, $0x38;
	[tilespmem:$0x6800] =	vst v63  }
0x42: {  	s17 =	sadd.s32 $0x1, s17;
	_ =	swait.ge [sflag:s10], $0x1400  }
0x43: {  	p0 =	sne.s32 s17, s7;
	[sflag:s10] =	ssyncset.done $0x0  }
.Ltmp1:
0x44: {  	[sflag:s10] =	ssyncadd.s32 $0xFFFFEC00;
	(pc) =	sbr.rel @p0 .LBB2_1-.Ltmp1, $4  }
0x45: {  	[hbm4b:s18+s1] =	stream.linear.scatter [tilespmem:s14], [sflag:$0x3], $0x1400, $0x38;
	[tilespmem:$0x6800] =	vst v63  }
0x46: {  	_ =	swait.ge [sflag:s10], $0x1400  }
0x47: {  	[sflag:s10] =	ssyncset.done $0x0  }
0x48: {  	[sflag:s10] =	ssyncadd.s32 $0xFFFFEC00  }
0x49: {  	_ =	sfence.sel $0x180000  }
0x4a: {  	[bflag:$0x0] =	sbarrier.arrive $0xFFFF  }
0x4b: {  	p0 =	sne.s32 s2, $0x0;
	_ =	strace $0x90000053  }
0x4c: {  	s0 =	sadd.s32 @!p0 $0x100000, s0;
	[bflag:$0x2] =	sbarrier.arrive $0xFFFF  }
0x4d: {  	[sflag:s0] =	ssyncadd.tile.s32 @!p0 $0x1;
	_ =	shalt  }
.Lfunc_end2:
_tile_overlayer_lowered:
.L_overlay_start_2:
0x4e: {  	(tag) =	ssettag $0x2  }
0x4f: {  	s0 =	rddreg [dreg:$0x0];
	s2 =	stileid.u32  }
0x50: {  	s1 =	rddreg [dreg:$0x1];
	p0 =	sne.s32 s2, $0x0  }
0x51: {  	s3 =	rddreg [dreg:$0x2];
	[bflag:$0x3] =	sbarrier.arrive $0xFFFF;
	s2 =	simm.s32 @!p0 $0x1C03  }
0x52: {  	[timem:s3], [sflag:s2] =	dma.local @!p0 [hbm:s0], s1  }
0x53: {  	s0 =	simm.s32 @!p0 $0x3  }
0x54: {  	_ =	swait.ge @!p0 [sflag:s0], s1  }
0x55: {  	s1 =	ssub.s32 @!p0 $0x0, s1;
	[sflag:s0] =	ssyncset.done @!p0 $0x0  }
0x56: {  	[sflag:s0] =	ssyncadd.s32 @!p0 s1  }
0x57: {  	[bflag:$0x3] =	sbarrier.arrive $0xFFFF  }
0x58: {  	_ =	shalt  }

// kernel: kernel.33.cloned.1.call-start
scs
__scs_entry_jumppad:
0x0: {  	(pc) =	sbr.rel $0x88, $3  }
0x1: {  	(tag) =	ssettag $0x0;
	lr =	simm.s32 $0x1  }
0x2: {  	[smem:$0x3F75] =	sst lr;
	_ =	strace $0xD0000000  }
0x3: {  	_ = 	snop  }
0x4: {  	_ = 	snop  }
0x5: {  	_ = 	snop  }
0x6: {  	_ = 	snop  }
0x7: {  	_ = 	snop  }
__scs_overlays_trampoline_lowered:
0x8: {  	[smem:$0x3F84] =	sst s0  }
0x9: {  	[smem:$0x3F85] =	sst s1  }
0xa: {  	[smem:$0x3F86] =	sst s2  }
0xb: {  	[smem:$0x3F87] =	sst s3  }
0xc: {  	[smem:$0x3F88] =	sst s4  }
0xd: {  	[smem:$0x3F89] =	sst s5  }
0xe: {  	[smem:$0x3F8A] =	sst s6  }
0xf: {  	[smem:$0x3F8B] =	sst s7  }
0x10: {  	[smem:$0x3F8C] =	sst s8  }
0x11: {  	[smem:$0x3F8D] =	sst s9;
	s0 =	simm.s32 @!p0 $0x0  }
0x12: {  	s1 =	sld [smem:$0x3F73];
	s0 =	simm.s32 @p0 $0x1  }
0x13: {  	[smem:$0x3F8E] =	sst s0;
	s0 =	simm.s32 @!p1 $0x0  }
0x14: {  	s2 =	sld [smem:$0x3F72];
	s0 =	simm.s32 @p1 $0x1  }
0x15: {  	[smem:$0x3F8F] =	sst s0;
	s0 =	simm.s32 @!p2 $0x0  }
0x16: {  	s3 =	sld [smem:$0x3FDB];
	s0 =	simm.s32 @p2 $0x1  }
0x17: {  	s4 =	simm.s32 $0x1BF5;
	[smem:$0x3F91] =	sst s0  }
0x18: {  	s0 =	sld [smem:$0x3F74];
	_ =	swait.ge [sflag:s4], $0x0  }
0x19: {  	s7 =	sld [smem:$0x3F75]  }
0x1a: {  	s8 =	sadd.s32 $0xFFFFE003, lr  }
0x1b: {  	s9 =	sadd.s32 $0xFFFFFEF7, lr;
	s5 =	simm.s32 $0xFFFFFFFF;
	p2 =	slt.u32 s8, $0xFFFFF086  }
0x1c: {  	p1 =	slt.u32 s9, $0xF7A;
	s5 =	simm.s32 @!p2 $0x0  }
0x1d: {  	s5 =	simm.s32 @p1 $0x1;
	p0 =	seq.s32 s7, s2  }
0x1e: {  	s7 =	smul.u32 @!p0 $0xF7A, s2;
	p2 =	seq.s32 @!p0 s5, $0x0  }
0x1f: {  	s9 =	smul.u32 $0xF7A, s1;
	s8 =	simm.s32 @!p0 $0x1BF5;
	p2 =	por !p2, p0  }
0x20: {  	[sflag:s8] =	ssyncset.s32 @!p0 $0xFFFFF086;
	s6 =	sadd.s32 @!p0 s3, s7;
	s7 =	simm.s32 @!p0 $0x108  }
0x21: {  	s3 =	sadd.s32 s3, s9;
	s6 =	sadd.s32 @!p0 $0x88, s6;
	s7 =	simm.s32 @p2 $0x1082  }
0x22: {  	[simem:s7], [sflag:s8] =	dma.local @!p0 [hbm:s6], $0xF7A  }
0x23: {  	s9 =	sor.u32 $0xD0000000, s2;
	s6 =	simm.s32 $0x108;
	_ =	swait.ge @!p0 [sflag:s8], $0x0  }
0x24: {  	s3 =	sadd.s32 $0x88, s3;
	s6 =	simm.s32 @!p1 $0x1082;
	[sflag:s4] =	ssyncset.s32 $0xFFFFF086  }
0x25: {  	[simem:s6], [sflag:s4] =	dma.local [hbm:s3], $0xF7A  }
0x26: {  	[smem:$0x3F75] =	sst s1;
	(tag) =	ssettag s2;
	_ =	strace s9  }
0x27: {  	s1 =	sld [smem:$0x3F85]  }
0x28: {  	s2 =	sld [smem:$0x3F86]  }
0x29: {  	s4 =	sld [smem:$0x3F88]  }
0x2a: {  	p0 =	seq.s32 s5, $0x0;
	s5 =	sld [smem:$0x3F89]  }
0x2b: {  	s6 =	sld [smem:$0x3F8A]  }
0x2c: {  	s7 =	sld [smem:$0x3F8B]  }
0x2d: {  	s3 =	simm.s32 $0x108;
	s8 =	sld [smem:$0x3F8C]  }
0x2e: {  	s3 =	simm.s32 @!p0 $0x1082;
	s9 =	sld [smem:$0x3F8D]  }
0x2f: {  	lr =	sadd.s32 s0, s3;
	s0 =	sld [smem:$0x3F84]  }
0x30: {  	s3 =	sld [smem:$0x3F87]  }
0x31: {  	[smem:$0x3F90] =	sst s10  }
0x32: {  	s10 =	sld [smem:$0x3F8E];
	_ =	sdelay $0x3  }
0x33: {  	p0 =	seq.s32 s10, $0x1;
	s10 =	sld [smem:$0x3F90];
	_ =	sdelay $0x3  }
0x34: {  	[smem:$0x3F90] =	sst s10  }
0x35: {  	s10 =	sld [smem:$0x3F8F];
	_ =	sdelay $0x3  }
0x36: {  	p1 =	seq.s32 s10, $0x1;
	s10 =	sld [smem:$0x3F90];
	_ =	sdelay $0x3  }
0x37: {  	[smem:$0x3F90] =	sst s10  }
0x38: {  	s10 =	sld [smem:$0x3F91]  }
0x39: {  	_ = 	snop;
	(pc) =	sbr.ind lr, $3  }
0x3a: {  	_ = 	snop  }
0x3b: {  	_ = 	snop  }
0x3c: {  	p2 =	seq.s32 s10, $0x1;
	s10 =	sld [smem:$0x3F90]  }
0x3d: {  	_ =	shalt  }
0x3e: {  	_ =	shalt  }
0x3f: {  	_ =	shalt  }
0x40: {  	_ =	shalt  }
0x41: {  	_ =	shalt  }
0x42: {  	_ =	shalt  }
0x43: {  	_ =	shalt  }
0x44: {  	_ =	shalt  }
0x45: {  	_ =	shalt  }
0x46: {  	_ =	shalt  }
0x47: {  	_ =	shalt  }
0x48: {  	_ =	shalt  }
0x49: {  	_ =	shalt  }
0x4a: {  	_ =	shalt  }
0x4b: {  	_ =	shalt  }
0x4c: {  	_ =	shalt  }
0x4d: {  	_ =	shalt  }
0x4e: {  	_ =	shalt  }
0x4f: {  	_ =	shalt  }
0x50: {  	_ =	shalt  }
0x51: {  	_ =	shalt  }
0x52: {  	_ =	shalt  }
0x53: {  	_ =	shalt  }
0x54: {  	_ =	shalt  }
0x55: {  	_ =	shalt  }
0x56: {  	_ =	shalt  }
0x57: {  	_ =	shalt  }
0x58: {  	_ =	shalt  }
0x59: {  	_ =	shalt  }
0x5a: {  	_ =	shalt  }
0x5b: {  	_ =	shalt  }
0x5c: {  	_ =	shalt  }
0x5d: {  	_ =	shalt  }
0x5e: {  	_ =	shalt  }
0x5f: {  	_ =	shalt  }
0x60: {  	_ =	shalt  }
0x61: {  	_ =	shalt  }
0x62: {  	_ =	shalt  }
0x63: {  	_ =	shalt  }
0x64: {  	_ =	shalt  }
0x65: {  	_ =	shalt  }
0x66: {  	_ =	shalt  }
0x67: {  	_ =	shalt  }
0x68: {  	_ =	shalt  }
0x69: {  	_ =	shalt  }
0x6a: {  	_ =	shalt  }
0x6b: {  	_ =	shalt  }
0x6c: {  	_ =	shalt  }
0x6d: {  	_ =	shalt  }
0x6e: {  	_ =	shalt  }
0x6f: {  	_ =	shalt  }
0x70: {  	_ =	shalt  }
0x71: {  	_ =	shalt  }
0x72: {  	_ =	shalt  }
0x73: {  	_ =	shalt  }
0x74: {  	_ =	shalt  }
0x75: {  	_ =	shalt  }
0x76: {  	_ =	shalt  }
0x77: {  	_ =	shalt  }
0x78: {  	_ =	shalt  }
0x79: {  	_ =	shalt  }
0x7a: {  	_ =	shalt  }
0x7b: {  	_ =	shalt  }
0x7c: {  	_ =	shalt  }
0x7d: {  	_ =	shalt  }
0x7e: {  	_ =	shalt  }
0x7f: {  	_ =	shalt  }
0x80: {  	_ =	shalt  }
0x81: {  	_ =	shalt  }
0x82: {  	_ =	shalt  }
0x83: {  	_ =	shalt  }
0x84: {  	_ =	shalt  }
0x85: {  	_ =	shalt  }
0x86: {  	_ =	shalt  }
0x87: {  	_ =	shalt  }
.Lfunc_end0:
.L_simem_size_0:
called_computation.5_lowered:
.L_overlay_start_0:
0x88: {  	s2 =	sld [smem:$0x3FD9]  }
0x89: {  	s3 =	sld [smem:$0x3FFE];
	_ =	sdelay $0x1  }
0x8a: {  	s1 =	srdreg.scid  }
0x8b: {  	s0 =	sand.u32 $0x1, s1  }
0x8c: {  	s17 =	sshll.u32 s0, $0xA;
	s2 =	sadd.s32 s3, s2  }
0x8d: {  	s2 =	sadd.s32 s2, s17  }
0x8e: {  	[smem:$0x3F9C] =	sst s2  }
0x8f: {  	_ = 	snop  }
0x90: {  	(tm) =	ssettm $0x1  }
0x91: {  	s18 =	sld [smem:$0x3FFB];
	_ =	sdelay $0x3  }
0x92: {  	_ =	strace s18  }
0x93: {  	s2 =	sld [smem:$0x3FFC];
	_ =	sdelay $0x3  }
0x94: {  	_ =	strace s2  }
0x95: {  	s2 =	sld [smem:$0x3FFD];
	_ =	sdelay $0x3  }
0x96: {  	_ =	strace s2  }
0x97: {  	_ =	strace $0x8FFFFFFF  }
0x98: {  	s19 =	sld [smem:$0x3FDB];
	_ =	sdelay $0x1  }
0x99: {  	s20 =	simm.s32 $_scs_section_size  }
0x9a: {  	s4 =	simm.s32 $_size__tile_overlayer_lowered;
	s5 =	simm.s32 $_tile_overlayer_lowered  }
0x9b: {  	s6 =	simm.s32 $0x1BFF;
	s21 =	sshll.u32 s5, $0x1;
	s3 =	sadd.s32 s20, s19  }
0x9c: {  	s22 =	simm.s32 $0x0;
	s4 =	sshll.u32 s4, $0x1;
	s5 =	sadd.s32 s21, s3  }
0x9d: {  	[timem:s22], [sflag:s6] =	dma.local [hbm:s5], s4  }
0x9e: {  	_ =	swait.ge [sflag:s6], s4  }
0x9f: {  	s4 =	ssub.s32 $0x0, s4;
	[sflag:s6] =	ssyncset.done $0x0  }
0xa0: {  	[sflag:s6] =	ssyncadd.s32 s4;
	_ =	sdelay $0x1  }
0xa1: {  	s23 =	simm.s32 $0x1B8B  }
0xa2: {  	_ =	swait.ge [sflag:s23], $0x1  }
0xa3: {  	[sflag:s23] =	ssyncset.done $0x0  }
0xa4: {  	[sflag:s23] =	ssyncadd.s32 $0xFFFFFFFF  }
0xa5: {  	s4 =	sld [smem:$0x0]  }
0xa6: {  	s5 =	sand.u32 $0xFFFFFFFE, s1  }
0xa7: {  	p0 =	sne.s32 s1, s5  }
0xa8: {  	s5 =	sshll.u32 @p0 s5, $0xE  }
0xa9: {  	s5 =	sadd.s32 @p0 $0x11B8D, s5;
	s6 =	sshll.u32 @p0 s4, $0x11  }
0xaa: {  	s5 =	sor.u32 @p0 s6, s5  }
0xab: {  	[sflag:s5] =	ssyncadd.remote.s32 @p0 $0x1;
	_ =	sdelay $0x1  }
0xac: {  	s5 =	simm.s32 @p0 $0x1B8D  }
0xad: {  	_ =	swait.eq @p0 [sflag:s5], $0x1  }
0xae: {  	[sflag:s5] =	ssyncadd.s32 @p0 $0xFFFFFFFF  }
0xaf: {  	s6 =	sshll.u32 @!p0 s1, $0xE  }
0xb0: {  	s6 =	sor.u32 @!p0 $0x4000, s6;
	s5 =	simm.s32 @!p0 $0x1B8D  }
0xb1: {  	s4 =	sshll.u32 @!p0 s4, $0x11;
	s6 =	sadd.s32 @!p0 $0x11B8D, s6;
	_ =	swait.eq @!p0 [sflag:s5], $0x1  }
0xb2: {  	s4 =	sor.u32 @!p0 s4, s6;
	[sflag:s5] =	ssyncadd.s32 @!p0 $0xFFFFFFFF  }
0xb3: {  	s25 =	simm.s32 $0x1B8E;
	s24 =	sld [smem:$0x3FFE];
	[sflag:s4] =	ssyncadd.remote.s32 @!p0 $0x1  }
0xb4: {  	s26 =	simm.s32 $execute0_lowered;
	[smem:$0x3FD2] =	sst s25  }
0xb5: {  	s5 =	sshll.u32 s26, $0x1;
	_ =	strace $0x80000055;
	[dreg:$0x1] =	wrdreg $0xFFFFFFFF  }
0xb6: {  	s28 =	simm.s32 $_size_execute0_lowered;
	s3 =	sadd.s32 s3, s5;
	[dreg:$0x0] =	wrdreg $0x0  }
0xb7: {  	s5 =	sshll.u32 s28, $0x1;
	[dreg:$0x2] =	wrdreg s3  }
0xb8: {  	[dreg:$0x3] =	wrdreg s5  }
0xb9: {  	[dreg:$0x4] =	wrdreg $0xC0  }
0xba: {  	_ =	task [dreg:s22], $0x5FFFF  }
0xbb: {  	[dreg:$0x1] =	wrdreg $0xFFFFFFFF  }
0xbc: {  	[dreg:$0x0] =	wrdreg $0x60  }
0xbd: {  	[dreg:$0x2] =	wrdreg s24  }
0xbe: {  	[dreg:$0x3] =	wrdreg $0x9  }
0xbf: {  	_ =	task.clear_ibuf [dreg:s22], $0x4FFFF;
	_ =	strace $0x90000055  }
0xc0: {  	s29 =	simm.s32 $0x9;
	_ =	strace $0x80000057  }
0xc1: {  	_ =	swait.ge [sflag:s29], $0x1  }
0xc2: {  	[sflag:s29] =	ssyncadd.s32 $0xFFFFFFFF  }
0xc3: {  	_ =	strace $0x90000057  }
0xc4: {  	_ =	sfence  }
0xc5: {  	s30 =	sld [smem:$0x0];
	_ =	sdelay $0x2  }
0xc6: {  	s31 =	sshll.u32 s1, $0xD;
	s1 =	sshrl.u32 s1, $0x2  }
0xc7: {  	s4 =	sand.u32 $0x4000, s31;
	s1 =	sadd.s32 s1, s30  }
0xc8: {  	s0 =	sor.u32 s4, s0;
	s1 =	sshll.u32 s1, $0x11  }
0xc9: {  	s0 =	sor.u32 s1, s0  }
0xca: {  	s0 =	sadd.s32 $0x8F2B, s0  }
0xcb: {  	[sflag:s0] =	ssyncadd.remote.s32 $0x1  }
0xcc: {  	_ =	sfence.sel $0xFFFF  }
0xcd: {  	[dreg:$0x0] =	wrdreg $0xFFFFFFFF;
	(pc) =	sbr.abs _section_cstart, $3  }
0xce: {  	[dreg:$0x1] =	wrdreg $0xFFFFFFFF  }
0xcf: {  	_ =	task.clear_ibuf [dreg:s22], $0x2FFFF;
	_ =	strace $0x9FFFFFFF  }
0xd0: {  	(tm) =	ssettm $0x7FFFFFFF  }
0xd1: {  	_ =	shalt  }
tec
execute0_lowered:
.L_overlay_start_1:
0x0: {  	(tag) =	ssettag $0x1  }
0x1: {  	s5 =	rddreg [dreg:$0x0]  }
0x2: {  	s0 =	rddreg [dreg:$0x1];
	s1 =	simm.s32 $0x0;
	s6 =	srdreg.scid  }
0x3: {  	s2 =	stileid.u32;
	s10 =	simm.s32 $0x3;
	s11 =	simm.s32 $0x2000  }
0x4: {  	s12 =	simm.s32 $0x28;
	s13 =	simm.s32 $0x4000;
	s14 =	simm.s32 $0x5400  }
0x5: {  	s15 =	simm.s32 $0x1;
	s16 =	simm.s32 $0x2;
	s17 =	simm.s32 $0x0  }
0x6: {  	[smem:$0x7FF] =	sst s1;
	s3 =	sadd.s32 $0xE8600, s5;
	s4 =	sadd.s32 $0x48600, s5  }
0x7: {  	s6 =	sand.u32 $0x1, s6;
	s7 =	sshll.u32 s2, $0xB;
	s9 =	smul.u32 $0x13100, s2  }
0x8: {  	_ =	strace $0x80000056;
	s8 =	sshll.u32 s6, $0xA;
	s30 =	ssub.s32 $0x2, s6  }
0x9: {  	s6 =	smul.u32 $0x9880, s6;
	s7 =	sor.u32 s8, s7;
	s31 =	sshrl.u32 s30, $0x1  }
0xa: {  	s9 =	sadd.s32 s9, s5;
	s7 =	sadd.s32 s7, s5;
	s8 =	ssub.s32 s30, s31  }
0xb: {  	s9 =	sadd.s32 s6, s9;
	s5 =	sadd.s32 $0x390600, s7;
	s6 =	sadd.s32 $0x398600, s7  }
0xc: {  	s7 =	smax.u32 s8, $0x1;
	s8 =	sadd.s32 $0x763A00, s9;
	s9 =	sadd.s32 $0x8A3A00, s9  }
.LBB2_1:
0xd: {  	[tilespmem:s1], [sflag:$0x3] =	stream.linear.gather [hbm4b:s5+s1], $0x1E80, $0x38;
	[tilespmem:$0x6800] =	vst v63  }
0xe: {  	_ =	swait.ge [sflag:s10], $0x1E80  }
0xf: {  	[sflag:s10] =	ssyncset.done $0x0  }
0x10: {  	[sflag:s10] =	ssyncadd.s32 $0xFFFFE180  }
0x11: {  	[tilespmem:s11], [sflag:$0x3] =	stream.linear.gather [hbm4b:s6+s1], $0x1E80, $0x38;
	[tilespmem:$0x6800] =	vst v63  }
0x12: {  	_ =	swait.ge [sflag:s10], $0x1E80  }
0x13: {  	[sflag:s10] =	ssyncset.done $0x0  }
0x14: {  	s18 =	simm.s32 $0x0;
	[sflag:s10] =	ssyncadd.s32 $0xFFFFE180  }
0x15: {  	[tilespmem:s13], [sflag:$0x1] =	stream.indirect.gather [hbm4b:s3+s12], $0x80, s18, s12, $0xb8;
	[tilespmem:$0x6800] =	vst v63  }
0x16: {  	s31 =	simm.s32 $0x2000  }
0x17: {  	[tilespmem:s14], [sflag:$0x2] =	stream.indirect.gather [hbm4b:s4+s12], $0x80, s31, s12, $0xb8;
	[tilespmem:$0x6800] =	vst v63  }
0x18: {  	_ =	swait.ge [sflag:s15], $0x1400  }
0x19: {  	[sflag:s15] =	ssyncset.done $0x0  }
0x1a: {  	[sflag:s15] =	ssyncadd.s32 $0xFFFFEC00  }
0x1b: {  	_ =	swait.ge [sflag:s16], $0x1400  }
0x1c: {  	[sflag:s16] =	ssyncset.done $0x0  }
0x1d: {  	[sflag:s16] =	ssyncadd.s32 $0xFFFFEC00  }
0x1e: {  	[hbm4b:s8+s1] =	stream.linear.scatter [tilespmem:s13], [sflag:$0x3], $0x1400, $0x38;
	[tilespmem:$0x6800] =	vst v63  }
0x1f: {  	_ =	swait.ge [sflag:s10], $0x1400  }
0x20: {  	[sflag:s10] =	ssyncset.done $0x0  }
0x21: {  	[sflag:s10] =	ssyncadd.s32 $0xFFFFEC00  }
0x22: {  	[hbm4b:s9+s1] =	stream.linear.scatter [tilespmem:s14], [sflag:$0x3], $0x1400, $0x38;
	[tilespmem:$0x6800] =	vst v63  }
0x23: {  	s20 =	simm.s32 $0x200;
	s21 =	simm.s32 $0x400;
	_ =	swait.ge [sflag:s10], $0x1400  }
0x24: {  	s19 =	sadd.s32 $0x280, s8;
	s18 =	sadd.s32 $0x280, s9;
	[sflag:s10] =	ssyncset.done $0x0  }
.LBB2_2:
0x25: {  	s22 =	sshra.s32 s20, $0x2  }
0x26: {  	[sflag:s10] =	ssyncadd.s32 $0xFFFFEC00;
	s20 =	smov.u32 s21;
	s23 =	sadd.s32 $0x200, s21  }
0x27: {  	[tilespmem:s13], [sflag:$0x1] =	stream.indirect.gather [hbm4b:s3+s12], $0x80, s22, s12, $0xb8;
	[tilespmem:$0x6800] =	vst v63  }
0x28: {  	p0 =	sne.s32 s21, $0x7800;
	s21 =	sadd.s32 $0x2000, s22  }
0x29: {  	[tilespmem:s14], [sflag:$0x2] =	stream.indirect.gather [hbm4b:s4+s12], $0x80, s21, s12, $0xb8;
	[tilespmem:$0x6800] =	vst v63  }
0x2a: {  	_ =	swait.ge [sflag:s15], $0x1400  }
0x2b: {  	[sflag:s15] =	ssyncset.done $0x0  }
0x2c: {  	[sflag:s15] =	ssyncadd.s32 $0xFFFFEC00  }
0x2d: {  	_ =	swait.ge [sflag:s16], $0x1400  }
0x2e: {  	[sflag:s16] =	ssyncset.done $0x0  }
0x2f: {  	[sflag:s16] =	ssyncadd.s32 $0xFFFFEC00  }
0x30: {  	[hbm4b:s19+s1] =	stream.linear.scatter [tilespmem:s13], [sflag:$0x3], $0x1400, $0x38;
	[tilespmem:$0x6800] =	vst v63  }
0x31: {  	_ =	swait.ge [sflag:s10], $0x1400  }
.Ltmp0:
0x32: {  	[sflag:s10] =	ssyncset.done $0x0;
	(pc) =	sbr.rel @p0 .LBB2_2-.Ltmp0, $4  }
0x33: {  	[sflag:s10] =	ssyncadd.s32 $0xFFFFEC00  }
0x34: {  	[hbm4b:s18+s1] =	stream.linear.scatter [tilespmem:s14], [sflag:$0x3], $0x1400, $0x38;
	[tilespmem:$0x6800] =	vst v63  }
0x35: {  	s21 =	smov.u32 s23;
	_ =	swait.ge [sflag:s10], $0x1400  }
0x36: {  	s19 =	sadd.s32 $0x280, s19;
	s18 =	sadd.s32 $0x280, s18;
	[sflag:s10] =	ssyncset.done $0x0  }
0x37: {  	s20 =	sshra.s32 s20, $0x2;
	[sflag:s10] =	ssyncadd.s32 $0xFFFFEC00  }
0x38: {  	[tilespmem:s13], [sflag:$0x1] =	stream.indirect.gather [hbm4b:s3+s12], $0x80, s20, s12, $0xb8;
	[tilespmem:$0x6800] =	vst v63  }
0x39: {  	s20 =	sadd.s32 $0x2000, s20  }
0x3a: {  	[tilespmem:s14], [sflag:$0x2] =	stream.indirect.gather [hbm4b:s4+s12], $0x80, s20, s12, $0xb8;
	[tilespmem:$0x6800] =	vst v63  }
0x3b: {  	_ =	swait.ge [sflag:s15], $0x1400  }
0x3c: {  	[sflag:s15] =	ssyncset.done $0x0  }
0x3d: {  	[sflag:s15] =	ssyncadd.s32 $0xFFFFEC00  }
0x3e: {  	_ =	swait.ge [sflag:s16], $0x1400  }
0x3f: {  	[sflag:s16] =	ssyncset.done $0x0  }
0x40: {  	[sflag:s16] =	ssyncadd.s32 $0xFFFFEC00  }
0x41: {  	[hbm4b:s19+s1] =	stream.linear.scatter [tilespmem:s13], [sflag:$0x3], $0x1400, $0x38;
	[tilespmem:$0x6800] =	vst v63  }
0x42: {  	s17 =	sadd.s32 $0x1, s17;
	_ =	swait.ge [sflag:s10], $0x1400  }
0x43: {  	p0 =	sne.s32 s17, s7;
	[sflag:s10] =	ssyncset.done $0x0  }
.Ltmp1:
0x44: {  	[sflag:s10] =	ssyncadd.s32 $0xFFFFEC00;
	(pc) =	sbr.rel @p0 .LBB2_1-.Ltmp1, $4  }
0x45: {  	[hbm4b:s18+s1] =	stream.linear.scatter [tilespmem:s14], [sflag:$0x3], $0x1400, $0x38;
	[tilespmem:$0x6800] =	vst v63  }
0x46: {  	_ =	swait.ge [sflag:s10], $0x1400  }
0x47: {  	[sflag:s10] =	ssyncset.done $0x0  }
0x48: {  	[sflag:s10] =	ssyncadd.s32 $0xFFFFEC00  }
0x49: {  	_ =	sfence.sel $0x180000  }
0x4a: {  	[bflag:$0x0] =	sbarrier.arrive $0xFFFF  }
0x4b: {  	p0 =	sne.s32 s2, $0x0;
	_ =	strace $0x90000056  }
0x4c: {  	s0 =	sadd.s32 @!p0 $0x100000, s0;
	[bflag:$0x2] =	sbarrier.arrive $0xFFFF  }
0x4d: {  	[sflag:s0] =	ssyncadd.tile.s32 @!p0 $0x1;
	_ =	shalt  }
.Lfunc_end2:
_tile_overlayer_lowered:
.L_overlay_start_2:
0x4e: {  	(tag) =	ssettag $0x2  }
0x4f: {  	s0 =	rddreg [dreg:$0x0];
	s2 =	stileid.u32  }
0x50: {  	s1 =	rddreg [dreg:$0x1];
	p0 =	sne.s32 s2, $0x0  }
0x51: {  	s3 =	rddreg [dreg:$0x2];
	[bflag:$0x3] =	sbarrier.arrive $0xFFFF;
	s2 =	simm.s32 @!p0 $0x1C03  }
0x52: {  	[timem:s3], [sflag:s2] =	dma.local @!p0 [hbm:s0], s1  }
0x53: {  	s0 =	simm.s32 @!p0 $0x3  }
0x54: {  	_ =	swait.ge @!p0 [sflag:s0], s1  }
0x55: {  	s1 =	ssub.s32 @!p0 $0x0, s1;
	[sflag:s0] =	ssyncset.done @!p0 $0x0  }
0x56: {  	[sflag:s0] =	ssyncadd.s32 @!p0 s1  }
0x57: {  	[bflag:$0x3] =	sbarrier.arrive $0xFFFF  }
0x58: {  	_ =	shalt  }

// kernel: kernel.36.cloned.1.call-start
scs
__scs_entry_jumppad:
0x0: {  	(pc) =	sbr.rel $0x88, $3  }
0x1: {  	(tag) =	ssettag $0x0;
	lr =	simm.s32 $0x1  }
0x2: {  	[smem:$0x3F75] =	sst lr;
	_ =	strace $0xD0000000  }
0x3: {  	_ = 	snop  }
0x4: {  	_ = 	snop  }
0x5: {  	_ = 	snop  }
0x6: {  	_ = 	snop  }
0x7: {  	_ = 	snop  }
__scs_overlays_trampoline_lowered:
0x8: {  	[smem:$0x3F84] =	sst s0  }
0x9: {  	[smem:$0x3F85] =	sst s1  }
0xa: {  	[smem:$0x3F86] =	sst s2  }
0xb: {  	[smem:$0x3F87] =	sst s3  }
0xc: {  	[smem:$0x3F88] =	sst s4  }
0xd: {  	[smem:$0x3F89] =	sst s5  }
0xe: {  	[smem:$0x3F8A] =	sst s6  }
0xf: {  	[smem:$0x3F8B] =	sst s7  }
0x10: {  	[smem:$0x3F8C] =	sst s8  }
0x11: {  	[smem:$0x3F8D] =	sst s9;
	s0 =	simm.s32 @!p0 $0x0  }
0x12: {  	s1 =	sld [smem:$0x3F73];
	s0 =	simm.s32 @p0 $0x1  }
0x13: {  	[smem:$0x3F8E] =	sst s0;
	s0 =	simm.s32 @!p1 $0x0  }
0x14: {  	s2 =	sld [smem:$0x3F72];
	s0 =	simm.s32 @p1 $0x1  }
0x15: {  	[smem:$0x3F8F] =	sst s0;
	s0 =	simm.s32 @!p2 $0x0  }
0x16: {  	s3 =	sld [smem:$0x3FDB];
	s0 =	simm.s32 @p2 $0x1  }
0x17: {  	s4 =	simm.s32 $0x1BF5;
	[smem:$0x3F91] =	sst s0  }
0x18: {  	s0 =	sld [smem:$0x3F74];
	_ =	swait.ge [sflag:s4], $0x0  }
0x19: {  	s7 =	sld [smem:$0x3F75]  }
0x1a: {  	s8 =	sadd.s32 $0xFFFFE003, lr  }
0x1b: {  	s9 =	sadd.s32 $0xFFFFFEF7, lr;
	s5 =	simm.s32 $0xFFFFFFFF;
	p2 =	slt.u32 s8, $0xFFFFF086  }
0x1c: {  	p1 =	slt.u32 s9, $0xF7A;
	s5 =	simm.s32 @!p2 $0x0  }
0x1d: {  	s5 =	simm.s32 @p1 $0x1;
	p0 =	seq.s32 s7, s2  }
0x1e: {  	s7 =	smul.u32 @!p0 $0xF7A, s2;
	p2 =	seq.s32 @!p0 s5, $0x0  }
0x1f: {  	s9 =	smul.u32 $0xF7A, s1;
	s8 =	simm.s32 @!p0 $0x1BF5;
	p2 =	por !p2, p0  }
0x20: {  	[sflag:s8] =	ssyncset.s32 @!p0 $0xFFFFF086;
	s6 =	sadd.s32 @!p0 s3, s7;
	s7 =	simm.s32 @!p0 $0x108  }
0x21: {  	s3 =	sadd.s32 s3, s9;
	s6 =	sadd.s32 @!p0 $0x88, s6;
	s7 =	simm.s32 @p2 $0x1082  }
0x22: {  	[simem:s7], [sflag:s8] =	dma.local @!p0 [hbm:s6], $0xF7A  }
0x23: {  	s9 =	sor.u32 $0xD0000000, s2;
	s6 =	simm.s32 $0x108;
	_ =	swait.ge @!p0 [sflag:s8], $0x0  }
0x24: {  	s3 =	sadd.s32 $0x88, s3;
	s6 =	simm.s32 @!p1 $0x1082;
	[sflag:s4] =	ssyncset.s32 $0xFFFFF086  }
0x25: {  	[simem:s6], [sflag:s4] =	dma.local [hbm:s3], $0xF7A  }
0x26: {  	[smem:$0x3F75] =	sst s1;
	(tag) =	ssettag s2;
	_ =	strace s9  }
0x27: {  	s1 =	sld [smem:$0x3F85]  }
0x28: {  	s2 =	sld [smem:$0x3F86]  }
0x29: {  	s4 =	sld [smem:$0x3F88]  }
0x2a: {  	p0 =	seq.s32 s5, $0x0;
	s5 =	sld [smem:$0x3F89]  }
0x2b: {  	s6 =	sld [smem:$0x3F8A]  }
0x2c: {  	s7 =	sld [smem:$0x3F8B]  }
0x2d: {  	s3 =	simm.s32 $0x108;
	s8 =	sld [smem:$0x3F8C]  }
0x2e: {  	s3 =	simm.s32 @!p0 $0x1082;
	s9 =	sld [smem:$0x3F8D]  }
0x2f: {  	lr =	sadd.s32 s0, s3;
	s0 =	sld [smem:$0x3F84]  }
0x30: {  	s3 =	sld [smem:$0x3F87]  }
0x31: {  	[smem:$0x3F90] =	sst s10  }
0x32: {  	s10 =	sld [smem:$0x3F8E];
	_ =	sdelay $0x3  }
0x33: {  	p0 =	seq.s32 s10, $0x1;
	s10 =	sld [smem:$0x3F90];
	_ =	sdelay $0x3  }
0x34: {  	[smem:$0x3F90] =	sst s10  }
0x35: {  	s10 =	sld [smem:$0x3F8F];
	_ =	sdelay $0x3  }
0x36: {  	p1 =	seq.s32 s10, $0x1;
	s10 =	sld [smem:$0x3F90];
	_ =	sdelay $0x3  }
0x37: {  	[smem:$0x3F90] =	sst s10  }
0x38: {  	s10 =	sld [smem:$0x3F91]  }
0x39: {  	_ = 	snop;
	(pc) =	sbr.ind lr, $3  }
0x3a: {  	_ = 	snop  }
0x3b: {  	_ = 	snop  }
0x3c: {  	p2 =	seq.s32 s10, $0x1;
	s10 =	sld [smem:$0x3F90]  }
0x3d: {  	_ =	shalt  }
0x3e: {  	_ =	shalt  }
0x3f: {  	_ =	shalt  }
0x40: {  	_ =	shalt  }
0x41: {  	_ =	shalt  }
0x42: {  	_ =	shalt  }
0x43: {  	_ =	shalt  }
0x44: {  	_ =	shalt  }
0x45: {  	_ =	shalt  }
0x46: {  	_ =	shalt  }
0x47: {  	_ =	shalt  }
0x48: {  	_ =	shalt  }
0x49: {  	_ =	shalt  }
0x4a: {  	_ =	shalt  }
0x4b: {  	_ =	shalt  }
0x4c: {  	_ =	shalt  }
0x4d: {  	_ =	shalt  }
0x4e: {  	_ =	shalt  }
0x4f: {  	_ =	shalt  }
0x50: {  	_ =	shalt  }
0x51: {  	_ =	shalt  }
0x52: {  	_ =	shalt  }
0x53: {  	_ =	shalt  }
0x54: {  	_ =	shalt  }
0x55: {  	_ =	shalt  }
0x56: {  	_ =	shalt  }
0x57: {  	_ =	shalt  }
0x58: {  	_ =	shalt  }
0x59: {  	_ =	shalt  }
0x5a: {  	_ =	shalt  }
0x5b: {  	_ =	shalt  }
0x5c: {  	_ =	shalt  }
0x5d: {  	_ =	shalt  }
0x5e: {  	_ =	shalt  }
0x5f: {  	_ =	shalt  }
0x60: {  	_ =	shalt  }
0x61: {  	_ =	shalt  }
0x62: {  	_ =	shalt  }
0x63: {  	_ =	shalt  }
0x64: {  	_ =	shalt  }
0x65: {  	_ =	shalt  }
0x66: {  	_ =	shalt  }
0x67: {  	_ =	shalt  }
0x68: {  	_ =	shalt  }
0x69: {  	_ =	shalt  }
0x6a: {  	_ =	shalt  }
0x6b: {  	_ =	shalt  }
0x6c: {  	_ =	shalt  }
0x6d: {  	_ =	shalt  }
0x6e: {  	_ =	shalt  }
0x6f: {  	_ =	shalt  }
0x70: {  	_ =	shalt  }
0x71: {  	_ =	shalt  }
0x72: {  	_ =	shalt  }
0x73: {  	_ =	shalt  }
0x74: {  	_ =	shalt  }
0x75: {  	_ =	shalt  }
0x76: {  	_ =	shalt  }
0x77: {  	_ =	shalt  }
0x78: {  	_ =	shalt  }
0x79: {  	_ =	shalt  }
0x7a: {  	_ =	shalt  }
0x7b: {  	_ =	shalt  }
0x7c: {  	_ =	shalt  }
0x7d: {  	_ =	shalt  }
0x7e: {  	_ =	shalt  }
0x7f: {  	_ =	shalt  }
0x80: {  	_ =	shalt  }
0x81: {  	_ =	shalt  }
0x82: {  	_ =	shalt  }
0x83: {  	_ =	shalt  }
0x84: {  	_ =	shalt  }
0x85: {  	_ =	shalt  }
0x86: {  	_ =	shalt  }
0x87: {  	_ =	shalt  }
.Lfunc_end0:
.L_simem_size_0:
called_computation.6_lowered:
.L_overlay_start_0:
0x88: {  	s2 =	sld [smem:$0x3FD9]  }
0x89: {  	s3 =	sld [smem:$0x3FFE];
	_ =	sdelay $0x1  }
0x8a: {  	s1 =	srdreg.scid  }
0x8b: {  	s0 =	sand.u32 $0x1, s1  }
0x8c: {  	s17 =	sshll.u32 s0, $0xA;
	s2 =	sadd.s32 s3, s2  }
0x8d: {  	s2 =	sadd.s32 s2, s17  }
0x8e: {  	[smem:$0x3F9C] =	sst s2  }
0x8f: {  	_ = 	snop  }
0x90: {  	(tm) =	ssettm $0x1  }
0x91: {  	s18 =	sld [smem:$0x3FFB];
	_ =	sdelay $0x3  }
0x92: {  	_ =	strace s18  }
0x93: {  	s2 =	sld [smem:$0x3FFC];
	_ =	sdelay $0x3  }
0x94: {  	_ =	strace s2  }
0x95: {  	s2 =	sld [smem:$0x3FFD];
	_ =	sdelay $0x3  }
0x96: {  	_ =	strace s2  }
0x97: {  	_ =	strace $0x8FFFFFFF  }
0x98: {  	s19 =	sld [smem:$0x3FDB];
	_ =	sdelay $0x1  }
0x99: {  	s20 =	simm.s32 $_scs_section_size  }
0x9a: {  	s4 =	simm.s32 $_size__tile_overlayer_lowered;
	s5 =	simm.s32 $_tile_overlayer_lowered  }
0x9b: {  	s6 =	simm.s32 $0x1BFF;
	s21 =	sshll.u32 s5, $0x1;
	s3 =	sadd.s32 s20, s19  }
0x9c: {  	s22 =	simm.s32 $0x0;
	s4 =	sshll.u32 s4, $0x1;
	s5 =	sadd.s32 s21, s3  }
0x9d: {  	[timem:s22], [sflag:s6] =	dma.local [hbm:s5], s4  }
0x9e: {  	_ =	swait.ge [sflag:s6], s4  }
0x9f: {  	s4 =	ssub.s32 $0x0, s4;
	[sflag:s6] =	ssyncset.done $0x0  }
0xa0: {  	[sflag:s6] =	ssyncadd.s32 s4;
	_ =	sdelay $0x1  }
0xa1: {  	s23 =	simm.s32 $0x1B8B  }
0xa2: {  	_ =	swait.ge [sflag:s23], $0x1  }
0xa3: {  	[sflag:s23] =	ssyncset.done $0x0  }
0xa4: {  	[sflag:s23] =	ssyncadd.s32 $0xFFFFFFFF  }
0xa5: {  	s4 =	sld [smem:$0x0]  }
0xa6: {  	s5 =	sand.u32 $0xFFFFFFFE, s1  }
0xa7: {  	p0 =	sne.s32 s1, s5  }
0xa8: {  	s5 =	sshll.u32 @p0 s5, $0xE  }
0xa9: {  	s5 =	sadd.s32 @p0 $0x11B8D, s5;
	s6 =	sshll.u32 @p0 s4, $0x11  }
0xaa: {  	s5 =	sor.u32 @p0 s6, s5  }
0xab: {  	[sflag:s5] =	ssyncadd.remote.s32 @p0 $0x1;
	_ =	sdelay $0x1  }
0xac: {  	s5 =	simm.s32 @p0 $0x1B8D  }
0xad: {  	_ =	swait.eq @p0 [sflag:s5], $0x1  }
0xae: {  	[sflag:s5] =	ssyncadd.s32 @p0 $0xFFFFFFFF  }
0xaf: {  	s6 =	sshll.u32 @!p0 s1, $0xE  }
0xb0: {  	s6 =	sor.u32 @!p0 $0x4000, s6;
	s5 =	simm.s32 @!p0 $0x1B8D  }
0xb1: {  	s4 =	sshll.u32 @!p0 s4, $0x11;
	s6 =	sadd.s32 @!p0 $0x11B8D, s6;
	_ =	swait.eq @!p0 [sflag:s5], $0x1  }
0xb2: {  	s4 =	sor.u32 @!p0 s4, s6;
	[sflag:s5] =	ssyncadd.s32 @!p0 $0xFFFFFFFF  }
0xb3: {  	s25 =	simm.s32 $0x1B8E;
	s24 =	sld [smem:$0x3FFE];
	[sflag:s4] =	ssyncadd.remote.s32 @!p0 $0x1  }
0xb4: {  	s26 =	simm.s32 $execute0_lowered;
	[smem:$0x3FD2] =	sst s25  }
0xb5: {  	s5 =	sshll.u32 s26, $0x1;
	_ =	strace $0x80000058;
	[dreg:$0x1] =	wrdreg $0xFFFFFFFF  }
0xb6: {  	s28 =	simm.s32 $_size_execute0_lowered;
	s3 =	sadd.s32 s3, s5;
	[dreg:$0x0] =	wrdreg $0x0  }
0xb7: {  	s5 =	sshll.u32 s28, $0x1;
	[dreg:$0x2] =	wrdreg s3  }
0xb8: {  	[dreg:$0x3] =	wrdreg s5  }
0xb9: {  	[dreg:$0x4] =	wrdreg $0xC0  }
0xba: {  	_ =	task [dreg:s22], $0x5FFFF  }
0xbb: {  	[dreg:$0x1] =	wrdreg $0xFFFFFFFF  }
0xbc: {  	[dreg:$0x0] =	wrdreg $0x60  }
0xbd: {  	[dreg:$0x2] =	wrdreg s24  }
0xbe: {  	[dreg:$0x3] =	wrdreg $0x8C000  }
0xbf: {  	[dreg:$0x4] =	wrdreg $0xA  }
0xc0: {  	_ =	task.clear_ibuf [dreg:s22], $0x5FFFF;
	_ =	strace $0x90000058  }
0xc1: {  	s29 =	simm.s32 $0xA;
	_ =	strace $0x8000005A  }
0xc2: {  	_ =	swait.ge [sflag:s29], $0x1  }
0xc3: {  	[sflag:s29] =	ssyncadd.s32 $0xFFFFFFFF  }
0xc4: {  	_ =	strace $0x9000005A  }
0xc5: {  	_ =	sfence  }
0xc6: {  	s30 =	sld [smem:$0x0];
	_ =	sdelay $0x2  }
0xc7: {  	s31 =	sshll.u32 s1, $0xD;
	s1 =	sshrl.u32 s1, $0x2  }
0xc8: {  	s4 =	sand.u32 $0x4000, s31;
	s1 =	sadd.s32 s1, s30  }
0xc9: {  	s0 =	sor.u32 s4, s0;
	s1 =	sshll.u32 s1, $0x11  }
0xca: {  	s0 =	sor.u32 s1, s0  }
0xcb: {  	s0 =	sadd.s32 $0x8F2B, s0  }
0xcc: {  	[sflag:s0] =	ssyncadd.remote.s32 $0x1  }
0xcd: {  	_ =	sfence.sel $0xFFFF  }
0xce: {  	[dreg:$0x0] =	wrdreg $0xFFFFFFFF;
	(pc) =	sbr.abs _section_cstart, $3  }
0xcf: {  	[dreg:$0x1] =	wrdreg $0xFFFFFFFF  }
0xd0: {  	_ =	task.clear_ibuf [dreg:s22], $0x2FFFF;
	_ =	strace $0x9FFFFFFF  }
0xd1: {  	(tm) =	ssettm $0x7FFFFFFF  }
tec
execute0_lowered:
.L_overlay_start_1:
0x0: {  	(tag) =	ssettag $0x1  }
0x1: {  	s1 =	srdreg.scid;
	s4 =	rddreg [dreg:$0x0]  }
0x2: {  	s0 =	stileid.u32;
	s2 =	rddreg [dreg:$0x1];
	s3 =	simm.s32 $0x0  }
0x3: {  	s18 =	simm.s32 $0x80;
	s19 =	simm.s32 $0x2;
	s10 =	smul.u32 $0x14000, s0  }
0x4: {  	s20 =	simm.s32 $0x900;
	s21 =	simm.s32 $0x980;
	s12 =	smul.u32 $0x50000, s0  }
0x5: {  	s22 =	simm.s32 $0x0;
	s9 =	sand.u32 $0x1, s1;
	s28 =	smul.u32 $0xA0000, s0  }
0x6: {  	s24 =	sshll.u32 s0, $0x1;
	s1 =	rddreg [dreg:$0x2];
	s7 =	smul.u32 $0x140000, s9  }
0x7: {  	[smem:$0x7FF] =	sst s3;
	s11 =	sadd.s32 $0x9E3A00, s4;
	s17 =	smul.u32 $0x50000, s9  }
0x8: {  	s29 =	sshll.u32 s0, $0x6;
	s5 =	sor.u32 s9, s24;
	s30 =	smul.u32 $0xA000, s9  }
0x9: {  	_ =	strace $0x80000059;
	s25 =	ssub.s32 $0x2, s9;
	s6 =	smul.u32 $0x180, s5  }
0xa: {  	s8 =	sshrl.u32 s10, $0x3;
	s26 =	sshrl.u32 s25, $0x1;
	s12 =	sshrl.u32 s12, $0x2  }
0xb: {  	s14 =	smul.u32 $0xA000, s5;
	s5 =	sor.u32 $0x1C03, s29;
	s31 =	sadd.s32 s10, s11  }
0xc: {  	s7 =	sadd.s32 s10, s7;
	s8 =	sadd.s32 s8, s4;
	s15 =	ssub.s32 s25, s26  }
0xd: {  	s16 =	sadd.s32 s12, s2;
	s12 =	sadd.s32 s17, s28;
	s17 =	simm.s32 $0x1  }
0xe: {  	s6 =	sadd.s32 s6, s4;
	s7 =	sshrl.u32 s7, $0x3;
	s9 =	smax.u32 s15, $0x1  }
0xf: {  	s12 =	sor.u32 $0x8000, s12;
	s15 =	simm.s32 $0xC00;
	s13 =	sadd.s32 s7, s4  }
0x10: {  	s4 =	sadd.s32 $0x110600, s8;
	s6 =	sadd.s32 $0x620800, s6;
	s7 =	sadd.s32 s11, s14  }
0x11: {  	s12 =	sshrl.u32 s12, $0x3;
	s14 =	simm.s32 $0x3;
	s8 =	sadd.s32 $0x2CB600, s13  }
0x12: {  	s10 =	sadd.s32 $0x9800, s7;
	s13 =	sadd.s32 s30, s31;
	s11 =	sadd.s32 s12, s11  }
0x13: {  	s12 =	sadd.s32 $0x800, s13;
	s13 =	sshrl.u32 s16, $0x3;
	s16 =	simm.s32 $0x4C00  }
.LBB2_1:
0x14: {  	[spmem:s13], [sflag:s5] =	dma.local [hbm:s4], $0x2800  }
0x15: {  	_ =	swait.ge [sflag:s14], $0x2800  }
0x16: {  	[sflag:s14] =	ssyncset.done $0x0  }
0x17: {  	[sflag:s14] =	ssyncadd.s32 $0xFFFFD800  }
0x18: {  	[tilespmem:s3], [sflag:$0x3] =	stream.linear.gather [hbm4b:s6+s3], $0xA00, $0x38;
	[tilespmem:$0x1CC00] =	vst v63  }
0x19: {  	_ =	swait.ge [sflag:s14], $0xA00  }
0x1a: {  	[sflag:s14] =	ssyncset.done $0x0  }
0x1b: {  	[sflag:s14] =	ssyncadd.s32 $0xFFFFF600  }
0x1c: {  	[bflag:$0x0] =	sbarrier.arrive $0xFFFF  }
0x1d: {  	[tilespmem:s15], [sflag:$0x1] =	stream.linear.gather [hbm4b:s7+s3], $0x4000, $0x38;
	[tilespmem:$0x1CC00] =	vst v63  }
0x1e: {  	s23 =	sadd.s32 $0x0, s12  }
0x1f: {  	[tilespmem:s16], [sflag:$0x2] =	stream.linear.gather [hbm4b:s23+s3], $0x4000, $0x38;
	[tilespmem:$0x1CC00] =	vst v63  }
0x20: {  	_ =	swait.ge [sflag:s17], $0x4000  }
0x21: {  	[sflag:s17] =	ssyncset.done $0x0  }
0x22: {  	[sflag:s17] =	ssyncadd.s32 $0xFFFFC000  }
0x23: {  	[spmem:s2] =	stream.indirect.scatter.add.f32 [tilespmem:s15], [sflag:$0x3], $0x80, s3, s18, $0xb8;
	[tilespmem:$0x1CC00] =	vst v63  }
0x24: {  	_ =	swait.ge [sflag:s14], $0x4000  }
0x25: {  	[sflag:s14] =	ssyncset.done $0x0  }
0x26: {  	s30 =	sadd.s32 $0x0, s11;
	[sflag:s14] =	ssyncadd.s32 $0xFFFFC000  }
0x27: {  	[tilespmem:s15], [sflag:$0x1] =	stream.linear.gather [hbm4b:s30+s3], $0x4000, $0x38;
	[tilespmem:$0x1CC00] =	vst v63  }
0x28: {  	_ =	swait.ge [sflag:s19], $0x4000  }
0x29: {  	[sflag:s19] =	ssyncset.done $0x0  }
0x2a: {  	s31 =	simm.s32 $0x80;
	[sflag:s19] =	ssyncadd.s32 $0xFFFFC000  }
0x2b: {  	[spmem:s2] =	stream.indirect.scatter.add.f32 [tilespmem:s16], [sflag:$0x3], $0x80, s31, s18, $0xb8;
	[tilespmem:$0x1CC00] =	vst v63  }
0x2c: {  	s24 =	simm.s32 $0x1000;
	_ =	swait.ge [sflag:s14], $0x4000  }
0x2d: {  	s25 =	simm.s32 $0x2000;
	s23 =	simm.s32 $0x100;
	[sflag:s14] =	ssyncset.done $0x0  }
.LBB2_2:
0x2e: {  	s26 =	sadd.s32 s24, s12  }
0x2f: {  	[sflag:s14] =	ssyncadd.s32 $0xFFFFC000;
	s28 =	smov.u32 s25;
	s29 =	sadd.s32 $0x1000, s25  }
0x30: {  	[tilespmem:s16], [sflag:$0x2] =	stream.linear.gather [hbm4b:s26+s3], $0x4000, $0x38;
	[tilespmem:$0x1CC00] =	vst v63  }
0x31: {  	p0 =	sne.s32 s25, $0x8000;
	_ =	swait.ge [sflag:s17], $0x4000  }
0x32: {  	[sflag:s17] =	ssyncset.done $0x0  }
0x33: {  	[sflag:s17] =	ssyncadd.s32 $0xFFFFC000  }
0x34: {  	[spmem:s2] =	stream.indirect.scatter.add.f32 [tilespmem:s15], [sflag:$0x3], $0x80, s23, s18, $0xb8;
	[tilespmem:$0x1CC00] =	vst v63  }
0x35: {  	_ =	swait.ge [sflag:s14], $0x4000  }
0x36: {  	[sflag:s14] =	ssyncset.done $0x0  }
0x37: {  	s25 =	sadd.s32 s24, s11;
	s24 =	smov.u32 s28;
	[sflag:s14] =	ssyncadd.s32 $0xFFFFC000  }
0x38: {  	[tilespmem:s15], [sflag:$0x1] =	stream.linear.gather [hbm4b:s25+s3], $0x4000, $0x38;
	[tilespmem:$0x1CC00] =	vst v63  }
0x39: {  	_ =	swait.ge [sflag:s19], $0x4000  }
.Ltmp0:
0x3a: {  	[sflag:s19] =	ssyncset.done $0x0;
	(pc) =	sbr.rel @p0 .LBB2_2-.Ltmp0, $4  }
0x3b: {  	s25 =	sadd.s32 $0x80, s23;
	[sflag:s19] =	ssyncadd.s32 $0xFFFFC000  }
0x3c: {  	[spmem:s2] =	stream.indirect.scatter.add.f32 [tilespmem:s16], [sflag:$0x3], $0x80, s25, s18, $0xb8;
	[tilespmem:$0x1CC00] =	vst v63  }
0x3d: {  	_ =	swait.ge [sflag:s14], $0x4000  }
0x3e: {  	s23 =	sadd.s32 $0x100, s23;
	s25 =	smov.u32 s29;
	[sflag:s14] =	ssyncset.done $0x0  }
0x3f: {  	s25 =	sadd.s32 s24, s12;
	[sflag:s14] =	ssyncadd.s32 $0xFFFFC000  }
0x40: {  	[tilespmem:s16], [sflag:$0x2] =	stream.linear.gather [hbm4b:s25+s3], $0x4000, $0x38;
	[tilespmem:$0x1CC00] =	vst v63  }
0x41: {  	_ =	swait.ge [sflag:s17], $0x4000  }
0x42: {  	[sflag:s17] =	ssyncset.done $0x0  }
0x43: {  	[sflag:s17] =	ssyncadd.s32 $0xFFFFC000  }
0x44: {  	[spmem:s2] =	stream.indirect.scatter.add.f32 [tilespmem:s15], [sflag:$0x3], $0x80, s23, s18, $0xb8;
	[tilespmem:$0x1CC00] =	vst v63  }
0x45: {  	_ =	swait.ge [sflag:s14], $0x4000  }
0x46: {  	[sflag:s14] =	ssyncset.done $0x0  }
0x47: {  	s30 =	sadd.s32 s24, s11;
	[sflag:s14] =	ssyncadd.s32 $0xFFFFC000  }
0x48: {  	[tilespmem:s15], [sflag:$0x1] =	stream.linear.gather [hbm4b:s30+s3], $0x4000, $0x38;
	[tilespmem:$0x1CC00] =	vst v63  }
0x49: {  	_ =	swait.ge [sflag:s19], $0x4000  }
0x4a: {  	[sflag:s19] =	ssyncset.done $0x0  }
0x4b: {  	s31 =	sadd.s32 $0x80, s23;
	[sflag:s19] =	ssyncadd.s32 $0xFFFFC000  }
0x4c: {  	[spmem:s2] =	stream.indirect.scatter.add.f32 [tilespmem:s16], [sflag:$0x3], $0x80, s31, s18, $0xb8;
	[tilespmem:$0x1CC00] =	vst v63  }
0x4d: {  	_ =	swait.ge [sflag:s14], $0x4000  }
0x4e: {  	[sflag:s14] =	ssyncset.done $0x0  }
0x4f: {  	[sflag:s14] =	ssyncadd.s32 $0xFFFFC000  }
0x50: {  	[tilespmem:s16], [sflag:$0x2] =	stream.linear.gather [hbm4b:s10+s3], $0x4000, $0x38;
	[tilespmem:$0x1CC00] =	vst v63  }
0x51: {  	_ =	swait.ge [sflag:s17], $0x4000  }
0x52: {  	[sflag:s17] =	ssyncset.done $0x0  }
0x53: {  	[sflag:s17] =	ssyncadd.s32 $0xFFFFC000  }
0x54: {  	[spmem:s2] =	stream.indirect.scatter.add.f32 [tilespmem:s15], [sflag:$0x3], $0x80, s20, s18, $0xb8;
	[tilespmem:$0x1CC00] =	vst v63  }
0x55: {  	_ =	swait.ge [sflag:s14], $0x4000  }
0x56: {  	[sflag:s14] =	ssyncset.done $0x0  }
0x57: {  	[sflag:s14] =	ssyncadd.s32 $0xFFFFC000  }
0x58: {  	_ =	swait.ge [sflag:s19], $0x4000  }
0x59: {  	[sflag:s19] =	ssyncset.done $0x0  }
0x5a: {  	[sflag:s19] =	ssyncadd.s32 $0xFFFFC000  }
0x5b: {  	[spmem:s2] =	stream.indirect.scatter.add.f32 [tilespmem:s16], [sflag:$0x3], $0x80, s21, s18, $0xb8;
	[tilespmem:$0x1CC00] =	vst v63  }
0x5c: {  	_ =	swait.ge [sflag:s14], $0x4000  }
0x5d: {  	s22 =	sadd.s32 $0x1, s22;
	[sflag:s14] =	ssyncset.done $0x0  }
0x5e: {  	p0 =	sne.s32 s22, s9;
	[sflag:s14] =	ssyncadd.s32 $0xFFFFC000  }
.Ltmp1:
0x5f: {  	[bflag:$0x0] =	sbarrier.arrive $0xFFFF;
	(pc) =	sbr.rel @p0 .LBB2_1-.Ltmp1, $4  }
0x60: {  	[hbm:s8], [sflag:s5] =	dma.local [spmem:s13], $0x2800  }
0x61: {  	_ =	swait.ge [sflag:s14], $0x2800  }
0x62: {  	[sflag:s14] =	ssyncset.done $0x0  }
0x63: {  	[sflag:s14] =	ssyncadd.s32 $0xFFFFD800  }
0x64: {  	_ =	sfence.sel $0x180000  }
0x65: {  	[bflag:$0x0] =	sbarrier.arrive $0xFFFF  }
0x66: {  	p0 =	sne.s32 s0, $0x0;
	_ =	strace $0x90000059  }
0x67: {  	s0 =	sadd.s32 @!p0 $0x100000, s1;
	[bflag:$0x2] =	sbarrier.arrive $0xFFFF  }
0x68: {  	[sflag:s0] =	ssyncadd.tile.s32 @!p0 $0x1;
	_ =	shalt  }
.Lfunc_end2:
_tile_overlayer_lowered:
.L_overlay_start_2:
0x69: {  	(tag) =	ssettag $0x2  }
0x6a: {  	s0 =	rddreg [dreg:$0x0];
	s2 =	stileid.u32  }
0x6b: {  	s1 =	rddreg [dreg:$0x1];
	p0 =	sne.s32 s2, $0x0  }
0x6c: {  	s3 =	rddreg [dreg:$0x2];
	[bflag:$0x3] =	sbarrier.arrive $0xFFFF;
	s2 =	simm.s32 @!p0 $0x1C03  }
0x6d: {  	[timem:s3], [sflag:s2] =	dma.local @!p0 [hbm:s0], s1  }
0x6e: {  	s0 =	simm.s32 @!p0 $0x3  }
0x6f: {  	_ =	swait.ge @!p0 [sflag:s0], s1  }
0x70: {  	s1 =	ssub.s32 @!p0 $0x0, s1;
	[sflag:s0] =	ssyncset.done @!p0 $0x0  }
0x71: {  	[sflag:s0] =	ssyncadd.s32 @!p0 s1  }
0x72: {  	[bflag:$0x3] =	sbarrier.arrive $0xFFFF  }
0x73: {  	_ =	shalt  }

// kernel: kernel.39.cloned.1.call-start
scs
__scs_entry_jumppad:
0x0: {  	(pc) =	sbr.rel $0x88, $3  }
0x1: {  	(tag) =	ssettag $0x0;
	lr =	simm.s32 $0x1  }
0x2: {  	[smem:$0x3F75] =	sst lr;
	_ =	strace $0xD0000000  }
0x3: {  	_ = 	snop  }
0x4: {  	_ = 	snop  }
0x5: {  	_ = 	snop  }
0x6: {  	_ = 	snop  }
0x7: {  	_ = 	snop  }
__scs_overlays_trampoline_lowered:
0x8: {  	[smem:$0x3F84] =	sst s0  }
0x9: {  	[smem:$0x3F85] =	sst s1  }
0xa: {  	[smem:$0x3F86] =	sst s2  }
0xb: {  	[smem:$0x3F87] =	sst s3  }
0xc: {  	[smem:$0x3F88] =	sst s4  }
0xd: {  	[smem:$0x3F89] =	sst s5  }
0xe: {  	[smem:$0x3F8A] =	sst s6  }
0xf: {  	[smem:$0x3F8B] =	sst s7  }
0x10: {  	[smem:$0x3F8C] =	sst s8  }
0x11: {  	[smem:$0x3F8D] =	sst s9;
	s0 =	simm.s32 @!p0 $0x0  }
0x12: {  	s1 =	sld [smem:$0x3F73];
	s0 =	simm.s32 @p0 $0x1  }
0x13: {  	[smem:$0x3F8E] =	sst s0;
	s0 =	simm.s32 @!p1 $0x0  }
0x14: {  	s2 =	sld [smem:$0x3F72];
	s0 =	simm.s32 @p1 $0x1  }
0x15: {  	[smem:$0x3F8F] =	sst s0;
	s0 =	simm.s32 @!p2 $0x0  }
0x16: {  	s3 =	sld [smem:$0x3FDB];
	s0 =	simm.s32 @p2 $0x1  }
0x17: {  	s4 =	simm.s32 $0x1BF5;
	[smem:$0x3F91] =	sst s0  }
0x18: {  	s0 =	sld [smem:$0x3F74];
	_ =	swait.ge [sflag:s4], $0x0  }
0x19: {  	s7 =	sld [smem:$0x3F75]  }
0x1a: {  	s8 =	sadd.s32 $0xFFFFE003, lr  }
0x1b: {  	s9 =	sadd.s32 $0xFFFFFEF7, lr;
	s5 =	simm.s32 $0xFFFFFFFF;
	p2 =	slt.u32 s8, $0xFFFFF086  }
0x1c: {  	p1 =	slt.u32 s9, $0xF7A;
	s5 =	simm.s32 @!p2 $0x0  }
0x1d: {  	s5 =	simm.s32 @p1 $0x1;
	p0 =	seq.s32 s7, s2  }
0x1e: {  	s7 =	smul.u32 @!p0 $0xF7A, s2;
	p2 =	seq.s32 @!p0 s5, $0x0  }
0x1f: {  	s9 =	smul.u32 $0xF7A, s1;
	s8 =	simm.s32 @!p0 $0x1BF5;
	p2 =	por !p2, p0  }
0x20: {  	[sflag:s8] =	ssyncset.s32 @!p0 $0xFFFFF086;
	s6 =	sadd.s32 @!p0 s3, s7;
	s7 =	simm.s32 @!p0 $0x108  }
0x21: {  	s3 =	sadd.s32 s3, s9;
	s6 =	sadd.s32 @!p0 $0x88, s6;
	s7 =	simm.s32 @p2 $0x1082  }
0x22: {  	[simem:s7], [sflag:s8] =	dma.local @!p0 [hbm:s6], $0xF7A  }
0x23: {  	s9 =	sor.u32 $0xD0000000, s2;
	s6 =	simm.s32 $0x108;
	_ =	swait.ge @!p0 [sflag:s8], $0x0  }
0x24: {  	s3 =	sadd.s32 $0x88, s3;
	s6 =	simm.s32 @!p1 $0x1082;
	[sflag:s4] =	ssyncset.s32 $0xFFFFF086  }
0x25: {  	[simem:s6], [sflag:s4] =	dma.local [hbm:s3], $0xF7A  }
0x26: {  	[smem:$0x3F75] =	sst s1;
	(tag) =	ssettag s2;
	_ =	strace s9  }
0x27: {  	s1 =	sld [smem:$0x3F85]  }
0x28: {  	s2 =	sld [smem:$0x3F86]  }
0x29: {  	s4 =	sld [smem:$0x3F88]  }
0x2a: {  	p0 =	seq.s32 s5, $0x0;
	s5 =	sld [smem:$0x3F89]  }
0x2b: {  	s6 =	sld [smem:$0x3F8A]  }
0x2c: {  	s7 =	sld [smem:$0x3F8B]  }
0x2d: {  	s3 =	simm.s32 $0x108;
	s8 =	sld [smem:$0x3F8C]  }
0x2e: {  	s3 =	simm.s32 @!p0 $0x1082;
	s9 =	sld [smem:$0x3F8D]  }
0x2f: {  	lr =	sadd.s32 s0, s3;
	s0 =	sld [smem:$0x3F84]  }
0x30: {  	s3 =	sld [smem:$0x3F87]  }
0x31: {  	[smem:$0x3F90] =	sst s10  }
0x32: {  	s10 =	sld [smem:$0x3F8E];
	_ =	sdelay $0x3  }
0x33: {  	p0 =	seq.s32 s10, $0x1;
	s10 =	sld [smem:$0x3F90];
	_ =	sdelay $0x3  }
0x34: {  	[smem:$0x3F90] =	sst s10  }
0x35: {  	s10 =	sld [smem:$0x3F8F];
	_ =	sdelay $0x3  }
0x36: {  	p1 =	seq.s32 s10, $0x1;
	s10 =	sld [smem:$0x3F90];
	_ =	sdelay $0x3  }
0x37: {  	[smem:$0x3F90] =	sst s10  }
0x38: {  	s10 =	sld [smem:$0x3F91]  }
0x39: {  	_ = 	snop;
	(pc) =	sbr.ind lr, $3  }
0x3a: {  	_ = 	snop  }
0x3b: {  	_ = 	snop  }
0x3c: {  	p2 =	seq.s32 s10, $0x1;
	s10 =	sld [smem:$0x3F90]  }
0x3d: {  	_ =	shalt  }
0x3e: {  	_ =	shalt  }
0x3f: {  	_ =	shalt  }
0x40: {  	_ =	shalt  }
0x41: {  	_ =	shalt  }
0x42: {  	_ =	shalt  }
0x43: {  	_ =	shalt  }
0x44: {  	_ =	shalt  }
0x45: {  	_ =	shalt  }
0x46: {  	_ =	shalt  }
0x47: {  	_ =	shalt  }
0x48: {  	_ =	shalt  }
0x49: {  	_ =	shalt  }
0x4a: {  	_ =	shalt  }
0x4b: {  	_ =	shalt  }
0x4c: {  	_ =	shalt  }
0x4d: {  	_ =	shalt  }
0x4e: {  	_ =	shalt  }
0x4f: {  	_ =	shalt  }
0x50: {  	_ =	shalt  }
0x51: {  	_ =	shalt  }
0x52: {  	_ =	shalt  }
0x53: {  	_ =	shalt  }
0x54: {  	_ =	shalt  }
0x55: {  	_ =	shalt  }
0x56: {  	_ =	shalt  }
0x57: {  	_ =	shalt  }
0x58: {  	_ =	shalt  }
0x59: {  	_ =	shalt  }
0x5a: {  	_ =	shalt  }
0x5b: {  	_ =	shalt  }
0x5c: {  	_ =	shalt  }
0x5d: {  	_ =	shalt  }
0x5e: {  	_ =	shalt  }
0x5f: {  	_ =	shalt  }
0x60: {  	_ =	shalt  }
0x61: {  	_ =	shalt  }
0x62: {  	_ =	shalt  }
0x63: {  	_ =	shalt  }
0x64: {  	_ =	shalt  }
0x65: {  	_ =	shalt  }
0x66: {  	_ =	shalt  }
0x67: {  	_ =	shalt  }
0x68: {  	_ =	shalt  }
0x69: {  	_ =	shalt  }
0x6a: {  	_ =	shalt  }
0x6b: {  	_ =	shalt  }
0x6c: {  	_ =	shalt  }
0x6d: {  	_ =	shalt  }
0x6e: {  	_ =	shalt  }
0x6f: {  	_ =	shalt  }
0x70: {  	_ =	shalt  }
0x71: {  	_ =	shalt  }
0x72: {  	_ =	shalt  }
0x73: {  	_ =	shalt  }
0x74: {  	_ =	shalt  }
0x75: {  	_ =	shalt  }
0x76: {  	_ =	shalt  }
0x77: {  	_ =	shalt  }
0x78: {  	_ =	shalt  }
0x79: {  	_ =	shalt  }
0x7a: {  	_ =	shalt  }
0x7b: {  	_ =	shalt  }
0x7c: {  	_ =	shalt  }
0x7d: {  	_ =	shalt  }
0x7e: {  	_ =	shalt  }
0x7f: {  	_ =	shalt  }
0x80: {  	_ =	shalt  }
0x81: {  	_ =	shalt  }
0x82: {  	_ =	shalt  }
0x83: {  	_ =	shalt  }
0x84: {  	_ =	shalt  }
0x85: {  	_ =	shalt  }
0x86: {  	_ =	shalt  }
0x87: {  	_ =	shalt  }
.Lfunc_end0:
.L_simem_size_0:
called_computation.7_lowered:
.L_overlay_start_0:
0x88: {  	s2 =	sld [smem:$0x3FD9]  }
0x89: {  	s3 =	sld [smem:$0x3FFE];
	_ =	sdelay $0x1  }
0x8a: {  	s1 =	srdreg.scid  }
0x8b: {  	s0 =	sand.u32 $0x1, s1  }
0x8c: {  	s17 =	sshll.u32 s0, $0xA;
	s2 =	sadd.s32 s3, s2  }
0x8d: {  	s2 =	sadd.s32 s2, s17  }
0x8e: {  	[smem:$0x3F9C] =	sst s2  }
0x8f: {  	_ = 	snop  }
0x90: {  	(tm) =	ssettm $0x1  }
0x91: {  	s18 =	sld [smem:$0x3FFB];
	_ =	sdelay $0x3  }
0x92: {  	_ =	strace s18  }
0x93: {  	s2 =	sld [smem:$0x3FFC];
	_ =	sdelay $0x3  }
0x94: {  	_ =	strace s2  }
0x95: {  	s2 =	sld [smem:$0x3FFD];
	_ =	sdelay $0x3  }
0x96: {  	_ =	strace s2  }
0x97: {  	_ =	strace $0x8FFFFFFF  }
0x98: {  	s19 =	sld [smem:$0x3FDB];
	_ =	sdelay $0x1  }
0x99: {  	s20 =	simm.s32 $_scs_section_size  }
0x9a: {  	s4 =	simm.s32 $_size__tile_overlayer_lowered;
	s5 =	simm.s32 $_tile_overlayer_lowered  }
0x9b: {  	s6 =	simm.s32 $0x1BFF;
	s21 =	sshll.u32 s5, $0x1;
	s3 =	sadd.s32 s20, s19  }
0x9c: {  	s22 =	simm.s32 $0x0;
	s4 =	sshll.u32 s4, $0x1;
	s5 =	sadd.s32 s21, s3  }
0x9d: {  	[timem:s22], [sflag:s6] =	dma.local [hbm:s5], s4  }
0x9e: {  	_ =	swait.ge [sflag:s6], s4  }
0x9f: {  	s4 =	ssub.s32 $0x0, s4;
	[sflag:s6] =	ssyncset.done $0x0  }
0xa0: {  	[sflag:s6] =	ssyncadd.s32 s4;
	_ =	sdelay $0x1  }
0xa1: {  	s23 =	simm.s32 $0x1B8B  }
0xa2: {  	_ =	swait.ge [sflag:s23], $0x1  }
0xa3: {  	[sflag:s23] =	ssyncset.done $0x0  }
0xa4: {  	[sflag:s23] =	ssyncadd.s32 $0xFFFFFFFF  }
0xa5: {  	s4 =	sld [smem:$0x0]  }
0xa6: {  	s5 =	sand.u32 $0xFFFFFFFE, s1  }
0xa7: {  	p0 =	sne.s32 s1, s5  }
0xa8: {  	s5 =	sshll.u32 @p0 s5, $0xE  }
0xa9: {  	s5 =	sadd.s32 @p0 $0x11B8D, s5;
	s6 =	sshll.u32 @p0 s4, $0x11  }
0xaa: {  	s5 =	sor.u32 @p0 s6, s5  }
0xab: {  	[sflag:s5] =	ssyncadd.remote.s32 @p0 $0x1;
	_ =	sdelay $0x1  }
0xac: {  	s5 =	simm.s32 @p0 $0x1B8D  }
0xad: {  	_ =	swait.eq @p0 [sflag:s5], $0x1  }
0xae: {  	[sflag:s5] =	ssyncadd.s32 @p0 $0xFFFFFFFF  }
0xaf: {  	s6 =	sshll.u32 @!p0 s1, $0xE  }
0xb0: {  	s6 =	sor.u32 @!p0 $0x4000, s6;
	s5 =	simm.s32 @!p0 $0x1B8D  }
0xb1: {  	s4 =	sshll.u32 @!p0 s4, $0x11;
	s6 =	sadd.s32 @!p0 $0x11B8D, s6;
	_ =	swait.eq @!p0 [sflag:s5], $0x1  }
0xb2: {  	s4 =	sor.u32 @!p0 s4, s6;
	[sflag:s5] =	ssyncadd.s32 @!p0 $0xFFFFFFFF  }
0xb3: {  	s25 =	simm.s32 $0x1B8E;
	s24 =	sld [smem:$0x3FFE];
	[sflag:s4] =	ssyncadd.remote.s32 @!p0 $0x1  }
0xb4: {  	s26 =	simm.s32 $execute0_lowered;
	[smem:$0x3FD2] =	sst s25  }
0xb5: {  	s5 =	sshll.u32 s26, $0x1;
	_ =	strace $0x8000005B;
	[dreg:$0x1] =	wrdreg $0xFFFFFFFF  }
0xb6: {  	s28 =	simm.s32 $_size_execute0_lowered;
	s3 =	sadd.s32 s3, s5;
	[dreg:$0x0] =	wrdreg $0x0  }
0xb7: {  	s5 =	sshll.u32 s28, $0x1;
	[dreg:$0x2] =	wrdreg s3  }
0xb8: {  	[dreg:$0x3] =	wrdreg s5  }
0xb9: {  	[dreg:$0x4] =	wrdreg $0xC0  }
0xba: {  	_ =	task [dreg:s22], $0x5FFFF  }
0xbb: {  	[dreg:$0x1] =	wrdreg $0xFFFFFFFF  }
0xbc: {  	[dreg:$0x0] =	wrdreg $0x60  }
0xbd: {  	[dreg:$0x2] =	wrdreg s24  }
0xbe: {  	[dreg:$0x3] =	wrdreg $0x8C000  }
0xbf: {  	[dreg:$0x4] =	wrdreg $0x9  }
0xc0: {  	_ =	task.clear_ibuf [dreg:s22], $0x5FFFF;
	_ =	strace $0x9000005B  }
0xc1: {  	s29 =	simm.s32 $0x9;
	_ =	strace $0x8000005D  }
0xc2: {  	_ =	swait.ge [sflag:s29], $0x1  }
0xc3: {  	[sflag:s29] =	ssyncadd.s32 $0xFFFFFFFF  }
0xc4: {  	_ =	strace $0x9000005D  }
0xc5: {  	_ =	sfence  }
0xc6: {  	s30 =	sld [smem:$0x0];
	_ =	sdelay $0x2  }
0xc7: {  	s31 =	sshll.u32 s1, $0xD;
	s1 =	sshrl.u32 s1, $0x2  }
0xc8: {  	s4 =	sand.u32 $0x4000, s31;
	s1 =	sadd.s32 s1, s30  }
0xc9: {  	s0 =	sor.u32 s4, s0;
	s1 =	sshll.u32 s1, $0x11  }
0xca: {  	s0 =	sor.u32 s1, s0  }
0xcb: {  	s0 =	sadd.s32 $0x8F2B, s0  }
0xcc: {  	[sflag:s0] =	ssyncadd.remote.s32 $0x1  }
0xcd: {  	_ =	sfence.sel $0xFFFF  }
0xce: {  	[dreg:$0x0] =	wrdreg $0xFFFFFFFF;
	(pc) =	sbr.abs _section_cstart, $3  }
0xcf: {  	[dreg:$0x1] =	wrdreg $0xFFFFFFFF  }
0xd0: {  	_ =	task.clear_ibuf [dreg:s22], $0x2FFFF;
	_ =	strace $0x9FFFFFFF  }
0xd1: {  	(tm) =	ssettm $0x7FFFFFFF  }
tec
execute0_lowered:
.L_overlay_start_1:
0x0: {  	(tag) =	ssettag $0x1  }
0x1: {  	s1 =	srdreg.scid;
	s4 =	rddreg [dreg:$0x0]  }
0x2: {  	s0 =	stileid.u32;
	s2 =	rddreg [dreg:$0x1];
	s3 =	simm.s32 $0x0  }
0x3: {  	s18 =	simm.s32 $0x80;
	s19 =	simm.s32 $0x2;
	s10 =	smul.u32 $0x14000, s0  }
0x4: {  	s20 =	simm.s32 $0x900;
	s21 =	simm.s32 $0x980;
	s12 =	smul.u32 $0x50000, s0  }
0x5: {  	s22 =	simm.s32 $0x0;
	s9 =	sand.u32 $0x1, s1;
	s28 =	smul.u32 $0xA0000, s0  }
0x6: {  	s24 =	sshll.u32 s0, $0x1;
	s1 =	rddreg [dreg:$0x2];
	s7 =	smul.u32 $0x140000, s9  }
0x7: {  	[smem:$0x7FF] =	sst s3;
	s11 =	sadd.s32 $0x623800, s4;
	s17 =	smul.u32 $0x50000, s9  }
0x8: {  	s29 =	sshll.u32 s0, $0x6;
	s5 =	sor.u32 s9, s24;
	s30 =	smul.u32 $0xA000, s9  }
0x9: {  	_ =	strace $0x8000005C;
	s25 =	ssub.s32 $0x2, s9;
	s6 =	smul.u32 $0x180, s5  }
0xa: {  	s8 =	sshrl.u32 s10, $0x3;
	s26 =	sshrl.u32 s25, $0x1;
	s12 =	sshrl.u32 s12, $0x2  }
0xb: {  	s14 =	smul.u32 $0xA000, s5;
	s5 =	sor.u32 $0x1C03, s29;
	s31 =	sadd.s32 s10, s11  }
0xc: {  	s7 =	sadd.s32 s10, s7;
	s8 =	sadd.s32 s8, s4;
	s15 =	ssub.s32 s25, s26  }
0xd: {  	s16 =	sadd.s32 s12, s2;
	s12 =	sadd.s32 s17, s28;
	s17 =	simm.s32 $0x1  }
0xe: {  	s6 =	sadd.s32 s6, s4;
	s7 =	sshrl.u32 s7, $0x3;
	s9 =	smax.u32 s15, $0x1  }
0xf: {  	s12 =	sor.u32 $0x8000, s12;
	s15 =	simm.s32 $0xC00;
	s13 =	sadd.s32 s7, s4  }
0x10: {  	s4 =	sadd.s32 $0x110600, s8;
	s6 =	sadd.s32 $0x188600, s6;
	s7 =	sadd.s32 s11, s14  }
0x11: {  	s12 =	sshrl.u32 s12, $0x3;
	s14 =	simm.s32 $0x3;
	s8 =	sadd.s32 $0x18B600, s13  }
0x12: {  	s10 =	sadd.s32 $0x9800, s7;
	s13 =	sadd.s32 s30, s31;
	s11 =	sadd.s32 s12, s11  }
0x13: {  	s12 =	sadd.s32 $0x800, s13;
	s13 =	sshrl.u32 s16, $0x3;
	s16 =	simm.s32 $0x4C00  }
.LBB2_1:
0x14: {  	[spmem:s13], [sflag:s5] =	dma.local [hbm:s4], $0x2800  }
0x15: {  	_ =	swait.ge [sflag:s14], $0x2800  }
0x16: {  	[sflag:s14] =	ssyncset.done $0x0  }
0x17: {  	[sflag:s14] =	ssyncadd.s32 $0xFFFFD800  }
0x18: {  	[tilespmem:s3], [sflag:$0x3] =	stream.linear.gather [hbm4b:s6+s3], $0xA00, $0x38;
	[tilespmem:$0x1CC00] =	vst v63  }
0x19: {  	_ =	swait.ge [sflag:s14], $0xA00  }
0x1a: {  	[sflag:s14] =	ssyncset.done $0x0  }
0x1b: {  	[sflag:s14] =	ssyncadd.s32 $0xFFFFF600  }
0x1c: {  	[bflag:$0x0] =	sbarrier.arrive $0xFFFF  }
0x1d: {  	[tilespmem:s15], [sflag:$0x1] =	stream.linear.gather [hbm4b:s7+s3], $0x4000, $0x38;
	[tilespmem:$0x1CC00] =	vst v63  }
0x1e: {  	s23 =	sadd.s32 $0x0, s12  }
0x1f: {  	[tilespmem:s16], [sflag:$0x2] =	stream.linear.gather [hbm4b:s23+s3], $0x4000, $0x38;
	[tilespmem:$0x1CC00] =	vst v63  }
0x20: {  	_ =	swait.ge [sflag:s17], $0x4000  }
0x21: {  	[sflag:s17] =	ssyncset.done $0x0  }
0x22: {  	[sflag:s17] =	ssyncadd.s32 $0xFFFFC000  }
0x23: {  	[spmem:s2] =	stream.indirect.scatter.add.f32 [tilespmem:s15], [sflag:$0x3], $0x80, s3, s18, $0xb8;
	[tilespmem:$0x1CC00] =	vst v63  }
0x24: {  	_ =	swait.ge [sflag:s14], $0x4000  }
0x25: {  	[sflag:s14] =	ssyncset.done $0x0  }
0x26: {  	s30 =	sadd.s32 $0x0, s11;
	[sflag:s14] =	ssyncadd.s32 $0xFFFFC000  }
0x27: {  	[tilespmem:s15], [sflag:$0x1] =	stream.linear.gather [hbm4b:s30+s3], $0x4000, $0x38;
	[tilespmem:$0x1CC00] =	vst v63  }
0x28: {  	_ =	swait.ge [sflag:s19], $0x4000  }
0x29: {  	[sflag:s19] =	ssyncset.done $0x0  }
0x2a: {  	s31 =	simm.s32 $0x80;
	[sflag:s19] =	ssyncadd.s32 $0xFFFFC000  }
0x2b: {  	[spmem:s2] =	stream.indirect.scatter.add.f32 [tilespmem:s16], [sflag:$0x3], $0x80, s31, s18, $0xb8;
	[tilespmem:$0x1CC00] =	vst v63  }
0x2c: {  	s24 =	simm.s32 $0x1000;
	_ =	swait.ge [sflag:s14], $0x4000  }
0x2d: {  	s25 =	simm.s32 $0x2000;
	s23 =	simm.s32 $0x100;
	[sflag:s14] =	ssyncset.done $0x0  }
.LBB2_2:
0x2e: {  	s26 =	sadd.s32 s24, s12  }
0x2f: {  	[sflag:s14] =	ssyncadd.s32 $0xFFFFC000;
	s28 =	smov.u32 s25;
	s29 =	sadd.s32 $0x1000, s25  }
0x30: {  	[tilespmem:s16], [sflag:$0x2] =	stream.linear.gather [hbm4b:s26+s3], $0x4000, $0x38;
	[tilespmem:$0x1CC00] =	vst v63  }
0x31: {  	p0 =	sne.s32 s25, $0x8000;
	_ =	swait.ge [sflag:s17], $0x4000  }
0x32: {  	[sflag:s17] =	ssyncset.done $0x0  }
0x33: {  	[sflag:s17] =	ssyncadd.s32 $0xFFFFC000  }
0x34: {  	[spmem:s2] =	stream.indirect.scatter.add.f32 [tilespmem:s15], [sflag:$0x3], $0x80, s23, s18, $0xb8;
	[tilespmem:$0x1CC00] =	vst v63  }
0x35: {  	_ =	swait.ge [sflag:s14], $0x4000  }
0x36: {  	[sflag:s14] =	ssyncset.done $0x0  }
0x37: {  	s25 =	sadd.s32 s24, s11;
	s24 =	smov.u32 s28;
	[sflag:s14] =	ssyncadd.s32 $0xFFFFC000  }
0x38: {  	[tilespmem:s15], [sflag:$0x1] =	stream.linear.gather [hbm4b:s25+s3], $0x4000, $0x38;
	[tilespmem:$0x1CC00] =	vst v63  }
0x39: {  	_ =	swait.ge [sflag:s19], $0x4000  }
.Ltmp0:
0x3a: {  	[sflag:s19] =	ssyncset.done $0x0;
	(pc) =	sbr.rel @p0 .LBB2_2-.Ltmp0, $4  }
0x3b: {  	s25 =	sadd.s32 $0x80, s23;
	[sflag:s19] =	ssyncadd.s32 $0xFFFFC000  }
0x3c: {  	[spmem:s2] =	stream.indirect.scatter.add.f32 [tilespmem:s16], [sflag:$0x3], $0x80, s25, s18, $0xb8;
	[tilespmem:$0x1CC00] =	vst v63  }
0x3d: {  	_ =	swait.ge [sflag:s14], $0x4000  }
0x3e: {  	s23 =	sadd.s32 $0x100, s23;
	s25 =	smov.u32 s29;
	[sflag:s14] =	ssyncset.done $0x0  }
0x3f: {  	s25 =	sadd.s32 s24, s12;
	[sflag:s14] =	ssyncadd.s32 $0xFFFFC000  }
0x40: {  	[tilespmem:s16], [sflag:$0x2] =	stream.linear.gather [hbm4b:s25+s3], $0x4000, $0x38;
	[tilespmem:$0x1CC00] =	vst v63  }
0x41: {  	_ =	swait.ge [sflag:s17], $0x4000  }
0x42: {  	[sflag:s17] =	ssyncset.done $0x0  }
0x43: {  	[sflag:s17] =	ssyncadd.s32 $0xFFFFC000  }
0x44: {  	[spmem:s2] =	stream.indirect.scatter.add.f32 [tilespmem:s15], [sflag:$0x3], $0x80, s23, s18, $0xb8;
	[tilespmem:$0x1CC00] =	vst v63  }
0x45: {  	_ =	swait.ge [sflag:s14], $0x4000  }
0x46: {  	[sflag:s14] =	ssyncset.done $0x0  }
0x47: {  	s30 =	sadd.s32 s24, s11;
	[sflag:s14] =	ssyncadd.s32 $0xFFFFC000  }
0x48: {  	[tilespmem:s15], [sflag:$0x1] =	stream.linear.gather [hbm4b:s30+s3], $0x4000, $0x38;
	[tilespmem:$0x1CC00] =	vst v63  }
0x49: {  	_ =	swait.ge [sflag:s19], $0x4000  }
0x4a: {  	[sflag:s19] =	ssyncset.done $0x0  }
0x4b: {  	s31 =	sadd.s32 $0x80, s23;
	[sflag:s19] =	ssyncadd.s32 $0xFFFFC000  }
0x4c: {  	[spmem:s2] =	stream.indirect.scatter.add.f32 [tilespmem:s16], [sflag:$0x3], $0x80, s31, s18, $0xb8;
	[tilespmem:$0x1CC00] =	vst v63  }
0x4d: {  	_ =	swait.ge [sflag:s14], $0x4000  }
0x4e: {  	[sflag:s14] =	ssyncset.done $0x0  }
0x4f: {  	[sflag:s14] =	ssyncadd.s32 $0xFFFFC000  }
0x50: {  	[tilespmem:s16], [sflag:$0x2] =	stream.linear.gather [hbm4b:s10+s3], $0x4000, $0x38;
	[tilespmem:$0x1CC00] =	vst v63  }
0x51: {  	_ =	swait.ge [sflag:s17], $0x4000  }
0x52: {  	[sflag:s17] =	ssyncset.done $0x0  }
0x53: {  	[sflag:s17] =	ssyncadd.s32 $0xFFFFC000  }
0x54: {  	[spmem:s2] =	stream.indirect.scatter.add.f32 [tilespmem:s15], [sflag:$0x3], $0x80, s20, s18, $0xb8;
	[tilespmem:$0x1CC00] =	vst v63  }
0x55: {  	_ =	swait.ge [sflag:s14], $0x4000  }
0x56: {  	[sflag:s14] =	ssyncset.done $0x0  }
0x57: {  	[sflag:s14] =	ssyncadd.s32 $0xFFFFC000  }
0x58: {  	_ =	swait.ge [sflag:s19], $0x4000  }
0x59: {  	[sflag:s19] =	ssyncset.done $0x0  }
0x5a: {  	[sflag:s19] =	ssyncadd.s32 $0xFFFFC000  }
0x5b: {  	[spmem:s2] =	stream.indirect.scatter.add.f32 [tilespmem:s16], [sflag:$0x3], $0x80, s21, s18, $0xb8;
	[tilespmem:$0x1CC00] =	vst v63  }
0x5c: {  	_ =	swait.ge [sflag:s14], $0x4000  }
0x5d: {  	s22 =	sadd.s32 $0x1, s22;
	[sflag:s14] =	ssyncset.done $0x0  }
0x5e: {  	p0 =	sne.s32 s22, s9;
	[sflag:s14] =	ssyncadd.s32 $0xFFFFC000  }
.Ltmp1:
0x5f: {  	[bflag:$0x0] =	sbarrier.arrive $0xFFFF;
	(pc) =	sbr.rel @p0 .LBB2_1-.Ltmp1, $4  }
0x60: {  	[hbm:s8], [sflag:s5] =	dma.local [spmem:s13], $0x2800  }
0x61: {  	_ =	swait.ge [sflag:s14], $0x2800  }
0x62: {  	[sflag:s14] =	ssyncset.done $0x0  }
0x63: {  	[sflag:s14] =	ssyncadd.s32 $0xFFFFD800  }
0x64: {  	_ =	sfence.sel $0x180000  }
0x65: {  	[bflag:$0x0] =	sbarrier.arrive $0xFFFF  }
0x66: {  	p0 =	sne.s32 s0, $0x0;
	_ =	strace $0x9000005C  }
0x67: {  	s0 =	sadd.s32 @!p0 $0x100000, s1;
	[bflag:$0x2] =	sbarrier.arrive $0xFFFF  }
0x68: {  	[sflag:s0] =	ssyncadd.tile.s32 @!p0 $0x1;
	_ =	shalt  }
.Lfunc_end2:
_tile_overlayer_lowered:
.L_overlay_start_2:
0x69: {  	(tag) =	ssettag $0x2  }
0x6a: {  	s0 =	rddreg [dreg:$0x0];
	s2 =	stileid.u32  }
0x6b: {  	s1 =	rddreg [dreg:$0x1];
	p0 =	sne.s32 s2, $0x0  }
0x6c: {  	s3 =	rddreg [dreg:$0x2];
	[bflag:$0x3] =	sbarrier.arrive $0xFFFF;
	s2 =	simm.s32 @!p0 $0x1C03  }
0x6d: {  	[timem:s3], [sflag:s2] =	dma.local @!p0 [hbm:s0], s1  }
0x6e: {  	s0 =	simm.s32 @!p0 $0x3  }
0x6f: {  	_ =	swait.ge @!p0 [sflag:s0], s1  }
0x70: {  	s1 =	ssub.s32 @!p0 $0x0, s1;
	[sflag:s0] =	ssyncset.done @!p0 $0x0  }
0x71: {  	[sflag:s0] =	ssyncadd.s32 @!p0 s1  }
0x72: {  	[bflag:$0x3] =	sbarrier.arrive $0xFFFF  }
0x73: {  	_ =	shalt  }

</sc_bundles>
